<compile_context>
chip_gen: v7x
topology: tpu7x:2x2x1
jax: 0.10.2.dev20260603
libtpu: 0.0.44.dev20260713+nightly
codegen_flags: <defaults>
</compile_context>

<pallas_src>
import functools

import jax
import jax.numpy as jnp
from jax import lax
from jax.experimental import pallas as pl
from jax.experimental.pallas import tpu as pltpu
from jax.experimental.pallas import tpu_sc as plsc

B = 4
N = 16384
C = 64
M = 1024
K = 32

NUM_WORKERS = 32
M_PER_W = (B * M) // NUM_WORKERS
CH_PER_W = (B * C) // NUM_WORKERS

F_BIG = 1e30
I_BIG = 1 << 20



SL = 8 * B
NL = N // 8


def _fps_body(px_ref, py_ref, pz_ref,
              idx_ref, cx_ref, cy_ref, cz_ref, c2_ref, p2_ref,
              dists_ref):
    px = px_ref[...]
    py = py_ref[...]
    pz = pz_ref[...]

    p2_ref[...] = (px * px + py * py) + pz * pz

    iota = (lax.broadcasted_iota(jnp.int32, (SL, NL), 0) % 8) * NL \
        + lax.broadcasted_iota(jnp.int32, (SL, NL), 1)
    lane128 = lax.broadcasted_iota(jnp.int32, (B, 128), 1)

    dists_ref[...] = jnp.full((SL, NL), 1e10, jnp.float32)

    def brow(scalars):
        return jnp.concatenate([jnp.full((8, 1), s) for s in scalars], axis=0)

    def bcol(scalars, dtype):
        return jnp.concatenate(
            [jnp.full((1, 1), s, dtype) for s in scalars], axis=0)

    cx0s = [px[8 * b, 0] for b in range(B)]
    cy0s = [py[8 * b, 0] for b in range(B)]
    cz0s = [pz[8 * b, 0] for b in range(B)]

    col0 = lane128 == 0
    zf = jnp.zeros((B, 128), jnp.float32)
    zi = jnp.zeros((B, 128), jnp.int32)
    ccx0 = bcol(cx0s, jnp.float32)
    ccy0 = bcol(cy0s, jnp.float32)
    ccz0 = bcol(cz0s, jnp.float32)
    bufs0 = (zi,
             jnp.where(col0, ccx0, zf), jnp.where(col0, ccy0, zf),
             jnp.where(col0, ccz0, zf),
             jnp.where(col0, (ccx0 * ccx0 + ccy0 * ccy0) + ccz0 * ccz0, zf))

    def step(i, carry):
        cx, cy, cz, bidx, bcx, bcy, bcz, bc2 = carry
        d = ((px - cx) ** 2 + (py - cy) ** 2) + (pz - cz) ** 2
        dn = jnp.minimum(dists_ref[...], d)
        dists_ref[...] = dn
        m1 = jnp.max(dn, axis=1, keepdims=True)
        mxs = [jnp.max(m1[8 * b:8 * b + 8, 0:1]) for b in range(B)]
        eq = jnp.where(dn == brow(mxs), iota, N)
        n1 = jnp.min(eq, axis=1, keepdims=True)
        nxts = [jnp.min(n1[8 * b:8 * b + 8, 0:1]) for b in range(B)]
        sel = iota == brow(nxts)
        gx = jnp.max(jnp.where(sel, px, -1.0), axis=1, keepdims=True)
        gy = jnp.max(jnp.where(sel, py, -1.0), axis=1, keepdims=True)
        gz = jnp.max(jnp.where(sel, pz, -1.0), axis=1, keepdims=True)
        cxs = [jnp.max(gx[8 * b:8 * b + 8, 0:1]) for b in range(B)]
        cys = [jnp.max(gy[8 * b:8 * b + 8, 0:1]) for b in range(B)]
        czs = [jnp.max(gz[8 * b:8 * b + 8, 0:1]) for b in range(B)]
        ncx = bcol(cxs, jnp.float32)
        ncy = bcol(cys, jnp.float32)
        ncz = bcol(czs, jnp.float32)
        nxt = bcol(nxts, jnp.int32)
        at = lane128 == (i % 128)
        bidx = jnp.where(at, nxt, bidx)
        bcx = jnp.where(at, ncx, bcx)
        bcy = jnp.where(at, ncy, bcy)
        bcz = jnp.where(at, ncz, bcz)
        bc2 = jnp.where(at, (ncx * ncx + ncy * ncy) + ncz * ncz, bc2)

        @pl.when(i % 128 == 127)
        def _flush():
            off = pl.multiple_of((i // 128) * 128, 128)
            idx_ref[:, pl.ds(off, 128)] = bidx
            cx_ref[:, pl.ds(off, 128)] = bcx
            cy_ref[:, pl.ds(off, 128)] = bcy
            cz_ref[:, pl.ds(off, 128)] = bcz
            c2_ref[:, pl.ds(off, 128)] = bc2

        return (brow(cxs), brow(cys), brow(czs),
                bidx, bcx, bcy, bcz, bc2)

    lax.fori_loop(1, M, step, (brow(cx0s), brow(cy0s), brow(cz0s)) + bufs0)


def _run_fps(px, py, pz):
    f32 = jnp.float32
    outs = [
        jax.ShapeDtypeStruct((B, M), jnp.int32),
        jax.ShapeDtypeStruct((B, M), f32),
        jax.ShapeDtypeStruct((B, M), f32),
        jax.ShapeDtypeStruct((B, M), f32),
        jax.ShapeDtypeStruct((B, M), f32),
        jax.ShapeDtypeStruct((SL, NL), f32),
    ]
    return pl.pallas_call(
        _fps_body,
        out_shape=outs,
        scratch_shapes=[pltpu.VMEM((SL, NL), f32)],
    )(px.reshape(SL, NL), py.reshape(SL, NL), pz.reshape(SL, NL))



NBLK = 64
VPB = 16


MBLK = 128


def _d2_body(cp_ref, pt_ref, c2_ref, p2_ref, out_ref):
    cp = cp_ref[0]
    pt = pt_ref[0]
    ein = jnp.dot(cp, pt, preferred_element_type=jnp.float32)
    out_ref[0] = (c2_ref[0] - 2.0 * ein) + p2_ref[0]


def _run_d2(center_p, p_t, c2c, p2r):
    return pl.pallas_call(
        _d2_body,
        grid=(B, M // MBLK),
        in_specs=[
            pl.BlockSpec((1, MBLK, 3), lambda b, m: (b, m, 0)),
            pl.BlockSpec((1, 3, N), lambda b, m: (b, 0, 0)),
            pl.BlockSpec((1, MBLK, 1), lambda b, m: (b, m, 0)),
            pl.BlockSpec((1, 1, N), lambda b, m: (b, 0, 0)),
        ],
        out_specs=pl.BlockSpec((1, MBLK, N), lambda b, m: (b, m, 0)),
        out_shape=jax.ShapeDtypeStruct((B, M, N), jnp.float32),
    )(center_p, p_t, c2c, p2r)


def _sel_body(d2_hbm, nidx_hbm, rowa_v, rowb_v, res_v, sema, semb):
    wid = lax.axis_index("s") * 2 + lax.axis_index("c")
    wbase = wid * M_PER_W

    ii = lax.broadcasted_iota(jnp.int32, (16,), 0)

    def select32(d2ref, lvl, m):

        def per_round(r, carry):
            w0, w1, l0, l1, l2, l3 = carry
            t = jnp.min(jnp.minimum(jnp.minimum(l0, l1),
                                    jnp.minimum(l2, l3)))
            j0 = jnp.where(l0 == t, ii, I_BIG)
            j1 = jnp.where(l1 == t, ii + 16, I_BIG)
            j2 = jnp.where(l2 == t, ii + 32, I_BIG)
            j3 = jnp.where(l3 == t, ii + 48, I_BIG)
            j = jnp.min(jnp.minimum(jnp.minimum(j0, j1),
                                    jnp.minimum(j2, j3)))
            base = j * 256
            pv = jnp.full((16,), I_BIG, jnp.int32)
            for k in range(VPB):
                o = pl.multiple_of(base + k * 16, 16)
                dv = d2ref[pl.ds(o, 16)]
                pv = jnp.minimum(pv, jnp.where(dv == t, ii + k * 16, I_BIG))
            pos = jnp.min(pv)
            n = base + pos
            vo = pl.multiple_of(base + (pos // 16) * 16, 16)
            lane = pos % 16
            dv = d2ref[pl.ds(vo, 16)]
            d2ref[pl.ds(vo, 16)] = jnp.where(ii == lane, F_BIG, dv)
            bmin = jnp.full((16,), F_BIG, jnp.float32)
            for k in range(VPB):
                o = pl.multiple_of(base + k * 16, 16)
                bmin = jnp.minimum(bmin, d2ref[pl.ds(o, 16)])
            s2 = jnp.min(bmin)
            gsel = j // 16
            lsel = ii == (j % 16)
            l0 = jnp.where(lsel & (gsel == 0), s2, l0)
            l1 = jnp.where(lsel & (gsel == 1), s2, l1)
            l2 = jnp.where(lsel & (gsel == 2), s2, l2)
            l3 = jnp.where(lsel & (gsel == 3), s2, l3)
            w0 = jnp.where(ii == r, n, w0)
            w1 = jnp.where(ii == r - 16, n, w1)
            return (w0, w1, l0, l1, l2, l3)

        zero16 = jnp.zeros((16,), jnp.int32)
        w0, w1 = lax.fori_loop(0, K, per_round,
                               (zero16, zero16) + lvl)[:2]
        ro = pl.multiple_of(m * K, 16)
        res_v[pl.ds(ro, 16)] = w0
        res_v[pl.ds(ro + 16, 16)] = w1

    def lvlpass(rowref):
        lvl = []
        for g in range(4):
            def per_block(blk, la):
                jb = g * 16 + blk
                bma = jnp.full((16,), F_BIG, jnp.float32)
                for k in range(VPB):
                    o = pl.multiple_of(jb * 256 + k * 16, 16)
                    bma = jnp.minimum(bma, rowref[pl.ds(o, 16)])
                return jnp.where(ii == blk, jnp.min(bma), la)

            lvl.append(lax.fori_loop(
                0, 16, per_block, jnp.full((16,), F_BIG, jnp.float32)))
        return tuple(lvl)

    pltpu.async_copy(d2_hbm.at[wbase], rowa_v, sema)

    def per_pair(h, _):
        mca = 2 * h
        mcb = 2 * h + 1
        hb = pltpu.async_copy(d2_hbm.at[wbase + mcb], rowb_v, semb)
        pltpu.make_async_copy(d2_hbm.at[0], rowa_v, sema).wait()
        select32(rowa_v, lvlpass(rowa_v), mca)
        nxt = jnp.where(mca + 2 < M_PER_W, mca + 2, 0)
        pltpu.async_copy(d2_hbm.at[wbase + nxt], rowa_v, sema)
        hb.wait()
        select32(rowb_v, lvlpass(rowb_v), mcb)
        return 0

    lax.fori_loop(0, M_PER_W // 2, per_pair, 0)
    pltpu.make_async_copy(d2_hbm.at[0], rowa_v, sema).wait()
    pltpu.sync_copy(res_v, nidx_hbm.at[pl.ds(wid * (M_PER_W * K),
                                             M_PER_W * K)])


def _run_sel(d2):
    f32 = jnp.float32
    mesh = plsc.VectorSubcoreMesh(core_axis_name="c", subcore_axis_name="s")
    kn = functools.partial(
        pl.kernel,
        out_type=jax.ShapeDtypeStruct((B * M * K,), jnp.int32),
        mesh=mesh,
        compiler_params=pltpu.CompilerParams(needs_layout_passes=False),
        scratch_types=[
            pltpu.VMEM((N,), f32),
            pltpu.VMEM((N,), f32),
            pltpu.VMEM((M_PER_W * K,), jnp.int32),
            pltpu.SemaphoreType.DMA,
            pltpu.SemaphoreType.DMA,
        ],
    )(_sel_body)
    return kn(d2.reshape(B * M, N))



def _gather_body(xflat_hbm, xt_hbm, pxf_hbm, pyf_hbm, pzf_hbm,
                 cxf_hbm, cyf_hbm, czf_hbm, idx_hbm, nidx_hbm,
                 fr_hbm, cxo_hbm, gp_hbm,
                 nidx_v, absidx_v, vals_v, rows_v,
                 idx1_v, cabs_v, cvals_v, cd_v,
                 sem):
    wid = lax.axis_index("s") * 2 + lax.axis_index("c")
    b = wid // 8
    u = wid % 8
    MK = M * K
    RPW = MK // 8
    RCH = 512

    pltpu.sync_copy(nidx_hbm.at[pl.ds(b * MK, MK)], nidx_v)
    pltpu.sync_copy(idx_hbm.at[pl.ds(b * M, M)], idx1_v)

    def cadd_off(i, off):
        o = pl.multiple_of(i * 16, 16)
        cabs_v[pl.ds(o, 16)] = idx1_v[pl.ds(o, 16)] + off
        return off

    def fj_chunk(q, _):
        lbase = pl.multiple_of(u * RPW + q * RCH, 16)
        def radd(i, _):
            o = pl.multiple_of(i * 16, 16)
            absidx_v[pl.ds(o, 16)] = nidx_v[pl.ds(lbase + o, 16)] + b * N
            return 0
        lax.fori_loop(0, RCH // 16, radd, 0)
        pltpu.async_copy(
            xt_hbm.at[absidx_v.at[pl.ds(0, RCH)]], rows_v, sem).wait()
        pltpu.sync_copy(rows_v,
                        fr_hbm.at[pl.ds(wid * RPW + q * RCH, RCH)])
        return 0

    lax.fori_loop(0, RPW // RCH, fj_chunk, 0)

    for c8 in range(CH_PER_W):
        ch = b * C + u * CH_PER_W + c8
        off = ch * N
        lax.fori_loop(0, M // 16, cadd_off, off)
        pltpu.async_copy(xflat_hbm.at[cabs_v], cvals_v, sem).wait()
        pltpu.sync_copy(cvals_v, cxo_hbm.at[pl.ds(ch * M, M)])

    GCH = 4096

    def do_coord(plane_hbm, cent_hbm, d):
        pltpu.sync_copy(cent_hbm.at[pl.ds(b * M, M)], cd_v)

        def gchunk(q, _):
            cb = pl.multiple_of(q * GCH, 16)

            def add(i, _):
                o = pl.multiple_of(i * 16, 16)
                absidx_v[pl.ds(o, 16)] = nidx_v[pl.ds(cb + o, 16)] + b * N
                return 0

            lax.fori_loop(0, GCH // 16, add, 0)
            pltpu.async_copy(plane_hbm.at[absidx_v], vals_v, sem).wait()

            def sub(i, _):
                o = pl.multiple_of(i * 16, 16)
                gvec = jnp.full((16,), 0, jnp.int32) + (cb // 32 + i // 2)
                cs = plsc.load_gather(cd_v, [gvec])
                vals_v[pl.ds(o, 16)] = vals_v[pl.ds(o, 16)] - cs
                return 0

            lax.fori_loop(0, GCH // 16, sub, 0)
            pltpu.sync_copy(
                vals_v, gp_hbm.at[pl.ds((b * 3 + d) * MK + q * GCH, GCH)])
            return 0

        lax.fori_loop(0, MK // GCH, gchunk, 0)

    @pl.when(u == 0)
    def _():
        do_coord(pxf_hbm, cxf_hbm, 0)

    @pl.when(u == 1)
    def _():
        do_coord(pyf_hbm, cyf_hbm, 1)

    @pl.when(u == 2)
    def _():
        do_coord(pzf_hbm, czf_hbm, 2)


def _run_gather(x, xt, px, py, pz, cx, cy, cz, idx, nidx):
    f32 = jnp.float32
    MK = M * K
    mesh = plsc.VectorSubcoreMesh(core_axis_name="c", subcore_axis_name="s")
    kn = functools.partial(
        pl.kernel,
        out_type=(
            jax.ShapeDtypeStruct((B * MK, 128), f32),
            jax.ShapeDtypeStruct((B * C * M,), f32),
            jax.ShapeDtypeStruct((B * 3 * MK,), f32),
        ),
        mesh=mesh,
        compiler_params=pltpu.CompilerParams(needs_layout_passes=False),
        scratch_types=[
            pltpu.VMEM((MK,), jnp.int32),
            pltpu.VMEM((4096,), jnp.int32),
            pltpu.VMEM((4096,), f32),
            pltpu.VMEM((512, 128), f32),
            pltpu.VMEM((M,), jnp.int32),
            pltpu.VMEM((M,), jnp.int32),
            pltpu.VMEM((M,), f32),
            pltpu.VMEM((M,), f32),
            pltpu.SemaphoreType.DMA,
        ],
    )(_gather_body)
    return kn(x.reshape(-1), xt,
              px.reshape(-1), py.reshape(-1), pz.reshape(-1),
              cx.reshape(-1), cy.reshape(-1), cz.reshape(-1),
              idx.reshape(-1), nidx)


def _xt_body(x_ref, o_ref):
    xt = jnp.transpose(x_ref[0], (1, 0))
    o_ref[0] = jnp.concatenate(
        [xt, jnp.zeros((1024, 128 - C), jnp.float32)], axis=1)


def _run_xt(x):
    return pl.pallas_call(
        _xt_body,
        grid=(B, N // 1024),
        in_specs=[pl.BlockSpec((1, C, 1024), lambda b, n: (b, 0, n))],
        out_specs=pl.BlockSpec((1, 1024, 128), lambda b, n: (b, n, 0)),
        out_shape=jax.ShapeDtypeStruct((B, N, 128), jnp.float32),
    )(x)


def _fjt_body(fr_ref, o_ref):
    t = jnp.transpose(fr_ref[0], (1, 0))
    o_ref[0] = t[:C, :]


def _run_fjt(fr):
    MK = M * K
    return pl.pallas_call(
        _fjt_body,
        grid=(B, MK // 1024),
        in_specs=[pl.BlockSpec((1, 1024, 128), lambda b, n: (b, n, 0))],
        out_specs=pl.BlockSpec((1, C, 1024), lambda b, n: (b, 0, n)),
        out_shape=jax.ShapeDtypeStruct((B, C, MK), jnp.float32),
    )(fr)



def kernel(p, x):
    px = p[:, :, 0]
    py = p[:, :, 1]
    pz = p[:, :, 2]

    idx, cx, cy, cz, c2, p2 = _run_fps(px, py, pz)

    center_p = jnp.stack([cx, cy, cz], axis=-1)
    p_t = jnp.stack([px, py, pz], axis=1)
    d2 = _run_d2(center_p, p_t, c2.reshape(B, M, 1), p2.reshape(B, 1, N))
    nidx = _run_sel(d2)

    xt = _run_xt(x).reshape(B * N, 128)
    frf, cxof, gpf = _run_gather(x, xt, px, py, pz, cx, cy, cz, idx, nidx)

    grouped_p = gpf.reshape(B, 3, M, K)
    fj = _run_fjt(frf.reshape(B, M * K, 128)).reshape(B, C, M, K)
    center_x = cxof.reshape(B, C, M, 1)
    return (grouped_p, center_p, fj, center_x)

# --- scband reference (transcript-rebuilt; emitter-appended) ---
"""Pipeline reference for scband-subsample-group-1468878815318 (READ-ONLY COPY).

The authoritative reference and input builder live on the scoring server;
editing this copy changes nothing except your own understanding.
"""

import jax, jax.numpy as jnp
import numpy as np

NUM_GROUPS = 1024
GROUP_SIZE = 32


def furthest_point_sample(p, m):
    # p: [B, N, 3] -> idx [B, m] int32, iterative FPS starting at index 0
    B, N, _ = p.shape
    dists0 = jnp.full((B, N), 1e10, dtype=p.dtype)
    last0 = jnp.zeros((B,), dtype=jnp.int32)

    def body(carry, _):
        dists, last = carry
        last_pt = jnp.take_along_axis(p, last[:, None, None].astype(jnp.int32), axis=1)  # [B,1,3]
        d = jnp.sum((p - last_pt) ** 2, axis=-1)  # [B,N]
        dists = jnp.minimum(dists, d)
        nxt = jnp.argmax(dists, axis=-1).astype(jnp.int32)
        return (dists, nxt), nxt

    (_, _), rest = jax.lax.scan(body, (dists0, last0), None, length=m - 1)
    idx = jnp.concatenate([last0[:, None], jnp.transpose(rest)], axis=1)  # [B,m]
    return idx


def knn_idx(centers, points, k):
    # centers [B,M,3], points [B,N,3] -> idx [B,M,k] of k nearest support points
    d2 = (jnp.sum(centers ** 2, axis=-1)[:, :, None]
          - 2.0 * jnp.einsum('bmd,bnd->bmn', centers, points)
          + jnp.sum(points ** 2, axis=-1)[:, None, :])  # [B,M,N]
    _, idx = jax.lax.top_k(-d2, k)
    return idx


def group_points(feat, idx):
    # feat [B,C,N], idx [B,M,K] -> [B,C,M,K]
    B, C, N = feat.shape
    _, M, K = idx.shape
    flat = idx.reshape(B, 1, M * K)
    g = jnp.take_along_axis(feat, jnp.broadcast_to(flat, (B, C, M * K)), axis=2)
    return g.reshape(B, C, M, K)


def setup_inputs(seed: int = 0) -> dict:
    key = jax.random.key(seed)
    k1, k2 = jax.random.split(key)
    p = jax.random.uniform(k1, (4, 16384, 3), dtype=jnp.float32)
    x = jax.random.normal(k2, (4, 64, 16384), dtype=jnp.float32)
    return {"p": p, "x": x}


def reference(p, x):
    # furthest point sampling -> center indices
    idx = furthest_point_sample(p, NUM_GROUPS)  # [B,M] int32
    # gather center coordinates: torch.gather(p, 1, idx)
    center_p = jnp.take_along_axis(p, idx[:, :, None], axis=1)  # [B,M,3]
    B, C, N = x.shape
    # center features: torch.gather(x, 2, idx).unsqueeze(-1)
    center_x = jnp.take_along_axis(x, jnp.broadcast_to(idx[:, None, :], (B, C, NUM_GROUPS)), axis=2)[..., None]  # [B,C,M,1]
    # KNNGroup: knn indices over support points
    nidx = knn_idx(center_p, p, GROUP_SIZE)  # [B,M,K]
    xyz_t = jnp.transpose(p, (0, 2, 1))  # [B,3,N]
    grouped_p = group_points(xyz_t, nidx)  # [B,3,M,K]
    # relative_xyz: subtract query center
    grouped_p = grouped_p - jnp.transpose(center_p, (0, 2, 1))[..., None]
    fj = group_points(x, nidx)  # [B,C,M,K]
    return (grouped_p, center_p, fj, center_x)

if __name__ == "__main__":
    import jax
    _d = setup_inputs()
    print(jax.jit(kernel)(*tuple(_d.values())))

</pallas_src>

<mosaic_0001>
#map = affine_map<(d0, d1) -> (0, 0)>
#map1 = affine_map<(d0, d1) -> (0)>
module attributes {stable_mosaic.version = 14 : i64} {
  func.func @_sel_body(%arg0: i32, %arg1: i32, %arg2: memref<4096x16384xf32, #tpu.memory_space<hbm>>, %arg3: memref<131072xi32, #tpu.memory_space<hbm>>, %arg4: memref<16384xf32, #tpu.memory_space<vmem>>, %arg5: memref<16384xf32, #tpu.memory_space<vmem>>, %arg6: memref<4096xi32, #tpu.memory_space<vmem>>, %arg7: memref<!tpu.dma_semaphore, #tpu.memory_space<semaphore_mem>>, %arg8: memref<!tpu.dma_semaphore, #tpu.memory_space<semaphore_mem>>) attributes {dimension_semantics = [#tpu.dimension_semantics<core_parallel>, #tpu.dimension_semantics<subcore_parallel>], iteration_bounds = array<i64: 2, 16>, scalar_prefetch = 0 : i64, scratch_operands = 5 : i64, tpu.core_type = #tpu.core_type<sc_vector_subcore>, window_params = [{transform_indices = #map}, {transform_indices = #map1}]} {
    %mul3A = arith.constant 2 : i32
    %mul3A_0 = arith.muli %arg1, %mul3A : i32
    %add3A = arith.addi %mul3A_0, %arg0 : i32
    %mul3A_1 = arith.constant 128 : i32
    %mul3A_2 = arith.muli %add3A, %mul3A_1 : i32
    %iota3A = tpu.iota {dimensions = array<i32: 0>} : vector<16xi32>
    %dma_start3A = arith.constant 0 : i32
    %dma_start3A_3 = tpu.memref_slice %arg2[%mul3A_2, %dma_start3A] : memref<4096x16384xf32, #tpu.memory_space<hbm>> -> memref<1x16384xf32, #tpu.memory_space<hbm>>
    %dma_start3A_4 = tpu.memref_squeeze %dma_start3A_3 : memref<1x16384xf32, #tpu.memory_space<hbm>> -> memref<16384xf32, #tpu.memory_space<hbm>>
    %dma_start3A_5 = arith.constant 0 : i32
    %dma_start3A_6 = tpu.memref_slice %arg2[%mul3A_2, %dma_start3A_5] : memref<4096x16384xf32, #tpu.memory_space<hbm>> -> memref<1x16384xf32, #tpu.memory_space<hbm>>
    %dma_start3A_7 = tpu.memref_squeeze %dma_start3A_6 : memref<1x16384xf32, #tpu.memory_space<hbm>> -> memref<16384xf32, #tpu.memory_space<hbm>>
    tpu.enqueue_dma source(%dma_start3A_7 : memref<16384xf32, #tpu.memory_space<hbm>>) target(%arg4 : memref<16384xf32, #tpu.memory_space<vmem>>) target_semaphore(%arg7 : memref<!tpu.dma_semaphore, #tpu.memory_space<semaphore_mem>>)
    %scan3A = arith.constant 0 : i32
    %scan3A_8 = arith.constant 0 : i32
    %scan3A_9 = arith.constant 64 : i32
    %scan3A_10 = arith.addi %scan3A_8, %scan3A_9 : i32
    %scan3A_11 = arith.constant 1 : i32
    %scan3A_12 = scf.for %scan3A_22 = %scan3A_8 to %scan3A_10 step %scan3A_11 iter_args(%scan3A_23 = %scan3A) -> (i32)  : i32 {
      %mul3A_24 = arith.constant 2 : i32
      %mul3A_25 = arith.muli %mul3A_24, %scan3A_22 : i32
      %mul3A_26 = arith.constant 2 : i32
      %mul3A_27 = arith.muli %mul3A_26, %scan3A_22 : i32
      %add3A_28 = arith.constant 1 : i32
      %add3A_29 = arith.addi %mul3A_27, %add3A_28 : i32
      %add3A_30 = arith.addi %mul3A_2, %add3A_29 : i32
      %dma_start3A_31 = arith.constant 0 : i32
      %dma_start3A_32 = tpu.memref_slice %arg2[%add3A_30, %dma_start3A_31] : memref<4096x16384xf32, #tpu.memory_space<hbm>> -> memref<1x16384xf32, #tpu.memory_space<hbm>>
      %dma_start3A_33 = tpu.memref_squeeze %dma_start3A_32 : memref<1x16384xf32, #tpu.memory_space<hbm>> -> memref<16384xf32, #tpu.memory_space<hbm>>
      %dma_start3A_34 = arith.constant 0 : i32
      %dma_start3A_35 = tpu.memref_slice %arg2[%add3A_30, %dma_start3A_34] : memref<4096x16384xf32, #tpu.memory_space<hbm>> -> memref<1x16384xf32, #tpu.memory_space<hbm>>
      %dma_start3A_36 = tpu.memref_squeeze %dma_start3A_35 : memref<1x16384xf32, #tpu.memory_space<hbm>> -> memref<16384xf32, #tpu.memory_space<hbm>>
      tpu.enqueue_dma source(%dma_start3A_36 : memref<16384xf32, #tpu.memory_space<hbm>>) target(%arg5 : memref<16384xf32, #tpu.memory_space<vmem>>) target_semaphore(%arg8 : memref<!tpu.dma_semaphore, #tpu.memory_space<semaphore_mem>>)
      %dma_wait3A_37 = arith.constant 0 : i32
      %dma_wait3A_38 = arith.constant 0 : i32
      %dma_wait3A_39 = tpu.memref_slice %arg2[%dma_wait3A_37, %dma_wait3A_38] : memref<4096x16384xf32, #tpu.memory_space<hbm>> -> memref<1x16384xf32, #tpu.memory_space<hbm>>
      %dma_wait3A_40 = tpu.memref_squeeze %dma_wait3A_39 : memref<1x16384xf32, #tpu.memory_space<hbm>> -> memref<16384xf32, #tpu.memory_space<hbm>>
      %dma_wait3A_41 = arith.constant 0 : i32
      %dma_wait3A_42 = tpu.memref_slice %arg2[%dma_wait3A_37, %dma_wait3A_41] : memref<4096x16384xf32, #tpu.memory_space<hbm>> -> memref<1x16384xf32, #tpu.memory_space<hbm>>
      %dma_wait3A_43 = tpu.memref_squeeze %dma_wait3A_42 : memref<1x16384xf32, #tpu.memory_space<hbm>> -> memref<16384xf32, #tpu.memory_space<hbm>>
      tpu.wait_dma2 semaphore(%arg7 : memref<!tpu.dma_semaphore, #tpu.memory_space<semaphore_mem>>) src(%dma_wait3A_43 : memref<16384xf32, #tpu.memory_space<hbm>>) dst(%arg4 : memref<16384xf32, #tpu.memory_space<vmem>>)
      %broadcast_in_dim3A = arith.constant 1.000000e+30 : f32
      %broadcast_in_dim3A_44 = vector.broadcast %broadcast_in_dim3A : f32 to vector<16xf32>
      %scan3A_45 = arith.constant 0 : i32
      %scan3A_46 = arith.constant 16 : i32
      %scan3A_47 = arith.addi %scan3A_45, %scan3A_46 : i32
      %scan3A_48 = arith.constant 1 : i32
      %scan3A_49 = scf.for %scan3A_158 = %scan3A_45 to %scan3A_47 step %scan3A_48 iter_args(%scan3A_159 = %broadcast_in_dim3A_44) -> (vector<16xf32>)  : i32 {
        %add3A_160 = arith.constant 0 : i32
        %add3A_161 = arith.addi %add3A_160, %scan3A_158 : i32
        %broadcast_in_dim3A_162 = arith.constant 1.000000e+30 : f32
        %broadcast_in_dim3A_163 = vector.broadcast %broadcast_in_dim3A_162 : f32 to vector<16xf32>
        %mul3A_164 = arith.constant 256 : i32
        %mul3A_165 = arith.muli %add3A_161, %mul3A_164 : i32
        %add3A_166 = arith.constant 0 : i32
        %add3A_167 = arith.addi %mul3A_165, %add3A_166 : i32
        %multiple_of3A_168 = tpu.assume_multiple %add3A_167, 16 : i32
        %get3A = arith.index_cast %multiple_of3A_168 : i32 to index
        %get3A_169 = tpu.vector_load %arg4[%get3A] {strides = array<i32>} : memref<16384xf32, #tpu.memory_space<vmem>>, vector<16xf32>,
        %min3A = arith.minimumf %broadcast_in_dim3A_163, %get3A_169 : vector<16xf32>
        %mul3A_170 = arith.constant 256 : i32
        %mul3A_171 = arith.muli %add3A_161, %mul3A_170 : i32
        %add3A_172 = arith.constant 16 : i32
        %add3A_173 = arith.addi %mul3A_171, %add3A_172 : i32
        %multiple_of3A_174 = tpu.assume_multiple %add3A_173, 16 : i32
        %get3A_175 = arith.index_cast %multiple_of3A_174 : i32 to index
        %get3A_176 = tpu.vector_load %arg4[%get3A_175] {strides = array<i32>} : memref<16384xf32, #tpu.memory_space<vmem>>, vector<16xf32>,
        %min3A_177 = arith.minimumf %min3A, %get3A_176 : vector<16xf32>
        %mul3A_178 = arith.constant 256 : i32
        %mul3A_179 = arith.muli %add3A_161, %mul3A_178 : i32
        %add3A_180 = arith.constant 32 : i32
        %add3A_181 = arith.addi %mul3A_179, %add3A_180 : i32
        %multiple_of3A_182 = tpu.assume_multiple %add3A_181, 16 : i32
        %get3A_183 = arith.index_cast %multiple_of3A_182 : i32 to index
        %get3A_184 = tpu.vector_load %arg4[%get3A_183] {strides = array<i32>} : memref<16384xf32, #tpu.memory_space<vmem>>, vector<16xf32>,
        %min3A_185 = arith.minimumf %min3A_177, %get3A_184 : vector<16xf32>
        %mul3A_186 = arith.constant 256 : i32
        %mul3A_187 = arith.muli %add3A_161, %mul3A_186 : i32
        %add3A_188 = arith.constant 48 : i32
        %add3A_189 = arith.addi %mul3A_187, %add3A_188 : i32
        %multiple_of3A_190 = tpu.assume_multiple %add3A_189, 16 : i32
        %get3A_191 = arith.index_cast %multiple_of3A_190 : i32 to index
        %get3A_192 = tpu.vector_load %arg4[%get3A_191] {strides = array<i32>} : memref<16384xf32, #tpu.memory_space<vmem>>, vector<16xf32>,
        %min3A_193 = arith.minimumf %min3A_185, %get3A_192 : vector<16xf32>
        %mul3A_194 = arith.constant 256 : i32
        %mul3A_195 = arith.muli %add3A_161, %mul3A_194 : i32
        %add3A_196 = arith.constant 64 : i32
        %add3A_197 = arith.addi %mul3A_195, %add3A_196 : i32
        %multiple_of3A_198 = tpu.assume_multiple %add3A_197, 16 : i32
        %get3A_199 = arith.index_cast %multiple_of3A_198 : i32 to index
        %get3A_200 = tpu.vector_load %arg4[%get3A_199] {strides = array<i32>} : memref<16384xf32, #tpu.memory_space<vmem>>, vector<16xf32>,
        %min3A_201 = arith.minimumf %min3A_193, %get3A_200 : vector<16xf32>
        %mul3A_202 = arith.constant 256 : i32
        %mul3A_203 = arith.muli %add3A_161, %mul3A_202 : i32
        %add3A_204 = arith.constant 80 : i32
        %add3A_205 = arith.addi %mul3A_203, %add3A_204 : i32
        %multiple_of3A_206 = tpu.assume_multiple %add3A_205, 16 : i32
        %get3A_207 = arith.index_cast %multiple_of3A_206 : i32 to index
        %get3A_208 = tpu.vector_load %arg4[%get3A_207] {strides = array<i32>} : memref<16384xf32, #tpu.memory_space<vmem>>, vector<16xf32>,
        %min3A_209 = arith.minimumf %min3A_201, %get3A_208 : vector<16xf32>
        %mul3A_210 = arith.constant 256 : i32
        %mul3A_211 = arith.muli %add3A_161, %mul3A_210 : i32
        %add3A_212 = arith.constant 96 : i32
        %add3A_213 = arith.addi %mul3A_211, %add3A_212 : i32
        %multiple_of3A_214 = tpu.assume_multiple %add3A_213, 16 : i32
        %get3A_215 = arith.index_cast %multiple_of3A_214 : i32 to index
        %get3A_216 = tpu.vector_load %arg4[%get3A_215] {strides = array<i32>} : memref<16384xf32, #tpu.memory_space<vmem>>, vector<16xf32>,
        %min3A_217 = arith.minimumf %min3A_209, %get3A_216 : vector<16xf32>
        %mul3A_218 = arith.constant 256 : i32
        %mul3A_219 = arith.muli %add3A_161, %mul3A_218 : i32
        %add3A_220 = arith.constant 112 : i32
        %add3A_221 = arith.addi %mul3A_219, %add3A_220 : i32
        %multiple_of3A_222 = tpu.assume_multiple %add3A_221, 16 : i32
        %get3A_223 = arith.index_cast %multiple_of3A_222 : i32 to index
        %get3A_224 = tpu.vector_load %arg4[%get3A_223] {strides = array<i32>} : memref<16384xf32, #tpu.memory_space<vmem>>, vector<16xf32>,
        %min3A_225 = arith.minimumf %min3A_217, %get3A_224 : vector<16xf32>
        %mul3A_226 = arith.constant 256 : i32
        %mul3A_227 = arith.muli %add3A_161, %mul3A_226 : i32
        %add3A_228 = arith.constant 128 : i32
        %add3A_229 = arith.addi %mul3A_227, %add3A_228 : i32
        %multiple_of3A_230 = tpu.assume_multiple %add3A_229, 16 : i32
        %get3A_231 = arith.index_cast %multiple_of3A_230 : i32 to index
        %get3A_232 = tpu.vector_load %arg4[%get3A_231] {strides = array<i32>} : memref<16384xf32, #tpu.memory_space<vmem>>, vector<16xf32>,
        %min3A_233 = arith.minimumf %min3A_225, %get3A_232 : vector<16xf32>
        %mul3A_234 = arith.constant 256 : i32
        %mul3A_235 = arith.muli %add3A_161, %mul3A_234 : i32
        %add3A_236 = arith.constant 144 : i32
        %add3A_237 = arith.addi %mul3A_235, %add3A_236 : i32
        %multiple_of3A_238 = tpu.assume_multiple %add3A_237, 16 : i32
        %get3A_239 = arith.index_cast %multiple_of3A_238 : i32 to index
        %get3A_240 = tpu.vector_load %arg4[%get3A_239] {strides = array<i32>} : memref<16384xf32, #tpu.memory_space<vmem>>, vector<16xf32>,
        %min3A_241 = arith.minimumf %min3A_233, %get3A_240 : vector<16xf32>
        %mul3A_242 = arith.constant 256 : i32
        %mul3A_243 = arith.muli %add3A_161, %mul3A_242 : i32
        %add3A_244 = arith.constant 160 : i32
        %add3A_245 = arith.addi %mul3A_243, %add3A_244 : i32
        %multiple_of3A_246 = tpu.assume_multiple %add3A_245, 16 : i32
        %get3A_247 = arith.index_cast %multiple_of3A_246 : i32 to index
        %get3A_248 = tpu.vector_load %arg4[%get3A_247] {strides = array<i32>} : memref<16384xf32, #tpu.memory_space<vmem>>, vector<16xf32>,
        %min3A_249 = arith.minimumf %min3A_241, %get3A_248 : vector<16xf32>
        %mul3A_250 = arith.constant 256 : i32
        %mul3A_251 = arith.muli %add3A_161, %mul3A_250 : i32
        %add3A_252 = arith.constant 176 : i32
        %add3A_253 = arith.addi %mul3A_251, %add3A_252 : i32
        %multiple_of3A_254 = tpu.assume_multiple %add3A_253, 16 : i32
        %get3A_255 = arith.index_cast %multiple_of3A_254 : i32 to index
        %get3A_256 = tpu.vector_load %arg4[%get3A_255] {strides = array<i32>} : memref<16384xf32, #tpu.memory_space<vmem>>, vector<16xf32>,
        %min3A_257 = arith.minimumf %min3A_249, %get3A_256 : vector<16xf32>
        %mul3A_258 = arith.constant 256 : i32
        %mul3A_259 = arith.muli %add3A_161, %mul3A_258 : i32
        %add3A_260 = arith.constant 192 : i32
        %add3A_261 = arith.addi %mul3A_259, %add3A_260 : i32
        %multiple_of3A_262 = tpu.assume_multiple %add3A_261, 16 : i32
        %get3A_263 = arith.index_cast %multiple_of3A_262 : i32 to index
        %get3A_264 = tpu.vector_load %arg4[%get3A_263] {strides = array<i32>} : memref<16384xf32, #tpu.memory_space<vmem>>, vector<16xf32>,
        %min3A_265 = arith.minimumf %min3A_257, %get3A_264 : vector<16xf32>
        %mul3A_266 = arith.constant 256 : i32
        %mul3A_267 = arith.muli %add3A_161, %mul3A_266 : i32
        %add3A_268 = arith.constant 208 : i32
        %add3A_269 = arith.addi %mul3A_267, %add3A_268 : i32
        %multiple_of3A_270 = tpu.assume_multiple %add3A_269, 16 : i32
        %get3A_271 = arith.index_cast %multiple_of3A_270 : i32 to index
        %get3A_272 = tpu.vector_load %arg4[%get3A_271] {strides = array<i32>} : memref<16384xf32, #tpu.memory_space<vmem>>, vector<16xf32>,
        %min3A_273 = arith.minimumf %min3A_265, %get3A_272 : vector<16xf32>
        %mul3A_274 = arith.constant 256 : i32
        %mul3A_275 = arith.muli %add3A_161, %mul3A_274 : i32
        %add3A_276 = arith.constant 224 : i32
        %add3A_277 = arith.addi %mul3A_275, %add3A_276 : i32
        %multiple_of3A_278 = tpu.assume_multiple %add3A_277, 16 : i32
        %get3A_279 = arith.index_cast %multiple_of3A_278 : i32 to index
        %get3A_280 = tpu.vector_load %arg4[%get3A_279] {strides = array<i32>} : memref<16384xf32, #tpu.memory_space<vmem>>, vector<16xf32>,
        %min3A_281 = arith.minimumf %min3A_273, %get3A_280 : vector<16xf32>
        %mul3A_282 = arith.constant 256 : i32
        %mul3A_283 = arith.muli %add3A_161, %mul3A_282 : i32
        %add3A_284 = arith.constant 240 : i32
        %add3A_285 = arith.addi %mul3A_283, %add3A_284 : i32
        %multiple_of3A_286 = tpu.assume_multiple %add3A_285, 16 : i32
        %get3A_287 = arith.index_cast %multiple_of3A_286 : i32 to index
        %get3A_288 = tpu.vector_load %arg4[%get3A_287] {strides = array<i32>} : memref<16384xf32, #tpu.memory_space<vmem>>, vector<16xf32>,
        %min3A_289 = arith.minimumf %min3A_281, %get3A_288 : vector<16xf32>
        %eq3A = vector.broadcast %scan3A_158 : i32 to vector<16xi32>
        %eq3A_290 = arith.cmpi eq, %iota3A, %eq3A : vector<16xi32>
        %reduce_min3A = arith.constant true
        %reduce_min3A_291 = vector.broadcast %reduce_min3A : i1 to vector<16xi1>
        %reduce_min3A_292 = tpu.scan <min>, %min3A_289 masked %reduce_min3A_291 : vector<16xf32>, vector<16xi1> -> vector<16xf32>
        %reduce_min3A_293 = vector.extract %reduce_min3A_292[15] : f32 from vector<16xf32>
        %broadcast_in_dim3A_294 = vector.broadcast %reduce_min3A_293 : f32 to vector<16xf32>
        %select_n3A_295 = arith.select %eq3A_290, %broadcast_in_dim3A_294, %scan3A_159 : vector<16xi1>, vector<16xf32>
        scf.yield %select_n3A_295 : vector<16xf32>
      }
      %scan3A_50 = arith.constant 16 : i32
      %broadcast_in_dim3A_51 = arith.constant 1.000000e+30 : f32
      %broadcast_in_dim3A_52 = vector.broadcast %broadcast_in_dim3A_51 : f32 to vector<16xf32>
      %scan3A_53 = arith.constant 0 : i32
      %scan3A_54 = arith.constant 16 : i32
      %scan3A_55 = arith.addi %scan3A_53, %scan3A_54 : i32
      %scan3A_56 = arith.constant 1 : i32
      %scan3A_57 = scf.for %scan3A_158 = %scan3A_53 to %scan3A_55 step %scan3A_56 iter_args(%scan3A_159 = %broadcast_in_dim3A_52) -> (vector<16xf32>)  : i32 {
        %add3A_160 = arith.constant 16 : i32
        %add3A_161 = arith.addi %add3A_160, %scan3A_158 : i32
        %broadcast_in_dim3A_162 = arith.constant 1.000000e+30 : f32
        %broadcast_in_dim3A_163 = vector.broadcast %broadcast_in_dim3A_162 : f32 to vector<16xf32>
        %mul3A_164 = arith.constant 256 : i32
        %mul3A_165 = arith.muli %add3A_161, %mul3A_164 : i32
        %add3A_166 = arith.constant 0 : i32
        %add3A_167 = arith.addi %mul3A_165, %add3A_166 : i32
        %multiple_of3A_168 = tpu.assume_multiple %add3A_167, 16 : i32
        %get3A = arith.index_cast %multiple_of3A_168 : i32 to index
        %get3A_169 = tpu.vector_load %arg4[%get3A] {strides = array<i32>} : memref<16384xf32, #tpu.memory_space<vmem>>, vector<16xf32>,
        %min3A = arith.minimumf %broadcast_in_dim3A_163, %get3A_169 : vector<16xf32>
        %mul3A_170 = arith.constant 256 : i32
        %mul3A_171 = arith.muli %add3A_161, %mul3A_170 : i32
        %add3A_172 = arith.constant 16 : i32
        %add3A_173 = arith.addi %mul3A_171, %add3A_172 : i32
        %multiple_of3A_174 = tpu.assume_multiple %add3A_173, 16 : i32
        %get3A_175 = arith.index_cast %multiple_of3A_174 : i32 to index
        %get3A_176 = tpu.vector_load %arg4[%get3A_175] {strides = array<i32>} : memref<16384xf32, #tpu.memory_space<vmem>>, vector<16xf32>,
        %min3A_177 = arith.minimumf %min3A, %get3A_176 : vector<16xf32>
        %mul3A_178 = arith.constant 256 : i32
        %mul3A_179 = arith.muli %add3A_161, %mul3A_178 : i32
        %add3A_180 = arith.constant 32 : i32
        %add3A_181 = arith.addi %mul3A_179, %add3A_180 : i32
        %multiple_of3A_182 = tpu.assume_multiple %add3A_181, 16 : i32
        %get3A_183 = arith.index_cast %multiple_of3A_182 : i32 to index
        %get3A_184 = tpu.vector_load %arg4[%get3A_183] {strides = array<i32>} : memref<16384xf32, #tpu.memory_space<vmem>>, vector<16xf32>,
        %min3A_185 = arith.minimumf %min3A_177, %get3A_184 : vector<16xf32>
        %mul3A_186 = arith.constant 256 : i32
        %mul3A_187 = arith.muli %add3A_161, %mul3A_186 : i32
        %add3A_188 = arith.constant 48 : i32
        %add3A_189 = arith.addi %mul3A_187, %add3A_188 : i32
        %multiple_of3A_190 = tpu.assume_multiple %add3A_189, 16 : i32
        %get3A_191 = arith.index_cast %multiple_of3A_190 : i32 to index
        %get3A_192 = tpu.vector_load %arg4[%get3A_191] {strides = array<i32>} : memref<16384xf32, #tpu.memory_space<vmem>>, vector<16xf32>,
        %min3A_193 = arith.minimumf %min3A_185, %get3A_192 : vector<16xf32>
        %mul3A_194 = arith.constant 256 : i32
        %mul3A_195 = arith.muli %add3A_161, %mul3A_194 : i32
        %add3A_196 = arith.constant 64 : i32
        %add3A_197 = arith.addi %mul3A_195, %add3A_196 : i32
        %multiple_of3A_198 = tpu.assume_multiple %add3A_197, 16 : i32
        %get3A_199 = arith.index_cast %multiple_of3A_198 : i32 to index
        %get3A_200 = tpu.vector_load %arg4[%get3A_199] {strides = array<i32>} : memref<16384xf32, #tpu.memory_space<vmem>>, vector<16xf32>,
        %min3A_201 = arith.minimumf %min3A_193, %get3A_200 : vector<16xf32>
        %mul3A_202 = arith.constant 256 : i32
        %mul3A_203 = arith.muli %add3A_161, %mul3A_202 : i32
        %add3A_204 = arith.constant 80 : i32
        %add3A_205 = arith.addi %mul3A_203, %add3A_204 : i32
        %multiple_of3A_206 = tpu.assume_multiple %add3A_205, 16 : i32
        %get3A_207 = arith.index_cast %multiple_of3A_206 : i32 to index
        %get3A_208 = tpu.vector_load %arg4[%get3A_207] {strides = array<i32>} : memref<16384xf32, #tpu.memory_space<vmem>>, vector<16xf32>,
        %min3A_209 = arith.minimumf %min3A_201, %get3A_208 : vector<16xf32>
        %mul3A_210 = arith.constant 256 : i32
        %mul3A_211 = arith.muli %add3A_161, %mul3A_210 : i32
        %add3A_212 = arith.constant 96 : i32
        %add3A_213 = arith.addi %mul3A_211, %add3A_212 : i32
        %multiple_of3A_214 = tpu.assume_multiple %add3A_213, 16 : i32
        %get3A_215 = arith.index_cast %multiple_of3A_214 : i32 to index
        %get3A_216 = tpu.vector_load %arg4[%get3A_215] {strides = array<i32>} : memref<16384xf32, #tpu.memory_space<vmem>>, vector<16xf32>,
        %min3A_217 = arith.minimumf %min3A_209, %get3A_216 : vector<16xf32>
        %mul3A_218 = arith.constant 256 : i32
        %mul3A_219 = arith.muli %add3A_161, %mul3A_218 : i32
        %add3A_220 = arith.constant 112 : i32
        %add3A_221 = arith.addi %mul3A_219, %add3A_220 : i32
        %multiple_of3A_222 = tpu.assume_multiple %add3A_221, 16 : i32
        %get3A_223 = arith.index_cast %multiple_of3A_222 : i32 to index
        %get3A_224 = tpu.vector_load %arg4[%get3A_223] {strides = array<i32>} : memref<16384xf32, #tpu.memory_space<vmem>>, vector<16xf32>,
        %min3A_225 = arith.minimumf %min3A_217, %get3A_224 : vector<16xf32>
        %mul3A_226 = arith.constant 256 : i32
        %mul3A_227 = arith.muli %add3A_161, %mul3A_226 : i32
        %add3A_228 = arith.constant 128 : i32
        %add3A_229 = arith.addi %mul3A_227, %add3A_228 : i32
        %multiple_of3A_230 = tpu.assume_multiple %add3A_229, 16 : i32
        %get3A_231 = arith.index_cast %multiple_of3A_230 : i32 to index
        %get3A_232 = tpu.vector_load %arg4[%get3A_231] {strides = array<i32>} : memref<16384xf32, #tpu.memory_space<vmem>>, vector<16xf32>,
        %min3A_233 = arith.minimumf %min3A_225, %get3A_232 : vector<16xf32>
        %mul3A_234 = arith.constant 256 : i32
        %mul3A_235 = arith.muli %add3A_161, %mul3A_234 : i32
        %add3A_236 = arith.constant 144 : i32
        %add3A_237 = arith.addi %mul3A_235, %add3A_236 : i32
        %multiple_of3A_238 = tpu.assume_multiple %add3A_237, 16 : i32
        %get3A_239 = arith.index_cast %multiple_of3A_238 : i32 to index
        %get3A_240 = tpu.vector_load %arg4[%get3A_239] {strides = array<i32>} : memref<16384xf32, #tpu.memory_space<vmem>>, vector<16xf32>,
        %min3A_241 = arith.minimumf %min3A_233, %get3A_240 : vector<16xf32>
        %mul3A_242 = arith.constant 256 : i32
        %mul3A_243 = arith.muli %add3A_161, %mul3A_242 : i32
        %add3A_244 = arith.constant 160 : i32
        %add3A_245 = arith.addi %mul3A_243, %add3A_244 : i32
        %multiple_of3A_246 = tpu.assume_multiple %add3A_245, 16 : i32
        %get3A_247 = arith.index_cast %multiple_of3A_246 : i32 to index
        %get3A_248 = tpu.vector_load %arg4[%get3A_247] {strides = array<i32>} : memref<16384xf32, #tpu.memory_space<vmem>>, vector<16xf32>,
        %min3A_249 = arith.minimumf %min3A_241, %get3A_248 : vector<16xf32>
        %mul3A_250 = arith.constant 256 : i32
        %mul3A_251 = arith.muli %add3A_161, %mul3A_250 : i32
        %add3A_252 = arith.constant 176 : i32
        %add3A_253 = arith.addi %mul3A_251, %add3A_252 : i32
        %multiple_of3A_254 = tpu.assume_multiple %add3A_253, 16 : i32
        %get3A_255 = arith.index_cast %multiple_of3A_254 : i32 to index
        %get3A_256 = tpu.vector_load %arg4[%get3A_255] {strides = array<i32>} : memref<16384xf32, #tpu.memory_space<vmem>>, vector<16xf32>,
        %min3A_257 = arith.minimumf %min3A_249, %get3A_256 : vector<16xf32>
        %mul3A_258 = arith.constant 256 : i32
        %mul3A_259 = arith.muli %add3A_161, %mul3A_258 : i32
        %add3A_260 = arith.constant 192 : i32
        %add3A_261 = arith.addi %mul3A_259, %add3A_260 : i32
        %multiple_of3A_262 = tpu.assume_multiple %add3A_261, 16 : i32
        %get3A_263 = arith.index_cast %multiple_of3A_262 : i32 to index
        %get3A_264 = tpu.vector_load %arg4[%get3A_263] {strides = array<i32>} : memref<16384xf32, #tpu.memory_space<vmem>>, vector<16xf32>,
        %min3A_265 = arith.minimumf %min3A_257, %get3A_264 : vector<16xf32>
        %mul3A_266 = arith.constant 256 : i32
        %mul3A_267 = arith.muli %add3A_161, %mul3A_266 : i32
        %add3A_268 = arith.constant 208 : i32
        %add3A_269 = arith.addi %mul3A_267, %add3A_268 : i32
        %multiple_of3A_270 = tpu.assume_multiple %add3A_269, 16 : i32
        %get3A_271 = arith.index_cast %multiple_of3A_270 : i32 to index
        %get3A_272 = tpu.vector_load %arg4[%get3A_271] {strides = array<i32>} : memref<16384xf32, #tpu.memory_space<vmem>>, vector<16xf32>,
        %min3A_273 = arith.minimumf %min3A_265, %get3A_272 : vector<16xf32>
        %mul3A_274 = arith.constant 256 : i32
        %mul3A_275 = arith.muli %add3A_161, %mul3A_274 : i32
        %add3A_276 = arith.constant 224 : i32
        %add3A_277 = arith.addi %mul3A_275, %add3A_276 : i32
        %multiple_of3A_278 = tpu.assume_multiple %add3A_277, 16 : i32
        %get3A_279 = arith.index_cast %multiple_of3A_278 : i32 to index
        %get3A_280 = tpu.vector_load %arg4[%get3A_279] {strides = array<i32>} : memref<16384xf32, #tpu.memory_space<vmem>>, vector<16xf32>,
        %min3A_281 = arith.minimumf %min3A_273, %get3A_280 : vector<16xf32>
        %mul3A_282 = arith.constant 256 : i32
        %mul3A_283 = arith.muli %add3A_161, %mul3A_282 : i32
        %add3A_284 = arith.constant 240 : i32
        %add3A_285 = arith.addi %mul3A_283, %add3A_284 : i32
        %multiple_of3A_286 = tpu.assume_multiple %add3A_285, 16 : i32
        %get3A_287 = arith.index_cast %multiple_of3A_286 : i32 to index
        %get3A_288 = tpu.vector_load %arg4[%get3A_287] {strides = array<i32>} : memref<16384xf32, #tpu.memory_space<vmem>>, vector<16xf32>,
        %min3A_289 = arith.minimumf %min3A_281, %get3A_288 : vector<16xf32>
        %eq3A = vector.broadcast %scan3A_158 : i32 to vector<16xi32>
        %eq3A_290 = arith.cmpi eq, %iota3A, %eq3A : vector<16xi32>
        %reduce_min3A = arith.constant true
        %reduce_min3A_291 = vector.broadcast %reduce_min3A : i1 to vector<16xi1>
        %reduce_min3A_292 = tpu.scan <min>, %min3A_289 masked %reduce_min3A_291 : vector<16xf32>, vector<16xi1> -> vector<16xf32>
        %reduce_min3A_293 = vector.extract %reduce_min3A_292[15] : f32 from vector<16xf32>
        %broadcast_in_dim3A_294 = vector.broadcast %reduce_min3A_293 : f32 to vector<16xf32>
        %select_n3A_295 = arith.select %eq3A_290, %broadcast_in_dim3A_294, %scan3A_159 : vector<16xi1>, vector<16xf32>
        scf.yield %select_n3A_295 : vector<16xf32>
      }
      %scan3A_58 = arith.constant 16 : i32
      %broadcast_in_dim3A_59 = arith.constant 1.000000e+30 : f32
      %broadcast_in_dim3A_60 = vector.broadcast %broadcast_in_dim3A_59 : f32 to vector<16xf32>
      %scan3A_61 = arith.constant 0 : i32
      %scan3A_62 = arith.constant 16 : i32
      %scan3A_63 = arith.addi %scan3A_61, %scan3A_62 : i32
      %scan3A_64 = arith.constant 1 : i32
      %scan3A_65 = scf.for %scan3A_158 = %scan3A_61 to %scan3A_63 step %scan3A_64 iter_args(%scan3A_159 = %broadcast_in_dim3A_60) -> (vector<16xf32>)  : i32 {
        %add3A_160 = arith.constant 32 : i32
        %add3A_161 = arith.addi %add3A_160, %scan3A_158 : i32
        %broadcast_in_dim3A_162 = arith.constant 1.000000e+30 : f32
        %broadcast_in_dim3A_163 = vector.broadcast %broadcast_in_dim3A_162 : f32 to vector<16xf32>
        %mul3A_164 = arith.constant 256 : i32
        %mul3A_165 = arith.muli %add3A_161, %mul3A_164 : i32
        %add3A_166 = arith.constant 0 : i32
        %add3A_167 = arith.addi %mul3A_165, %add3A_166 : i32
        %multiple_of3A_168 = tpu.assume_multiple %add3A_167, 16 : i32
        %get3A = arith.index_cast %multiple_of3A_168 : i32 to index
        %get3A_169 = tpu.vector_load %arg4[%get3A] {strides = array<i32>} : memref<16384xf32, #tpu.memory_space<vmem>>, vector<16xf32>,
        %min3A = arith.minimumf %broadcast_in_dim3A_163, %get3A_169 : vector<16xf32>
        %mul3A_170 = arith.constant 256 : i32
        %mul3A_171 = arith.muli %add3A_161, %mul3A_170 : i32
        %add3A_172 = arith.constant 16 : i32
        %add3A_173 = arith.addi %mul3A_171, %add3A_172 : i32
        %multiple_of3A_174 = tpu.assume_multiple %add3A_173, 16 : i32
        %get3A_175 = arith.index_cast %multiple_of3A_174 : i32 to index
        %get3A_176 = tpu.vector_load %arg4[%get3A_175] {strides = array<i32>} : memref<16384xf32, #tpu.memory_space<vmem>>, vector<16xf32>,
        %min3A_177 = arith.minimumf %min3A, %get3A_176 : vector<16xf32>
        %mul3A_178 = arith.constant 256 : i32
        %mul3A_179 = arith.muli %add3A_161, %mul3A_178 : i32
        %add3A_180 = arith.constant 32 : i32
        %add3A_181 = arith.addi %mul3A_179, %add3A_180 : i32
        %multiple_of3A_182 = tpu.assume_multiple %add3A_181, 16 : i32
        %get3A_183 = arith.index_cast %multiple_of3A_182 : i32 to index
        %get3A_184 = tpu.vector_load %arg4[%get3A_183] {strides = array<i32>} : memref<16384xf32, #tpu.memory_space<vmem>>, vector<16xf32>,
        %min3A_185 = arith.minimumf %min3A_177, %get3A_184 : vector<16xf32>
        %mul3A_186 = arith.constant 256 : i32
        %mul3A_187 = arith.muli %add3A_161, %mul3A_186 : i32
        %add3A_188 = arith.constant 48 : i32
        %add3A_189 = arith.addi %mul3A_187, %add3A_188 : i32
        %multiple_of3A_190 = tpu.assume_multiple %add3A_189, 16 : i32
        %get3A_191 = arith.index_cast %multiple_of3A_190 : i32 to index
        %get3A_192 = tpu.vector_load %arg4[%get3A_191] {strides = array<i32>} : memref<16384xf32, #tpu.memory_space<vmem>>, vector<16xf32>,
        %min3A_193 = arith.minimumf %min3A_185, %get3A_192 : vector<16xf32>
        %mul3A_194 = arith.constant 256 : i32
        %mul3A_195 = arith.muli %add3A_161, %mul3A_194 : i32
        %add3A_196 = arith.constant 64 : i32
        %add3A_197 = arith.addi %mul3A_195, %add3A_196 : i32
        %multiple_of3A_198 = tpu.assume_multiple %add3A_197, 16 : i32
        %get3A_199 = arith.index_cast %multiple_of3A_198 : i32 to index
        %get3A_200 = tpu.vector_load %arg4[%get3A_199] {strides = array<i32>} : memref<16384xf32, #tpu.memory_space<vmem>>, vector<16xf32>,
        %min3A_201 = arith.minimumf %min3A_193, %get3A_200 : vector<16xf32>
        %mul3A_202 = arith.constant 256 : i32
        %mul3A_203 = arith.muli %add3A_161, %mul3A_202 : i32
        %add3A_204 = arith.constant 80 : i32
        %add3A_205 = arith.addi %mul3A_203, %add3A_204 : i32
        %multiple_of3A_206 = tpu.assume_multiple %add3A_205, 16 : i32
        %get3A_207 = arith.index_cast %multiple_of3A_206 : i32 to index
        %get3A_208 = tpu.vector_load %arg4[%get3A_207] {strides = array<i32>} : memref<16384xf32, #tpu.memory_space<vmem>>, vector<16xf32>,
        %min3A_209 = arith.minimumf %min3A_201, %get3A_208 : vector<16xf32>
        %mul3A_210 = arith.constant 256 : i32
        %mul3A_211 = arith.muli %add3A_161, %mul3A_210 : i32
        %add3A_212 = arith.constant 96 : i32
        %add3A_213 = arith.addi %mul3A_211, %add3A_212 : i32
        %multiple_of3A_214 = tpu.assume_multiple %add3A_213, 16 : i32
        %get3A_215 = arith.index_cast %multiple_of3A_214 : i32 to index
        %get3A_216 = tpu.vector_load %arg4[%get3A_215] {strides = array<i32>} : memref<16384xf32, #tpu.memory_space<vmem>>, vector<16xf32>,
        %min3A_217 = arith.minimumf %min3A_209, %get3A_216 : vector<16xf32>
        %mul3A_218 = arith.constant 256 : i32
        %mul3A_219 = arith.muli %add3A_161, %mul3A_218 : i32
        %add3A_220 = arith.constant 112 : i32
        %add3A_221 = arith.addi %mul3A_219, %add3A_220 : i32
        %multiple_of3A_222 = tpu.assume_multiple %add3A_221, 16 : i32
        %get3A_223 = arith.index_cast %multiple_of3A_222 : i32 to index
        %get3A_224 = tpu.vector_load %arg4[%get3A_223] {strides = array<i32>} : memref<16384xf32, #tpu.memory_space<vmem>>, vector<16xf32>,
        %min3A_225 = arith.minimumf %min3A_217, %get3A_224 : vector<16xf32>
        %mul3A_226 = arith.constant 256 : i32
        %mul3A_227 = arith.muli %add3A_161, %mul3A_226 : i32
        %add3A_228 = arith.constant 128 : i32
        %add3A_229 = arith.addi %mul3A_227, %add3A_228 : i32
        %multiple_of3A_230 = tpu.assume_multiple %add3A_229, 16 : i32
        %get3A_231 = arith.index_cast %multiple_of3A_230 : i32 to index
        %get3A_232 = tpu.vector_load %arg4[%get3A_231] {strides = array<i32>} : memref<16384xf32, #tpu.memory_space<vmem>>, vector<16xf32>,
        %min3A_233 = arith.minimumf %min3A_225, %get3A_232 : vector<16xf32>
        %mul3A_234 = arith.constant 256 : i32
        %mul3A_235 = arith.muli %add3A_161, %mul3A_234 : i32
        %add3A_236 = arith.constant 144 : i32
        %add3A_237 = arith.addi %mul3A_235, %add3A_236 : i32
        %multiple_of3A_238 = tpu.assume_multiple %add3A_237, 16 : i32
        %get3A_239 = arith.index_cast %multiple_of3A_238 : i32 to index
        %get3A_240 = tpu.vector_load %arg4[%get3A_239] {strides = array<i32>} : memref<16384xf32, #tpu.memory_space<vmem>>, vector<16xf32>,
        %min3A_241 = arith.minimumf %min3A_233, %get3A_240 : vector<16xf32>
        %mul3A_242 = arith.constant 256 : i32
        %mul3A_243 = arith.muli %add3A_161, %mul3A_242 : i32
        %add3A_244 = arith.constant 160 : i32
        %add3A_245 = arith.addi %mul3A_243, %add3A_244 : i32
        %multiple_of3A_246 = tpu.assume_multiple %add3A_245, 16 : i32
        %get3A_247 = arith.index_cast %multiple_of3A_246 : i32 to index
        %get3A_248 = tpu.vector_load %arg4[%get3A_247] {strides = array<i32>} : memref<16384xf32, #tpu.memory_space<vmem>>, vector<16xf32>,
        %min3A_249 = arith.minimumf %min3A_241, %get3A_248 : vector<16xf32>
        %mul3A_250 = arith.constant 256 : i32
        %mul3A_251 = arith.muli %add3A_161, %mul3A_250 : i32
        %add3A_252 = arith.constant 176 : i32
        %add3A_253 = arith.addi %mul3A_251, %add3A_252 : i32
        %multiple_of3A_254 = tpu.assume_multiple %add3A_253, 16 : i32
        %get3A_255 = arith.index_cast %multiple_of3A_254 : i32 to index
        %get3A_256 = tpu.vector_load %arg4[%get3A_255] {strides = array<i32>} : memref<16384xf32, #tpu.memory_space<vmem>>, vector<16xf32>,
        %min3A_257 = arith.minimumf %min3A_249, %get3A_256 : vector<16xf32>
        %mul3A_258 = arith.constant 256 : i32
        %mul3A_259 = arith.muli %add3A_161, %mul3A_258 : i32
        %add3A_260 = arith.constant 192 : i32
        %add3A_261 = arith.addi %mul3A_259, %add3A_260 : i32
        %multiple_of3A_262 = tpu.assume_multiple %add3A_261, 16 : i32
        %get3A_263 = arith.index_cast %multiple_of3A_262 : i32 to index
        %get3A_264 = tpu.vector_load %arg4[%get3A_263] {strides = array<i32>} : memref<16384xf32, #tpu.memory_space<vmem>>, vector<16xf32>,
        %min3A_265 = arith.minimumf %min3A_257, %get3A_264 : vector<16xf32>
        %mul3A_266 = arith.constant 256 : i32
        %mul3A_267 = arith.muli %add3A_161, %mul3A_266 : i32
        %add3A_268 = arith.constant 208 : i32
        %add3A_269 = arith.addi %mul3A_267, %add3A_268 : i32
        %multiple_of3A_270 = tpu.assume_multiple %add3A_269, 16 : i32
        %get3A_271 = arith.index_cast %multiple_of3A_270 : i32 to index
        %get3A_272 = tpu.vector_load %arg4[%get3A_271] {strides = array<i32>} : memref<16384xf32, #tpu.memory_space<vmem>>, vector<16xf32>,
        %min3A_273 = arith.minimumf %min3A_265, %get3A_272 : vector<16xf32>
        %mul3A_274 = arith.constant 256 : i32
        %mul3A_275 = arith.muli %add3A_161, %mul3A_274 : i32
        %add3A_276 = arith.constant 224 : i32
        %add3A_277 = arith.addi %mul3A_275, %add3A_276 : i32
        %multiple_of3A_278 = tpu.assume_multiple %add3A_277, 16 : i32
        %get3A_279 = arith.index_cast %multiple_of3A_278 : i32 to index
        %get3A_280 = tpu.vector_load %arg4[%get3A_279] {strides = array<i32>} : memref<16384xf32, #tpu.memory_space<vmem>>, vector<16xf32>,
        %min3A_281 = arith.minimumf %min3A_273, %get3A_280 : vector<16xf32>
        %mul3A_282 = arith.constant 256 : i32
        %mul3A_283 = arith.muli %add3A_161, %mul3A_282 : i32
        %add3A_284 = arith.constant 240 : i32
        %add3A_285 = arith.addi %mul3A_283, %add3A_284 : i32
        %multiple_of3A_286 = tpu.assume_multiple %add3A_285, 16 : i32
        %get3A_287 = arith.index_cast %multiple_of3A_286 : i32 to index
        %get3A_288 = tpu.vector_load %arg4[%get3A_287] {strides = array<i32>} : memref<16384xf32, #tpu.memory_space<vmem>>, vector<16xf32>,
        %min3A_289 = arith.minimumf %min3A_281, %get3A_288 : vector<16xf32>
        %eq3A = vector.broadcast %scan3A_158 : i32 to vector<16xi32>
        %eq3A_290 = arith.cmpi eq, %iota3A, %eq3A : vector<16xi32>
        %reduce_min3A = arith.constant true
        %reduce_min3A_291 = vector.broadcast %reduce_min3A : i1 to vector<16xi1>
        %reduce_min3A_292 = tpu.scan <min>, %min3A_289 masked %reduce_min3A_291 : vector<16xf32>, vector<16xi1> -> vector<16xf32>
        %reduce_min3A_293 = vector.extract %reduce_min3A_292[15] : f32 from vector<16xf32>
        %broadcast_in_dim3A_294 = vector.broadcast %reduce_min3A_293 : f32 to vector<16xf32>
        %select_n3A_295 = arith.select %eq3A_290, %broadcast_in_dim3A_294, %scan3A_159 : vector<16xi1>, vector<16xf32>
        scf.yield %select_n3A_295 : vector<16xf32>
      }
      %scan3A_66 = arith.constant 16 : i32
      %broadcast_in_dim3A_67 = arith.constant 1.000000e+30 : f32
      %broadcast_in_dim3A_68 = vector.broadcast %broadcast_in_dim3A_67 : f32 to vector<16xf32>
      %scan3A_69 = arith.constant 0 : i32
      %scan3A_70 = arith.constant 16 : i32
      %scan3A_71 = arith.addi %scan3A_69, %scan3A_70 : i32
      %scan3A_72 = arith.constant 1 : i32
      %scan3A_73 = scf.for %scan3A_158 = %scan3A_69 to %scan3A_71 step %scan3A_72 iter_args(%scan3A_159 = %broadcast_in_dim3A_68) -> (vector<16xf32>)  : i32 {
        %add3A_160 = arith.constant 48 : i32
        %add3A_161 = arith.addi %add3A_160, %scan3A_158 : i32
        %broadcast_in_dim3A_162 = arith.constant 1.000000e+30 : f32
        %broadcast_in_dim3A_163 = vector.broadcast %broadcast_in_dim3A_162 : f32 to vector<16xf32>
        %mul3A_164 = arith.constant 256 : i32
        %mul3A_165 = arith.muli %add3A_161, %mul3A_164 : i32
        %add3A_166 = arith.constant 0 : i32
        %add3A_167 = arith.addi %mul3A_165, %add3A_166 : i32
        %multiple_of3A_168 = tpu.assume_multiple %add3A_167, 16 : i32
        %get3A = arith.index_cast %multiple_of3A_168 : i32 to index
        %get3A_169 = tpu.vector_load %arg4[%get3A] {strides = array<i32>} : memref<16384xf32, #tpu.memory_space<vmem>>, vector<16xf32>,
        %min3A = arith.minimumf %broadcast_in_dim3A_163, %get3A_169 : vector<16xf32>
        %mul3A_170 = arith.constant 256 : i32
        %mul3A_171 = arith.muli %add3A_161, %mul3A_170 : i32
        %add3A_172 = arith.constant 16 : i32
        %add3A_173 = arith.addi %mul3A_171, %add3A_172 : i32
        %multiple_of3A_174 = tpu.assume_multiple %add3A_173, 16 : i32
        %get3A_175 = arith.index_cast %multiple_of3A_174 : i32 to index
        %get3A_176 = tpu.vector_load %arg4[%get3A_175] {strides = array<i32>} : memref<16384xf32, #tpu.memory_space<vmem>>, vector<16xf32>,
        %min3A_177 = arith.minimumf %min3A, %get3A_176 : vector<16xf32>
        %mul3A_178 = arith.constant 256 : i32
        %mul3A_179 = arith.muli %add3A_161, %mul3A_178 : i32
        %add3A_180 = arith.constant 32 : i32
        %add3A_181 = arith.addi %mul3A_179, %add3A_180 : i32
        %multiple_of3A_182 = tpu.assume_multiple %add3A_181, 16 : i32
        %get3A_183 = arith.index_cast %multiple_of3A_182 : i32 to index
        %get3A_184 = tpu.vector_load %arg4[%get3A_183] {strides = array<i32>} : memref<16384xf32, #tpu.memory_space<vmem>>, vector<16xf32>,
        %min3A_185 = arith.minimumf %min3A_177, %get3A_184 : vector<16xf32>
        %mul3A_186 = arith.constant 256 : i32
        %mul3A_187 = arith.muli %add3A_161, %mul3A_186 : i32
        %add3A_188 = arith.constant 48 : i32
        %add3A_189 = arith.addi %mul3A_187, %add3A_188 : i32
        %multiple_of3A_190 = tpu.assume_multiple %add3A_189, 16 : i32
        %get3A_191 = arith.index_cast %multiple_of3A_190 : i32 to index
        %get3A_192 = tpu.vector_load %arg4[%get3A_191] {strides = array<i32>} : memref<16384xf32, #tpu.memory_space<vmem>>, vector<16xf32>,
        %min3A_193 = arith.minimumf %min3A_185, %get3A_192 : vector<16xf32>
        %mul3A_194 = arith.constant 256 : i32
        %mul3A_195 = arith.muli %add3A_161, %mul3A_194 : i32
        %add3A_196 = arith.constant 64 : i32
        %add3A_197 = arith.addi %mul3A_195, %add3A_196 : i32
        %multiple_of3A_198 = tpu.assume_multiple %add3A_197, 16 : i32
        %get3A_199 = arith.index_cast %multiple_of3A_198 : i32 to index
        %get3A_200 = tpu.vector_load %arg4[%get3A_199] {strides = array<i32>} : memref<16384xf32, #tpu.memory_space<vmem>>, vector<16xf32>,
        %min3A_201 = arith.minimumf %min3A_193, %get3A_200 : vector<16xf32>
        %mul3A_202 = arith.constant 256 : i32
        %mul3A_203 = arith.muli %add3A_161, %mul3A_202 : i32
        %add3A_204 = arith.constant 80 : i32
        %add3A_205 = arith.addi %mul3A_203, %add3A_204 : i32
        %multiple_of3A_206 = tpu.assume_multiple %add3A_205, 16 : i32
        %get3A_207 = arith.index_cast %multiple_of3A_206 : i32 to index
        %get3A_208 = tpu.vector_load %arg4[%get3A_207] {strides = array<i32>} : memref<16384xf32, #tpu.memory_space<vmem>>, vector<16xf32>,
        %min3A_209 = arith.minimumf %min3A_201, %get3A_208 : vector<16xf32>
        %mul3A_210 = arith.constant 256 : i32
        %mul3A_211 = arith.muli %add3A_161, %mul3A_210 : i32
        %add3A_212 = arith.constant 96 : i32
        %add3A_213 = arith.addi %mul3A_211, %add3A_212 : i32
        %multiple_of3A_214 = tpu.assume_multiple %add3A_213, 16 : i32
        %get3A_215 = arith.index_cast %multiple_of3A_214 : i32 to index
        %get3A_216 = tpu.vector_load %arg4[%get3A_215] {strides = array<i32>} : memref<16384xf32, #tpu.memory_space<vmem>>, vector<16xf32>,
        %min3A_217 = arith.minimumf %min3A_209, %get3A_216 : vector<16xf32>
        %mul3A_218 = arith.constant 256 : i32
        %mul3A_219 = arith.muli %add3A_161, %mul3A_218 : i32
        %add3A_220 = arith.constant 112 : i32
        %add3A_221 = arith.addi %mul3A_219, %add3A_220 : i32
        %multiple_of3A_222 = tpu.assume_multiple %add3A_221, 16 : i32
        %get3A_223 = arith.index_cast %multiple_of3A_222 : i32 to index
        %get3A_224 = tpu.vector_load %arg4[%get3A_223] {strides = array<i32>} : memref<16384xf32, #tpu.memory_space<vmem>>, vector<16xf32>,
        %min3A_225 = arith.minimumf %min3A_217, %get3A_224 : vector<16xf32>
        %mul3A_226 = arith.constant 256 : i32
        %mul3A_227 = arith.muli %add3A_161, %mul3A_226 : i32
        %add3A_228 = arith.constant 128 : i32
        %add3A_229 = arith.addi %mul3A_227, %add3A_228 : i32
        %multiple_of3A_230 = tpu.assume_multiple %add3A_229, 16 : i32
        %get3A_231 = arith.index_cast %multiple_of3A_230 : i32 to index
        %get3A_232 = tpu.vector_load %arg4[%get3A_231] {strides = array<i32>} : memref<16384xf32, #tpu.memory_space<vmem>>, vector<16xf32>,
        %min3A_233 = arith.minimumf %min3A_225, %get3A_232 : vector<16xf32>
        %mul3A_234 = arith.constant 256 : i32
        %mul3A_235 = arith.muli %add3A_161, %mul3A_234 : i32
        %add3A_236 = arith.constant 144 : i32
        %add3A_237 = arith.addi %mul3A_235, %add3A_236 : i32
        %multiple_of3A_238 = tpu.assume_multiple %add3A_237, 16 : i32
        %get3A_239 = arith.index_cast %multiple_of3A_238 : i32 to index
        %get3A_240 = tpu.vector_load %arg4[%get3A_239] {strides = array<i32>} : memref<16384xf32, #tpu.memory_space<vmem>>, vector<16xf32>,
        %min3A_241 = arith.minimumf %min3A_233, %get3A_240 : vector<16xf32>
        %mul3A_242 = arith.constant 256 : i32
        %mul3A_243 = arith.muli %add3A_161, %mul3A_242 : i32
        %add3A_244 = arith.constant 160 : i32
        %add3A_245 = arith.addi %mul3A_243, %add3A_244 : i32
        %multiple_of3A_246 = tpu.assume_multiple %add3A_245, 16 : i32
        %get3A_247 = arith.index_cast %multiple_of3A_246 : i32 to index
        %get3A_248 = tpu.vector_load %arg4[%get3A_247] {strides = array<i32>} : memref<16384xf32, #tpu.memory_space<vmem>>, vector<16xf32>,
        %min3A_249 = arith.minimumf %min3A_241, %get3A_248 : vector<16xf32>
        %mul3A_250 = arith.constant 256 : i32
        %mul3A_251 = arith.muli %add3A_161, %mul3A_250 : i32
        %add3A_252 = arith.constant 176 : i32
        %add3A_253 = arith.addi %mul3A_251, %add3A_252 : i32
        %multiple_of3A_254 = tpu.assume_multiple %add3A_253, 16 : i32
        %get3A_255 = arith.index_cast %multiple_of3A_254 : i32 to index
        %get3A_256 = tpu.vector_load %arg4[%get3A_255] {strides = array<i32>} : memref<16384xf32, #tpu.memory_space<vmem>>, vector<16xf32>,
        %min3A_257 = arith.minimumf %min3A_249, %get3A_256 : vector<16xf32>
        %mul3A_258 = arith.constant 256 : i32
        %mul3A_259 = arith.muli %add3A_161, %mul3A_258 : i32
        %add3A_260 = arith.constant 192 : i32
        %add3A_261 = arith.addi %mul3A_259, %add3A_260 : i32
        %multiple_of3A_262 = tpu.assume_multiple %add3A_261, 16 : i32
        %get3A_263 = arith.index_cast %multiple_of3A_262 : i32 to index
        %get3A_264 = tpu.vector_load %arg4[%get3A_263] {strides = array<i32>} : memref<16384xf32, #tpu.memory_space<vmem>>, vector<16xf32>,
        %min3A_265 = arith.minimumf %min3A_257, %get3A_264 : vector<16xf32>
        %mul3A_266 = arith.constant 256 : i32
        %mul3A_267 = arith.muli %add3A_161, %mul3A_266 : i32
        %add3A_268 = arith.constant 208 : i32
        %add3A_269 = arith.addi %mul3A_267, %add3A_268 : i32
        %multiple_of3A_270 = tpu.assume_multiple %add3A_269, 16 : i32
        %get3A_271 = arith.index_cast %multiple_of3A_270 : i32 to index
        %get3A_272 = tpu.vector_load %arg4[%get3A_271] {strides = array<i32>} : memref<16384xf32, #tpu.memory_space<vmem>>, vector<16xf32>,
        %min3A_273 = arith.minimumf %min3A_265, %get3A_272 : vector<16xf32>
        %mul3A_274 = arith.constant 256 : i32
        %mul3A_275 = arith.muli %add3A_161, %mul3A_274 : i32
        %add3A_276 = arith.constant 224 : i32
        %add3A_277 = arith.addi %mul3A_275, %add3A_276 : i32
        %multiple_of3A_278 = tpu.assume_multiple %add3A_277, 16 : i32
        %get3A_279 = arith.index_cast %multiple_of3A_278 : i32 to index
        %get3A_280 = tpu.vector_load %arg4[%get3A_279] {strides = array<i32>} : memref<16384xf32, #tpu.memory_space<vmem>>, vector<16xf32>,
        %min3A_281 = arith.minimumf %min3A_273, %get3A_280 : vector<16xf32>
        %mul3A_282 = arith.constant 256 : i32
        %mul3A_283 = arith.muli %add3A_161, %mul3A_282 : i32
        %add3A_284 = arith.constant 240 : i32
        %add3A_285 = arith.addi %mul3A_283, %add3A_284 : i32
        %multiple_of3A_286 = tpu.assume_multiple %add3A_285, 16 : i32
        %get3A_287 = arith.index_cast %multiple_of3A_286 : i32 to index
        %get3A_288 = tpu.vector_load %arg4[%get3A_287] {strides = array<i32>} : memref<16384xf32, #tpu.memory_space<vmem>>, vector<16xf32>,
        %min3A_289 = arith.minimumf %min3A_281, %get3A_288 : vector<16xf32>
        %eq3A = vector.broadcast %scan3A_158 : i32 to vector<16xi32>
        %eq3A_290 = arith.cmpi eq, %iota3A, %eq3A : vector<16xi32>
        %reduce_min3A = arith.constant true
        %reduce_min3A_291 = vector.broadcast %reduce_min3A : i1 to vector<16xi1>
        %reduce_min3A_292 = tpu.scan <min>, %min3A_289 masked %reduce_min3A_291 : vector<16xf32>, vector<16xi1> -> vector<16xf32>
        %reduce_min3A_293 = vector.extract %reduce_min3A_292[15] : f32 from vector<16xf32>
        %broadcast_in_dim3A_294 = vector.broadcast %reduce_min3A_293 : f32 to vector<16xf32>
        %select_n3A_295 = arith.select %eq3A_290, %broadcast_in_dim3A_294, %scan3A_159 : vector<16xi1>, vector<16xf32>
        scf.yield %select_n3A_295 : vector<16xf32>
      }
      %scan3A_74 = arith.constant 16 : i32
      %broadcast_in_dim3A_75 = arith.constant 0 : i32
      %broadcast_in_dim3A_76 = vector.broadcast %broadcast_in_dim3A_75 : i32 to vector<16xi32>
      %scan3A_77 = arith.constant 0 : i32
      %scan3A_78 = arith.constant 32 : i32
      %scan3A_79 = arith.addi %scan3A_77, %scan3A_78 : i32
      %scan3A_80 = arith.constant 1 : i32
      %scan3A_81:6 = scf.for %scan3A_158 = %scan3A_77 to %scan3A_79 step %scan3A_80 iter_args(%scan3A_159 = %broadcast_in_dim3A_76, %scan3A_160 = %broadcast_in_dim3A_76, %scan3A_161 = %scan3A_49, %scan3A_162 = %scan3A_57, %scan3A_163 = %scan3A_65, %scan3A_164 = %scan3A_73) -> (vector<16xi32>, vector<16xi32>, vector<16xf32>, vector<16xf32>, vector<16xf32>, vector<16xf32>)  : i32 {
        %min3A = arith.minimumf %scan3A_161, %scan3A_162 : vector<16xf32>
        %min3A_165 = arith.minimumf %scan3A_163, %scan3A_164 : vector<16xf32>
        %min3A_166 = arith.minimumf %min3A, %min3A_165 : vector<16xf32>
        %reduce_min3A = arith.constant true
        %reduce_min3A_167 = vector.broadcast %reduce_min3A : i1 to vector<16xi1>
        %reduce_min3A_168 = tpu.scan <min>, %min3A_166 masked %reduce_min3A_167 : vector<16xf32>, vector<16xi1> -> vector<16xf32>
        %reduce_min3A_169 = vector.extract %reduce_min3A_168[15] : f32 from vector<16xf32>
        %eq3A = vector.broadcast %reduce_min3A_169 : f32 to vector<16xf32>
        %eq3A_170 = arith.cmpf oeq, %scan3A_161, %eq3A : vector<16xf32>
        %jit3A_171 = arith.constant 1048576 : i32
        %broadcast_in_dim3A_172 = vector.broadcast %jit3A_171 : i32 to vector<16xi32>
        %select_n3A_173 = arith.select %eq3A_170, %iota3A, %broadcast_in_dim3A_172 : vector<16xi1>, vector<16xi32>
        %eq3A_174 = vector.broadcast %reduce_min3A_169 : f32 to vector<16xf32>
        %eq3A_175 = arith.cmpf oeq, %scan3A_162, %eq3A_174 : vector<16xf32>
        %add3A_176 = arith.constant 16 : i32
        %add3A_177 = vector.broadcast %add3A_176 : i32 to vector<16xi32>
        %add3A_178 = arith.addi %iota3A, %add3A_177 : vector<16xi32>
        %jit3A_179 = arith.constant 1048576 : i32
        %broadcast_in_dim3A_180 = vector.broadcast %jit3A_179 : i32 to vector<16xi32>
        %select_n3A_181 = arith.select %eq3A_175, %add3A_178, %broadcast_in_dim3A_180 : vector<16xi1>, vector<16xi32>
        %eq3A_182 = vector.broadcast %reduce_min3A_169 : f32 to vector<16xf32>
        %eq3A_183 = arith.cmpf oeq, %scan3A_163, %eq3A_182 : vector<16xf32>
        %add3A_184 = arith.constant 32 : i32
        %add3A_185 = vector.broadcast %add3A_184 : i32 to vector<16xi32>
        %add3A_186 = arith.addi %iota3A, %add3A_185 : vector<16xi32>
        %jit3A_187 = arith.constant 1048576 : i32
        %broadcast_in_dim3A_188 = vector.broadcast %jit3A_187 : i32 to vector<16xi32>
        %select_n3A_189 = arith.select %eq3A_183, %add3A_186, %broadcast_in_dim3A_188 : vector<16xi1>, vector<16xi32>
        %eq3A_190 = vector.broadcast %reduce_min3A_169 : f32 to vector<16xf32>
        %eq3A_191 = arith.cmpf oeq, %scan3A_164, %eq3A_190 : vector<16xf32>
        %add3A_192 = arith.constant 48 : i32
        %add3A_193 = vector.broadcast %add3A_192 : i32 to vector<16xi32>
        %add3A_194 = arith.addi %iota3A, %add3A_193 : vector<16xi32>
        %jit3A_195 = arith.constant 1048576 : i32
        %broadcast_in_dim3A_196 = vector.broadcast %jit3A_195 : i32 to vector<16xi32>
        %select_n3A_197 = arith.select %eq3A_191, %add3A_194, %broadcast_in_dim3A_196 : vector<16xi1>, vector<16xi32>
        %min3A_198 = arith.minsi %select_n3A_173, %select_n3A_181 : vector<16xi32>
        %min3A_199 = arith.minsi %select_n3A_189, %select_n3A_197 : vector<16xi32>
        %min3A_200 = arith.minsi %min3A_198, %min3A_199 : vector<16xi32>
        %reduce_min3A_201 = arith.constant true
        %reduce_min3A_202 = vector.broadcast %reduce_min3A_201 : i1 to vector<16xi1>
        %reduce_min3A_203 = arith.constant -2147483648 : i32
        %reduce_min3A_204 = vector.broadcast %reduce_min3A_203 : i32 to vector<16xi32>
        %reduce_min3A_205 = arith.xori %min3A_200, %reduce_min3A_204 : vector<16xi32>
        %reduce_min3A_206 = tpu.scan <min>, %reduce_min3A_205 masked %reduce_min3A_202 : vector<16xi32>, vector<16xi1> -> vector<16xi32>
        %reduce_min3A_207 = arith.xori %reduce_min3A_206, %reduce_min3A_204 : vector<16xi32>
        %reduce_min3A_208 = vector.extract %reduce_min3A_207[15] : i32 from vector<16xi32>
        %mul3A_209 = arith.constant 256 : i32
        %mul3A_210 = arith.muli %reduce_min3A_208, %mul3A_209 : i32
        %broadcast_in_dim3A_211 = arith.constant 1048576 : i32
        %broadcast_in_dim3A_212 = vector.broadcast %broadcast_in_dim3A_211 : i32 to vector<16xi32>
        %add3A_213 = arith.constant 0 : i32
        %add3A_214 = arith.addi %mul3A_210, %add3A_213 : i32
        %multiple_of3A_215 = tpu.assume_multiple %add3A_214, 16 : i32
        %get3A = arith.index_cast %multiple_of3A_215 : i32 to index
        %get3A_216 = tpu.vector_load %arg4[%get3A] {strides = array<i32>} : memref<16384xf32, #tpu.memory_space<vmem>>, vector<16xf32>,
        %eq3A_217 = vector.broadcast %reduce_min3A_169 : f32 to vector<16xf32>
        %eq3A_218 = arith.cmpf oeq, %get3A_216, %eq3A_217 : vector<16xf32>
        %add3A_219 = arith.constant 0 : i32
        %add3A_220 = vector.broadcast %add3A_219 : i32 to vector<16xi32>
        %add3A_221 = arith.addi %iota3A, %add3A_220 : vector<16xi32>
        %jit3A_222 = arith.constant 1048576 : i32
        %broadcast_in_dim3A_223 = vector.broadcast %jit3A_222 : i32 to vector<16xi32>
        %select_n3A_224 = arith.select %eq3A_218, %add3A_221, %broadcast_in_dim3A_223 : vector<16xi1>, vector<16xi32>
        %min3A_225 = arith.minsi %broadcast_in_dim3A_212, %select_n3A_224 : vector<16xi32>
        %add3A_226 = arith.constant 16 : i32
        %add3A_227 = arith.addi %mul3A_210, %add3A_226 : i32
        %multiple_of3A_228 = tpu.assume_multiple %add3A_227, 16 : i32
        %get3A_229 = arith.index_cast %multiple_of3A_228 : i32 to index
        %get3A_230 = tpu.vector_load %arg4[%get3A_229] {strides = array<i32>} : memref<16384xf32, #tpu.memory_space<vmem>>, vector<16xf32>,
        %eq3A_231 = vector.broadcast %reduce_min3A_169 : f32 to vector<16xf32>
        %eq3A_232 = arith.cmpf oeq, %get3A_230, %eq3A_231 : vector<16xf32>
        %add3A_233 = arith.constant 16 : i32
        %add3A_234 = vector.broadcast %add3A_233 : i32 to vector<16xi32>
        %add3A_235 = arith.addi %iota3A, %add3A_234 : vector<16xi32>
        %jit3A_236 = arith.constant 1048576 : i32
        %broadcast_in_dim3A_237 = vector.broadcast %jit3A_236 : i32 to vector<16xi32>
        %select_n3A_238 = arith.select %eq3A_232, %add3A_235, %broadcast_in_dim3A_237 : vector<16xi1>, vector<16xi32>
        %min3A_239 = arith.minsi %min3A_225, %select_n3A_238 : vector<16xi32>
        %add3A_240 = arith.constant 32 : i32
        %add3A_241 = arith.addi %mul3A_210, %add3A_240 : i32
        %multiple_of3A_242 = tpu.assume_multiple %add3A_241, 16 : i32
        %get3A_243 = arith.index_cast %multiple_of3A_242 : i32 to index
        %get3A_244 = tpu.vector_load %arg4[%get3A_243] {strides = array<i32>} : memref<16384xf32, #tpu.memory_space<vmem>>, vector<16xf32>,
        %eq3A_245 = vector.broadcast %reduce_min3A_169 : f32 to vector<16xf32>
        %eq3A_246 = arith.cmpf oeq, %get3A_244, %eq3A_245 : vector<16xf32>
        %add3A_247 = arith.constant 32 : i32
        %add3A_248 = vector.broadcast %add3A_247 : i32 to vector<16xi32>
        %add3A_249 = arith.addi %iota3A, %add3A_248 : vector<16xi32>
        %jit3A_250 = arith.constant 1048576 : i32
        %broadcast_in_dim3A_251 = vector.broadcast %jit3A_250 : i32 to vector<16xi32>
        %select_n3A_252 = arith.select %eq3A_246, %add3A_249, %broadcast_in_dim3A_251 : vector<16xi1>, vector<16xi32>
        %min3A_253 = arith.minsi %min3A_239, %select_n3A_252 : vector<16xi32>
        %add3A_254 = arith.constant 48 : i32
        %add3A_255 = arith.addi %mul3A_210, %add3A_254 : i32
        %multiple_of3A_256 = tpu.assume_multiple %add3A_255, 16 : i32
        %get3A_257 = arith.index_cast %multiple_of3A_256 : i32 to index
        %get3A_258 = tpu.vector_load %arg4[%get3A_257] {strides = array<i32>} : memref<16384xf32, #tpu.memory_space<vmem>>, vector<16xf32>,
        %eq3A_259 = vector.broadcast %reduce_min3A_169 : f32 to vector<16xf32>
        %eq3A_260 = arith.cmpf oeq, %get3A_258, %eq3A_259 : vector<16xf32>
        %add3A_261 = arith.constant 48 : i32
        %add3A_262 = vector.broadcast %add3A_261 : i32 to vector<16xi32>
        %add3A_263 = arith.addi %iota3A, %add3A_262 : vector<16xi32>
        %jit3A_264 = arith.constant 1048576 : i32
        %broadcast_in_dim3A_265 = vector.broadcast %jit3A_264 : i32 to vector<16xi32>
        %select_n3A_266 = arith.select %eq3A_260, %add3A_263, %broadcast_in_dim3A_265 : vector<16xi1>, vector<16xi32>
        %min3A_267 = arith.minsi %min3A_253, %select_n3A_266 : vector<16xi32>
        %add3A_268 = arith.constant 64 : i32
        %add3A_269 = arith.addi %mul3A_210, %add3A_268 : i32
        %multiple_of3A_270 = tpu.assume_multiple %add3A_269, 16 : i32
        %get3A_271 = arith.index_cast %multiple_of3A_270 : i32 to index
        %get3A_272 = tpu.vector_load %arg4[%get3A_271] {strides = array<i32>} : memref<16384xf32, #tpu.memory_space<vmem>>, vector<16xf32>,
        %eq3A_273 = vector.broadcast %reduce_min3A_169 : f32 to vector<16xf32>
        %eq3A_274 = arith.cmpf oeq, %get3A_272, %eq3A_273 : vector<16xf32>
        %add3A_275 = arith.constant 64 : i32
        %add3A_276 = vector.broadcast %add3A_275 : i32 to vector<16xi32>
        %add3A_277 = arith.addi %iota3A, %add3A_276 : vector<16xi32>
        %jit3A_278 = arith.constant 1048576 : i32
        %broadcast_in_dim3A_279 = vector.broadcast %jit3A_278 : i32 to vector<16xi32>
        %select_n3A_280 = arith.select %eq3A_274, %add3A_277, %broadcast_in_dim3A_279 : vector<16xi1>, vector<16xi32>
        %min3A_281 = arith.minsi %min3A_267, %select_n3A_280 : vector<16xi32>
        %add3A_282 = arith.constant 80 : i32
        %add3A_283 = arith.addi %mul3A_210, %add3A_282 : i32
        %multiple_of3A_284 = tpu.assume_multiple %add3A_283, 16 : i32
        %get3A_285 = arith.index_cast %multiple_of3A_284 : i32 to index
        %get3A_286 = tpu.vector_load %arg4[%get3A_285] {strides = array<i32>} : memref<16384xf32, #tpu.memory_space<vmem>>, vector<16xf32>,
        %eq3A_287 = vector.broadcast %reduce_min3A_169 : f32 to vector<16xf32>
        %eq3A_288 = arith.cmpf oeq, %get3A_286, %eq3A_287 : vector<16xf32>
        %add3A_289 = arith.constant 80 : i32
        %add3A_290 = vector.broadcast %add3A_289 : i32 to vector<16xi32>
        %add3A_291 = arith.addi %iota3A, %add3A_290 : vector<16xi32>
        %jit3A_292 = arith.constant 1048576 : i32
        %broadcast_in_dim3A_293 = vector.broadcast %jit3A_292 : i32 to vector<16xi32>
        %select_n3A_294 = arith.select %eq3A_288, %add3A_291, %broadcast_in_dim3A_293 : vector<16xi1>, vector<16xi32>
        %min3A_295 = arith.minsi %min3A_281, %select_n3A_294 : vector<16xi32>
        %add3A_296 = arith.constant 96 : i32
        %add3A_297 = arith.addi %mul3A_210, %add3A_296 : i32
        %multiple_of3A_298 = tpu.assume_multiple %add3A_297, 16 : i32
        %get3A_299 = arith.index_cast %multiple_of3A_298 : i32 to index
        %get3A_300 = tpu.vector_load %arg4[%get3A_299] {strides = array<i32>} : memref<16384xf32, #tpu.memory_space<vmem>>, vector<16xf32>,
        %eq3A_301 = vector.broadcast %reduce_min3A_169 : f32 to vector<16xf32>
        %eq3A_302 = arith.cmpf oeq, %get3A_300, %eq3A_301 : vector<16xf32>
        %add3A_303 = arith.constant 96 : i32
        %add3A_304 = vector.broadcast %add3A_303 : i32 to vector<16xi32>
        %add3A_305 = arith.addi %iota3A, %add3A_304 : vector<16xi32>
        %jit3A_306 = arith.constant 1048576 : i32
        %broadcast_in_dim3A_307 = vector.broadcast %jit3A_306 : i32 to vector<16xi32>
        %select_n3A_308 = arith.select %eq3A_302, %add3A_305, %broadcast_in_dim3A_307 : vector<16xi1>, vector<16xi32>
        %min3A_309 = arith.minsi %min3A_295, %select_n3A_308 : vector<16xi32>
        %add3A_310 = arith.constant 112 : i32
        %add3A_311 = arith.addi %mul3A_210, %add3A_310 : i32
        %multiple_of3A_312 = tpu.assume_multiple %add3A_311, 16 : i32
        %get3A_313 = arith.index_cast %multiple_of3A_312 : i32 to index
        %get3A_314 = tpu.vector_load %arg4[%get3A_313] {strides = array<i32>} : memref<16384xf32, #tpu.memory_space<vmem>>, vector<16xf32>,
        %eq3A_315 = vector.broadcast %reduce_min3A_169 : f32 to vector<16xf32>
        %eq3A_316 = arith.cmpf oeq, %get3A_314, %eq3A_315 : vector<16xf32>
        %add3A_317 = arith.constant 112 : i32
        %add3A_318 = vector.broadcast %add3A_317 : i32 to vector<16xi32>
        %add3A_319 = arith.addi %iota3A, %add3A_318 : vector<16xi32>
        %jit3A_320 = arith.constant 1048576 : i32
        %broadcast_in_dim3A_321 = vector.broadcast %jit3A_320 : i32 to vector<16xi32>
        %select_n3A_322 = arith.select %eq3A_316, %add3A_319, %broadcast_in_dim3A_321 : vector<16xi1>, vector<16xi32>
        %min3A_323 = arith.minsi %min3A_309, %select_n3A_322 : vector<16xi32>
        %add3A_324 = arith.constant 128 : i32
        %add3A_325 = arith.addi %mul3A_210, %add3A_324 : i32
        %multiple_of3A_326 = tpu.assume_multiple %add3A_325, 16 : i32
        %get3A_327 = arith.index_cast %multiple_of3A_326 : i32 to index
        %get3A_328 = tpu.vector_load %arg4[%get3A_327] {strides = array<i32>} : memref<16384xf32, #tpu.memory_space<vmem>>, vector<16xf32>,
        %eq3A_329 = vector.broadcast %reduce_min3A_169 : f32 to vector<16xf32>
        %eq3A_330 = arith.cmpf oeq, %get3A_328, %eq3A_329 : vector<16xf32>
        %add3A_331 = arith.constant 128 : i32
        %add3A_332 = vector.broadcast %add3A_331 : i32 to vector<16xi32>
        %add3A_333 = arith.addi %iota3A, %add3A_332 : vector<16xi32>
        %jit3A_334 = arith.constant 1048576 : i32
        %broadcast_in_dim3A_335 = vector.broadcast %jit3A_334 : i32 to vector<16xi32>
        %select_n3A_336 = arith.select %eq3A_330, %add3A_333, %broadcast_in_dim3A_335 : vector<16xi1>, vector<16xi32>
        %min3A_337 = arith.minsi %min3A_323, %select_n3A_336 : vector<16xi32>
        %add3A_338 = arith.constant 144 : i32
        %add3A_339 = arith.addi %mul3A_210, %add3A_338 : i32
        %multiple_of3A_340 = tpu.assume_multiple %add3A_339, 16 : i32
        %get3A_341 = arith.index_cast %multiple_of3A_340 : i32 to index
        %get3A_342 = tpu.vector_load %arg4[%get3A_341] {strides = array<i32>} : memref<16384xf32, #tpu.memory_space<vmem>>, vector<16xf32>,
        %eq3A_343 = vector.broadcast %reduce_min3A_169 : f32 to vector<16xf32>
        %eq3A_344 = arith.cmpf oeq, %get3A_342, %eq3A_343 : vector<16xf32>
        %add3A_345 = arith.constant 144 : i32
        %add3A_346 = vector.broadcast %add3A_345 : i32 to vector<16xi32>
        %add3A_347 = arith.addi %iota3A, %add3A_346 : vector<16xi32>
        %jit3A_348 = arith.constant 1048576 : i32
        %broadcast_in_dim3A_349 = vector.broadcast %jit3A_348 : i32 to vector<16xi32>
        %select_n3A_350 = arith.select %eq3A_344, %add3A_347, %broadcast_in_dim3A_349 : vector<16xi1>, vector<16xi32>
        %min3A_351 = arith.minsi %min3A_337, %select_n3A_350 : vector<16xi32>
        %add3A_352 = arith.constant 160 : i32
        %add3A_353 = arith.addi %mul3A_210, %add3A_352 : i32
        %multiple_of3A_354 = tpu.assume_multiple %add3A_353, 16 : i32
        %get3A_355 = arith.index_cast %multiple_of3A_354 : i32 to index
        %get3A_356 = tpu.vector_load %arg4[%get3A_355] {strides = array<i32>} : memref<16384xf32, #tpu.memory_space<vmem>>, vector<16xf32>,
        %eq3A_357 = vector.broadcast %reduce_min3A_169 : f32 to vector<16xf32>
        %eq3A_358 = arith.cmpf oeq, %get3A_356, %eq3A_357 : vector<16xf32>
        %add3A_359 = arith.constant 160 : i32
        %add3A_360 = vector.broadcast %add3A_359 : i32 to vector<16xi32>
        %add3A_361 = arith.addi %iota3A, %add3A_360 : vector<16xi32>
        %jit3A_362 = arith.constant 1048576 : i32
        %broadcast_in_dim3A_363 = vector.broadcast %jit3A_362 : i32 to vector<16xi32>
        %select_n3A_364 = arith.select %eq3A_358, %add3A_361, %broadcast_in_dim3A_363 : vector<16xi1>, vector<16xi32>
        %min3A_365 = arith.minsi %min3A_351, %select_n3A_364 : vector<16xi32>
        %add3A_366 = arith.constant 176 : i32
        %add3A_367 = arith.addi %mul3A_210, %add3A_366 : i32
        %multiple_of3A_368 = tpu.assume_multiple %add3A_367, 16 : i32
        %get3A_369 = arith.index_cast %multiple_of3A_368 : i32 to index
        %get3A_370 = tpu.vector_load %arg4[%get3A_369] {strides = array<i32>} : memref<16384xf32, #tpu.memory_space<vmem>>, vector<16xf32>,
        %eq3A_371 = vector.broadcast %reduce_min3A_169 : f32 to vector<16xf32>
        %eq3A_372 = arith.cmpf oeq, %get3A_370, %eq3A_371 : vector<16xf32>
        %add3A_373 = arith.constant 176 : i32
        %add3A_374 = vector.broadcast %add3A_373 : i32 to vector<16xi32>
        %add3A_375 = arith.addi %iota3A, %add3A_374 : vector<16xi32>
        %jit3A_376 = arith.constant 1048576 : i32
        %broadcast_in_dim3A_377 = vector.broadcast %jit3A_376 : i32 to vector<16xi32>
        %select_n3A_378 = arith.select %eq3A_372, %add3A_375, %broadcast_in_dim3A_377 : vector<16xi1>, vector<16xi32>
        %min3A_379 = arith.minsi %min3A_365, %select_n3A_378 : vector<16xi32>
        %add3A_380 = arith.constant 192 : i32
        %add3A_381 = arith.addi %mul3A_210, %add3A_380 : i32
        %multiple_of3A_382 = tpu.assume_multiple %add3A_381, 16 : i32
        %get3A_383 = arith.index_cast %multiple_of3A_382 : i32 to index
        %get3A_384 = tpu.vector_load %arg4[%get3A_383] {strides = array<i32>} : memref<16384xf32, #tpu.memory_space<vmem>>, vector<16xf32>,
        %eq3A_385 = vector.broadcast %reduce_min3A_169 : f32 to vector<16xf32>
        %eq3A_386 = arith.cmpf oeq, %get3A_384, %eq3A_385 : vector<16xf32>
        %add3A_387 = arith.constant 192 : i32
        %add3A_388 = vector.broadcast %add3A_387 : i32 to vector<16xi32>
        %add3A_389 = arith.addi %iota3A, %add3A_388 : vector<16xi32>
        %jit3A_390 = arith.constant 1048576 : i32
        %broadcast_in_dim3A_391 = vector.broadcast %jit3A_390 : i32 to vector<16xi32>
        %select_n3A_392 = arith.select %eq3A_386, %add3A_389, %broadcast_in_dim3A_391 : vector<16xi1>, vector<16xi32>
        %min3A_393 = arith.minsi %min3A_379, %select_n3A_392 : vector<16xi32>
        %add3A_394 = arith.constant 208 : i32
        %add3A_395 = arith.addi %mul3A_210, %add3A_394 : i32
        %multiple_of3A_396 = tpu.assume_multiple %add3A_395, 16 : i32
        %get3A_397 = arith.index_cast %multiple_of3A_396 : i32 to index
        %get3A_398 = tpu.vector_load %arg4[%get3A_397] {strides = array<i32>} : memref<16384xf32, #tpu.memory_space<vmem>>, vector<16xf32>,
        %eq3A_399 = vector.broadcast %reduce_min3A_169 : f32 to vector<16xf32>
        %eq3A_400 = arith.cmpf oeq, %get3A_398, %eq3A_399 : vector<16xf32>
        %add3A_401 = arith.constant 208 : i32
        %add3A_402 = vector.broadcast %add3A_401 : i32 to vector<16xi32>
        %add3A_403 = arith.addi %iota3A, %add3A_402 : vector<16xi32>
        %jit3A_404 = arith.constant 1048576 : i32
        %broadcast_in_dim3A_405 = vector.broadcast %jit3A_404 : i32 to vector<16xi32>
        %select_n3A_406 = arith.select %eq3A_400, %add3A_403, %broadcast_in_dim3A_405 : vector<16xi1>, vector<16xi32>
        %min3A_407 = arith.minsi %min3A_393, %select_n3A_406 : vector<16xi32>
        %add3A_408 = arith.constant 224 : i32
        %add3A_409 = arith.addi %mul3A_210, %add3A_408 : i32
        %multiple_of3A_410 = tpu.assume_multiple %add3A_409, 16 : i32
        %get3A_411 = arith.index_cast %multiple_of3A_410 : i32 to index
        %get3A_412 = tpu.vector_load %arg4[%get3A_411] {strides = array<i32>} : memref<16384xf32, #tpu.memory_space<vmem>>, vector<16xf32>,
        %eq3A_413 = vector.broadcast %reduce_min3A_169 : f32 to vector<16xf32>
        %eq3A_414 = arith.cmpf oeq, %get3A_412, %eq3A_413 : vector<16xf32>
        %add3A_415 = arith.constant 224 : i32
        %add3A_416 = vector.broadcast %add3A_415 : i32 to vector<16xi32>
        %add3A_417 = arith.addi %iota3A, %add3A_416 : vector<16xi32>
        %jit3A_418 = arith.constant 1048576 : i32
        %broadcast_in_dim3A_419 = vector.broadcast %jit3A_418 : i32 to vector<16xi32>
        %select_n3A_420 = arith.select %eq3A_414, %add3A_417, %broadcast_in_dim3A_419 : vector<16xi1>, vector<16xi32>
        %min3A_421 = arith.minsi %min3A_407, %select_n3A_420 : vector<16xi32>
        %add3A_422 = arith.constant 240 : i32
        %add3A_423 = arith.addi %mul3A_210, %add3A_422 : i32
        %multiple_of3A_424 = tpu.assume_multiple %add3A_423, 16 : i32
        %get3A_425 = arith.index_cast %multiple_of3A_424 : i32 to index
        %get3A_426 = tpu.vector_load %arg4[%get3A_425] {strides = array<i32>} : memref<16384xf32, #tpu.memory_space<vmem>>, vector<16xf32>,
        %eq3A_427 = vector.broadcast %reduce_min3A_169 : f32 to vector<16xf32>
        %eq3A_428 = arith.cmpf oeq, %get3A_426, %eq3A_427 : vector<16xf32>
        %add3A_429 = arith.constant 240 : i32
        %add3A_430 = vector.broadcast %add3A_429 : i32 to vector<16xi32>
        %add3A_431 = arith.addi %iota3A, %add3A_430 : vector<16xi32>
        %jit3A_432 = arith.constant 1048576 : i32
        %broadcast_in_dim3A_433 = vector.broadcast %jit3A_432 : i32 to vector<16xi32>
        %select_n3A_434 = arith.select %eq3A_428, %add3A_431, %broadcast_in_dim3A_433 : vector<16xi1>, vector<16xi32>
        %min3A_435 = arith.minsi %min3A_421, %select_n3A_434 : vector<16xi32>
        %reduce_min3A_436 = arith.constant true
        %reduce_min3A_437 = vector.broadcast %reduce_min3A_436 : i1 to vector<16xi1>
        %reduce_min3A_438 = arith.constant -2147483648 : i32
        %reduce_min3A_439 = vector.broadcast %reduce_min3A_438 : i32 to vector<16xi32>
        %reduce_min3A_440 = arith.xori %min3A_435, %reduce_min3A_439 : vector<16xi32>
        %reduce_min3A_441 = tpu.scan <min>, %reduce_min3A_440 masked %reduce_min3A_437 : vector<16xi32>, vector<16xi1> -> vector<16xi32>
        %reduce_min3A_442 = arith.xori %reduce_min3A_441, %reduce_min3A_439 : vector<16xi32>
        %reduce_min3A_443 = vector.extract %reduce_min3A_442[15] : i32 from vector<16xi32>
        %add3A_444 = arith.addi %mul3A_210, %reduce_min3A_443 : i32
        %jit3A_445 = arith.constant 16 : i32
        %div3A = arith.divsi %reduce_min3A_443, %jit3A_445 : i32
        %sign3A = arith.constant 0 : i32
        %sign3A_446 = arith.cmpi sgt, %reduce_min3A_443, %sign3A : i32
        %sign3A_447 = arith.extui %sign3A_446 : i1 to i32
        %sign3A_448 = arith.constant 0 : i32
        %sign3A_449 = arith.cmpi slt, %reduce_min3A_443, %sign3A_448 : i32
        %sign3A_450 = arith.extui %sign3A_449 : i1 to i32
        %sign3A_451 = arith.subi %sign3A_447, %sign3A_450 : i32
        %sign3A_452 = arith.constant 0 : i32
        %sign3A_453 = arith.cmpi sgt, %jit3A_445, %sign3A_452 : i32
        %sign3A_454 = arith.extui %sign3A_453 : i1 to i32
        %sign3A_455 = arith.constant 0 : i32
        %sign3A_456 = arith.cmpi slt, %jit3A_445, %sign3A_455 : i32
        %sign3A_457 = arith.extui %sign3A_456 : i1 to i32
        %sign3A_458 = arith.subi %sign3A_454, %sign3A_457 : i32
        %ne3A = arith.cmpi ne, %sign3A_451, %sign3A_458 : i32
        %rem3A = arith.remsi %reduce_min3A_443, %jit3A_445 : i32
        %ne3A_459 = arith.constant 0 : i32
        %ne3A_460 = arith.cmpi ne, %rem3A, %ne3A_459 : i32
        %and3A = arith.andi %ne3A, %ne3A_460 : i1
        %sub3A = arith.constant 1 : i32
        %sub3A_461 = arith.subi %div3A, %sub3A : i32
        %select_n3A_462 = arith.select %and3A, %sub3A_461, %div3A : i32
        %mul3A_463 = arith.constant 16 : i32
        %mul3A_464 = arith.muli %select_n3A_462, %mul3A_463 : i32
        %add3A_465 = arith.addi %mul3A_210, %mul3A_464 : i32
        %multiple_of3A_466 = tpu.assume_multiple %add3A_465, 16 : i32
        %jit3A_467 = arith.constant 16 : i32
        %eq3A_468 = arith.constant 0 : i32
        %eq3A_469 = arith.cmpi eq, %jit3A_467, %eq3A_468 : i32
        %jit3A_470 = arith.constant 1 : i32
        %select_n3A_471 = arith.select %eq3A_469, %jit3A_470, %jit3A_467 : i32
        %rem3A_472 = arith.remsi %reduce_min3A_443, %select_n3A_471 : i32
        %ne3A_473 = arith.constant 0 : i32
        %ne3A_474 = arith.cmpi ne, %rem3A_472, %ne3A_473 : i32
        %lt3A_475 = arith.constant 0 : i32
        %lt3A_476 = arith.cmpi slt, %rem3A_472, %lt3A_475 : i32
        %lt3A_477 = arith.constant 0 : i32
        %lt3A_478 = arith.cmpi slt, %select_n3A_471, %lt3A_477 : i32
        %ne3A_479 = arith.xori %lt3A_476, %lt3A_478 : i1
        %and3A_480 = arith.andi %ne3A_479, %ne3A_474 : i1
        %add3A_481 = arith.addi %rem3A_472, %select_n3A_471 : i32
        %select_n3A_482 = arith.select %and3A_480, %add3A_481, %rem3A_472 : i32
        %get3A_483 = arith.index_cast %multiple_of3A_466 : i32 to index
        %get3A_484 = tpu.vector_load %arg4[%get3A_483] {strides = array<i32>} : memref<16384xf32, #tpu.memory_space<vmem>>, vector<16xf32>,
        %eq3A_485 = vector.broadcast %select_n3A_482 : i32 to vector<16xi32>
        %eq3A_486 = arith.cmpi eq, %iota3A, %eq3A_485 : vector<16xi32>
        %jit3A_487 = arith.constant 1.000000e+30 : f32
        %broadcast_in_dim3A_488 = vector.broadcast %jit3A_487 : f32 to vector<16xf32>
        %select_n3A_489 = arith.select %eq3A_486, %broadcast_in_dim3A_488, %get3A_484 : vector<16xi1>, vector<16xf32>
        %swap3A_490 = arith.index_cast %multiple_of3A_466 : i32 to index
        %swap3A_491 = tpu.vector_load %arg4[%swap3A_490] {strides = array<i32>} : memref<16384xf32, #tpu.memory_space<vmem>>, vector<16xf32>,
        tpu.vector_store %arg4[%swap3A_490], %select_n3A_489 {strides = array<i32>} : memref<16384xf32, #tpu.memory_space<vmem>>, vector<16xf32>,
        %broadcast_in_dim3A_492 = arith.constant 1.000000e+30 : f32
        %broadcast_in_dim3A_493 = vector.broadcast %broadcast_in_dim3A_492 : f32 to vector<16xf32>
        %add3A_494 = arith.constant 0 : i32
        %add3A_495 = arith.addi %mul3A_210, %add3A_494 : i32
        %multiple_of3A_496 = tpu.assume_multiple %add3A_495, 16 : i32
        %get3A_497 = arith.index_cast %multiple_of3A_496 : i32 to index
        %get3A_498 = tpu.vector_load %arg4[%get3A_497] {strides = array<i32>} : memref<16384xf32, #tpu.memory_space<vmem>>, vector<16xf32>,
        %min3A_499 = arith.minimumf %broadcast_in_dim3A_493, %get3A_498 : vector<16xf32>
        %add3A_500 = arith.constant 16 : i32
        %add3A_501 = arith.addi %mul3A_210, %add3A_500 : i32
        %multiple_of3A_502 = tpu.assume_multiple %add3A_501, 16 : i32
        %get3A_503 = arith.index_cast %multiple_of3A_502 : i32 to index
        %get3A_504 = tpu.vector_load %arg4[%get3A_503] {strides = array<i32>} : memref<16384xf32, #tpu.memory_space<vmem>>, vector<16xf32>,
        %min3A_505 = arith.minimumf %min3A_499, %get3A_504 : vector<16xf32>
        %add3A_506 = arith.constant 32 : i32
        %add3A_507 = arith.addi %mul3A_210, %add3A_506 : i32
        %multiple_of3A_508 = tpu.assume_multiple %add3A_507, 16 : i32
        %get3A_509 = arith.index_cast %multiple_of3A_508 : i32 to index
        %get3A_510 = tpu.vector_load %arg4[%get3A_509] {strides = array<i32>} : memref<16384xf32, #tpu.memory_space<vmem>>, vector<16xf32>,
        %min3A_511 = arith.minimumf %min3A_505, %get3A_510 : vector<16xf32>
        %add3A_512 = arith.constant 48 : i32
        %add3A_513 = arith.addi %mul3A_210, %add3A_512 : i32
        %multiple_of3A_514 = tpu.assume_multiple %add3A_513, 16 : i32
        %get3A_515 = arith.index_cast %multiple_of3A_514 : i32 to index
        %get3A_516 = tpu.vector_load %arg4[%get3A_515] {strides = array<i32>} : memref<16384xf32, #tpu.memory_space<vmem>>, vector<16xf32>,
        %min3A_517 = arith.minimumf %min3A_511, %get3A_516 : vector<16xf32>
        %add3A_518 = arith.constant 64 : i32
        %add3A_519 = arith.addi %mul3A_210, %add3A_518 : i32
        %multiple_of3A_520 = tpu.assume_multiple %add3A_519, 16 : i32
        %get3A_521 = arith.index_cast %multiple_of3A_520 : i32 to index
        %get3A_522 = tpu.vector_load %arg4[%get3A_521] {strides = array<i32>} : memref<16384xf32, #tpu.memory_space<vmem>>, vector<16xf32>,
        %min3A_523 = arith.minimumf %min3A_517, %get3A_522 : vector<16xf32>
        %add3A_524 = arith.constant 80 : i32
        %add3A_525 = arith.addi %mul3A_210, %add3A_524 : i32
        %multiple_of3A_526 = tpu.assume_multiple %add3A_525, 16 : i32
        %get3A_527 = arith.index_cast %multiple_of3A_526 : i32 to index
        %get3A_528 = tpu.vector_load %arg4[%get3A_527] {strides = array<i32>} : memref<16384xf32, #tpu.memory_space<vmem>>, vector<16xf32>,
        %min3A_529 = arith.minimumf %min3A_523, %get3A_528 : vector<16xf32>
        %add3A_530 = arith.constant 96 : i32
        %add3A_531 = arith.addi %mul3A_210, %add3A_530 : i32
        %multiple_of3A_532 = tpu.assume_multiple %add3A_531, 16 : i32
        %get3A_533 = arith.index_cast %multiple_of3A_532 : i32 to index
        %get3A_534 = tpu.vector_load %arg4[%get3A_533] {strides = array<i32>} : memref<16384xf32, #tpu.memory_space<vmem>>, vector<16xf32>,
        %min3A_535 = arith.minimumf %min3A_529, %get3A_534 : vector<16xf32>
        %add3A_536 = arith.constant 112 : i32
        %add3A_537 = arith.addi %mul3A_210, %add3A_536 : i32
        %multiple_of3A_538 = tpu.assume_multiple %add3A_537, 16 : i32
        %get3A_539 = arith.index_cast %multiple_of3A_538 : i32 to index
        %get3A_540 = tpu.vector_load %arg4[%get3A_539] {strides = array<i32>} : memref<16384xf32, #tpu.memory_space<vmem>>, vector<16xf32>,
        %min3A_541 = arith.minimumf %min3A_535, %get3A_540 : vector<16xf32>
        %add3A_542 = arith.constant 128 : i32
        %add3A_543 = arith.addi %mul3A_210, %add3A_542 : i32
        %multiple_of3A_544 = tpu.assume_multiple %add3A_543, 16 : i32
        %get3A_545 = arith.index_cast %multiple_of3A_544 : i32 to index
        %get3A_546 = tpu.vector_load %arg4[%get3A_545] {strides = array<i32>} : memref<16384xf32, #tpu.memory_space<vmem>>, vector<16xf32>,
        %min3A_547 = arith.minimumf %min3A_541, %get3A_546 : vector<16xf32>
        %add3A_548 = arith.constant 144 : i32
        %add3A_549 = arith.addi %mul3A_210, %add3A_548 : i32
        %multiple_of3A_550 = tpu.assume_multiple %add3A_549, 16 : i32
        %get3A_551 = arith.index_cast %multiple_of3A_550 : i32 to index
        %get3A_552 = tpu.vector_load %arg4[%get3A_551] {strides = array<i32>} : memref<16384xf32, #tpu.memory_space<vmem>>, vector<16xf32>,
        %min3A_553 = arith.minimumf %min3A_547, %get3A_552 : vector<16xf32>
        %add3A_554 = arith.constant 160 : i32
        %add3A_555 = arith.addi %mul3A_210, %add3A_554 : i32
        %multiple_of3A_556 = tpu.assume_multiple %add3A_555, 16 : i32
        %get3A_557 = arith.index_cast %multiple_of3A_556 : i32 to index
        %get3A_558 = tpu.vector_load %arg4[%get3A_557] {strides = array<i32>} : memref<16384xf32, #tpu.memory_space<vmem>>, vector<16xf32>,
        %min3A_559 = arith.minimumf %min3A_553, %get3A_558 : vector<16xf32>
        %add3A_560 = arith.constant 176 : i32
        %add3A_561 = arith.addi %mul3A_210, %add3A_560 : i32
        %multiple_of3A_562 = tpu.assume_multiple %add3A_561, 16 : i32
        %get3A_563 = arith.index_cast %multiple_of3A_562 : i32 to index
        %get3A_564 = tpu.vector_load %arg4[%get3A_563] {strides = array<i32>} : memref<16384xf32, #tpu.memory_space<vmem>>, vector<16xf32>,
        %min3A_565 = arith.minimumf %min3A_559, %get3A_564 : vector<16xf32>
        %add3A_566 = arith.constant 192 : i32
        %add3A_567 = arith.addi %mul3A_210, %add3A_566 : i32
        %multiple_of3A_568 = tpu.assume_multiple %add3A_567, 16 : i32
        %get3A_569 = arith.index_cast %multiple_of3A_568 : i32 to index
        %get3A_570 = tpu.vector_load %arg4[%get3A_569] {strides = array<i32>} : memref<16384xf32, #tpu.memory_space<vmem>>, vector<16xf32>,
        %min3A_571 = arith.minimumf %min3A_565, %get3A_570 : vector<16xf32>
        %add3A_572 = arith.constant 208 : i32
        %add3A_573 = arith.addi %mul3A_210, %add3A_572 : i32
        %multiple_of3A_574 = tpu.assume_multiple %add3A_573, 16 : i32
        %get3A_575 = arith.index_cast %multiple_of3A_574 : i32 to index
        %get3A_576 = tpu.vector_load %arg4[%get3A_575] {strides = array<i32>} : memref<16384xf32, #tpu.memory_space<vmem>>, vector<16xf32>,
        %min3A_577 = arith.minimumf %min3A_571, %get3A_576 : vector<16xf32>
        %add3A_578 = arith.constant 224 : i32
        %add3A_579 = arith.addi %mul3A_210, %add3A_578 : i32
        %multiple_of3A_580 = tpu.assume_multiple %add3A_579, 16 : i32
        %get3A_581 = arith.index_cast %multiple_of3A_580 : i32 to index
        %get3A_582 = tpu.vector_load %arg4[%get3A_581] {strides = array<i32>} : memref<16384xf32, #tpu.memory_space<vmem>>, vector<16xf32>,
        %min3A_583 = arith.minimumf %min3A_577, %get3A_582 : vector<16xf32>
        %add3A_584 = arith.constant 240 : i32
        %add3A_585 = arith.addi %mul3A_210, %add3A_584 : i32
        %multiple_of3A_586 = tpu.assume_multiple %add3A_585, 16 : i32
        %get3A_587 = arith.index_cast %multiple_of3A_586 : i32 to index
        %get3A_588 = tpu.vector_load %arg4[%get3A_587] {strides = array<i32>} : memref<16384xf32, #tpu.memory_space<vmem>>, vector<16xf32>,
        %min3A_589 = arith.minimumf %min3A_583, %get3A_588 : vector<16xf32>
        %reduce_min3A_590 = arith.constant true
        %reduce_min3A_591 = vector.broadcast %reduce_min3A_590 : i1 to vector<16xi1>
        %reduce_min3A_592 = tpu.scan <min>, %min3A_589 masked %reduce_min3A_591 : vector<16xf32>, vector<16xi1> -> vector<16xf32>
        %reduce_min3A_593 = vector.extract %reduce_min3A_592[15] : f32 from vector<16xf32>
        %jit3A_594 = arith.constant 16 : i32
        %div3A_595 = arith.divsi %reduce_min3A_208, %jit3A_594 : i32
        %sign3A_596 = arith.constant 0 : i32
        %sign3A_597 = arith.cmpi sgt, %reduce_min3A_208, %sign3A_596 : i32
        %sign3A_598 = arith.extui %sign3A_597 : i1 to i32
        %sign3A_599 = arith.constant 0 : i32
        %sign3A_600 = arith.cmpi slt, %reduce_min3A_208, %sign3A_599 : i32
        %sign3A_601 = arith.extui %sign3A_600 : i1 to i32
        %sign3A_602 = arith.subi %sign3A_598, %sign3A_601 : i32
        %sign3A_603 = arith.constant 0 : i32
        %sign3A_604 = arith.cmpi sgt, %jit3A_594, %sign3A_603 : i32
        %sign3A_605 = arith.extui %sign3A_604 : i1 to i32
        %sign3A_606 = arith.constant 0 : i32
        %sign3A_607 = arith.cmpi slt, %jit3A_594, %sign3A_606 : i32
        %sign3A_608 = arith.extui %sign3A_607 : i1 to i32
        %sign3A_609 = arith.subi %sign3A_605, %sign3A_608 : i32
        %ne3A_610 = arith.cmpi ne, %sign3A_602, %sign3A_609 : i32
        %rem3A_611 = arith.remsi %reduce_min3A_208, %jit3A_594 : i32
        %ne3A_612 = arith.constant 0 : i32
        %ne3A_613 = arith.cmpi ne, %rem3A_611, %ne3A_612 : i32
        %and3A_614 = arith.andi %ne3A_610, %ne3A_613 : i1
        %sub3A_615 = arith.constant 1 : i32
        %sub3A_616 = arith.subi %div3A_595, %sub3A_615 : i32
        %select_n3A_617 = arith.select %and3A_614, %sub3A_616, %div3A_595 : i32
        %jit3A_618 = arith.constant 16 : i32
        %eq3A_619 = arith.constant 0 : i32
        %eq3A_620 = arith.cmpi eq, %jit3A_618, %eq3A_619 : i32
        %jit3A_621 = arith.constant 1 : i32
        %select_n3A_622 = arith.select %eq3A_620, %jit3A_621, %jit3A_618 : i32
        %rem3A_623 = arith.remsi %reduce_min3A_208, %select_n3A_622 : i32
        %ne3A_624 = arith.constant 0 : i32
        %ne3A_625 = arith.cmpi ne, %rem3A_623, %ne3A_624 : i32
        %lt3A_626 = arith.constant 0 : i32
        %lt3A_627 = arith.cmpi slt, %rem3A_623, %lt3A_626 : i32
        %lt3A_628 = arith.constant 0 : i32
        %lt3A_629 = arith.cmpi slt, %select_n3A_622, %lt3A_628 : i32
        %ne3A_630 = arith.xori %lt3A_627, %lt3A_629 : i1
        %and3A_631 = arith.andi %ne3A_630, %ne3A_625 : i1
        %add3A_632 = arith.addi %rem3A_623, %select_n3A_622 : i32
        %select_n3A_633 = arith.select %and3A_631, %add3A_632, %rem3A_623 : i32
        %eq3A_634 = vector.broadcast %select_n3A_633 : i32 to vector<16xi32>
        %eq3A_635 = arith.cmpi eq, %iota3A, %eq3A_634 : vector<16xi32>
        %eq3A_636 = arith.constant 0 : i32
        %eq3A_637 = arith.cmpi eq, %select_n3A_617, %eq3A_636 : i32
        %and3A_638 = vector.broadcast %eq3A_637 : i1 to vector<16xi1>
        %and3A_639 = arith.andi %eq3A_635, %and3A_638 : vector<16xi1>
        %broadcast_in_dim3A_640 = vector.broadcast %reduce_min3A_593 : f32 to vector<16xf32>
        %select_n3A_641 = arith.select %and3A_639, %broadcast_in_dim3A_640, %scan3A_161 : vector<16xi1>, vector<16xf32>
        %eq3A_642 = arith.constant 1 : i32
        %eq3A_643 = arith.cmpi eq, %select_n3A_617, %eq3A_642 : i32
        %and3A_644 = vector.broadcast %eq3A_643 : i1 to vector<16xi1>
        %and3A_645 = arith.andi %eq3A_635, %and3A_644 : vector<16xi1>
        %broadcast_in_dim3A_646 = vector.broadcast %reduce_min3A_593 : f32 to vector<16xf32>
        %select_n3A_647 = arith.select %and3A_645, %broadcast_in_dim3A_646, %scan3A_162 : vector<16xi1>, vector<16xf32>
        %eq3A_648 = arith.constant 2 : i32
        %eq3A_649 = arith.cmpi eq, %select_n3A_617, %eq3A_648 : i32
        %and3A_650 = vector.broadcast %eq3A_649 : i1 to vector<16xi1>
        %and3A_651 = arith.andi %eq3A_635, %and3A_650 : vector<16xi1>
        %broadcast_in_dim3A_652 = vector.broadcast %reduce_min3A_593 : f32 to vector<16xf32>
        %select_n3A_653 = arith.select %and3A_651, %broadcast_in_dim3A_652, %scan3A_163 : vector<16xi1>, vector<16xf32>
        %eq3A_654 = arith.constant 3 : i32
        %eq3A_655 = arith.cmpi eq, %select_n3A_617, %eq3A_654 : i32
        %and3A_656 = vector.broadcast %eq3A_655 : i1 to vector<16xi1>
        %and3A_657 = arith.andi %eq3A_635, %and3A_656 : vector<16xi1>
        %broadcast_in_dim3A_658 = vector.broadcast %reduce_min3A_593 : f32 to vector<16xf32>
        %select_n3A_659 = arith.select %and3A_657, %broadcast_in_dim3A_658, %scan3A_164 : vector<16xi1>, vector<16xf32>
        %eq3A_660 = vector.broadcast %scan3A_158 : i32 to vector<16xi32>
        %eq3A_661 = arith.cmpi eq, %iota3A, %eq3A_660 : vector<16xi32>
        %broadcast_in_dim3A_662 = vector.broadcast %add3A_444 : i32 to vector<16xi32>
        %select_n3A_663 = arith.select %eq3A_661, %broadcast_in_dim3A_662, %scan3A_159 : vector<16xi1>, vector<16xi32>
        %sub3A_664 = arith.constant 16 : i32
        %sub3A_665 = arith.subi %scan3A_158, %sub3A_664 : i32
        %eq3A_666 = vector.broadcast %sub3A_665 : i32 to vector<16xi32>
        %eq3A_667 = arith.cmpi eq, %iota3A, %eq3A_666 : vector<16xi32>
        %broadcast_in_dim3A_668 = vector.broadcast %add3A_444 : i32 to vector<16xi32>
        %select_n3A_669 = arith.select %eq3A_667, %broadcast_in_dim3A_668, %scan3A_160 : vector<16xi1>, vector<16xi32>
        scf.yield %select_n3A_663, %select_n3A_669, %select_n3A_641, %select_n3A_647, %select_n3A_653, %select_n3A_659 : vector<16xi32>, vector<16xi32>, vector<16xf32>, vector<16xf32>, vector<16xf32>, vector<16xf32>
      }
      %scan3A_82 = arith.constant 32 : i32
      %mul3A_83 = arith.constant 32 : i32
      %mul3A_84 = arith.muli %mul3A_25, %mul3A_83 : i32
      %multiple_of3A = tpu.assume_multiple %mul3A_84, 16 : i32
      %swap3A = arith.index_cast %multiple_of3A : i32 to index
      %swap3A_85 = tpu.vector_load %arg6[%swap3A] {strides = array<i32>} : memref<4096xi32, #tpu.memory_space<vmem>>, vector<16xi32>,
      tpu.vector_store %arg6[%swap3A], %scan3A_81#0 {strides = array<i32>} : memref<4096xi32, #tpu.memory_space<vmem>>, vector<16xi32>,
      %add3A_86 = arith.constant 16 : i32
      %add3A_87 = arith.addi %multiple_of3A, %add3A_86 : i32
      %swap3A_88 = arith.index_cast %add3A_87 : i32 to index
      %swap3A_89 = tpu.vector_load %arg6[%swap3A_88] {strides = array<i32>} : memref<4096xi32, #tpu.memory_space<vmem>>, vector<16xi32>,
      tpu.vector_store %arg6[%swap3A_88], %scan3A_81#1 {strides = array<i32>} : memref<4096xi32, #tpu.memory_space<vmem>>, vector<16xi32>,
      %add3A_90 = arith.constant 2 : i32
      %add3A_91 = arith.addi %mul3A_25, %add3A_90 : i32
      %lt3A = arith.constant 128 : i32
      %lt3A_92 = arith.cmpi slt, %add3A_91, %lt3A : i32
      %add3A_93 = arith.constant 2 : i32
      %add3A_94 = arith.addi %mul3A_25, %add3A_93 : i32
      %jit3A = arith.constant 0 : i32
      %select_n3A = arith.select %lt3A_92, %add3A_94, %jit3A : i32
      %add3A_95 = arith.addi %mul3A_2, %select_n3A : i32
      %dma_start3A_96 = arith.constant 0 : i32
      %dma_start3A_97 = tpu.memref_slice %arg2[%add3A_95, %dma_start3A_96] : memref<4096x16384xf32, #tpu.memory_space<hbm>> -> memref<1x16384xf32, #tpu.memory_space<hbm>>
      %dma_start3A_98 = tpu.memref_squeeze %dma_start3A_97 : memref<1x16384xf32, #tpu.memory_space<hbm>> -> memref<16384xf32, #tpu.memory_space<hbm>>
      %dma_start3A_99 = arith.constant 0 : i32
      %dma_start3A_100 = tpu.memref_slice %arg2[%add3A_95, %dma_start3A_99] : memref<4096x16384xf32, #tpu.memory_space<hbm>> -> memref<1x16384xf32, #tpu.memory_space<hbm>>
      %dma_start3A_101 = tpu.memref_squeeze %dma_start3A_100 : memref<1x16384xf32, #tpu.memory_space<hbm>> -> memref<16384xf32, #tpu.memory_space<hbm>>
      tpu.enqueue_dma source(%dma_start3A_101 : memref<16384xf32, #tpu.memory_space<hbm>>) target(%arg4 : memref<16384xf32, #tpu.memory_space<vmem>>) target_semaphore(%arg7 : memref<!tpu.dma_semaphore, #tpu.memory_space<semaphore_mem>>)
      %dma_wait3A_102 = arith.constant 0 : i32
      %dma_wait3A_103 = tpu.memref_slice %arg2[%add3A_30, %dma_wait3A_102] : memref<4096x16384xf32, #tpu.memory_space<hbm>> -> memref<1x16384xf32, #tpu.memory_space<hbm>>
      %dma_wait3A_104 = tpu.memref_squeeze %dma_wait3A_103 : memref<1x16384xf32, #tpu.memory_space<hbm>> -> memref<16384xf32, #tpu.memory_space<hbm>>
      %dma_wait3A_105 = arith.constant 0 : i32
      %dma_wait3A_106 = tpu.memref_slice %arg2[%add3A_30, %dma_wait3A_105] : memref<4096x16384xf32, #tpu.memory_space<hbm>> -> memref<1x16384xf32, #tpu.memory_space<hbm>>
      %dma_wait3A_107 = tpu.memref_squeeze %dma_wait3A_106 : memref<1x16384xf32, #tpu.memory_space<hbm>> -> memref<16384xf32, #tpu.memory_space<hbm>>
      tpu.wait_dma2 semaphore(%arg8 : memref<!tpu.dma_semaphore, #tpu.memory_space<semaphore_mem>>) src(%dma_wait3A_107 : memref<16384xf32, #tpu.memory_space<hbm>>) dst(%arg5 : memref<16384xf32, #tpu.memory_space<vmem>>)
      %broadcast_in_dim3A_108 = arith.constant 1.000000e+30 : f32
      %broadcast_in_dim3A_109 = vector.broadcast %broadcast_in_dim3A_108 : f32 to vector<16xf32>
      %scan3A_110 = arith.constant 0 : i32
      %scan3A_111 = arith.constant 16 : i32
      %scan3A_112 = arith.addi %scan3A_110, %scan3A_111 : i32
      %scan3A_113 = arith.constant 1 : i32
      %scan3A_114 = scf.for %scan3A_158 = %scan3A_110 to %scan3A_112 step %scan3A_113 iter_args(%scan3A_159 = %broadcast_in_dim3A_109) -> (vector<16xf32>)  : i32 {
        %add3A_160 = arith.constant 0 : i32
        %add3A_161 = arith.addi %add3A_160, %scan3A_158 : i32
        %broadcast_in_dim3A_162 = arith.constant 1.000000e+30 : f32
        %broadcast_in_dim3A_163 = vector.broadcast %broadcast_in_dim3A_162 : f32 to vector<16xf32>
        %mul3A_164 = arith.constant 256 : i32
        %mul3A_165 = arith.muli %add3A_161, %mul3A_164 : i32
        %add3A_166 = arith.constant 0 : i32
        %add3A_167 = arith.addi %mul3A_165, %add3A_166 : i32
        %multiple_of3A_168 = tpu.assume_multiple %add3A_167, 16 : i32
        %get3A = arith.index_cast %multiple_of3A_168 : i32 to index
        %get3A_169 = tpu.vector_load %arg5[%get3A] {strides = array<i32>} : memref<16384xf32, #tpu.memory_space<vmem>>, vector<16xf32>,
        %min3A = arith.minimumf %broadcast_in_dim3A_163, %get3A_169 : vector<16xf32>
        %mul3A_170 = arith.constant 256 : i32
        %mul3A_171 = arith.muli %add3A_161, %mul3A_170 : i32
        %add3A_172 = arith.constant 16 : i32
        %add3A_173 = arith.addi %mul3A_171, %add3A_172 : i32
        %multiple_of3A_174 = tpu.assume_multiple %add3A_173, 16 : i32
        %get3A_175 = arith.index_cast %multiple_of3A_174 : i32 to index
        %get3A_176 = tpu.vector_load %arg5[%get3A_175] {strides = array<i32>} : memref<16384xf32, #tpu.memory_space<vmem>>, vector<16xf32>,
        %min3A_177 = arith.minimumf %min3A, %get3A_176 : vector<16xf32>
        %mul3A_178 = arith.constant 256 : i32
        %mul3A_179 = arith.muli %add3A_161, %mul3A_178 : i32
        %add3A_180 = arith.constant 32 : i32
        %add3A_181 = arith.addi %mul3A_179, %add3A_180 : i32
        %multiple_of3A_182 = tpu.assume_multiple %add3A_181, 16 : i32
        %get3A_183 = arith.index_cast %multiple_of3A_182 : i32 to index
        %get3A_184 = tpu.vector_load %arg5[%get3A_183] {strides = array<i32>} : memref<16384xf32, #tpu.memory_space<vmem>>, vector<16xf32>,
        %min3A_185 = arith.minimumf %min3A_177, %get3A_184 : vector<16xf32>
        %mul3A_186 = arith.constant 256 : i32
        %mul3A_187 = arith.muli %add3A_161, %mul3A_186 : i32
        %add3A_188 = arith.constant 48 : i32
        %add3A_189 = arith.addi %mul3A_187, %add3A_188 : i32
        %multiple_of3A_190 = tpu.assume_multiple %add3A_189, 16 : i32
        %get3A_191 = arith.index_cast %multiple_of3A_190 : i32 to index
        %get3A_192 = tpu.vector_load %arg5[%get3A_191] {strides = array<i32>} : memref<16384xf32, #tpu.memory_space<vmem>>, vector<16xf32>,
        %min3A_193 = arith.minimumf %min3A_185, %get3A_192 : vector<16xf32>
        %mul3A_194 = arith.constant 256 : i32
        %mul3A_195 = arith.muli %add3A_161, %mul3A_194 : i32
        %add3A_196 = arith.constant 64 : i32
        %add3A_197 = arith.addi %mul3A_195, %add3A_196 : i32
        %multiple_of3A_198 = tpu.assume_multiple %add3A_197, 16 : i32
        %get3A_199 = arith.index_cast %multiple_of3A_198 : i32 to index
        %get3A_200 = tpu.vector_load %arg5[%get3A_199] {strides = array<i32>} : memref<16384xf32, #tpu.memory_space<vmem>>, vector<16xf32>,
        %min3A_201 = arith.minimumf %min3A_193, %get3A_200 : vector<16xf32>
        %mul3A_202 = arith.constant 256 : i32
        %mul3A_203 = arith.muli %add3A_161, %mul3A_202 : i32
        %add3A_204 = arith.constant 80 : i32
        %add3A_205 = arith.addi %mul3A_203, %add3A_204 : i32
        %multiple_of3A_206 = tpu.assume_multiple %add3A_205, 16 : i32
        %get3A_207 = arith.index_cast %multiple_of3A_206 : i32 to index
        %get3A_208 = tpu.vector_load %arg5[%get3A_207] {strides = array<i32>} : memref<16384xf32, #tpu.memory_space<vmem>>, vector<16xf32>,
        %min3A_209 = arith.minimumf %min3A_201, %get3A_208 : vector<16xf32>
        %mul3A_210 = arith.constant 256 : i32
        %mul3A_211 = arith.muli %add3A_161, %mul3A_210 : i32
        %add3A_212 = arith.constant 96 : i32
        %add3A_213 = arith.addi %mul3A_211, %add3A_212 : i32
        %multiple_of3A_214 = tpu.assume_multiple %add3A_213, 16 : i32
        %get3A_215 = arith.index_cast %multiple_of3A_214 : i32 to index
        %get3A_216 = tpu.vector_load %arg5[%get3A_215] {strides = array<i32>} : memref<16384xf32, #tpu.memory_space<vmem>>, vector<16xf32>,
        %min3A_217 = arith.minimumf %min3A_209, %get3A_216 : vector<16xf32>
        %mul3A_218 = arith.constant 256 : i32
        %mul3A_219 = arith.muli %add3A_161, %mul3A_218 : i32
        %add3A_220 = arith.constant 112 : i32
        %add3A_221 = arith.addi %mul3A_219, %add3A_220 : i32
        %multiple_of3A_222 = tpu.assume_multiple %add3A_221, 16 : i32
        %get3A_223 = arith.index_cast %multiple_of3A_222 : i32 to index
        %get3A_224 = tpu.vector_load %arg5[%get3A_223] {strides = array<i32>} : memref<16384xf32, #tpu.memory_space<vmem>>, vector<16xf32>,
        %min3A_225 = arith.minimumf %min3A_217, %get3A_224 : vector<16xf32>
        %mul3A_226 = arith.constant 256 : i32
        %mul3A_227 = arith.muli %add3A_161, %mul3A_226 : i32
        %add3A_228 = arith.constant 128 : i32
        %add3A_229 = arith.addi %mul3A_227, %add3A_228 : i32
        %multiple_of3A_230 = tpu.assume_multiple %add3A_229, 16 : i32
        %get3A_231 = arith.index_cast %multiple_of3A_230 : i32 to index
        %get3A_232 = tpu.vector_load %arg5[%get3A_231] {strides = array<i32>} : memref<16384xf32, #tpu.memory_space<vmem>>, vector<16xf32>,
        %min3A_233 = arith.minimumf %min3A_225, %get3A_232 : vector<16xf32>
        %mul3A_234 = arith.constant 256 : i32
        %mul3A_235 = arith.muli %add3A_161, %mul3A_234 : i32
        %add3A_236 = arith.constant 144 : i32
        %add3A_237 = arith.addi %mul3A_235, %add3A_236 : i32
        %multiple_of3A_238 = tpu.assume_multiple %add3A_237, 16 : i32
        %get3A_239 = arith.index_cast %multiple_of3A_238 : i32 to index
        %get3A_240 = tpu.vector_load %arg5[%get3A_239] {strides = array<i32>} : memref<16384xf32, #tpu.memory_space<vmem>>, vector<16xf32>,
        %min3A_241 = arith.minimumf %min3A_233, %get3A_240 : vector<16xf32>
        %mul3A_242 = arith.constant 256 : i32
        %mul3A_243 = arith.muli %add3A_161, %mul3A_242 : i32
        %add3A_244 = arith.constant 160 : i32
        %add3A_245 = arith.addi %mul3A_243, %add3A_244 : i32
        %multiple_of3A_246 = tpu.assume_multiple %add3A_245, 16 : i32
        %get3A_247 = arith.index_cast %multiple_of3A_246 : i32 to index
        %get3A_248 = tpu.vector_load %arg5[%get3A_247] {strides = array<i32>} : memref<16384xf32, #tpu.memory_space<vmem>>, vector<16xf32>,
        %min3A_249 = arith.minimumf %min3A_241, %get3A_248 : vector<16xf32>
        %mul3A_250 = arith.constant 256 : i32
        %mul3A_251 = arith.muli %add3A_161, %mul3A_250 : i32
        %add3A_252 = arith.constant 176 : i32
        %add3A_253 = arith.addi %mul3A_251, %add3A_252 : i32
        %multiple_of3A_254 = tpu.assume_multiple %add3A_253, 16 : i32
        %get3A_255 = arith.index_cast %multiple_of3A_254 : i32 to index
        %get3A_256 = tpu.vector_load %arg5[%get3A_255] {strides = array<i32>} : memref<16384xf32, #tpu.memory_space<vmem>>, vector<16xf32>,
        %min3A_257 = arith.minimumf %min3A_249, %get3A_256 : vector<16xf32>
        %mul3A_258 = arith.constant 256 : i32
        %mul3A_259 = arith.muli %add3A_161, %mul3A_258 : i32
        %add3A_260 = arith.constant 192 : i32
        %add3A_261 = arith.addi %mul3A_259, %add3A_260 : i32
        %multiple_of3A_262 = tpu.assume_multiple %add3A_261, 16 : i32
        %get3A_263 = arith.index_cast %multiple_of3A_262 : i32 to index
        %get3A_264 = tpu.vector_load %arg5[%get3A_263] {strides = array<i32>} : memref<16384xf32, #tpu.memory_space<vmem>>, vector<16xf32>,
        %min3A_265 = arith.minimumf %min3A_257, %get3A_264 : vector<16xf32>
        %mul3A_266 = arith.constant 256 : i32
        %mul3A_267 = arith.muli %add3A_161, %mul3A_266 : i32
        %add3A_268 = arith.constant 208 : i32
        %add3A_269 = arith.addi %mul3A_267, %add3A_268 : i32
        %multiple_of3A_270 = tpu.assume_multiple %add3A_269, 16 : i32
        %get3A_271 = arith.index_cast %multiple_of3A_270 : i32 to index
        %get3A_272 = tpu.vector_load %arg5[%get3A_271] {strides = array<i32>} : memref<16384xf32, #tpu.memory_space<vmem>>, vector<16xf32>,
        %min3A_273 = arith.minimumf %min3A_265, %get3A_272 : vector<16xf32>
        %mul3A_274 = arith.constant 256 : i32
        %mul3A_275 = arith.muli %add3A_161, %mul3A_274 : i32
        %add3A_276 = arith.constant 224 : i32
        %add3A_277 = arith.addi %mul3A_275, %add3A_276 : i32
        %multiple_of3A_278 = tpu.assume_multiple %add3A_277, 16 : i32
        %get3A_279 = arith.index_cast %multiple_of3A_278 : i32 to index
        %get3A_280 = tpu.vector_load %arg5[%get3A_279] {strides = array<i32>} : memref<16384xf32, #tpu.memory_space<vmem>>, vector<16xf32>,
        %min3A_281 = arith.minimumf %min3A_273, %get3A_280 : vector<16xf32>
        %mul3A_282 = arith.constant 256 : i32
        %mul3A_283 = arith.muli %add3A_161, %mul3A_282 : i32
        %add3A_284 = arith.constant 240 : i32
        %add3A_285 = arith.addi %mul3A_283, %add3A_284 : i32
        %multiple_of3A_286 = tpu.assume_multiple %add3A_285, 16 : i32
        %get3A_287 = arith.index_cast %multiple_of3A_286 : i32 to index
        %get3A_288 = tpu.vector_load %arg5[%get3A_287] {strides = array<i32>} : memref<16384xf32, #tpu.memory_space<vmem>>, vector<16xf32>,
        %min3A_289 = arith.minimumf %min3A_281, %get3A_288 : vector<16xf32>
        %eq3A = vector.broadcast %scan3A_158 : i32 to vector<16xi32>
        %eq3A_290 = arith.cmpi eq, %iota3A, %eq3A : vector<16xi32>
        %reduce_min3A = arith.constant true
        %reduce_min3A_291 = vector.broadcast %reduce_min3A : i1 to vector<16xi1>
        %reduce_min3A_292 = tpu.scan <min>, %min3A_289 masked %reduce_min3A_291 : vector<16xf32>, vector<16xi1> -> vector<16xf32>
        %reduce_min3A_293 = vector.extract %reduce_min3A_292[15] : f32 from vector<16xf32>
        %broadcast_in_dim3A_294 = vector.broadcast %reduce_min3A_293 : f32 to vector<16xf32>
        %select_n3A_295 = arith.select %eq3A_290, %broadcast_in_dim3A_294, %scan3A_159 : vector<16xi1>, vector<16xf32>
        scf.yield %select_n3A_295 : vector<16xf32>
      }
      %scan3A_115 = arith.constant 16 : i32
      %broadcast_in_dim3A_116 = arith.constant 1.000000e+30 : f32
      %broadcast_in_dim3A_117 = vector.broadcast %broadcast_in_dim3A_116 : f32 to vector<16xf32>
      %scan3A_118 = arith.constant 0 : i32
      %scan3A_119 = arith.constant 16 : i32
      %scan3A_120 = arith.addi %scan3A_118, %scan3A_119 : i32
      %scan3A_121 = arith.constant 1 : i32
      %scan3A_122 = scf.for %scan3A_158 = %scan3A_118 to %scan3A_120 step %scan3A_121 iter_args(%scan3A_159 = %broadcast_in_dim3A_117) -> (vector<16xf32>)  : i32 {
        %add3A_160 = arith.constant 16 : i32
        %add3A_161 = arith.addi %add3A_160, %scan3A_158 : i32
        %broadcast_in_dim3A_162 = arith.constant 1.000000e+30 : f32
        %broadcast_in_dim3A_163 = vector.broadcast %broadcast_in_dim3A_162 : f32 to vector<16xf32>
        %mul3A_164 = arith.constant 256 : i32
        %mul3A_165 = arith.muli %add3A_161, %mul3A_164 : i32
        %add3A_166 = arith.constant 0 : i32
        %add3A_167 = arith.addi %mul3A_165, %add3A_166 : i32
        %multiple_of3A_168 = tpu.assume_multiple %add3A_167, 16 : i32
        %get3A = arith.index_cast %multiple_of3A_168 : i32 to index
        %get3A_169 = tpu.vector_load %arg5[%get3A] {strides = array<i32>} : memref<16384xf32, #tpu.memory_space<vmem>>, vector<16xf32>,
        %min3A = arith.minimumf %broadcast_in_dim3A_163, %get3A_169 : vector<16xf32>
        %mul3A_170 = arith.constant 256 : i32
        %mul3A_171 = arith.muli %add3A_161, %mul3A_170 : i32
        %add3A_172 = arith.constant 16 : i32
        %add3A_173 = arith.addi %mul3A_171, %add3A_172 : i32
        %multiple_of3A_174 = tpu.assume_multiple %add3A_173, 16 : i32
        %get3A_175 = arith.index_cast %multiple_of3A_174 : i32 to index
        %get3A_176 = tpu.vector_load %arg5[%get3A_175] {strides = array<i32>} : memref<16384xf32, #tpu.memory_space<vmem>>, vector<16xf32>,
        %min3A_177 = arith.minimumf %min3A, %get3A_176 : vector<16xf32>
        %mul3A_178 = arith.constant 256 : i32
        %mul3A_179 = arith.muli %add3A_161, %mul3A_178 : i32
        %add3A_180 = arith.constant 32 : i32
        %add3A_181 = arith.addi %mul3A_179, %add3A_180 : i32
        %multiple_of3A_182 = tpu.assume_multiple %add3A_181, 16 : i32
        %get3A_183 = arith.index_cast %multiple_of3A_182 : i32 to index
        %get3A_184 = tpu.vector_load %arg5[%get3A_183] {strides = array<i32>} : memref<16384xf32, #tpu.memory_space<vmem>>, vector<16xf32>,
        %min3A_185 = arith.minimumf %min3A_177, %get3A_184 : vector<16xf32>
        %mul3A_186 = arith.constant 256 : i32
        %mul3A_187 = arith.muli %add3A_161, %mul3A_186 : i32
        %add3A_188 = arith.constant 48 : i32
        %add3A_189 = arith.addi %mul3A_187, %add3A_188 : i32
        %multiple_of3A_190 = tpu.assume_multiple %add3A_189, 16 : i32
        %get3A_191 = arith.index_cast %multiple_of3A_190 : i32 to index
        %get3A_192 = tpu.vector_load %arg5[%get3A_191] {strides = array<i32>} : memref<16384xf32, #tpu.memory_space<vmem>>, vector<16xf32>,
        %min3A_193 = arith.minimumf %min3A_185, %get3A_192 : vector<16xf32>
        %mul3A_194 = arith.constant 256 : i32
        %mul3A_195 = arith.muli %add3A_161, %mul3A_194 : i32
        %add3A_196 = arith.constant 64 : i32
        %add3A_197 = arith.addi %mul3A_195, %add3A_196 : i32
        %multiple_of3A_198 = tpu.assume_multiple %add3A_197, 16 : i32
        %get3A_199 = arith.index_cast %multiple_of3A_198 : i32 to index
        %get3A_200 = tpu.vector_load %arg5[%get3A_199] {strides = array<i32>} : memref<16384xf32, #tpu.memory_space<vmem>>, vector<16xf32>,
        %min3A_201 = arith.minimumf %min3A_193, %get3A_200 : vector<16xf32>
        %mul3A_202 = arith.constant 256 : i32
        %mul3A_203 = arith.muli %add3A_161, %mul3A_202 : i32
        %add3A_204 = arith.constant 80 : i32
        %add3A_205 = arith.addi %mul3A_203, %add3A_204 : i32
        %multiple_of3A_206 = tpu.assume_multiple %add3A_205, 16 : i32
        %get3A_207 = arith.index_cast %multiple_of3A_206 : i32 to index
        %get3A_208 = tpu.vector_load %arg5[%get3A_207] {strides = array<i32>} : memref<16384xf32, #tpu.memory_space<vmem>>, vector<16xf32>,
        %min3A_209 = arith.minimumf %min3A_201, %get3A_208 : vector<16xf32>
        %mul3A_210 = arith.constant 256 : i32
        %mul3A_211 = arith.muli %add3A_161, %mul3A_210 : i32
        %add3A_212 = arith.constant 96 : i32
        %add3A_213 = arith.addi %mul3A_211, %add3A_212 : i32
        %multiple_of3A_214 = tpu.assume_multiple %add3A_213, 16 : i32
        %get3A_215 = arith.index_cast %multiple_of3A_214 : i32 to index
        %get3A_216 = tpu.vector_load %arg5[%get3A_215] {strides = array<i32>} : memref<16384xf32, #tpu.memory_space<vmem>>, vector<16xf32>,
        %min3A_217 = arith.minimumf %min3A_209, %get3A_216 : vector<16xf32>
        %mul3A_218 = arith.constant 256 : i32
        %mul3A_219 = arith.muli %add3A_161, %mul3A_218 : i32
        %add3A_220 = arith.constant 112 : i32
        %add3A_221 = arith.addi %mul3A_219, %add3A_220 : i32
        %multiple_of3A_222 = tpu.assume_multiple %add3A_221, 16 : i32
        %get3A_223 = arith.index_cast %multiple_of3A_222 : i32 to index
        %get3A_224 = tpu.vector_load %arg5[%get3A_223] {strides = array<i32>} : memref<16384xf32, #tpu.memory_space<vmem>>, vector<16xf32>,
        %min3A_225 = arith.minimumf %min3A_217, %get3A_224 : vector<16xf32>
        %mul3A_226 = arith.constant 256 : i32
        %mul3A_227 = arith.muli %add3A_161, %mul3A_226 : i32
        %add3A_228 = arith.constant 128 : i32
        %add3A_229 = arith.addi %mul3A_227, %add3A_228 : i32
        %multiple_of3A_230 = tpu.assume_multiple %add3A_229, 16 : i32
        %get3A_231 = arith.index_cast %multiple_of3A_230 : i32 to index
        %get3A_232 = tpu.vector_load %arg5[%get3A_231] {strides = array<i32>} : memref<16384xf32, #tpu.memory_space<vmem>>, vector<16xf32>,
        %min3A_233 = arith.minimumf %min3A_225, %get3A_232 : vector<16xf32>
        %mul3A_234 = arith.constant 256 : i32
        %mul3A_235 = arith.muli %add3A_161, %mul3A_234 : i32
        %add3A_236 = arith.constant 144 : i32
        %add3A_237 = arith.addi %mul3A_235, %add3A_236 : i32
        %multiple_of3A_238 = tpu.assume_multiple %add3A_237, 16 : i32
        %get3A_239 = arith.index_cast %multiple_of3A_238 : i32 to index
        %get3A_240 = tpu.vector_load %arg5[%get3A_239] {strides = array<i32>} : memref<16384xf32, #tpu.memory_space<vmem>>, vector<16xf32>,
        %min3A_241 = arith.minimumf %min3A_233, %get3A_240 : vector<16xf32>
        %mul3A_242 = arith.constant 256 : i32
        %mul3A_243 = arith.muli %add3A_161, %mul3A_242 : i32
        %add3A_244 = arith.constant 160 : i32
        %add3A_245 = arith.addi %mul3A_243, %add3A_244 : i32
        %multiple_of3A_246 = tpu.assume_multiple %add3A_245, 16 : i32
        %get3A_247 = arith.index_cast %multiple_of3A_246 : i32 to index
        %get3A_248 = tpu.vector_load %arg5[%get3A_247] {strides = array<i32>} : memref<16384xf32, #tpu.memory_space<vmem>>, vector<16xf32>,
        %min3A_249 = arith.minimumf %min3A_241, %get3A_248 : vector<16xf32>
        %mul3A_250 = arith.constant 256 : i32
        %mul3A_251 = arith.muli %add3A_161, %mul3A_250 : i32
        %add3A_252 = arith.constant 176 : i32
        %add3A_253 = arith.addi %mul3A_251, %add3A_252 : i32
        %multiple_of3A_254 = tpu.assume_multiple %add3A_253, 16 : i32
        %get3A_255 = arith.index_cast %multiple_of3A_254 : i32 to index
        %get3A_256 = tpu.vector_load %arg5[%get3A_255] {strides = array<i32>} : memref<16384xf32, #tpu.memory_space<vmem>>, vector<16xf32>,
        %min3A_257 = arith.minimumf %min3A_249, %get3A_256 : vector<16xf32>
        %mul3A_258 = arith.constant 256 : i32
        %mul3A_259 = arith.muli %add3A_161, %mul3A_258 : i32
        %add3A_260 = arith.constant 192 : i32
        %add3A_261 = arith.addi %mul3A_259, %add3A_260 : i32
        %multiple_of3A_262 = tpu.assume_multiple %add3A_261, 16 : i32
        %get3A_263 = arith.index_cast %multiple_of3A_262 : i32 to index
        %get3A_264 = tpu.vector_load %arg5[%get3A_263] {strides = array<i32>} : memref<16384xf32, #tpu.memory_space<vmem>>, vector<16xf32>,
        %min3A_265 = arith.minimumf %min3A_257, %get3A_264 : vector<16xf32>
        %mul3A_266 = arith.constant 256 : i32
        %mul3A_267 = arith.muli %add3A_161, %mul3A_266 : i32
        %add3A_268 = arith.constant 208 : i32
        %add3A_269 = arith.addi %mul3A_267, %add3A_268 : i32
        %multiple_of3A_270 = tpu.assume_multiple %add3A_269, 16 : i32
        %get3A_271 = arith.index_cast %multiple_of3A_270 : i32 to index
        %get3A_272 = tpu.vector_load %arg5[%get3A_271] {strides = array<i32>} : memref<16384xf32, #tpu.memory_space<vmem>>, vector<16xf32>,
        %min3A_273 = arith.minimumf %min3A_265, %get3A_272 : vector<16xf32>
        %mul3A_274 = arith.constant 256 : i32
        %mul3A_275 = arith.muli %add3A_161, %mul3A_274 : i32
        %add3A_276 = arith.constant 224 : i32
        %add3A_277 = arith.addi %mul3A_275, %add3A_276 : i32
        %multiple_of3A_278 = tpu.assume_multiple %add3A_277, 16 : i32
        %get3A_279 = arith.index_cast %multiple_of3A_278 : i32 to index
        %get3A_280 = tpu.vector_load %arg5[%get3A_279] {strides = array<i32>} : memref<16384xf32, #tpu.memory_space<vmem>>, vector<16xf32>,
        %min3A_281 = arith.minimumf %min3A_273, %get3A_280 : vector<16xf32>
        %mul3A_282 = arith.constant 256 : i32
        %mul3A_283 = arith.muli %add3A_161, %mul3A_282 : i32
        %add3A_284 = arith.constant 240 : i32
        %add3A_285 = arith.addi %mul3A_283, %add3A_284 : i32
        %multiple_of3A_286 = tpu.assume_multiple %add3A_285, 16 : i32
        %get3A_287 = arith.index_cast %multiple_of3A_286 : i32 to index
        %get3A_288 = tpu.vector_load %arg5[%get3A_287] {strides = array<i32>} : memref<16384xf32, #tpu.memory_space<vmem>>, vector<16xf32>,
        %min3A_289 = arith.minimumf %min3A_281, %get3A_288 : vector<16xf32>
        %eq3A = vector.broadcast %scan3A_158 : i32 to vector<16xi32>
        %eq3A_290 = arith.cmpi eq, %iota3A, %eq3A : vector<16xi32>
        %reduce_min3A = arith.constant true
        %reduce_min3A_291 = vector.broadcast %reduce_min3A : i1 to vector<16xi1>
        %reduce_min3A_292 = tpu.scan <min>, %min3A_289 masked %reduce_min3A_291 : vector<16xf32>, vector<16xi1> -> vector<16xf32>
        %reduce_min3A_293 = vector.extract %reduce_min3A_292[15] : f32 from vector<16xf32>
        %broadcast_in_dim3A_294 = vector.broadcast %reduce_min3A_293 : f32 to vector<16xf32>
        %select_n3A_295 = arith.select %eq3A_290, %broadcast_in_dim3A_294, %scan3A_159 : vector<16xi1>, vector<16xf32>
        scf.yield %select_n3A_295 : vector<16xf32>
      }
      %scan3A_123 = arith.constant 16 : i32
      %broadcast_in_dim3A_124 = arith.constant 1.000000e+30 : f32
      %broadcast_in_dim3A_125 = vector.broadcast %broadcast_in_dim3A_124 : f32 to vector<16xf32>
      %scan3A_126 = arith.constant 0 : i32
      %scan3A_127 = arith.constant 16 : i32
      %scan3A_128 = arith.addi %scan3A_126, %scan3A_127 : i32
      %scan3A_129 = arith.constant 1 : i32
      %scan3A_130 = scf.for %scan3A_158 = %scan3A_126 to %scan3A_128 step %scan3A_129 iter_args(%scan3A_159 = %broadcast_in_dim3A_125) -> (vector<16xf32>)  : i32 {
        %add3A_160 = arith.constant 32 : i32
        %add3A_161 = arith.addi %add3A_160, %scan3A_158 : i32
        %broadcast_in_dim3A_162 = arith.constant 1.000000e+30 : f32
        %broadcast_in_dim3A_163 = vector.broadcast %broadcast_in_dim3A_162 : f32 to vector<16xf32>
        %mul3A_164 = arith.constant 256 : i32
        %mul3A_165 = arith.muli %add3A_161, %mul3A_164 : i32
        %add3A_166 = arith.constant 0 : i32
        %add3A_167 = arith.addi %mul3A_165, %add3A_166 : i32
        %multiple_of3A_168 = tpu.assume_multiple %add3A_167, 16 : i32
        %get3A = arith.index_cast %multiple_of3A_168 : i32 to index
        %get3A_169 = tpu.vector_load %arg5[%get3A] {strides = array<i32>} : memref<16384xf32, #tpu.memory_space<vmem>>, vector<16xf32>,
        %min3A = arith.minimumf %broadcast_in_dim3A_163, %get3A_169 : vector<16xf32>
        %mul3A_170 = arith.constant 256 : i32
        %mul3A_171 = arith.muli %add3A_161, %mul3A_170 : i32
        %add3A_172 = arith.constant 16 : i32
        %add3A_173 = arith.addi %mul3A_171, %add3A_172 : i32
        %multiple_of3A_174 = tpu.assume_multiple %add3A_173, 16 : i32
        %get3A_175 = arith.index_cast %multiple_of3A_174 : i32 to index
        %get3A_176 = tpu.vector_load %arg5[%get3A_175] {strides = array<i32>} : memref<16384xf32, #tpu.memory_space<vmem>>, vector<16xf32>,
        %min3A_177 = arith.minimumf %min3A, %get3A_176 : vector<16xf32>
        %mul3A_178 = arith.constant 256 : i32
        %mul3A_179 = arith.muli %add3A_161, %mul3A_178 : i32
        %add3A_180 = arith.constant 32 : i32
        %add3A_181 = arith.addi %mul3A_179, %add3A_180 : i32
        %multiple_of3A_182 = tpu.assume_multiple %add3A_181, 16 : i32
        %get3A_183 = arith.index_cast %multiple_of3A_182 : i32 to index
        %get3A_184 = tpu.vector_load %arg5[%get3A_183] {strides = array<i32>} : memref<16384xf32, #tpu.memory_space<vmem>>, vector<16xf32>,
        %min3A_185 = arith.minimumf %min3A_177, %get3A_184 : vector<16xf32>
        %mul3A_186 = arith.constant 256 : i32
        %mul3A_187 = arith.muli %add3A_161, %mul3A_186 : i32
        %add3A_188 = arith.constant 48 : i32
        %add3A_189 = arith.addi %mul3A_187, %add3A_188 : i32
        %multiple_of3A_190 = tpu.assume_multiple %add3A_189, 16 : i32
        %get3A_191 = arith.index_cast %multiple_of3A_190 : i32 to index
        %get3A_192 = tpu.vector_load %arg5[%get3A_191] {strides = array<i32>} : memref<16384xf32, #tpu.memory_space<vmem>>, vector<16xf32>,
        %min3A_193 = arith.minimumf %min3A_185, %get3A_192 : vector<16xf32>
        %mul3A_194 = arith.constant 256 : i32
        %mul3A_195 = arith.muli %add3A_161, %mul3A_194 : i32
        %add3A_196 = arith.constant 64 : i32
        %add3A_197 = arith.addi %mul3A_195, %add3A_196 : i32
        %multiple_of3A_198 = tpu.assume_multiple %add3A_197, 16 : i32
        %get3A_199 = arith.index_cast %multiple_of3A_198 : i32 to index
        %get3A_200 = tpu.vector_load %arg5[%get3A_199] {strides = array<i32>} : memref<16384xf32, #tpu.memory_space<vmem>>, vector<16xf32>,
        %min3A_201 = arith.minimumf %min3A_193, %get3A_200 : vector<16xf32>
        %mul3A_202 = arith.constant 256 : i32
        %mul3A_203 = arith.muli %add3A_161, %mul3A_202 : i32
        %add3A_204 = arith.constant 80 : i32
        %add3A_205 = arith.addi %mul3A_203, %add3A_204 : i32
        %multiple_of3A_206 = tpu.assume_multiple %add3A_205, 16 : i32
        %get3A_207 = arith.index_cast %multiple_of3A_206 : i32 to index
        %get3A_208 = tpu.vector_load %arg5[%get3A_207] {strides = array<i32>} : memref<16384xf32, #tpu.memory_space<vmem>>, vector<16xf32>,
        %min3A_209 = arith.minimumf %min3A_201, %get3A_208 : vector<16xf32>
        %mul3A_210 = arith.constant 256 : i32
        %mul3A_211 = arith.muli %add3A_161, %mul3A_210 : i32
        %add3A_212 = arith.constant 96 : i32
        %add3A_213 = arith.addi %mul3A_211, %add3A_212 : i32
        %multiple_of3A_214 = tpu.assume_multiple %add3A_213, 16 : i32
        %get3A_215 = arith.index_cast %multiple_of3A_214 : i32 to index
        %get3A_216 = tpu.vector_load %arg5[%get3A_215] {strides = array<i32>} : memref<16384xf32, #tpu.memory_space<vmem>>, vector<16xf32>,
        %min3A_217 = arith.minimumf %min3A_209, %get3A_216 : vector<16xf32>
        %mul3A_218 = arith.constant 256 : i32
        %mul3A_219 = arith.muli %add3A_161, %mul3A_218 : i32
        %add3A_220 = arith.constant 112 : i32
        %add3A_221 = arith.addi %mul3A_219, %add3A_220 : i32
        %multiple_of3A_222 = tpu.assume_multiple %add3A_221, 16 : i32
        %get3A_223 = arith.index_cast %multiple_of3A_222 : i32 to index
        %get3A_224 = tpu.vector_load %arg5[%get3A_223] {strides = array<i32>} : memref<16384xf32, #tpu.memory_space<vmem>>, vector<16xf32>,
        %min3A_225 = arith.minimumf %min3A_217, %get3A_224 : vector<16xf32>
        %mul3A_226 = arith.constant 256 : i32
        %mul3A_227 = arith.muli %add3A_161, %mul3A_226 : i32
        %add3A_228 = arith.constant 128 : i32
        %add3A_229 = arith.addi %mul3A_227, %add3A_228 : i32
        %multiple_of3A_230 = tpu.assume_multiple %add3A_229, 16 : i32
        %get3A_231 = arith.index_cast %multiple_of3A_230 : i32 to index
        %get3A_232 = tpu.vector_load %arg5[%get3A_231] {strides = array<i32>} : memref<16384xf32, #tpu.memory_space<vmem>>, vector<16xf32>,
        %min3A_233 = arith.minimumf %min3A_225, %get3A_232 : vector<16xf32>
        %mul3A_234 = arith.constant 256 : i32
        %mul3A_235 = arith.muli %add3A_161, %mul3A_234 : i32
        %add3A_236 = arith.constant 144 : i32
        %add3A_237 = arith.addi %mul3A_235, %add3A_236 : i32
        %multiple_of3A_238 = tpu.assume_multiple %add3A_237, 16 : i32
        %get3A_239 = arith.index_cast %multiple_of3A_238 : i32 to index
        %get3A_240 = tpu.vector_load %arg5[%get3A_239] {strides = array<i32>} : memref<16384xf32, #tpu.memory_space<vmem>>, vector<16xf32>,
        %min3A_241 = arith.minimumf %min3A_233, %get3A_240 : vector<16xf32>
        %mul3A_242 = arith.constant 256 : i32
        %mul3A_243 = arith.muli %add3A_161, %mul3A_242 : i32
        %add3A_244 = arith.constant 160 : i32
        %add3A_245 = arith.addi %mul3A_243, %add3A_244 : i32
        %multiple_of3A_246 = tpu.assume_multiple %add3A_245, 16 : i32
        %get3A_247 = arith.index_cast %multiple_of3A_246 : i32 to index
        %get3A_248 = tpu.vector_load %arg5[%get3A_247] {strides = array<i32>} : memref<16384xf32, #tpu.memory_space<vmem>>, vector<16xf32>,
        %min3A_249 = arith.minimumf %min3A_241, %get3A_248 : vector<16xf32>
        %mul3A_250 = arith.constant 256 : i32
        %mul3A_251 = arith.muli %add3A_161, %mul3A_250 : i32
        %add3A_252 = arith.constant 176 : i32
        %add3A_253 = arith.addi %mul3A_251, %add3A_252 : i32
        %multiple_of3A_254 = tpu.assume_multiple %add3A_253, 16 : i32
        %get3A_255 = arith.index_cast %multiple_of3A_254 : i32 to index
        %get3A_256 = tpu.vector_load %arg5[%get3A_255] {strides = array<i32>} : memref<16384xf32, #tpu.memory_space<vmem>>, vector<16xf32>,
        %min3A_257 = arith.minimumf %min3A_249, %get3A_256 : vector<16xf32>
        %mul3A_258 = arith.constant 256 : i32
        %mul3A_259 = arith.muli %add3A_161, %mul3A_258 : i32
        %add3A_260 = arith.constant 192 : i32
        %add3A_261 = arith.addi %mul3A_259, %add3A_260 : i32
        %multiple_of3A_262 = tpu.assume_multiple %add3A_261, 16 : i32
        %get3A_263 = arith.index_cast %multiple_of3A_262 : i32 to index
        %get3A_264 = tpu.vector_load %arg5[%get3A_263] {strides = array<i32>} : memref<16384xf32, #tpu.memory_space<vmem>>, vector<16xf32>,
        %min3A_265 = arith.minimumf %min3A_257, %get3A_264 : vector<16xf32>
        %mul3A_266 = arith.constant 256 : i32
        %mul3A_267 = arith.muli %add3A_161, %mul3A_266 : i32
        %add3A_268 = arith.constant 208 : i32
        %add3A_269 = arith.addi %mul3A_267, %add3A_268 : i32
        %multiple_of3A_270 = tpu.assume_multiple %add3A_269, 16 : i32
        %get3A_271 = arith.index_cast %multiple_of3A_270 : i32 to index
        %get3A_272 = tpu.vector_load %arg5[%get3A_271] {strides = array<i32>} : memref<16384xf32, #tpu.memory_space<vmem>>, vector<16xf32>,
        %min3A_273 = arith.minimumf %min3A_265, %get3A_272 : vector<16xf32>
        %mul3A_274 = arith.constant 256 : i32
        %mul3A_275 = arith.muli %add3A_161, %mul3A_274 : i32
        %add3A_276 = arith.constant 224 : i32
        %add3A_277 = arith.addi %mul3A_275, %add3A_276 : i32
        %multiple_of3A_278 = tpu.assume_multiple %add3A_277, 16 : i32
        %get3A_279 = arith.index_cast %multiple_of3A_278 : i32 to index
        %get3A_280 = tpu.vector_load %arg5[%get3A_279] {strides = array<i32>} : memref<16384xf32, #tpu.memory_space<vmem>>, vector<16xf32>,
        %min3A_281 = arith.minimumf %min3A_273, %get3A_280 : vector<16xf32>
        %mul3A_282 = arith.constant 256 : i32
        %mul3A_283 = arith.muli %add3A_161, %mul3A_282 : i32
        %add3A_284 = arith.constant 240 : i32
        %add3A_285 = arith.addi %mul3A_283, %add3A_284 : i32
        %multiple_of3A_286 = tpu.assume_multiple %add3A_285, 16 : i32
        %get3A_287 = arith.index_cast %multiple_of3A_286 : i32 to index
        %get3A_288 = tpu.vector_load %arg5[%get3A_287] {strides = array<i32>} : memref<16384xf32, #tpu.memory_space<vmem>>, vector<16xf32>,
        %min3A_289 = arith.minimumf %min3A_281, %get3A_288 : vector<16xf32>
        %eq3A = vector.broadcast %scan3A_158 : i32 to vector<16xi32>
        %eq3A_290 = arith.cmpi eq, %iota3A, %eq3A : vector<16xi32>
        %reduce_min3A = arith.constant true
        %reduce_min3A_291 = vector.broadcast %reduce_min3A : i1 to vector<16xi1>
        %reduce_min3A_292 = tpu.scan <min>, %min3A_289 masked %reduce_min3A_291 : vector<16xf32>, vector<16xi1> -> vector<16xf32>
        %reduce_min3A_293 = vector.extract %reduce_min3A_292[15] : f32 from vector<16xf32>
        %broadcast_in_dim3A_294 = vector.broadcast %reduce_min3A_293 : f32 to vector<16xf32>
        %select_n3A_295 = arith.select %eq3A_290, %broadcast_in_dim3A_294, %scan3A_159 : vector<16xi1>, vector<16xf32>
        scf.yield %select_n3A_295 : vector<16xf32>
      }
      %scan3A_131 = arith.constant 16 : i32
      %broadcast_in_dim3A_132 = arith.constant 1.000000e+30 : f32
      %broadcast_in_dim3A_133 = vector.broadcast %broadcast_in_dim3A_132 : f32 to vector<16xf32>
      %scan3A_134 = arith.constant 0 : i32
      %scan3A_135 = arith.constant 16 : i32
      %scan3A_136 = arith.addi %scan3A_134, %scan3A_135 : i32
      %scan3A_137 = arith.constant 1 : i32
      %scan3A_138 = scf.for %scan3A_158 = %scan3A_134 to %scan3A_136 step %scan3A_137 iter_args(%scan3A_159 = %broadcast_in_dim3A_133) -> (vector<16xf32>)  : i32 {
        %add3A_160 = arith.constant 48 : i32
        %add3A_161 = arith.addi %add3A_160, %scan3A_158 : i32
        %broadcast_in_dim3A_162 = arith.constant 1.000000e+30 : f32
        %broadcast_in_dim3A_163 = vector.broadcast %broadcast_in_dim3A_162 : f32 to vector<16xf32>
        %mul3A_164 = arith.constant 256 : i32
        %mul3A_165 = arith.muli %add3A_161, %mul3A_164 : i32
        %add3A_166 = arith.constant 0 : i32
        %add3A_167 = arith.addi %mul3A_165, %add3A_166 : i32
        %multiple_of3A_168 = tpu.assume_multiple %add3A_167, 16 : i32
        %get3A = arith.index_cast %multiple_of3A_168 : i32 to index
        %get3A_169 = tpu.vector_load %arg5[%get3A] {strides = array<i32>} : memref<16384xf32, #tpu.memory_space<vmem>>, vector<16xf32>,
        %min3A = arith.minimumf %broadcast_in_dim3A_163, %get3A_169 : vector<16xf32>
        %mul3A_170 = arith.constant 256 : i32
        %mul3A_171 = arith.muli %add3A_161, %mul3A_170 : i32
        %add3A_172 = arith.constant 16 : i32
        %add3A_173 = arith.addi %mul3A_171, %add3A_172 : i32
        %multiple_of3A_174 = tpu.assume_multiple %add3A_173, 16 : i32
        %get3A_175 = arith.index_cast %multiple_of3A_174 : i32 to index
        %get3A_176 = tpu.vector_load %arg5[%get3A_175] {strides = array<i32>} : memref<16384xf32, #tpu.memory_space<vmem>>, vector<16xf32>,
        %min3A_177 = arith.minimumf %min3A, %get3A_176 : vector<16xf32>
        %mul3A_178 = arith.constant 256 : i32
        %mul3A_179 = arith.muli %add3A_161, %mul3A_178 : i32
        %add3A_180 = arith.constant 32 : i32
        %add3A_181 = arith.addi %mul3A_179, %add3A_180 : i32
        %multiple_of3A_182 = tpu.assume_multiple %add3A_181, 16 : i32
        %get3A_183 = arith.index_cast %multiple_of3A_182 : i32 to index
        %get3A_184 = tpu.vector_load %arg5[%get3A_183] {strides = array<i32>} : memref<16384xf32, #tpu.memory_space<vmem>>, vector<16xf32>,
        %min3A_185 = arith.minimumf %min3A_177, %get3A_184 : vector<16xf32>
        %mul3A_186 = arith.constant 256 : i32
        %mul3A_187 = arith.muli %add3A_161, %mul3A_186 : i32
        %add3A_188 = arith.constant 48 : i32
        %add3A_189 = arith.addi %mul3A_187, %add3A_188 : i32
        %multiple_of3A_190 = tpu.assume_multiple %add3A_189, 16 : i32
        %get3A_191 = arith.index_cast %multiple_of3A_190 : i32 to index
        %get3A_192 = tpu.vector_load %arg5[%get3A_191] {strides = array<i32>} : memref<16384xf32, #tpu.memory_space<vmem>>, vector<16xf32>,
        %min3A_193 = arith.minimumf %min3A_185, %get3A_192 : vector<16xf32>
        %mul3A_194 = arith.constant 256 : i32
        %mul3A_195 = arith.muli %add3A_161, %mul3A_194 : i32
        %add3A_196 = arith.constant 64 : i32
        %add3A_197 = arith.addi %mul3A_195, %add3A_196 : i32
        %multiple_of3A_198 = tpu.assume_multiple %add3A_197, 16 : i32
        %get3A_199 = arith.index_cast %multiple_of3A_198 : i32 to index
        %get3A_200 = tpu.vector_load %arg5[%get3A_199] {strides = array<i32>} : memref<16384xf32, #tpu.memory_space<vmem>>, vector<16xf32>,
        %min3A_201 = arith.minimumf %min3A_193, %get3A_200 : vector<16xf32>
        %mul3A_202 = arith.constant 256 : i32
        %mul3A_203 = arith.muli %add3A_161, %mul3A_202 : i32
        %add3A_204 = arith.constant 80 : i32
        %add3A_205 = arith.addi %mul3A_203, %add3A_204 : i32
        %multiple_of3A_206 = tpu.assume_multiple %add3A_205, 16 : i32
        %get3A_207 = arith.index_cast %multiple_of3A_206 : i32 to index
        %get3A_208 = tpu.vector_load %arg5[%get3A_207] {strides = array<i32>} : memref<16384xf32, #tpu.memory_space<vmem>>, vector<16xf32>,
        %min3A_209 = arith.minimumf %min3A_201, %get3A_208 : vector<16xf32>
        %mul3A_210 = arith.constant 256 : i32
        %mul3A_211 = arith.muli %add3A_161, %mul3A_210 : i32
        %add3A_212 = arith.constant 96 : i32
        %add3A_213 = arith.addi %mul3A_211, %add3A_212 : i32
        %multiple_of3A_214 = tpu.assume_multiple %add3A_213, 16 : i32
        %get3A_215 = arith.index_cast %multiple_of3A_214 : i32 to index
        %get3A_216 = tpu.vector_load %arg5[%get3A_215] {strides = array<i32>} : memref<16384xf32, #tpu.memory_space<vmem>>, vector<16xf32>,
        %min3A_217 = arith.minimumf %min3A_209, %get3A_216 : vector<16xf32>
        %mul3A_218 = arith.constant 256 : i32
        %mul3A_219 = arith.muli %add3A_161, %mul3A_218 : i32
        %add3A_220 = arith.constant 112 : i32
        %add3A_221 = arith.addi %mul3A_219, %add3A_220 : i32
        %multiple_of3A_222 = tpu.assume_multiple %add3A_221, 16 : i32
        %get3A_223 = arith.index_cast %multiple_of3A_222 : i32 to index
        %get3A_224 = tpu.vector_load %arg5[%get3A_223] {strides = array<i32>} : memref<16384xf32, #tpu.memory_space<vmem>>, vector<16xf32>,
        %min3A_225 = arith.minimumf %min3A_217, %get3A_224 : vector<16xf32>
        %mul3A_226 = arith.constant 256 : i32
        %mul3A_227 = arith.muli %add3A_161, %mul3A_226 : i32
        %add3A_228 = arith.constant 128 : i32
        %add3A_229 = arith.addi %mul3A_227, %add3A_228 : i32
        %multiple_of3A_230 = tpu.assume_multiple %add3A_229, 16 : i32
        %get3A_231 = arith.index_cast %multiple_of3A_230 : i32 to index
        %get3A_232 = tpu.vector_load %arg5[%get3A_231] {strides = array<i32>} : memref<16384xf32, #tpu.memory_space<vmem>>, vector<16xf32>,
        %min3A_233 = arith.minimumf %min3A_225, %get3A_232 : vector<16xf32>
        %mul3A_234 = arith.constant 256 : i32
        %mul3A_235 = arith.muli %add3A_161, %mul3A_234 : i32
        %add3A_236 = arith.constant 144 : i32
        %add3A_237 = arith.addi %mul3A_235, %add3A_236 : i32
        %multiple_of3A_238 = tpu.assume_multiple %add3A_237, 16 : i32
        %get3A_239 = arith.index_cast %multiple_of3A_238 : i32 to index
        %get3A_240 = tpu.vector_load %arg5[%get3A_239] {strides = array<i32>} : memref<16384xf32, #tpu.memory_space<vmem>>, vector<16xf32>,
        %min3A_241 = arith.minimumf %min3A_233, %get3A_240 : vector<16xf32>
        %mul3A_242 = arith.constant 256 : i32
        %mul3A_243 = arith.muli %add3A_161, %mul3A_242 : i32
        %add3A_244 = arith.constant 160 : i32
        %add3A_245 = arith.addi %mul3A_243, %add3A_244 : i32
        %multiple_of3A_246 = tpu.assume_multiple %add3A_245, 16 : i32
        %get3A_247 = arith.index_cast %multiple_of3A_246 : i32 to index
        %get3A_248 = tpu.vector_load %arg5[%get3A_247] {strides = array<i32>} : memref<16384xf32, #tpu.memory_space<vmem>>, vector<16xf32>,
        %min3A_249 = arith.minimumf %min3A_241, %get3A_248 : vector<16xf32>
        %mul3A_250 = arith.constant 256 : i32
        %mul3A_251 = arith.muli %add3A_161, %mul3A_250 : i32
        %add3A_252 = arith.constant 176 : i32
        %add3A_253 = arith.addi %mul3A_251, %add3A_252 : i32
        %multiple_of3A_254 = tpu.assume_multiple %add3A_253, 16 : i32
        %get3A_255 = arith.index_cast %multiple_of3A_254 : i32 to index
        %get3A_256 = tpu.vector_load %arg5[%get3A_255] {strides = array<i32>} : memref<16384xf32, #tpu.memory_space<vmem>>, vector<16xf32>,
        %min3A_257 = arith.minimumf %min3A_249, %get3A_256 : vector<16xf32>
        %mul3A_258 = arith.constant 256 : i32
        %mul3A_259 = arith.muli %add3A_161, %mul3A_258 : i32
        %add3A_260 = arith.constant 192 : i32
        %add3A_261 = arith.addi %mul3A_259, %add3A_260 : i32
        %multiple_of3A_262 = tpu.assume_multiple %add3A_261, 16 : i32
        %get3A_263 = arith.index_cast %multiple_of3A_262 : i32 to index
        %get3A_264 = tpu.vector_load %arg5[%get3A_263] {strides = array<i32>} : memref<16384xf32, #tpu.memory_space<vmem>>, vector<16xf32>,
        %min3A_265 = arith.minimumf %min3A_257, %get3A_264 : vector<16xf32>
        %mul3A_266 = arith.constant 256 : i32
        %mul3A_267 = arith.muli %add3A_161, %mul3A_266 : i32
        %add3A_268 = arith.constant 208 : i32
        %add3A_269 = arith.addi %mul3A_267, %add3A_268 : i32
        %multiple_of3A_270 = tpu.assume_multiple %add3A_269, 16 : i32
        %get3A_271 = arith.index_cast %multiple_of3A_270 : i32 to index
        %get3A_272 = tpu.vector_load %arg5[%get3A_271] {strides = array<i32>} : memref<16384xf32, #tpu.memory_space<vmem>>, vector<16xf32>,
        %min3A_273 = arith.minimumf %min3A_265, %get3A_272 : vector<16xf32>
        %mul3A_274 = arith.constant 256 : i32
        %mul3A_275 = arith.muli %add3A_161, %mul3A_274 : i32
        %add3A_276 = arith.constant 224 : i32
        %add3A_277 = arith.addi %mul3A_275, %add3A_276 : i32
        %multiple_of3A_278 = tpu.assume_multiple %add3A_277, 16 : i32
        %get3A_279 = arith.index_cast %multiple_of3A_278 : i32 to index
        %get3A_280 = tpu.vector_load %arg5[%get3A_279] {strides = array<i32>} : memref<16384xf32, #tpu.memory_space<vmem>>, vector<16xf32>,
        %min3A_281 = arith.minimumf %min3A_273, %get3A_280 : vector<16xf32>
        %mul3A_282 = arith.constant 256 : i32
        %mul3A_283 = arith.muli %add3A_161, %mul3A_282 : i32
        %add3A_284 = arith.constant 240 : i32
        %add3A_285 = arith.addi %mul3A_283, %add3A_284 : i32
        %multiple_of3A_286 = tpu.assume_multiple %add3A_285, 16 : i32
        %get3A_287 = arith.index_cast %multiple_of3A_286 : i32 to index
        %get3A_288 = tpu.vector_load %arg5[%get3A_287] {strides = array<i32>} : memref<16384xf32, #tpu.memory_space<vmem>>, vector<16xf32>,
        %min3A_289 = arith.minimumf %min3A_281, %get3A_288 : vector<16xf32>
        %eq3A = vector.broadcast %scan3A_158 : i32 to vector<16xi32>
        %eq3A_290 = arith.cmpi eq, %iota3A, %eq3A : vector<16xi32>
        %reduce_min3A = arith.constant true
        %reduce_min3A_291 = vector.broadcast %reduce_min3A : i1 to vector<16xi1>
        %reduce_min3A_292 = tpu.scan <min>, %min3A_289 masked %reduce_min3A_291 : vector<16xf32>, vector<16xi1> -> vector<16xf32>
        %reduce_min3A_293 = vector.extract %reduce_min3A_292[15] : f32 from vector<16xf32>
        %broadcast_in_dim3A_294 = vector.broadcast %reduce_min3A_293 : f32 to vector<16xf32>
        %select_n3A_295 = arith.select %eq3A_290, %broadcast_in_dim3A_294, %scan3A_159 : vector<16xi1>, vector<16xf32>
        scf.yield %select_n3A_295 : vector<16xf32>
      }
      %scan3A_139 = arith.constant 16 : i32
      %broadcast_in_dim3A_140 = arith.constant 0 : i32
      %broadcast_in_dim3A_141 = vector.broadcast %broadcast_in_dim3A_140 : i32 to vector<16xi32>
      %scan3A_142 = arith.constant 0 : i32
      %scan3A_143 = arith.constant 32 : i32
      %scan3A_144 = arith.addi %scan3A_142, %scan3A_143 : i32
      %scan3A_145 = arith.constant 1 : i32
      %scan3A_146:6 = scf.for %scan3A_158 = %scan3A_142 to %scan3A_144 step %scan3A_145 iter_args(%scan3A_159 = %broadcast_in_dim3A_141, %scan3A_160 = %broadcast_in_dim3A_141, %scan3A_161 = %scan3A_114, %scan3A_162 = %scan3A_122, %scan3A_163 = %scan3A_130, %scan3A_164 = %scan3A_138) -> (vector<16xi32>, vector<16xi32>, vector<16xf32>, vector<16xf32>, vector<16xf32>, vector<16xf32>)  : i32 {
        %min3A = arith.minimumf %scan3A_161, %scan3A_162 : vector<16xf32>
        %min3A_165 = arith.minimumf %scan3A_163, %scan3A_164 : vector<16xf32>
        %min3A_166 = arith.minimumf %min3A, %min3A_165 : vector<16xf32>
        %reduce_min3A = arith.constant true
        %reduce_min3A_167 = vector.broadcast %reduce_min3A : i1 to vector<16xi1>
        %reduce_min3A_168 = tpu.scan <min>, %min3A_166 masked %reduce_min3A_167 : vector<16xf32>, vector<16xi1> -> vector<16xf32>
        %reduce_min3A_169 = vector.extract %reduce_min3A_168[15] : f32 from vector<16xf32>
        %eq3A = vector.broadcast %reduce_min3A_169 : f32 to vector<16xf32>
        %eq3A_170 = arith.cmpf oeq, %scan3A_161, %eq3A : vector<16xf32>
        %jit3A_171 = arith.constant 1048576 : i32
        %broadcast_in_dim3A_172 = vector.broadcast %jit3A_171 : i32 to vector<16xi32>
        %select_n3A_173 = arith.select %eq3A_170, %iota3A, %broadcast_in_dim3A_172 : vector<16xi1>, vector<16xi32>
        %eq3A_174 = vector.broadcast %reduce_min3A_169 : f32 to vector<16xf32>
        %eq3A_175 = arith.cmpf oeq, %scan3A_162, %eq3A_174 : vector<16xf32>
        %add3A_176 = arith.constant 16 : i32
        %add3A_177 = vector.broadcast %add3A_176 : i32 to vector<16xi32>
        %add3A_178 = arith.addi %iota3A, %add3A_177 : vector<16xi32>
        %jit3A_179 = arith.constant 1048576 : i32
        %broadcast_in_dim3A_180 = vector.broadcast %jit3A_179 : i32 to vector<16xi32>
        %select_n3A_181 = arith.select %eq3A_175, %add3A_178, %broadcast_in_dim3A_180 : vector<16xi1>, vector<16xi32>
        %eq3A_182 = vector.broadcast %reduce_min3A_169 : f32 to vector<16xf32>
        %eq3A_183 = arith.cmpf oeq, %scan3A_163, %eq3A_182 : vector<16xf32>
        %add3A_184 = arith.constant 32 : i32
        %add3A_185 = vector.broadcast %add3A_184 : i32 to vector<16xi32>
        %add3A_186 = arith.addi %iota3A, %add3A_185 : vector<16xi32>
        %jit3A_187 = arith.constant 1048576 : i32
        %broadcast_in_dim3A_188 = vector.broadcast %jit3A_187 : i32 to vector<16xi32>
        %select_n3A_189 = arith.select %eq3A_183, %add3A_186, %broadcast_in_dim3A_188 : vector<16xi1>, vector<16xi32>
        %eq3A_190 = vector.broadcast %reduce_min3A_169 : f32 to vector<16xf32>
        %eq3A_191 = arith.cmpf oeq, %scan3A_164, %eq3A_190 : vector<16xf32>
        %add3A_192 = arith.constant 48 : i32
        %add3A_193 = vector.broadcast %add3A_192 : i32 to vector<16xi32>
        %add3A_194 = arith.addi %iota3A, %add3A_193 : vector<16xi32>
        %jit3A_195 = arith.constant 1048576 : i32
        %broadcast_in_dim3A_196 = vector.broadcast %jit3A_195 : i32 to vector<16xi32>
        %select_n3A_197 = arith.select %eq3A_191, %add3A_194, %broadcast_in_dim3A_196 : vector<16xi1>, vector<16xi32>
        %min3A_198 = arith.minsi %select_n3A_173, %select_n3A_181 : vector<16xi32>
        %min3A_199 = arith.minsi %select_n3A_189, %select_n3A_197 : vector<16xi32>
        %min3A_200 = arith.minsi %min3A_198, %min3A_199 : vector<16xi32>
        %reduce_min3A_201 = arith.constant true
        %reduce_min3A_202 = vector.broadcast %reduce_min3A_201 : i1 to vector<16xi1>
        %reduce_min3A_203 = arith.constant -2147483648 : i32
        %reduce_min3A_204 = vector.broadcast %reduce_min3A_203 : i32 to vector<16xi32>
        %reduce_min3A_205 = arith.xori %min3A_200, %reduce_min3A_204 : vector<16xi32>
        %reduce_min3A_206 = tpu.scan <min>, %reduce_min3A_205 masked %reduce_min3A_202 : vector<16xi32>, vector<16xi1> -> vector<16xi32>
        %reduce_min3A_207 = arith.xori %reduce_min3A_206, %reduce_min3A_204 : vector<16xi32>
        %reduce_min3A_208 = vector.extract %reduce_min3A_207[15] : i32 from vector<16xi32>
        %mul3A_209 = arith.constant 256 : i32
        %mul3A_210 = arith.muli %reduce_min3A_208, %mul3A_209 : i32
        %broadcast_in_dim3A_211 = arith.constant 1048576 : i32
        %broadcast_in_dim3A_212 = vector.broadcast %broadcast_in_dim3A_211 : i32 to vector<16xi32>
        %add3A_213 = arith.constant 0 : i32
        %add3A_214 = arith.addi %mul3A_210, %add3A_213 : i32
        %multiple_of3A_215 = tpu.assume_multiple %add3A_214, 16 : i32
        %get3A = arith.index_cast %multiple_of3A_215 : i32 to index
        %get3A_216 = tpu.vector_load %arg5[%get3A] {strides = array<i32>} : memref<16384xf32, #tpu.memory_space<vmem>>, vector<16xf32>,
        %eq3A_217 = vector.broadcast %reduce_min3A_169 : f32 to vector<16xf32>
        %eq3A_218 = arith.cmpf oeq, %get3A_216, %eq3A_217 : vector<16xf32>
        %add3A_219 = arith.constant 0 : i32
        %add3A_220 = vector.broadcast %add3A_219 : i32 to vector<16xi32>
        %add3A_221 = arith.addi %iota3A, %add3A_220 : vector<16xi32>
        %jit3A_222 = arith.constant 1048576 : i32
        %broadcast_in_dim3A_223 = vector.broadcast %jit3A_222 : i32 to vector<16xi32>
        %select_n3A_224 = arith.select %eq3A_218, %add3A_221, %broadcast_in_dim3A_223 : vector<16xi1>, vector<16xi32>
        %min3A_225 = arith.minsi %broadcast_in_dim3A_212, %select_n3A_224 : vector<16xi32>
        %add3A_226 = arith.constant 16 : i32
        %add3A_227 = arith.addi %mul3A_210, %add3A_226 : i32
        %multiple_of3A_228 = tpu.assume_multiple %add3A_227, 16 : i32
        %get3A_229 = arith.index_cast %multiple_of3A_228 : i32 to index
        %get3A_230 = tpu.vector_load %arg5[%get3A_229] {strides = array<i32>} : memref<16384xf32, #tpu.memory_space<vmem>>, vector<16xf32>,
        %eq3A_231 = vector.broadcast %reduce_min3A_169 : f32 to vector<16xf32>
        %eq3A_232 = arith.cmpf oeq, %get3A_230, %eq3A_231 : vector<16xf32>
        %add3A_233 = arith.constant 16 : i32
        %add3A_234 = vector.broadcast %add3A_233 : i32 to vector<16xi32>
        %add3A_235 = arith.addi %iota3A, %add3A_234 : vector<16xi32>
        %jit3A_236 = arith.constant 1048576 : i32
        %broadcast_in_dim3A_237 = vector.broadcast %jit3A_236 : i32 to vector<16xi32>
        %select_n3A_238 = arith.select %eq3A_232, %add3A_235, %broadcast_in_dim3A_237 : vector<16xi1>, vector<16xi32>
        %min3A_239 = arith.minsi %min3A_225, %select_n3A_238 : vector<16xi32>
        %add3A_240 = arith.constant 32 : i32
        %add3A_241 = arith.addi %mul3A_210, %add3A_240 : i32
        %multiple_of3A_242 = tpu.assume_multiple %add3A_241, 16 : i32
        %get3A_243 = arith.index_cast %multiple_of3A_242 : i32 to index
        %get3A_244 = tpu.vector_load %arg5[%get3A_243] {strides = array<i32>} : memref<16384xf32, #tpu.memory_space<vmem>>, vector<16xf32>,
        %eq3A_245 = vector.broadcast %reduce_min3A_169 : f32 to vector<16xf32>
        %eq3A_246 = arith.cmpf oeq, %get3A_244, %eq3A_245 : vector<16xf32>
        %add3A_247 = arith.constant 32 : i32
        %add3A_248 = vector.broadcast %add3A_247 : i32 to vector<16xi32>
        %add3A_249 = arith.addi %iota3A, %add3A_248 : vector<16xi32>
        %jit3A_250 = arith.constant 1048576 : i32
        %broadcast_in_dim3A_251 = vector.broadcast %jit3A_250 : i32 to vector<16xi32>
        %select_n3A_252 = arith.select %eq3A_246, %add3A_249, %broadcast_in_dim3A_251 : vector<16xi1>, vector<16xi32>
        %min3A_253 = arith.minsi %min3A_239, %select_n3A_252 : vector<16xi32>
        %add3A_254 = arith.constant 48 : i32
        %add3A_255 = arith.addi %mul3A_210, %add3A_254 : i32
        %multiple_of3A_256 = tpu.assume_multiple %add3A_255, 16 : i32
        %get3A_257 = arith.index_cast %multiple_of3A_256 : i32 to index
        %get3A_258 = tpu.vector_load %arg5[%get3A_257] {strides = array<i32>} : memref<16384xf32, #tpu.memory_space<vmem>>, vector<16xf32>,
        %eq3A_259 = vector.broadcast %reduce_min3A_169 : f32 to vector<16xf32>
        %eq3A_260 = arith.cmpf oeq, %get3A_258, %eq3A_259 : vector<16xf32>
        %add3A_261 = arith.constant 48 : i32
        %add3A_262 = vector.broadcast %add3A_261 : i32 to vector<16xi32>
        %add3A_263 = arith.addi %iota3A, %add3A_262 : vector<16xi32>
        %jit3A_264 = arith.constant 1048576 : i32
        %broadcast_in_dim3A_265 = vector.broadcast %jit3A_264 : i32 to vector<16xi32>
        %select_n3A_266 = arith.select %eq3A_260, %add3A_263, %broadcast_in_dim3A_265 : vector<16xi1>, vector<16xi32>
        %min3A_267 = arith.minsi %min3A_253, %select_n3A_266 : vector<16xi32>
        %add3A_268 = arith.constant 64 : i32
        %add3A_269 = arith.addi %mul3A_210, %add3A_268 : i32
        %multiple_of3A_270 = tpu.assume_multiple %add3A_269, 16 : i32
        %get3A_271 = arith.index_cast %multiple_of3A_270 : i32 to index
        %get3A_272 = tpu.vector_load %arg5[%get3A_271] {strides = array<i32>} : memref<16384xf32, #tpu.memory_space<vmem>>, vector<16xf32>,
        %eq3A_273 = vector.broadcast %reduce_min3A_169 : f32 to vector<16xf32>
        %eq3A_274 = arith.cmpf oeq, %get3A_272, %eq3A_273 : vector<16xf32>
        %add3A_275 = arith.constant 64 : i32
        %add3A_276 = vector.broadcast %add3A_275 : i32 to vector<16xi32>
        %add3A_277 = arith.addi %iota3A, %add3A_276 : vector<16xi32>
        %jit3A_278 = arith.constant 1048576 : i32
        %broadcast_in_dim3A_279 = vector.broadcast %jit3A_278 : i32 to vector<16xi32>
        %select_n3A_280 = arith.select %eq3A_274, %add3A_277, %broadcast_in_dim3A_279 : vector<16xi1>, vector<16xi32>
        %min3A_281 = arith.minsi %min3A_267, %select_n3A_280 : vector<16xi32>
        %add3A_282 = arith.constant 80 : i32
        %add3A_283 = arith.addi %mul3A_210, %add3A_282 : i32
        %multiple_of3A_284 = tpu.assume_multiple %add3A_283, 16 : i32
        %get3A_285 = arith.index_cast %multiple_of3A_284 : i32 to index
        %get3A_286 = tpu.vector_load %arg5[%get3A_285] {strides = array<i32>} : memref<16384xf32, #tpu.memory_space<vmem>>, vector<16xf32>,
        %eq3A_287 = vector.broadcast %reduce_min3A_169 : f32 to vector<16xf32>
        %eq3A_288 = arith.cmpf oeq, %get3A_286, %eq3A_287 : vector<16xf32>
        %add3A_289 = arith.constant 80 : i32
        %add3A_290 = vector.broadcast %add3A_289 : i32 to vector<16xi32>
        %add3A_291 = arith.addi %iota3A, %add3A_290 : vector<16xi32>
        %jit3A_292 = arith.constant 1048576 : i32
        %broadcast_in_dim3A_293 = vector.broadcast %jit3A_292 : i32 to vector<16xi32>
        %select_n3A_294 = arith.select %eq3A_288, %add3A_291, %broadcast_in_dim3A_293 : vector<16xi1>, vector<16xi32>
        %min3A_295 = arith.minsi %min3A_281, %select_n3A_294 : vector<16xi32>
        %add3A_296 = arith.constant 96 : i32
        %add3A_297 = arith.addi %mul3A_210, %add3A_296 : i32
        %multiple_of3A_298 = tpu.assume_multiple %add3A_297, 16 : i32
        %get3A_299 = arith.index_cast %multiple_of3A_298 : i32 to index
        %get3A_300 = tpu.vector_load %arg5[%get3A_299] {strides = array<i32>} : memref<16384xf32, #tpu.memory_space<vmem>>, vector<16xf32>,
        %eq3A_301 = vector.broadcast %reduce_min3A_169 : f32 to vector<16xf32>
        %eq3A_302 = arith.cmpf oeq, %get3A_300, %eq3A_301 : vector<16xf32>
        %add3A_303 = arith.constant 96 : i32
        %add3A_304 = vector.broadcast %add3A_303 : i32 to vector<16xi32>
        %add3A_305 = arith.addi %iota3A, %add3A_304 : vector<16xi32>
        %jit3A_306 = arith.constant 1048576 : i32
        %broadcast_in_dim3A_307 = vector.broadcast %jit3A_306 : i32 to vector<16xi32>
        %select_n3A_308 = arith.select %eq3A_302, %add3A_305, %broadcast_in_dim3A_307 : vector<16xi1>, vector<16xi32>
        %min3A_309 = arith.minsi %min3A_295, %select_n3A_308 : vector<16xi32>
        %add3A_310 = arith.constant 112 : i32
        %add3A_311 = arith.addi %mul3A_210, %add3A_310 : i32
        %multiple_of3A_312 = tpu.assume_multiple %add3A_311, 16 : i32
        %get3A_313 = arith.index_cast %multiple_of3A_312 : i32 to index
        %get3A_314 = tpu.vector_load %arg5[%get3A_313] {strides = array<i32>} : memref<16384xf32, #tpu.memory_space<vmem>>, vector<16xf32>,
        %eq3A_315 = vector.broadcast %reduce_min3A_169 : f32 to vector<16xf32>
        %eq3A_316 = arith.cmpf oeq, %get3A_314, %eq3A_315 : vector<16xf32>
        %add3A_317 = arith.constant 112 : i32
        %add3A_318 = vector.broadcast %add3A_317 : i32 to vector<16xi32>
        %add3A_319 = arith.addi %iota3A, %add3A_318 : vector<16xi32>
        %jit3A_320 = arith.constant 1048576 : i32
        %broadcast_in_dim3A_321 = vector.broadcast %jit3A_320 : i32 to vector<16xi32>
        %select_n3A_322 = arith.select %eq3A_316, %add3A_319, %broadcast_in_dim3A_321 : vector<16xi1>, vector<16xi32>
        %min3A_323 = arith.minsi %min3A_309, %select_n3A_322 : vector<16xi32>
        %add3A_324 = arith.constant 128 : i32
        %add3A_325 = arith.addi %mul3A_210, %add3A_324 : i32
        %multiple_of3A_326 = tpu.assume_multiple %add3A_325, 16 : i32
        %get3A_327 = arith.index_cast %multiple_of3A_326 : i32 to index
        %get3A_328 = tpu.vector_load %arg5[%get3A_327] {strides = array<i32>} : memref<16384xf32, #tpu.memory_space<vmem>>, vector<16xf32>,
        %eq3A_329 = vector.broadcast %reduce_min3A_169 : f32 to vector<16xf32>
        %eq3A_330 = arith.cmpf oeq, %get3A_328, %eq3A_329 : vector<16xf32>
        %add3A_331 = arith.constant 128 : i32
        %add3A_332 = vector.broadcast %add3A_331 : i32 to vector<16xi32>
        %add3A_333 = arith.addi %iota3A, %add3A_332 : vector<16xi32>
        %jit3A_334 = arith.constant 1048576 : i32
        %broadcast_in_dim3A_335 = vector.broadcast %jit3A_334 : i32 to vector<16xi32>
        %select_n3A_336 = arith.select %eq3A_330, %add3A_333, %broadcast_in_dim3A_335 : vector<16xi1>, vector<16xi32>
        %min3A_337 = arith.minsi %min3A_323, %select_n3A_336 : vector<16xi32>
        %add3A_338 = arith.constant 144 : i32
        %add3A_339 = arith.addi %mul3A_210, %add3A_338 : i32
        %multiple_of3A_340 = tpu.assume_multiple %add3A_339, 16 : i32
        %get3A_341 = arith.index_cast %multiple_of3A_340 : i32 to index
        %get3A_342 = tpu.vector_load %arg5[%get3A_341] {strides = array<i32>} : memref<16384xf32, #tpu.memory_space<vmem>>, vector<16xf32>,
        %eq3A_343 = vector.broadcast %reduce_min3A_169 : f32 to vector<16xf32>
        %eq3A_344 = arith.cmpf oeq, %get3A_342, %eq3A_343 : vector<16xf32>
        %add3A_345 = arith.constant 144 : i32
        %add3A_346 = vector.broadcast %add3A_345 : i32 to vector<16xi32>
        %add3A_347 = arith.addi %iota3A, %add3A_346 : vector<16xi32>
        %jit3A_348 = arith.constant 1048576 : i32
        %broadcast_in_dim3A_349 = vector.broadcast %jit3A_348 : i32 to vector<16xi32>
        %select_n3A_350 = arith.select %eq3A_344, %add3A_347, %broadcast_in_dim3A_349 : vector<16xi1>, vector<16xi32>
        %min3A_351 = arith.minsi %min3A_337, %select_n3A_350 : vector<16xi32>
        %add3A_352 = arith.constant 160 : i32
        %add3A_353 = arith.addi %mul3A_210, %add3A_352 : i32
        %multiple_of3A_354 = tpu.assume_multiple %add3A_353, 16 : i32
        %get3A_355 = arith.index_cast %multiple_of3A_354 : i32 to index
        %get3A_356 = tpu.vector_load %arg5[%get3A_355] {strides = array<i32>} : memref<16384xf32, #tpu.memory_space<vmem>>, vector<16xf32>,
        %eq3A_357 = vector.broadcast %reduce_min3A_169 : f32 to vector<16xf32>
        %eq3A_358 = arith.cmpf oeq, %get3A_356, %eq3A_357 : vector<16xf32>
        %add3A_359 = arith.constant 160 : i32
        %add3A_360 = vector.broadcast %add3A_359 : i32 to vector<16xi32>
        %add3A_361 = arith.addi %iota3A, %add3A_360 : vector<16xi32>
        %jit3A_362 = arith.constant 1048576 : i32
        %broadcast_in_dim3A_363 = vector.broadcast %jit3A_362 : i32 to vector<16xi32>
        %select_n3A_364 = arith.select %eq3A_358, %add3A_361, %broadcast_in_dim3A_363 : vector<16xi1>, vector<16xi32>
        %min3A_365 = arith.minsi %min3A_351, %select_n3A_364 : vector<16xi32>
        %add3A_366 = arith.constant 176 : i32
        %add3A_367 = arith.addi %mul3A_210, %add3A_366 : i32
        %multiple_of3A_368 = tpu.assume_multiple %add3A_367, 16 : i32
        %get3A_369 = arith.index_cast %multiple_of3A_368 : i32 to index
        %get3A_370 = tpu.vector_load %arg5[%get3A_369] {strides = array<i32>} : memref<16384xf32, #tpu.memory_space<vmem>>, vector<16xf32>,
        %eq3A_371 = vector.broadcast %reduce_min3A_169 : f32 to vector<16xf32>
        %eq3A_372 = arith.cmpf oeq, %get3A_370, %eq3A_371 : vector<16xf32>
        %add3A_373 = arith.constant 176 : i32
        %add3A_374 = vector.broadcast %add3A_373 : i32 to vector<16xi32>
        %add3A_375 = arith.addi %iota3A, %add3A_374 : vector<16xi32>
        %jit3A_376 = arith.constant 1048576 : i32
        %broadcast_in_dim3A_377 = vector.broadcast %jit3A_376 : i32 to vector<16xi32>
        %select_n3A_378 = arith.select %eq3A_372, %add3A_375, %broadcast_in_dim3A_377 : vector<16xi1>, vector<16xi32>
        %min3A_379 = arith.minsi %min3A_365, %select_n3A_378 : vector<16xi32>
        %add3A_380 = arith.constant 192 : i32
        %add3A_381 = arith.addi %mul3A_210, %add3A_380 : i32
        %multiple_of3A_382 = tpu.assume_multiple %add3A_381, 16 : i32
        %get3A_383 = arith.index_cast %multiple_of3A_382 : i32 to index
        %get3A_384 = tpu.vector_load %arg5[%get3A_383] {strides = array<i32>} : memref<16384xf32, #tpu.memory_space<vmem>>, vector<16xf32>,
        %eq3A_385 = vector.broadcast %reduce_min3A_169 : f32 to vector<16xf32>
        %eq3A_386 = arith.cmpf oeq, %get3A_384, %eq3A_385 : vector<16xf32>
        %add3A_387 = arith.constant 192 : i32
        %add3A_388 = vector.broadcast %add3A_387 : i32 to vector<16xi32>
        %add3A_389 = arith.addi %iota3A, %add3A_388 : vector<16xi32>
        %jit3A_390 = arith.constant 1048576 : i32
        %broadcast_in_dim3A_391 = vector.broadcast %jit3A_390 : i32 to vector<16xi32>
        %select_n3A_392 = arith.select %eq3A_386, %add3A_389, %broadcast_in_dim3A_391 : vector<16xi1>, vector<16xi32>
        %min3A_393 = arith.minsi %min3A_379, %select_n3A_392 : vector<16xi32>
        %add3A_394 = arith.constant 208 : i32
        %add3A_395 = arith.addi %mul3A_210, %add3A_394 : i32
        %multiple_of3A_396 = tpu.assume_multiple %add3A_395, 16 : i32
        %get3A_397 = arith.index_cast %multiple_of3A_396 : i32 to index
        %get3A_398 = tpu.vector_load %arg5[%get3A_397] {strides = array<i32>} : memref<16384xf32, #tpu.memory_space<vmem>>, vector<16xf32>,
        %eq3A_399 = vector.broadcast %reduce_min3A_169 : f32 to vector<16xf32>
        %eq3A_400 = arith.cmpf oeq, %get3A_398, %eq3A_399 : vector<16xf32>
        %add3A_401 = arith.constant 208 : i32
        %add3A_402 = vector.broadcast %add3A_401 : i32 to vector<16xi32>
        %add3A_403 = arith.addi %iota3A, %add3A_402 : vector<16xi32>
        %jit3A_404 = arith.constant 1048576 : i32
        %broadcast_in_dim3A_405 = vector.broadcast %jit3A_404 : i32 to vector<16xi32>
        %select_n3A_406 = arith.select %eq3A_400, %add3A_403, %broadcast_in_dim3A_405 : vector<16xi1>, vector<16xi32>
        %min3A_407 = arith.minsi %min3A_393, %select_n3A_406 : vector<16xi32>
        %add3A_408 = arith.constant 224 : i32
        %add3A_409 = arith.addi %mul3A_210, %add3A_408 : i32
        %multiple_of3A_410 = tpu.assume_multiple %add3A_409, 16 : i32
        %get3A_411 = arith.index_cast %multiple_of3A_410 : i32 to index
        %get3A_412 = tpu.vector_load %arg5[%get3A_411] {strides = array<i32>} : memref<16384xf32, #tpu.memory_space<vmem>>, vector<16xf32>,
        %eq3A_413 = vector.broadcast %reduce_min3A_169 : f32 to vector<16xf32>
        %eq3A_414 = arith.cmpf oeq, %get3A_412, %eq3A_413 : vector<16xf32>
        %add3A_415 = arith.constant 224 : i32
        %add3A_416 = vector.broadcast %add3A_415 : i32 to vector<16xi32>
        %add3A_417 = arith.addi %iota3A, %add3A_416 : vector<16xi32>
        %jit3A_418 = arith.constant 1048576 : i32
        %broadcast_in_dim3A_419 = vector.broadcast %jit3A_418 : i32 to vector<16xi32>
        %select_n3A_420 = arith.select %eq3A_414, %add3A_417, %broadcast_in_dim3A_419 : vector<16xi1>, vector<16xi32>
        %min3A_421 = arith.minsi %min3A_407, %select_n3A_420 : vector<16xi32>
        %add3A_422 = arith.constant 240 : i32
        %add3A_423 = arith.addi %mul3A_210, %add3A_422 : i32
        %multiple_of3A_424 = tpu.assume_multiple %add3A_423, 16 : i32
        %get3A_425 = arith.index_cast %multiple_of3A_424 : i32 to index
        %get3A_426 = tpu.vector_load %arg5[%get3A_425] {strides = array<i32>} : memref<16384xf32, #tpu.memory_space<vmem>>, vector<16xf32>,
        %eq3A_427 = vector.broadcast %reduce_min3A_169 : f32 to vector<16xf32>
        %eq3A_428 = arith.cmpf oeq, %get3A_426, %eq3A_427 : vector<16xf32>
        %add3A_429 = arith.constant 240 : i32
        %add3A_430 = vector.broadcast %add3A_429 : i32 to vector<16xi32>
        %add3A_431 = arith.addi %iota3A, %add3A_430 : vector<16xi32>
        %jit3A_432 = arith.constant 1048576 : i32
        %broadcast_in_dim3A_433 = vector.broadcast %jit3A_432 : i32 to vector<16xi32>
        %select_n3A_434 = arith.select %eq3A_428, %add3A_431, %broadcast_in_dim3A_433 : vector<16xi1>, vector<16xi32>
        %min3A_435 = arith.minsi %min3A_421, %select_n3A_434 : vector<16xi32>
        %reduce_min3A_436 = arith.constant true
        %reduce_min3A_437 = vector.broadcast %reduce_min3A_436 : i1 to vector<16xi1>
        %reduce_min3A_438 = arith.constant -2147483648 : i32
        %reduce_min3A_439 = vector.broadcast %reduce_min3A_438 : i32 to vector<16xi32>
        %reduce_min3A_440 = arith.xori %min3A_435, %reduce_min3A_439 : vector<16xi32>
        %reduce_min3A_441 = tpu.scan <min>, %reduce_min3A_440 masked %reduce_min3A_437 : vector<16xi32>, vector<16xi1> -> vector<16xi32>
        %reduce_min3A_442 = arith.xori %reduce_min3A_441, %reduce_min3A_439 : vector<16xi32>
        %reduce_min3A_443 = vector.extract %reduce_min3A_442[15] : i32 from vector<16xi32>
        %add3A_444 = arith.addi %mul3A_210, %reduce_min3A_443 : i32
        %jit3A_445 = arith.constant 16 : i32
        %div3A = arith.divsi %reduce_min3A_443, %jit3A_445 : i32
        %sign3A = arith.constant 0 : i32
        %sign3A_446 = arith.cmpi sgt, %reduce_min3A_443, %sign3A : i32
        %sign3A_447 = arith.extui %sign3A_446 : i1 to i32
        %sign3A_448 = arith.constant 0 : i32
        %sign3A_449 = arith.cmpi slt, %reduce_min3A_443, %sign3A_448 : i32
        %sign3A_450 = arith.extui %sign3A_449 : i1 to i32
        %sign3A_451 = arith.subi %sign3A_447, %sign3A_450 : i32
        %sign3A_452 = arith.constant 0 : i32
        %sign3A_453 = arith.cmpi sgt, %jit3A_445, %sign3A_452 : i32
        %sign3A_454 = arith.extui %sign3A_453 : i1 to i32
        %sign3A_455 = arith.constant 0 : i32
        %sign3A_456 = arith.cmpi slt, %jit3A_445, %sign3A_455 : i32
        %sign3A_457 = arith.extui %sign3A_456 : i1 to i32
        %sign3A_458 = arith.subi %sign3A_454, %sign3A_457 : i32
        %ne3A = arith.cmpi ne, %sign3A_451, %sign3A_458 : i32
        %rem3A = arith.remsi %reduce_min3A_443, %jit3A_445 : i32
        %ne3A_459 = arith.constant 0 : i32
        %ne3A_460 = arith.cmpi ne, %rem3A, %ne3A_459 : i32
        %and3A = arith.andi %ne3A, %ne3A_460 : i1
        %sub3A = arith.constant 1 : i32
        %sub3A_461 = arith.subi %div3A, %sub3A : i32
        %select_n3A_462 = arith.select %and3A, %sub3A_461, %div3A : i32
        %mul3A_463 = arith.constant 16 : i32
        %mul3A_464 = arith.muli %select_n3A_462, %mul3A_463 : i32
        %add3A_465 = arith.addi %mul3A_210, %mul3A_464 : i32
        %multiple_of3A_466 = tpu.assume_multiple %add3A_465, 16 : i32
        %jit3A_467 = arith.constant 16 : i32
        %eq3A_468 = arith.constant 0 : i32
        %eq3A_469 = arith.cmpi eq, %jit3A_467, %eq3A_468 : i32
        %jit3A_470 = arith.constant 1 : i32
        %select_n3A_471 = arith.select %eq3A_469, %jit3A_470, %jit3A_467 : i32
        %rem3A_472 = arith.remsi %reduce_min3A_443, %select_n3A_471 : i32
        %ne3A_473 = arith.constant 0 : i32
        %ne3A_474 = arith.cmpi ne, %rem3A_472, %ne3A_473 : i32
        %lt3A_475 = arith.constant 0 : i32
        %lt3A_476 = arith.cmpi slt, %rem3A_472, %lt3A_475 : i32
        %lt3A_477 = arith.constant 0 : i32
        %lt3A_478 = arith.cmpi slt, %select_n3A_471, %lt3A_477 : i32
        %ne3A_479 = arith.xori %lt3A_476, %lt3A_478 : i1
        %and3A_480 = arith.andi %ne3A_479, %ne3A_474 : i1
        %add3A_481 = arith.addi %rem3A_472, %select_n3A_471 : i32
        %select_n3A_482 = arith.select %and3A_480, %add3A_481, %rem3A_472 : i32
        %get3A_483 = arith.index_cast %multiple_of3A_466 : i32 to index
        %get3A_484 = tpu.vector_load %arg5[%get3A_483] {strides = array<i32>} : memref<16384xf32, #tpu.memory_space<vmem>>, vector<16xf32>,
        %eq3A_485 = vector.broadcast %select_n3A_482 : i32 to vector<16xi32>
        %eq3A_486 = arith.cmpi eq, %iota3A, %eq3A_485 : vector<16xi32>
        %jit3A_487 = arith.constant 1.000000e+30 : f32
        %broadcast_in_dim3A_488 = vector.broadcast %jit3A_487 : f32 to vector<16xf32>
        %select_n3A_489 = arith.select %eq3A_486, %broadcast_in_dim3A_488, %get3A_484 : vector<16xi1>, vector<16xf32>
        %swap3A_490 = arith.index_cast %multiple_of3A_466 : i32 to index
        %swap3A_491 = tpu.vector_load %arg5[%swap3A_490] {strides = array<i32>} : memref<16384xf32, #tpu.memory_space<vmem>>, vector<16xf32>,
        tpu.vector_store %arg5[%swap3A_490], %select_n3A_489 {strides = array<i32>} : memref<16384xf32, #tpu.memory_space<vmem>>, vector<16xf32>,
        %broadcast_in_dim3A_492 = arith.constant 1.000000e+30 : f32
        %broadcast_in_dim3A_493 = vector.broadcast %broadcast_in_dim3A_492 : f32 to vector<16xf32>
        %add3A_494 = arith.constant 0 : i32
        %add3A_495 = arith.addi %mul3A_210, %add3A_494 : i32
        %multiple_of3A_496 = tpu.assume_multiple %add3A_495, 16 : i32
        %get3A_497 = arith.index_cast %multiple_of3A_496 : i32 to index
        %get3A_498 = tpu.vector_load %arg5[%get3A_497] {strides = array<i32>} : memref<16384xf32, #tpu.memory_space<vmem>>, vector<16xf32>,
        %min3A_499 = arith.minimumf %broadcast_in_dim3A_493, %get3A_498 : vector<16xf32>
        %add3A_500 = arith.constant 16 : i32
        %add3A_501 = arith.addi %mul3A_210, %add3A_500 : i32
        %multiple_of3A_502 = tpu.assume_multiple %add3A_501, 16 : i32
        %get3A_503 = arith.index_cast %multiple_of3A_502 : i32 to index
        %get3A_504 = tpu.vector_load %arg5[%get3A_503] {strides = array<i32>} : memref<16384xf32, #tpu.memory_space<vmem>>, vector<16xf32>,
        %min3A_505 = arith.minimumf %min3A_499, %get3A_504 : vector<16xf32>
        %add3A_506 = arith.constant 32 : i32
        %add3A_507 = arith.addi %mul3A_210, %add3A_506 : i32
        %multiple_of3A_508 = tpu.assume_multiple %add3A_507, 16 : i32
        %get3A_509 = arith.index_cast %multiple_of3A_508 : i32 to index
        %get3A_510 = tpu.vector_load %arg5[%get3A_509] {strides = array<i32>} : memref<16384xf32, #tpu.memory_space<vmem>>, vector<16xf32>,
        %min3A_511 = arith.minimumf %min3A_505, %get3A_510 : vector<16xf32>
        %add3A_512 = arith.constant 48 : i32
        %add3A_513 = arith.addi %mul3A_210, %add3A_512 : i32
        %multiple_of3A_514 = tpu.assume_multiple %add3A_513, 16 : i32
        %get3A_515 = arith.index_cast %multiple_of3A_514 : i32 to index
        %get3A_516 = tpu.vector_load %arg5[%get3A_515] {strides = array<i32>} : memref<16384xf32, #tpu.memory_space<vmem>>, vector<16xf32>,
        %min3A_517 = arith.minimumf %min3A_511, %get3A_516 : vector<16xf32>
        %add3A_518 = arith.constant 64 : i32
        %add3A_519 = arith.addi %mul3A_210, %add3A_518 : i32
        %multiple_of3A_520 = tpu.assume_multiple %add3A_519, 16 : i32
        %get3A_521 = arith.index_cast %multiple_of3A_520 : i32 to index
        %get3A_522 = tpu.vector_load %arg5[%get3A_521] {strides = array<i32>} : memref<16384xf32, #tpu.memory_space<vmem>>, vector<16xf32>,
        %min3A_523 = arith.minimumf %min3A_517, %get3A_522 : vector<16xf32>
        %add3A_524 = arith.constant 80 : i32
        %add3A_525 = arith.addi %mul3A_210, %add3A_524 : i32
        %multiple_of3A_526 = tpu.assume_multiple %add3A_525, 16 : i32
        %get3A_527 = arith.index_cast %multiple_of3A_526 : i32 to index
        %get3A_528 = tpu.vector_load %arg5[%get3A_527] {strides = array<i32>} : memref<16384xf32, #tpu.memory_space<vmem>>, vector<16xf32>,
        %min3A_529 = arith.minimumf %min3A_523, %get3A_528 : vector<16xf32>
        %add3A_530 = arith.constant 96 : i32
        %add3A_531 = arith.addi %mul3A_210, %add3A_530 : i32
        %multiple_of3A_532 = tpu.assume_multiple %add3A_531, 16 : i32
        %get3A_533 = arith.index_cast %multiple_of3A_532 : i32 to index
        %get3A_534 = tpu.vector_load %arg5[%get3A_533] {strides = array<i32>} : memref<16384xf32, #tpu.memory_space<vmem>>, vector<16xf32>,
        %min3A_535 = arith.minimumf %min3A_529, %get3A_534 : vector<16xf32>
        %add3A_536 = arith.constant 112 : i32
        %add3A_537 = arith.addi %mul3A_210, %add3A_536 : i32
        %multiple_of3A_538 = tpu.assume_multiple %add3A_537, 16 : i32
        %get3A_539 = arith.index_cast %multiple_of3A_538 : i32 to index
        %get3A_540 = tpu.vector_load %arg5[%get3A_539] {strides = array<i32>} : memref<16384xf32, #tpu.memory_space<vmem>>, vector<16xf32>,
        %min3A_541 = arith.minimumf %min3A_535, %get3A_540 : vector<16xf32>
        %add3A_542 = arith.constant 128 : i32
        %add3A_543 = arith.addi %mul3A_210, %add3A_542 : i32
        %multiple_of3A_544 = tpu.assume_multiple %add3A_543, 16 : i32
        %get3A_545 = arith.index_cast %multiple_of3A_544 : i32 to index
        %get3A_546 = tpu.vector_load %arg5[%get3A_545] {strides = array<i32>} : memref<16384xf32, #tpu.memory_space<vmem>>, vector<16xf32>,
        %min3A_547 = arith.minimumf %min3A_541, %get3A_546 : vector<16xf32>
        %add3A_548 = arith.constant 144 : i32
        %add3A_549 = arith.addi %mul3A_210, %add3A_548 : i32
        %multiple_of3A_550 = tpu.assume_multiple %add3A_549, 16 : i32
        %get3A_551 = arith.index_cast %multiple_of3A_550 : i32 to index
        %get3A_552 = tpu.vector_load %arg5[%get3A_551] {strides = array<i32>} : memref<16384xf32, #tpu.memory_space<vmem>>, vector<16xf32>,
        %min3A_553 = arith.minimumf %min3A_547, %get3A_552 : vector<16xf32>
        %add3A_554 = arith.constant 160 : i32
        %add3A_555 = arith.addi %mul3A_210, %add3A_554 : i32
        %multiple_of3A_556 = tpu.assume_multiple %add3A_555, 16 : i32
        %get3A_557 = arith.index_cast %multiple_of3A_556 : i32 to index
        %get3A_558 = tpu.vector_load %arg5[%get3A_557] {strides = array<i32>} : memref<16384xf32, #tpu.memory_space<vmem>>, vector<16xf32>,
        %min3A_559 = arith.minimumf %min3A_553, %get3A_558 : vector<16xf32>
        %add3A_560 = arith.constant 176 : i32
        %add3A_561 = arith.addi %mul3A_210, %add3A_560 : i32
        %multiple_of3A_562 = tpu.assume_multiple %add3A_561, 16 : i32
        %get3A_563 = arith.index_cast %multiple_of3A_562 : i32 to index
        %get3A_564 = tpu.vector_load %arg5[%get3A_563] {strides = array<i32>} : memref<16384xf32, #tpu.memory_space<vmem>>, vector<16xf32>,
        %min3A_565 = arith.minimumf %min3A_559, %get3A_564 : vector<16xf32>
        %add3A_566 = arith.constant 192 : i32
        %add3A_567 = arith.addi %mul3A_210, %add3A_566 : i32
        %multiple_of3A_568 = tpu.assume_multiple %add3A_567, 16 : i32
        %get3A_569 = arith.index_cast %multiple_of3A_568 : i32 to index
        %get3A_570 = tpu.vector_load %arg5[%get3A_569] {strides = array<i32>} : memref<16384xf32, #tpu.memory_space<vmem>>, vector<16xf32>,
        %min3A_571 = arith.minimumf %min3A_565, %get3A_570 : vector<16xf32>
        %add3A_572 = arith.constant 208 : i32
        %add3A_573 = arith.addi %mul3A_210, %add3A_572 : i32
        %multiple_of3A_574 = tpu.assume_multiple %add3A_573, 16 : i32
        %get3A_575 = arith.index_cast %multiple_of3A_574 : i32 to index
        %get3A_576 = tpu.vector_load %arg5[%get3A_575] {strides = array<i32>} : memref<16384xf32, #tpu.memory_space<vmem>>, vector<16xf32>,
        %min3A_577 = arith.minimumf %min3A_571, %get3A_576 : vector<16xf32>
        %add3A_578 = arith.constant 224 : i32
        %add3A_579 = arith.addi %mul3A_210, %add3A_578 : i32
        %multiple_of3A_580 = tpu.assume_multiple %add3A_579, 16 : i32
        %get3A_581 = arith.index_cast %multiple_of3A_580 : i32 to index
        %get3A_582 = tpu.vector_load %arg5[%get3A_581] {strides = array<i32>} : memref<16384xf32, #tpu.memory_space<vmem>>, vector<16xf32>,
        %min3A_583 = arith.minimumf %min3A_577, %get3A_582 : vector<16xf32>
        %add3A_584 = arith.constant 240 : i32
        %add3A_585 = arith.addi %mul3A_210, %add3A_584 : i32
        %multiple_of3A_586 = tpu.assume_multiple %add3A_585, 16 : i32
        %get3A_587 = arith.index_cast %multiple_of3A_586 : i32 to index
        %get3A_588 = tpu.vector_load %arg5[%get3A_587] {strides = array<i32>} : memref<16384xf32, #tpu.memory_space<vmem>>, vector<16xf32>,
        %min3A_589 = arith.minimumf %min3A_583, %get3A_588 : vector<16xf32>
        %reduce_min3A_590 = arith.constant true
        %reduce_min3A_591 = vector.broadcast %reduce_min3A_590 : i1 to vector<16xi1>
        %reduce_min3A_592 = tpu.scan <min>, %min3A_589 masked %reduce_min3A_591 : vector<16xf32>, vector<16xi1> -> vector<16xf32>
        %reduce_min3A_593 = vector.extract %reduce_min3A_592[15] : f32 from vector<16xf32>
        %jit3A_594 = arith.constant 16 : i32
        %div3A_595 = arith.divsi %reduce_min3A_208, %jit3A_594 : i32
        %sign3A_596 = arith.constant 0 : i32
        %sign3A_597 = arith.cmpi sgt, %reduce_min3A_208, %sign3A_596 : i32
        %sign3A_598 = arith.extui %sign3A_597 : i1 to i32
        %sign3A_599 = arith.constant 0 : i32
        %sign3A_600 = arith.cmpi slt, %reduce_min3A_208, %sign3A_599 : i32
        %sign3A_601 = arith.extui %sign3A_600 : i1 to i32
        %sign3A_602 = arith.subi %sign3A_598, %sign3A_601 : i32
        %sign3A_603 = arith.constant 0 : i32
        %sign3A_604 = arith.cmpi sgt, %jit3A_594, %sign3A_603 : i32
        %sign3A_605 = arith.extui %sign3A_604 : i1 to i32
        %sign3A_606 = arith.constant 0 : i32
        %sign3A_607 = arith.cmpi slt, %jit3A_594, %sign3A_606 : i32
        %sign3A_608 = arith.extui %sign3A_607 : i1 to i32
        %sign3A_609 = arith.subi %sign3A_605, %sign3A_608 : i32
        %ne3A_610 = arith.cmpi ne, %sign3A_602, %sign3A_609 : i32
        %rem3A_611 = arith.remsi %reduce_min3A_208, %jit3A_594 : i32
        %ne3A_612 = arith.constant 0 : i32
        %ne3A_613 = arith.cmpi ne, %rem3A_611, %ne3A_612 : i32
        %and3A_614 = arith.andi %ne3A_610, %ne3A_613 : i1
        %sub3A_615 = arith.constant 1 : i32
        %sub3A_616 = arith.subi %div3A_595, %sub3A_615 : i32
        %select_n3A_617 = arith.select %and3A_614, %sub3A_616, %div3A_595 : i32
        %jit3A_618 = arith.constant 16 : i32
        %eq3A_619 = arith.constant 0 : i32
        %eq3A_620 = arith.cmpi eq, %jit3A_618, %eq3A_619 : i32
        %jit3A_621 = arith.constant 1 : i32
        %select_n3A_622 = arith.select %eq3A_620, %jit3A_621, %jit3A_618 : i32
        %rem3A_623 = arith.remsi %reduce_min3A_208, %select_n3A_622 : i32
        %ne3A_624 = arith.constant 0 : i32
        %ne3A_625 = arith.cmpi ne, %rem3A_623, %ne3A_624 : i32
        %lt3A_626 = arith.constant 0 : i32
        %lt3A_627 = arith.cmpi slt, %rem3A_623, %lt3A_626 : i32
        %lt3A_628 = arith.constant 0 : i32
        %lt3A_629 = arith.cmpi slt, %select_n3A_622, %lt3A_628 : i32
        %ne3A_630 = arith.xori %lt3A_627, %lt3A_629 : i1
        %and3A_631 = arith.andi %ne3A_630, %ne3A_625 : i1
        %add3A_632 = arith.addi %rem3A_623, %select_n3A_622 : i32
        %select_n3A_633 = arith.select %and3A_631, %add3A_632, %rem3A_623 : i32
        %eq3A_634 = vector.broadcast %select_n3A_633 : i32 to vector<16xi32>
        %eq3A_635 = arith.cmpi eq, %iota3A, %eq3A_634 : vector<16xi32>
        %eq3A_636 = arith.constant 0 : i32
        %eq3A_637 = arith.cmpi eq, %select_n3A_617, %eq3A_636 : i32
        %and3A_638 = vector.broadcast %eq3A_637 : i1 to vector<16xi1>
        %and3A_639 = arith.andi %eq3A_635, %and3A_638 : vector<16xi1>
        %broadcast_in_dim3A_640 = vector.broadcast %reduce_min3A_593 : f32 to vector<16xf32>
        %select_n3A_641 = arith.select %and3A_639, %broadcast_in_dim3A_640, %scan3A_161 : vector<16xi1>, vector<16xf32>
        %eq3A_642 = arith.constant 1 : i32
        %eq3A_643 = arith.cmpi eq, %select_n3A_617, %eq3A_642 : i32
        %and3A_644 = vector.broadcast %eq3A_643 : i1 to vector<16xi1>
        %and3A_645 = arith.andi %eq3A_635, %and3A_644 : vector<16xi1>
        %broadcast_in_dim3A_646 = vector.broadcast %reduce_min3A_593 : f32 to vector<16xf32>
        %select_n3A_647 = arith.select %and3A_645, %broadcast_in_dim3A_646, %scan3A_162 : vector<16xi1>, vector<16xf32>
        %eq3A_648 = arith.constant 2 : i32
        %eq3A_649 = arith.cmpi eq, %select_n3A_617, %eq3A_648 : i32
        %and3A_650 = vector.broadcast %eq3A_649 : i1 to vector<16xi1>
        %and3A_651 = arith.andi %eq3A_635, %and3A_650 : vector<16xi1>
        %broadcast_in_dim3A_652 = vector.broadcast %reduce_min3A_593 : f32 to vector<16xf32>
        %select_n3A_653 = arith.select %and3A_651, %broadcast_in_dim3A_652, %scan3A_163 : vector<16xi1>, vector<16xf32>
        %eq3A_654 = arith.constant 3 : i32
        %eq3A_655 = arith.cmpi eq, %select_n3A_617, %eq3A_654 : i32
        %and3A_656 = vector.broadcast %eq3A_655 : i1 to vector<16xi1>
        %and3A_657 = arith.andi %eq3A_635, %and3A_656 : vector<16xi1>
        %broadcast_in_dim3A_658 = vector.broadcast %reduce_min3A_593 : f32 to vector<16xf32>
        %select_n3A_659 = arith.select %and3A_657, %broadcast_in_dim3A_658, %scan3A_164 : vector<16xi1>, vector<16xf32>
        %eq3A_660 = vector.broadcast %scan3A_158 : i32 to vector<16xi32>
        %eq3A_661 = arith.cmpi eq, %iota3A, %eq3A_660 : vector<16xi32>
        %broadcast_in_dim3A_662 = vector.broadcast %add3A_444 : i32 to vector<16xi32>
        %select_n3A_663 = arith.select %eq3A_661, %broadcast_in_dim3A_662, %scan3A_159 : vector<16xi1>, vector<16xi32>
        %sub3A_664 = arith.constant 16 : i32
        %sub3A_665 = arith.subi %scan3A_158, %sub3A_664 : i32
        %eq3A_666 = vector.broadcast %sub3A_665 : i32 to vector<16xi32>
        %eq3A_667 = arith.cmpi eq, %iota3A, %eq3A_666 : vector<16xi32>
        %broadcast_in_dim3A_668 = vector.broadcast %add3A_444 : i32 to vector<16xi32>
        %select_n3A_669 = arith.select %eq3A_667, %broadcast_in_dim3A_668, %scan3A_160 : vector<16xi1>, vector<16xi32>
        scf.yield %select_n3A_663, %select_n3A_669, %select_n3A_641, %select_n3A_647, %select_n3A_653, %select_n3A_659 : vector<16xi32>, vector<16xi32>, vector<16xf32>, vector<16xf32>, vector<16xf32>, vector<16xf32>
      }
      %scan3A_147 = arith.constant 32 : i32
      %mul3A_148 = arith.constant 32 : i32
      %mul3A_149 = arith.muli %add3A_29, %mul3A_148 : i32
      %multiple_of3A_150 = tpu.assume_multiple %mul3A_149, 16 : i32
      %swap3A_151 = arith.index_cast %multiple_of3A_150 : i32 to index
      %swap3A_152 = tpu.vector_load %arg6[%swap3A_151] {strides = array<i32>} : memref<4096xi32, #tpu.memory_space<vmem>>, vector<16xi32>,
      tpu.vector_store %arg6[%swap3A_151], %scan3A_146#0 {strides = array<i32>} : memref<4096xi32, #tpu.memory_space<vmem>>, vector<16xi32>,
      %add3A_153 = arith.constant 16 : i32
      %add3A_154 = arith.addi %multiple_of3A_150, %add3A_153 : i32
      %swap3A_155 = arith.index_cast %add3A_154 : i32 to index
      %swap3A_156 = tpu.vector_load %arg6[%swap3A_155] {strides = array<i32>} : memref<4096xi32, #tpu.memory_space<vmem>>, vector<16xi32>,
      tpu.vector_store %arg6[%swap3A_155], %scan3A_146#1 {strides = array<i32>} : memref<4096xi32, #tpu.memory_space<vmem>>, vector<16xi32>,
      %scan3A_157 = arith.constant 0 : i32
      scf.yield %scan3A_157 : i32
    }
    %scan3A_13 = arith.constant 64 : i32
    %dma_wait3A = arith.constant 0 : i32
    %dma_wait3A_14 = arith.constant 0 : i32
    %dma_wait3A_15 = tpu.memref_slice %arg2[%dma_wait3A, %dma_wait3A_14] : memref<4096x16384xf32, #tpu.memory_space<hbm>> -> memref<1x16384xf32, #tpu.memory_space<hbm>>
    %dma_wait3A_16 = tpu.memref_squeeze %dma_wait3A_15 : memref<1x16384xf32, #tpu.memory_space<hbm>> -> memref<16384xf32, #tpu.memory_space<hbm>>
    %dma_wait3A_17 = arith.constant 0 : i32
    %dma_wait3A_18 = tpu.memref_slice %arg2[%dma_wait3A, %dma_wait3A_17] : memref<4096x16384xf32, #tpu.memory_space<hbm>> -> memref<1x16384xf32, #tpu.memory_space<hbm>>
    %dma_wait3A_19 = tpu.memref_squeeze %dma_wait3A_18 : memref<1x16384xf32, #tpu.memory_space<hbm>> -> memref<16384xf32, #tpu.memory_space<hbm>>
    tpu.wait_dma2 semaphore(%arg7 : memref<!tpu.dma_semaphore, #tpu.memory_space<semaphore_mem>>) src(%dma_wait3A_19 : memref<16384xf32, #tpu.memory_space<hbm>>) dst(%arg4 : memref<16384xf32, #tpu.memory_space<vmem>>)
    %mul3A_20 = arith.constant 4096 : i32
    %mul3A_21 = arith.muli %add3A, %mul3A_20 : i32
    "tpu.region"() ({
      %run_scoped3A = tpu.sem_alloc : memref<!tpu.dma_semaphore, #tpu.memory_space<semaphore_mem>>
      %dma_start3A_22 = tpu.memref_slice %arg3[%mul3A_21] : memref<131072xi32, #tpu.memory_space<hbm>> -> memref<4096xi32, #tpu.memory_space<hbm>>
      %dma_start3A_23 = tpu.memref_slice %arg3[%mul3A_21] : memref<131072xi32, #tpu.memory_space<hbm>> -> memref<4096xi32, #tpu.memory_space<hbm>>
      tpu.enqueue_dma source(%arg6 : memref<4096xi32, #tpu.memory_space<vmem>>) target(%dma_start3A_23 : memref<4096xi32, #tpu.memory_space<hbm>>) target_semaphore(%run_scoped3A : memref<!tpu.dma_semaphore, #tpu.memory_space<semaphore_mem>>)
      %dma_wait3A_24 = tpu.memref_slice %arg3[%mul3A_21] : memref<131072xi32, #tpu.memory_space<hbm>> -> memref<4096xi32, #tpu.memory_space<hbm>>
      %dma_wait3A_25 = tpu.memref_slice %arg3[%mul3A_21] : memref<131072xi32, #tpu.memory_space<hbm>> -> memref<4096xi32, #tpu.memory_space<hbm>>
      tpu.wait_dma2 semaphore(%run_scoped3A : memref<!tpu.dma_semaphore, #tpu.memory_space<semaphore_mem>>) src(%arg6 : memref<4096xi32, #tpu.memory_space<vmem>>) dst(%dma_wait3A_25 : memref<4096xi32, #tpu.memory_space<hbm>>)
      tpu.yield
    }) : () -> ()
    return
  }
}

#map = affine_map<(d0, d1) -> (0)>
#map1 = affine_map<(d0, d1) -> (0, 0)>
module attributes {stable_mosaic.version = 14 : i64} {
  func.func @_gather_body(%arg0: i32, %arg1: i32, %arg2: memref<4194304xf32, #tpu.memory_space<hbm>>, %arg3: memref<65536x128xf32, #tpu.memory_space<hbm>>, %arg4: memref<65536xf32, #tpu.memory_space<hbm>>, %arg5: memref<65536xf32, #tpu.memory_space<hbm>>, %arg6: memref<65536xf32, #tpu.memory_space<hbm>>, %arg7: memref<4096xf32, #tpu.memory_space<hbm>>, %arg8: memref<4096xf32, #tpu.memory_space<hbm>>, %arg9: memref<4096xf32, #tpu.memory_space<hbm>>, %arg10: memref<4096xi32, #tpu.memory_space<hbm>>, %arg11: memref<131072xi32, #tpu.memory_space<hbm>>, %arg12: memref<131072x128xf32, #tpu.memory_space<hbm>>, %arg13: memref<262144xf32, #tpu.memory_space<hbm>>, %arg14: memref<393216xf32, #tpu.memory_space<hbm>>, %arg15: memref<32768xi32, #tpu.memory_space<vmem>>, %arg16: memref<4096xi32, #tpu.memory_space<vmem>>, %arg17: memref<4096xf32, #tpu.memory_space<vmem>>, %arg18: memref<512x128xf32, #tpu.memory_space<vmem>>, %arg19: memref<1024xi32, #tpu.memory_space<vmem>>, %arg20: memref<1024xi32, #tpu.memory_space<vmem>>, %arg21: memref<1024xf32, #tpu.memory_space<vmem>>, %arg22: memref<1024xf32, #tpu.memory_space<vmem>>, %arg23: memref<!tpu.dma_semaphore, #tpu.memory_space<semaphore_mem>>) attributes {dimension_semantics = [#tpu.dimension_semantics<core_parallel>, #tpu.dimension_semantics<subcore_parallel>], iteration_bounds = array<i64: 2, 16>, scalar_prefetch = 0 : i64, scratch_operands = 9 : i64, tpu.core_type = #tpu.core_type<sc_vector_subcore>, window_params = [{transform_indices = #map}, {transform_indices = #map1}, {transform_indices = #map}, {transform_indices = #map}, {transform_indices = #map}, {transform_indices = #map}, {transform_indices = #map}, {transform_indices = #map}, {transform_indices = #map}, {transform_indices = #map}, {transform_indices = #map1}, {transform_indices = #map}, {transform_indices = #map}]} {
    %mul3A = arith.constant 2 : i32
    %mul3A_0 = arith.muli %arg1, %mul3A : i32
    %add3A = arith.addi %mul3A_0, %arg0 : i32
    %jit3A = arith.constant 8 : i32
    %div3A = arith.divsi %add3A, %jit3A : i32
    %sign3A = arith.constant 0 : i32
    %sign3A_1 = arith.cmpi sgt, %add3A, %sign3A : i32
    %sign3A_2 = arith.extui %sign3A_1 : i1 to i32
    %sign3A_3 = arith.constant 0 : i32
    %sign3A_4 = arith.cmpi slt, %add3A, %sign3A_3 : i32
    %sign3A_5 = arith.extui %sign3A_4 : i1 to i32
    %sign3A_6 = arith.subi %sign3A_2, %sign3A_5 : i32
    %sign3A_7 = arith.constant 0 : i32
    %sign3A_8 = arith.cmpi sgt, %jit3A, %sign3A_7 : i32
    %sign3A_9 = arith.extui %sign3A_8 : i1 to i32
    %sign3A_10 = arith.constant 0 : i32
    %sign3A_11 = arith.cmpi slt, %jit3A, %sign3A_10 : i32
    %sign3A_12 = arith.extui %sign3A_11 : i1 to i32
    %sign3A_13 = arith.subi %sign3A_9, %sign3A_12 : i32
    %ne3A = arith.cmpi ne, %sign3A_6, %sign3A_13 : i32
    %rem3A = arith.remsi %add3A, %jit3A : i32
    %ne3A_14 = arith.constant 0 : i32
    %ne3A_15 = arith.cmpi ne, %rem3A, %ne3A_14 : i32
    %and3A = arith.andi %ne3A, %ne3A_15 : i1
    %sub3A = arith.constant 1 : i32
    %sub3A_16 = arith.subi %div3A, %sub3A : i32
    %select_n3A = arith.select %and3A, %sub3A_16, %div3A : i32
    %jit3A_17 = arith.constant 8 : i32
    %eq3A = arith.constant 0 : i32
    %eq3A_18 = arith.cmpi eq, %jit3A_17, %eq3A : i32
    %jit3A_19 = arith.constant 1 : i32
    %select_n3A_20 = arith.select %eq3A_18, %jit3A_19, %jit3A_17 : i32
    %rem3A_21 = arith.remsi %add3A, %select_n3A_20 : i32
    %ne3A_22 = arith.constant 0 : i32
    %ne3A_23 = arith.cmpi ne, %rem3A_21, %ne3A_22 : i32
    %lt3A = arith.constant 0 : i32
    %lt3A_24 = arith.cmpi slt, %rem3A_21, %lt3A : i32
    %lt3A_25 = arith.constant 0 : i32
    %lt3A_26 = arith.cmpi slt, %select_n3A_20, %lt3A_25 : i32
    %ne3A_27 = arith.xori %lt3A_24, %lt3A_26 : i1
    %and3A_28 = arith.andi %ne3A_27, %ne3A_23 : i1
    %add3A_29 = arith.addi %rem3A_21, %select_n3A_20 : i32
    %select_n3A_30 = arith.select %and3A_28, %add3A_29, %rem3A_21 : i32
    %mul3A_31 = arith.constant 32768 : i32
    %mul3A_32 = arith.muli %select_n3A, %mul3A_31 : i32
    "tpu.region"() ({
      %run_scoped3A = tpu.sem_alloc : memref<!tpu.dma_semaphore, #tpu.memory_space<semaphore_mem>>
      %dma_start3A_212 = tpu.memref_slice %arg11[%mul3A_32] : memref<131072xi32, #tpu.memory_space<hbm>> -> memref<32768xi32, #tpu.memory_space<hbm>>
      %dma_start3A_213 = tpu.memref_slice %arg11[%mul3A_32] : memref<131072xi32, #tpu.memory_space<hbm>> -> memref<32768xi32, #tpu.memory_space<hbm>>
      tpu.enqueue_dma source(%dma_start3A_213 : memref<32768xi32, #tpu.memory_space<hbm>>) target(%arg15 : memref<32768xi32, #tpu.memory_space<vmem>>) target_semaphore(%run_scoped3A : memref<!tpu.dma_semaphore, #tpu.memory_space<semaphore_mem>>)
      %dma_wait3A_214 = tpu.memref_slice %arg11[%mul3A_32] : memref<131072xi32, #tpu.memory_space<hbm>> -> memref<32768xi32, #tpu.memory_space<hbm>>
      %dma_wait3A_215 = tpu.memref_slice %arg11[%mul3A_32] : memref<131072xi32, #tpu.memory_space<hbm>> -> memref<32768xi32, #tpu.memory_space<hbm>>
      tpu.wait_dma2 semaphore(%run_scoped3A : memref<!tpu.dma_semaphore, #tpu.memory_space<semaphore_mem>>) src(%dma_wait3A_215 : memref<32768xi32, #tpu.memory_space<hbm>>) dst(%arg15 : memref<32768xi32, #tpu.memory_space<vmem>>)
      tpu.yield
    }) : () -> ()
    %mul3A_33 = arith.constant 1024 : i32
    %mul3A_34 = arith.muli %select_n3A, %mul3A_33 : i32
    "tpu.region"() ({
      %run_scoped3A = tpu.sem_alloc : memref<!tpu.dma_semaphore, #tpu.memory_space<semaphore_mem>>
      %dma_start3A_212 = tpu.memref_slice %arg10[%mul3A_34] : memref<4096xi32, #tpu.memory_space<hbm>> -> memref<1024xi32, #tpu.memory_space<hbm>>
      %dma_start3A_213 = tpu.memref_slice %arg10[%mul3A_34] : memref<4096xi32, #tpu.memory_space<hbm>> -> memref<1024xi32, #tpu.memory_space<hbm>>
      tpu.enqueue_dma source(%dma_start3A_213 : memref<1024xi32, #tpu.memory_space<hbm>>) target(%arg19 : memref<1024xi32, #tpu.memory_space<vmem>>) target_semaphore(%run_scoped3A : memref<!tpu.dma_semaphore, #tpu.memory_space<semaphore_mem>>)
      %dma_wait3A_214 = tpu.memref_slice %arg10[%mul3A_34] : memref<4096xi32, #tpu.memory_space<hbm>> -> memref<1024xi32, #tpu.memory_space<hbm>>
      %dma_wait3A_215 = tpu.memref_slice %arg10[%mul3A_34] : memref<4096xi32, #tpu.memory_space<hbm>> -> memref<1024xi32, #tpu.memory_space<hbm>>
      tpu.wait_dma2 semaphore(%run_scoped3A : memref<!tpu.dma_semaphore, #tpu.memory_space<semaphore_mem>>) src(%dma_wait3A_215 : memref<1024xi32, #tpu.memory_space<hbm>>) dst(%arg19 : memref<1024xi32, #tpu.memory_space<vmem>>)
      tpu.yield
    }) : () -> ()
    %scan3A = arith.constant 0 : i32
    %scan3A_35 = arith.constant 0 : i32
    %scan3A_36 = arith.constant 8 : i32
    %scan3A_37 = arith.addi %scan3A_35, %scan3A_36 : i32
    %scan3A_38 = arith.constant 1 : i32
    %scan3A_39 = scf.for %scan3A_212 = %scan3A_35 to %scan3A_37 step %scan3A_38 iter_args(%scan3A_213 = %scan3A) -> (i32)  : i32 {
      %mul3A_214 = arith.constant 4096 : i32
      %mul3A_215 = arith.muli %select_n3A_30, %mul3A_214 : i32
      %mul3A_216 = arith.constant 512 : i32
      %mul3A_217 = arith.muli %scan3A_212, %mul3A_216 : i32
      %add3A_218 = arith.addi %mul3A_215, %mul3A_217 : i32
      %multiple_of3A = tpu.assume_multiple %add3A_218, 16 : i32
      %scan3A_219 = arith.constant 0 : i32
      %scan3A_220 = arith.constant 0 : i32
      %scan3A_221 = arith.constant 32 : i32
      %scan3A_222 = arith.addi %scan3A_220, %scan3A_221 : i32
      %scan3A_223 = arith.constant 1 : i32
      %scan3A_224 = scf.for %scan3A_242 = %scan3A_220 to %scan3A_222 step %scan3A_223 iter_args(%scan3A_243 = %scan3A_219) -> (i32)  : i32 {
        %mul3A_244 = arith.constant 16 : i32
        %mul3A_245 = arith.muli %scan3A_242, %mul3A_244 : i32
        %multiple_of3A_246 = tpu.assume_multiple %mul3A_245, 16 : i32
        %add3A_247 = arith.addi %multiple_of3A, %multiple_of3A_246 : i32
        %get3A = arith.index_cast %add3A_247 : i32 to index
        %get3A_248 = tpu.vector_load %arg15[%get3A] {strides = array<i32>} : memref<32768xi32, #tpu.memory_space<vmem>>, vector<16xi32>,
        %mul3A_249 = arith.constant 16384 : i32
        %mul3A_250 = arith.muli %select_n3A, %mul3A_249 : i32
        %add3A_251 = vector.broadcast %mul3A_250 : i32 to vector<16xi32>
        %add3A_252 = arith.addi %get3A_248, %add3A_251 : vector<16xi32>
        %swap3A = arith.index_cast %multiple_of3A_246 : i32 to index
        %swap3A_253 = tpu.vector_load %arg16[%swap3A] {strides = array<i32>} : memref<4096xi32, #tpu.memory_space<vmem>>, vector<16xi32>,
        tpu.vector_store %arg16[%swap3A], %add3A_252 {strides = array<i32>} : memref<4096xi32, #tpu.memory_space<vmem>>, vector<16xi32>,
        %scan3A_254 = arith.constant 0 : i32
        scf.yield %scan3A_254 : i32
      }
      %scan3A_225 = arith.constant 32 : i32
      %dma_start3A_226 = arith.constant 0 : i32
      %dma_start3A_227 = tpu.memref_slice %arg16[%dma_start3A_226] : memref<4096xi32, #tpu.memory_space<vmem>> -> memref<512xi32, #tpu.memory_space<vmem>>
      %dma_start3A_228 = arith.constant 0 : i32
      %dma_start3A_229 = arith.constant 0 : i32
      %dma_start3A_230 = tpu.memref_slice %arg3[%dma_start3A_228, %dma_start3A_229] : memref<65536x128xf32, #tpu.memory_space<hbm>> -> memref<65536x128xf32, #tpu.memory_space<hbm>>
      tpu.enqueue_indirect_dma source(%dma_start3A_230 : memref<65536x128xf32, #tpu.memory_space<hbm>>) target(%arg18 : memref<512x128xf32, #tpu.memory_space<vmem>>) offsets(%dma_start3A_227 : memref<512xi32, #tpu.memory_space<vmem>>) semaphore(%arg23 : memref<!tpu.dma_semaphore, #tpu.memory_space<semaphore_mem>>)
      %dma_wait3A_231 = arith.constant 0 : i32
      %dma_wait3A_232 = tpu.memref_slice %arg16[%dma_wait3A_231] : memref<4096xi32, #tpu.memory_space<vmem>> -> memref<512xi32, #tpu.memory_space<vmem>>
      %dma_wait3A_233 = arith.constant 0 : i32
      %dma_wait3A_234 = arith.constant 0 : i32
      %dma_wait3A_235 = tpu.memref_slice %arg3[%dma_wait3A_233, %dma_wait3A_234] : memref<65536x128xf32, #tpu.memory_space<hbm>> -> memref<65536x128xf32, #tpu.memory_space<hbm>>
      tpu.wait_indirect_dma semaphore(%arg23 : memref<!tpu.dma_semaphore, #tpu.memory_space<semaphore_mem>>) src(%dma_wait3A_235 : memref<65536x128xf32, #tpu.memory_space<hbm>>) dst(%arg18 : memref<512x128xf32, #tpu.memory_space<vmem>>)
      %mul3A_236 = arith.constant 4096 : i32
      %mul3A_237 = arith.muli %add3A, %mul3A_236 : i32
      %mul3A_238 = arith.constant 512 : i32
      %mul3A_239 = arith.muli %scan3A_212, %mul3A_238 : i32
      %add3A_240 = arith.addi %mul3A_237, %mul3A_239 : i32
      "tpu.region"() ({
        %run_scoped3A = tpu.sem_alloc : memref<!tpu.dma_semaphore, #tpu.memory_space<semaphore_mem>>
        %dma_start3A_242 = arith.constant 0 : i32
        %dma_start3A_243 = tpu.memref_slice %arg12[%add3A_240, %dma_start3A_242] : memref<131072x128xf32, #tpu.memory_space<hbm>> -> memref<512x128xf32, #tpu.memory_space<hbm>>
        %dma_start3A_244 = arith.constant 0 : i32
        %dma_start3A_245 = tpu.memref_slice %arg12[%add3A_240, %dma_start3A_244] : memref<131072x128xf32, #tpu.memory_space<hbm>> -> memref<512x128xf32, #tpu.memory_space<hbm>>
        tpu.enqueue_dma source(%arg18 : memref<512x128xf32, #tpu.memory_space<vmem>>) target(%dma_start3A_245 : memref<512x128xf32, #tpu.memory_space<hbm>>) target_semaphore(%run_scoped3A : memref<!tpu.dma_semaphore, #tpu.memory_space<semaphore_mem>>)
        %dma_wait3A_246 = arith.constant 0 : i32
        %dma_wait3A_247 = tpu.memref_slice %arg12[%add3A_240, %dma_wait3A_246] : memref<131072x128xf32, #tpu.memory_space<hbm>> -> memref<512x128xf32, #tpu.memory_space<hbm>>
        %dma_wait3A_248 = arith.constant 0 : i32
        %dma_wait3A_249 = tpu.memref_slice %arg12[%add3A_240, %dma_wait3A_248] : memref<131072x128xf32, #tpu.memory_space<hbm>> -> memref<512x128xf32, #tpu.memory_space<hbm>>
        tpu.wait_dma2 semaphore(%run_scoped3A : memref<!tpu.dma_semaphore, #tpu.memory_space<semaphore_mem>>) src(%arg18 : memref<512x128xf32, #tpu.memory_space<vmem>>) dst(%dma_wait3A_249 : memref<512x128xf32, #tpu.memory_space<hbm>>)
        tpu.yield
      }) : () -> ()
      %scan3A_241 = arith.constant 0 : i32
      scf.yield %scan3A_241 : i32
    }
    %scan3A_40 = arith.constant 8 : i32
    %mul3A_41 = arith.constant 64 : i32
    %mul3A_42 = arith.muli %select_n3A, %mul3A_41 : i32
    %mul3A_43 = arith.constant 8 : i32
    %mul3A_44 = arith.muli %select_n3A_30, %mul3A_43 : i32
    %add3A_45 = arith.addi %mul3A_42, %mul3A_44 : i32
    %add3A_46 = arith.constant 0 : i32
    %add3A_47 = arith.addi %add3A_45, %add3A_46 : i32
    %mul3A_48 = arith.constant 16384 : i32
    %mul3A_49 = arith.muli %add3A_47, %mul3A_48 : i32
    %scan3A_50 = arith.constant 0 : i32
    %scan3A_51 = arith.constant 64 : i32
    %scan3A_52 = arith.addi %scan3A_50, %scan3A_51 : i32
    %scan3A_53 = arith.constant 1 : i32
    scf.for %scan3A_212 = %scan3A_50 to %scan3A_52 step %scan3A_53  : i32 {
      %mul3A_213 = arith.constant 16 : i32
      %mul3A_214 = arith.muli %scan3A_212, %mul3A_213 : i32
      %multiple_of3A = tpu.assume_multiple %mul3A_214, 16 : i32
      %get3A = arith.index_cast %multiple_of3A : i32 to index
      %get3A_215 = tpu.vector_load %arg19[%get3A] {strides = array<i32>} : memref<1024xi32, #tpu.memory_space<vmem>>, vector<16xi32>,
      %add3A_216 = vector.broadcast %mul3A_49 : i32 to vector<16xi32>
      %add3A_217 = arith.addi %get3A_215, %add3A_216 : vector<16xi32>
      %swap3A = arith.index_cast %multiple_of3A : i32 to index
      %swap3A_218 = tpu.vector_load %arg20[%swap3A] {strides = array<i32>} : memref<1024xi32, #tpu.memory_space<vmem>>, vector<16xi32>,
      tpu.vector_store %arg20[%swap3A], %add3A_217 {strides = array<i32>} : memref<1024xi32, #tpu.memory_space<vmem>>, vector<16xi32>,
    }
    %scan3A_54 = arith.constant 64 : i32
    %dma_start3A = arith.constant 0 : i32
    %dma_start3A_55 = tpu.memref_slice %arg2[%dma_start3A] : memref<4194304xf32, #tpu.memory_space<hbm>> -> memref<4194304xf32, #tpu.memory_space<hbm>>
    tpu.enqueue_indirect_dma source(%dma_start3A_55 : memref<4194304xf32, #tpu.memory_space<hbm>>) target(%arg21 : memref<1024xf32, #tpu.memory_space<vmem>>) offsets(%arg20 : memref<1024xi32, #tpu.memory_space<vmem>>) semaphore(%arg23 : memref<!tpu.dma_semaphore, #tpu.memory_space<semaphore_mem>>)
    %dma_wait3A = arith.constant 0 : i32
    %dma_wait3A_56 = tpu.memref_slice %arg2[%dma_wait3A] : memref<4194304xf32, #tpu.memory_space<hbm>> -> memref<4194304xf32, #tpu.memory_space<hbm>>
    tpu.wait_indirect_dma semaphore(%arg23 : memref<!tpu.dma_semaphore, #tpu.memory_space<semaphore_mem>>) src(%dma_wait3A_56 : memref<4194304xf32, #tpu.memory_space<hbm>>) dst(%arg21 : memref<1024xf32, #tpu.memory_space<vmem>>)
    %mul3A_57 = arith.constant 1024 : i32
    %mul3A_58 = arith.muli %add3A_47, %mul3A_57 : i32
    "tpu.region"() ({
      %run_scoped3A = tpu.sem_alloc : memref<!tpu.dma_semaphore, #tpu.memory_space<semaphore_mem>>
      %dma_start3A_212 = tpu.memref_slice %arg13[%mul3A_58] : memref<262144xf32, #tpu.memory_space<hbm>> -> memref<1024xf32, #tpu.memory_space<hbm>>
      %dma_start3A_213 = tpu.memref_slice %arg13[%mul3A_58] : memref<262144xf32, #tpu.memory_space<hbm>> -> memref<1024xf32, #tpu.memory_space<hbm>>
      tpu.enqueue_dma source(%arg21 : memref<1024xf32, #tpu.memory_space<vmem>>) target(%dma_start3A_213 : memref<1024xf32, #tpu.memory_space<hbm>>) target_semaphore(%run_scoped3A : memref<!tpu.dma_semaphore, #tpu.memory_space<semaphore_mem>>)
      %dma_wait3A_214 = tpu.memref_slice %arg13[%mul3A_58] : memref<262144xf32, #tpu.memory_space<hbm>> -> memref<1024xf32, #tpu.memory_space<hbm>>
      %dma_wait3A_215 = tpu.memref_slice %arg13[%mul3A_58] : memref<262144xf32, #tpu.memory_space<hbm>> -> memref<1024xf32, #tpu.memory_space<hbm>>
      tpu.wait_dma2 semaphore(%run_scoped3A : memref<!tpu.dma_semaphore, #tpu.memory_space<semaphore_mem>>) src(%arg21 : memref<1024xf32, #tpu.memory_space<vmem>>) dst(%dma_wait3A_215 : memref<1024xf32, #tpu.memory_space<hbm>>)
      tpu.yield
    }) : () -> ()
    %mul3A_59 = arith.constant 64 : i32
    %mul3A_60 = arith.muli %select_n3A, %mul3A_59 : i32
    %mul3A_61 = arith.constant 8 : i32
    %mul3A_62 = arith.muli %select_n3A_30, %mul3A_61 : i32
    %add3A_63 = arith.addi %mul3A_60, %mul3A_62 : i32
    %add3A_64 = arith.constant 1 : i32
    %add3A_65 = arith.addi %add3A_63, %add3A_64 : i32
    %mul3A_66 = arith.constant 16384 : i32
    %mul3A_67 = arith.muli %add3A_65, %mul3A_66 : i32
    %scan3A_68 = arith.constant 0 : i32
    %scan3A_69 = arith.constant 64 : i32
    %scan3A_70 = arith.addi %scan3A_68, %scan3A_69 : i32
    %scan3A_71 = arith.constant 1 : i32
    scf.for %scan3A_212 = %scan3A_68 to %scan3A_70 step %scan3A_71  : i32 {
      %mul3A_213 = arith.constant 16 : i32
      %mul3A_214 = arith.muli %scan3A_212, %mul3A_213 : i32
      %multiple_of3A = tpu.assume_multiple %mul3A_214, 16 : i32
      %get3A = arith.index_cast %multiple_of3A : i32 to index
      %get3A_215 = tpu.vector_load %arg19[%get3A] {strides = array<i32>} : memref<1024xi32, #tpu.memory_space<vmem>>, vector<16xi32>,
      %add3A_216 = vector.broadcast %mul3A_67 : i32 to vector<16xi32>
      %add3A_217 = arith.addi %get3A_215, %add3A_216 : vector<16xi32>
      %swap3A = arith.index_cast %multiple_of3A : i32 to index
      %swap3A_218 = tpu.vector_load %arg20[%swap3A] {strides = array<i32>} : memref<1024xi32, #tpu.memory_space<vmem>>, vector<16xi32>,
      tpu.vector_store %arg20[%swap3A], %add3A_217 {strides = array<i32>} : memref<1024xi32, #tpu.memory_space<vmem>>, vector<16xi32>,
    }
    %scan3A_72 = arith.constant 64 : i32
    %dma_start3A_73 = arith.constant 0 : i32
    %dma_start3A_74 = tpu.memref_slice %arg2[%dma_start3A_73] : memref<4194304xf32, #tpu.memory_space<hbm>> -> memref<4194304xf32, #tpu.memory_space<hbm>>
    tpu.enqueue_indirect_dma source(%dma_start3A_74 : memref<4194304xf32, #tpu.memory_space<hbm>>) target(%arg21 : memref<1024xf32, #tpu.memory_space<vmem>>) offsets(%arg20 : memref<1024xi32, #tpu.memory_space<vmem>>) semaphore(%arg23 : memref<!tpu.dma_semaphore, #tpu.memory_space<semaphore_mem>>)
    %dma_wait3A_75 = arith.constant 0 : i32
    %dma_wait3A_76 = tpu.memref_slice %arg2[%dma_wait3A_75] : memref<4194304xf32, #tpu.memory_space<hbm>> -> memref<4194304xf32, #tpu.memory_space<hbm>>
    tpu.wait_indirect_dma semaphore(%arg23 : memref<!tpu.dma_semaphore, #tpu.memory_space<semaphore_mem>>) src(%dma_wait3A_76 : memref<4194304xf32, #tpu.memory_space<hbm>>) dst(%arg21 : memref<1024xf32, #tpu.memory_space<vmem>>)
    %mul3A_77 = arith.constant 1024 : i32
    %mul3A_78 = arith.muli %add3A_65, %mul3A_77 : i32
    "tpu.region"() ({
      %run_scoped3A = tpu.sem_alloc : memref<!tpu.dma_semaphore, #tpu.memory_space<semaphore_mem>>
      %dma_start3A_212 = tpu.memref_slice %arg13[%mul3A_78] : memref<262144xf32, #tpu.memory_space<hbm>> -> memref<1024xf32, #tpu.memory_space<hbm>>
      %dma_start3A_213 = tpu.memref_slice %arg13[%mul3A_78] : memref<262144xf32, #tpu.memory_space<hbm>> -> memref<1024xf32, #tpu.memory_space<hbm>>
      tpu.enqueue_dma source(%arg21 : memref<1024xf32, #tpu.memory_space<vmem>>) target(%dma_start3A_213 : memref<1024xf32, #tpu.memory_space<hbm>>) target_semaphore(%run_scoped3A : memref<!tpu.dma_semaphore, #tpu.memory_space<semaphore_mem>>)
      %dma_wait3A_214 = tpu.memref_slice %arg13[%mul3A_78] : memref<262144xf32, #tpu.memory_space<hbm>> -> memref<1024xf32, #tpu.memory_space<hbm>>
      %dma_wait3A_215 = tpu.memref_slice %arg13[%mul3A_78] : memref<262144xf32, #tpu.memory_space<hbm>> -> memref<1024xf32, #tpu.memory_space<hbm>>
      tpu.wait_dma2 semaphore(%run_scoped3A : memref<!tpu.dma_semaphore, #tpu.memory_space<semaphore_mem>>) src(%arg21 : memref<1024xf32, #tpu.memory_space<vmem>>) dst(%dma_wait3A_215 : memref<1024xf32, #tpu.memory_space<hbm>>)
      tpu.yield
    }) : () -> ()
    %mul3A_79 = arith.constant 64 : i32
    %mul3A_80 = arith.muli %select_n3A, %mul3A_79 : i32
    %mul3A_81 = arith.constant 8 : i32
    %mul3A_82 = arith.muli %select_n3A_30, %mul3A_81 : i32
    %add3A_83 = arith.addi %mul3A_80, %mul3A_82 : i32
    %add3A_84 = arith.constant 2 : i32
    %add3A_85 = arith.addi %add3A_83, %add3A_84 : i32
    %mul3A_86 = arith.constant 16384 : i32
    %mul3A_87 = arith.muli %add3A_85, %mul3A_86 : i32
    %scan3A_88 = arith.constant 0 : i32
    %scan3A_89 = arith.constant 64 : i32
    %scan3A_90 = arith.addi %scan3A_88, %scan3A_89 : i32
    %scan3A_91 = arith.constant 1 : i32
    scf.for %scan3A_212 = %scan3A_88 to %scan3A_90 step %scan3A_91  : i32 {
      %mul3A_213 = arith.constant 16 : i32
      %mul3A_214 = arith.muli %scan3A_212, %mul3A_213 : i32
      %multiple_of3A = tpu.assume_multiple %mul3A_214, 16 : i32
      %get3A = arith.index_cast %multiple_of3A : i32 to index
      %get3A_215 = tpu.vector_load %arg19[%get3A] {strides = array<i32>} : memref<1024xi32, #tpu.memory_space<vmem>>, vector<16xi32>,
      %add3A_216 = vector.broadcast %mul3A_87 : i32 to vector<16xi32>
      %add3A_217 = arith.addi %get3A_215, %add3A_216 : vector<16xi32>
      %swap3A = arith.index_cast %multiple_of3A : i32 to index
      %swap3A_218 = tpu.vector_load %arg20[%swap3A] {strides = array<i32>} : memref<1024xi32, #tpu.memory_space<vmem>>, vector<16xi32>,
      tpu.vector_store %arg20[%swap3A], %add3A_217 {strides = array<i32>} : memref<1024xi32, #tpu.memory_space<vmem>>, vector<16xi32>,
    }
    %scan3A_92 = arith.constant 64 : i32
    %dma_start3A_93 = arith.constant 0 : i32
    %dma_start3A_94 = tpu.memref_slice %arg2[%dma_start3A_93] : memref<4194304xf32, #tpu.memory_space<hbm>> -> memref<4194304xf32, #tpu.memory_space<hbm>>
    tpu.enqueue_indirect_dma source(%dma_start3A_94 : memref<4194304xf32, #tpu.memory_space<hbm>>) target(%arg21 : memref<1024xf32, #tpu.memory_space<vmem>>) offsets(%arg20 : memref<1024xi32, #tpu.memory_space<vmem>>) semaphore(%arg23 : memref<!tpu.dma_semaphore, #tpu.memory_space<semaphore_mem>>)
    %dma_wait3A_95 = arith.constant 0 : i32
    %dma_wait3A_96 = tpu.memref_slice %arg2[%dma_wait3A_95] : memref<4194304xf32, #tpu.memory_space<hbm>> -> memref<4194304xf32, #tpu.memory_space<hbm>>
    tpu.wait_indirect_dma semaphore(%arg23 : memref<!tpu.dma_semaphore, #tpu.memory_space<semaphore_mem>>) src(%dma_wait3A_96 : memref<4194304xf32, #tpu.memory_space<hbm>>) dst(%arg21 : memref<1024xf32, #tpu.memory_space<vmem>>)
    %mul3A_97 = arith.constant 1024 : i32
    %mul3A_98 = arith.muli %add3A_85, %mul3A_97 : i32
    "tpu.region"() ({
      %run_scoped3A = tpu.sem_alloc : memref<!tpu.dma_semaphore, #tpu.memory_space<semaphore_mem>>
      %dma_start3A_212 = tpu.memref_slice %arg13[%mul3A_98] : memref<262144xf32, #tpu.memory_space<hbm>> -> memref<1024xf32, #tpu.memory_space<hbm>>
      %dma_start3A_213 = tpu.memref_slice %arg13[%mul3A_98] : memref<262144xf32, #tpu.memory_space<hbm>> -> memref<1024xf32, #tpu.memory_space<hbm>>
      tpu.enqueue_dma source(%arg21 : memref<1024xf32, #tpu.memory_space<vmem>>) target(%dma_start3A_213 : memref<1024xf32, #tpu.memory_space<hbm>>) target_semaphore(%run_scoped3A : memref<!tpu.dma_semaphore, #tpu.memory_space<semaphore_mem>>)
      %dma_wait3A_214 = tpu.memref_slice %arg13[%mul3A_98] : memref<262144xf32, #tpu.memory_space<hbm>> -> memref<1024xf32, #tpu.memory_space<hbm>>
      %dma_wait3A_215 = tpu.memref_slice %arg13[%mul3A_98] : memref<262144xf32, #tpu.memory_space<hbm>> -> memref<1024xf32, #tpu.memory_space<hbm>>
      tpu.wait_dma2 semaphore(%run_scoped3A : memref<!tpu.dma_semaphore, #tpu.memory_space<semaphore_mem>>) src(%arg21 : memref<1024xf32, #tpu.memory_space<vmem>>) dst(%dma_wait3A_215 : memref<1024xf32, #tpu.memory_space<hbm>>)
      tpu.yield
    }) : () -> ()
    %mul3A_99 = arith.constant 64 : i32
    %mul3A_100 = arith.muli %select_n3A, %mul3A_99 : i32
    %mul3A_101 = arith.constant 8 : i32
    %mul3A_102 = arith.muli %select_n3A_30, %mul3A_101 : i32
    %add3A_103 = arith.addi %mul3A_100, %mul3A_102 : i32
    %add3A_104 = arith.constant 3 : i32
    %add3A_105 = arith.addi %add3A_103, %add3A_104 : i32
    %mul3A_106 = arith.constant 16384 : i32
    %mul3A_107 = arith.muli %add3A_105, %mul3A_106 : i32
    %scan3A_108 = arith.constant 0 : i32
    %scan3A_109 = arith.constant 64 : i32
    %scan3A_110 = arith.addi %scan3A_108, %scan3A_109 : i32
    %scan3A_111 = arith.constant 1 : i32
    scf.for %scan3A_212 = %scan3A_108 to %scan3A_110 step %scan3A_111  : i32 {
      %mul3A_213 = arith.constant 16 : i32
      %mul3A_214 = arith.muli %scan3A_212, %mul3A_213 : i32
      %multiple_of3A = tpu.assume_multiple %mul3A_214, 16 : i32
      %get3A = arith.index_cast %multiple_of3A : i32 to index
      %get3A_215 = tpu.vector_load %arg19[%get3A] {strides = array<i32>} : memref<1024xi32, #tpu.memory_space<vmem>>, vector<16xi32>,
      %add3A_216 = vector.broadcast %mul3A_107 : i32 to vector<16xi32>
      %add3A_217 = arith.addi %get3A_215, %add3A_216 : vector<16xi32>
      %swap3A = arith.index_cast %multiple_of3A : i32 to index
      %swap3A_218 = tpu.vector_load %arg20[%swap3A] {strides = array<i32>} : memref<1024xi32, #tpu.memory_space<vmem>>, vector<16xi32>,
      tpu.vector_store %arg20[%swap3A], %add3A_217 {strides = array<i32>} : memref<1024xi32, #tpu.memory_space<vmem>>, vector<16xi32>,
    }
    %scan3A_112 = arith.constant 64 : i32
    %dma_start3A_113 = arith.constant 0 : i32
    %dma_start3A_114 = tpu.memref_slice %arg2[%dma_start3A_113] : memref<4194304xf32, #tpu.memory_space<hbm>> -> memref<4194304xf32, #tpu.memory_space<hbm>>
    tpu.enqueue_indirect_dma source(%dma_start3A_114 : memref<4194304xf32, #tpu.memory_space<hbm>>) target(%arg21 : memref<1024xf32, #tpu.memory_space<vmem>>) offsets(%arg20 : memref<1024xi32, #tpu.memory_space<vmem>>) semaphore(%arg23 : memref<!tpu.dma_semaphore, #tpu.memory_space<semaphore_mem>>)
    %dma_wait3A_115 = arith.constant 0 : i32
    %dma_wait3A_116 = tpu.memref_slice %arg2[%dma_wait3A_115] : memref<4194304xf32, #tpu.memory_space<hbm>> -> memref<4194304xf32, #tpu.memory_space<hbm>>
    tpu.wait_indirect_dma semaphore(%arg23 : memref<!tpu.dma_semaphore, #tpu.memory_space<semaphore_mem>>) src(%dma_wait3A_116 : memref<4194304xf32, #tpu.memory_space<hbm>>) dst(%arg21 : memref<1024xf32, #tpu.memory_space<vmem>>)
    %mul3A_117 = arith.constant 1024 : i32
    %mul3A_118 = arith.muli %add3A_105, %mul3A_117 : i32
    "tpu.region"() ({
      %run_scoped3A = tpu.sem_alloc : memref<!tpu.dma_semaphore, #tpu.memory_space<semaphore_mem>>
      %dma_start3A_212 = tpu.memref_slice %arg13[%mul3A_118] : memref<262144xf32, #tpu.memory_space<hbm>> -> memref<1024xf32, #tpu.memory_space<hbm>>
      %dma_start3A_213 = tpu.memref_slice %arg13[%mul3A_118] : memref<262144xf32, #tpu.memory_space<hbm>> -> memref<1024xf32, #tpu.memory_space<hbm>>
      tpu.enqueue_dma source(%arg21 : memref<1024xf32, #tpu.memory_space<vmem>>) target(%dma_start3A_213 : memref<1024xf32, #tpu.memory_space<hbm>>) target_semaphore(%run_scoped3A : memref<!tpu.dma_semaphore, #tpu.memory_space<semaphore_mem>>)
      %dma_wait3A_214 = tpu.memref_slice %arg13[%mul3A_118] : memref<262144xf32, #tpu.memory_space<hbm>> -> memref<1024xf32, #tpu.memory_space<hbm>>
      %dma_wait3A_215 = tpu.memref_slice %arg13[%mul3A_118] : memref<262144xf32, #tpu.memory_space<hbm>> -> memref<1024xf32, #tpu.memory_space<hbm>>
      tpu.wait_dma2 semaphore(%run_scoped3A : memref<!tpu.dma_semaphore, #tpu.memory_space<semaphore_mem>>) src(%arg21 : memref<1024xf32, #tpu.memory_space<vmem>>) dst(%dma_wait3A_215 : memref<1024xf32, #tpu.memory_space<hbm>>)
      tpu.yield
    }) : () -> ()
    %mul3A_119 = arith.constant 64 : i32
    %mul3A_120 = arith.muli %select_n3A, %mul3A_119 : i32
    %mul3A_121 = arith.constant 8 : i32
    %mul3A_122 = arith.muli %select_n3A_30, %mul3A_121 : i32
    %add3A_123 = arith.addi %mul3A_120, %mul3A_122 : i32
    %add3A_124 = arith.constant 4 : i32
    %add3A_125 = arith.addi %add3A_123, %add3A_124 : i32
    %mul3A_126 = arith.constant 16384 : i32
    %mul3A_127 = arith.muli %add3A_125, %mul3A_126 : i32
    %scan3A_128 = arith.constant 0 : i32
    %scan3A_129 = arith.constant 64 : i32
    %scan3A_130 = arith.addi %scan3A_128, %scan3A_129 : i32
    %scan3A_131 = arith.constant 1 : i32
    scf.for %scan3A_212 = %scan3A_128 to %scan3A_130 step %scan3A_131  : i32 {
      %mul3A_213 = arith.constant 16 : i32
      %mul3A_214 = arith.muli %scan3A_212, %mul3A_213 : i32
      %multiple_of3A = tpu.assume_multiple %mul3A_214, 16 : i32
      %get3A = arith.index_cast %multiple_of3A : i32 to index
      %get3A_215 = tpu.vector_load %arg19[%get3A] {strides = array<i32>} : memref<1024xi32, #tpu.memory_space<vmem>>, vector<16xi32>,
      %add3A_216 = vector.broadcast %mul3A_127 : i32 to vector<16xi32>
      %add3A_217 = arith.addi %get3A_215, %add3A_216 : vector<16xi32>
      %swap3A = arith.index_cast %multiple_of3A : i32 to index
      %swap3A_218 = tpu.vector_load %arg20[%swap3A] {strides = array<i32>} : memref<1024xi32, #tpu.memory_space<vmem>>, vector<16xi32>,
      tpu.vector_store %arg20[%swap3A], %add3A_217 {strides = array<i32>} : memref<1024xi32, #tpu.memory_space<vmem>>, vector<16xi32>,
    }
    %scan3A_132 = arith.constant 64 : i32
    %dma_start3A_133 = arith.constant 0 : i32
    %dma_start3A_134 = tpu.memref_slice %arg2[%dma_start3A_133] : memref<4194304xf32, #tpu.memory_space<hbm>> -> memref<4194304xf32, #tpu.memory_space<hbm>>
    tpu.enqueue_indirect_dma source(%dma_start3A_134 : memref<4194304xf32, #tpu.memory_space<hbm>>) target(%arg21 : memref<1024xf32, #tpu.memory_space<vmem>>) offsets(%arg20 : memref<1024xi32, #tpu.memory_space<vmem>>) semaphore(%arg23 : memref<!tpu.dma_semaphore, #tpu.memory_space<semaphore_mem>>)
    %dma_wait3A_135 = arith.constant 0 : i32
    %dma_wait3A_136 = tpu.memref_slice %arg2[%dma_wait3A_135] : memref<4194304xf32, #tpu.memory_space<hbm>> -> memref<4194304xf32, #tpu.memory_space<hbm>>
    tpu.wait_indirect_dma semaphore(%arg23 : memref<!tpu.dma_semaphore, #tpu.memory_space<semaphore_mem>>) src(%dma_wait3A_136 : memref<4194304xf32, #tpu.memory_space<hbm>>) dst(%arg21 : memref<1024xf32, #tpu.memory_space<vmem>>)
    %mul3A_137 = arith.constant 1024 : i32
    %mul3A_138 = arith.muli %add3A_125, %mul3A_137 : i32
    "tpu.region"() ({
      %run_scoped3A = tpu.sem_alloc : memref<!tpu.dma_semaphore, #tpu.memory_space<semaphore_mem>>
      %dma_start3A_212 = tpu.memref_slice %arg13[%mul3A_138] : memref<262144xf32, #tpu.memory_space<hbm>> -> memref<1024xf32, #tpu.memory_space<hbm>>
      %dma_start3A_213 = tpu.memref_slice %arg13[%mul3A_138] : memref<262144xf32, #tpu.memory_space<hbm>> -> memref<1024xf32, #tpu.memory_space<hbm>>
      tpu.enqueue_dma source(%arg21 : memref<1024xf32, #tpu.memory_space<vmem>>) target(%dma_start3A_213 : memref<1024xf32, #tpu.memory_space<hbm>>) target_semaphore(%run_scoped3A : memref<!tpu.dma_semaphore, #tpu.memory_space<semaphore_mem>>)
      %dma_wait3A_214 = tpu.memref_slice %arg13[%mul3A_138] : memref<262144xf32, #tpu.memory_space<hbm>> -> memref<1024xf32, #tpu.memory_space<hbm>>
      %dma_wait3A_215 = tpu.memref_slice %arg13[%mul3A_138] : memref<262144xf32, #tpu.memory_space<hbm>> -> memref<1024xf32, #tpu.memory_space<hbm>>
      tpu.wait_dma2 semaphore(%run_scoped3A : memref<!tpu.dma_semaphore, #tpu.memory_space<semaphore_mem>>) src(%arg21 : memref<1024xf32, #tpu.memory_space<vmem>>) dst(%dma_wait3A_215 : memref<1024xf32, #tpu.memory_space<hbm>>)
      tpu.yield
    }) : () -> ()
    %mul3A_139 = arith.constant 64 : i32
    %mul3A_140 = arith.muli %select_n3A, %mul3A_139 : i32
    %mul3A_141 = arith.constant 8 : i32
    %mul3A_142 = arith.muli %select_n3A_30, %mul3A_141 : i32
    %add3A_143 = arith.addi %mul3A_140, %mul3A_142 : i32
    %add3A_144 = arith.constant 5 : i32
    %add3A_145 = arith.addi %add3A_143, %add3A_144 : i32
    %mul3A_146 = arith.constant 16384 : i32
    %mul3A_147 = arith.muli %add3A_145, %mul3A_146 : i32
    %scan3A_148 = arith.constant 0 : i32
    %scan3A_149 = arith.constant 64 : i32
    %scan3A_150 = arith.addi %scan3A_148, %scan3A_149 : i32
    %scan3A_151 = arith.constant 1 : i32
    scf.for %scan3A_212 = %scan3A_148 to %scan3A_150 step %scan3A_151  : i32 {
      %mul3A_213 = arith.constant 16 : i32
      %mul3A_214 = arith.muli %scan3A_212, %mul3A_213 : i32
      %multiple_of3A = tpu.assume_multiple %mul3A_214, 16 : i32
      %get3A = arith.index_cast %multiple_of3A : i32 to index
      %get3A_215 = tpu.vector_load %arg19[%get3A] {strides = array<i32>} : memref<1024xi32, #tpu.memory_space<vmem>>, vector<16xi32>,
      %add3A_216 = vector.broadcast %mul3A_147 : i32 to vector<16xi32>
      %add3A_217 = arith.addi %get3A_215, %add3A_216 : vector<16xi32>
      %swap3A = arith.index_cast %multiple_of3A : i32 to index
      %swap3A_218 = tpu.vector_load %arg20[%swap3A] {strides = array<i32>} : memref<1024xi32, #tpu.memory_space<vmem>>, vector<16xi32>,
      tpu.vector_store %arg20[%swap3A], %add3A_217 {strides = array<i32>} : memref<1024xi32, #tpu.memory_space<vmem>>, vector<16xi32>,
    }
    %scan3A_152 = arith.constant 64 : i32
    %dma_start3A_153 = arith.constant 0 : i32
    %dma_start3A_154 = tpu.memref_slice %arg2[%dma_start3A_153] : memref<4194304xf32, #tpu.memory_space<hbm>> -> memref<4194304xf32, #tpu.memory_space<hbm>>
    tpu.enqueue_indirect_dma source(%dma_start3A_154 : memref<4194304xf32, #tpu.memory_space<hbm>>) target(%arg21 : memref<1024xf32, #tpu.memory_space<vmem>>) offsets(%arg20 : memref<1024xi32, #tpu.memory_space<vmem>>) semaphore(%arg23 : memref<!tpu.dma_semaphore, #tpu.memory_space<semaphore_mem>>)
    %dma_wait3A_155 = arith.constant 0 : i32
    %dma_wait3A_156 = tpu.memref_slice %arg2[%dma_wait3A_155] : memref<4194304xf32, #tpu.memory_space<hbm>> -> memref<4194304xf32, #tpu.memory_space<hbm>>
    tpu.wait_indirect_dma semaphore(%arg23 : memref<!tpu.dma_semaphore, #tpu.memory_space<semaphore_mem>>) src(%dma_wait3A_156 : memref<4194304xf32, #tpu.memory_space<hbm>>) dst(%arg21 : memref<1024xf32, #tpu.memory_space<vmem>>)
    %mul3A_157 = arith.constant 1024 : i32
    %mul3A_158 = arith.muli %add3A_145, %mul3A_157 : i32
    "tpu.region"() ({
      %run_scoped3A = tpu.sem_alloc : memref<!tpu.dma_semaphore, #tpu.memory_space<semaphore_mem>>
      %dma_start3A_212 = tpu.memref_slice %arg13[%mul3A_158] : memref<262144xf32, #tpu.memory_space<hbm>> -> memref<1024xf32, #tpu.memory_space<hbm>>
      %dma_start3A_213 = tpu.memref_slice %arg13[%mul3A_158] : memref<262144xf32, #tpu.memory_space<hbm>> -> memref<1024xf32, #tpu.memory_space<hbm>>
      tpu.enqueue_dma source(%arg21 : memref<1024xf32, #tpu.memory_space<vmem>>) target(%dma_start3A_213 : memref<1024xf32, #tpu.memory_space<hbm>>) target_semaphore(%run_scoped3A : memref<!tpu.dma_semaphore, #tpu.memory_space<semaphore_mem>>)
      %dma_wait3A_214 = tpu.memref_slice %arg13[%mul3A_158] : memref<262144xf32, #tpu.memory_space<hbm>> -> memref<1024xf32, #tpu.memory_space<hbm>>
      %dma_wait3A_215 = tpu.memref_slice %arg13[%mul3A_158] : memref<262144xf32, #tpu.memory_space<hbm>> -> memref<1024xf32, #tpu.memory_space<hbm>>
      tpu.wait_dma2 semaphore(%run_scoped3A : memref<!tpu.dma_semaphore, #tpu.memory_space<semaphore_mem>>) src(%arg21 : memref<1024xf32, #tpu.memory_space<vmem>>) dst(%dma_wait3A_215 : memref<1024xf32, #tpu.memory_space<hbm>>)
      tpu.yield
    }) : () -> ()
    %mul3A_159 = arith.constant 64 : i32
    %mul3A_160 = arith.muli %select_n3A, %mul3A_159 : i32
    %mul3A_161 = arith.constant 8 : i32
    %mul3A_162 = arith.muli %select_n3A_30, %mul3A_161 : i32
    %add3A_163 = arith.addi %mul3A_160, %mul3A_162 : i32
    %add3A_164 = arith.constant 6 : i32
    %add3A_165 = arith.addi %add3A_163, %add3A_164 : i32
    %mul3A_166 = arith.constant 16384 : i32
    %mul3A_167 = arith.muli %add3A_165, %mul3A_166 : i32
    %scan3A_168 = arith.constant 0 : i32
    %scan3A_169 = arith.constant 64 : i32
    %scan3A_170 = arith.addi %scan3A_168, %scan3A_169 : i32
    %scan3A_171 = arith.constant 1 : i32
    scf.for %scan3A_212 = %scan3A_168 to %scan3A_170 step %scan3A_171  : i32 {
      %mul3A_213 = arith.constant 16 : i32
      %mul3A_214 = arith.muli %scan3A_212, %mul3A_213 : i32
      %multiple_of3A = tpu.assume_multiple %mul3A_214, 16 : i32
      %get3A = arith.index_cast %multiple_of3A : i32 to index
      %get3A_215 = tpu.vector_load %arg19[%get3A] {strides = array<i32>} : memref<1024xi32, #tpu.memory_space<vmem>>, vector<16xi32>,
      %add3A_216 = vector.broadcast %mul3A_167 : i32 to vector<16xi32>
      %add3A_217 = arith.addi %get3A_215, %add3A_216 : vector<16xi32>
      %swap3A = arith.index_cast %multiple_of3A : i32 to index
      %swap3A_218 = tpu.vector_load %arg20[%swap3A] {strides = array<i32>} : memref<1024xi32, #tpu.memory_space<vmem>>, vector<16xi32>,
      tpu.vector_store %arg20[%swap3A], %add3A_217 {strides = array<i32>} : memref<1024xi32, #tpu.memory_space<vmem>>, vector<16xi32>,
    }
    %scan3A_172 = arith.constant 64 : i32
    %dma_start3A_173 = arith.constant 0 : i32
    %dma_start3A_174 = tpu.memref_slice %arg2[%dma_start3A_173] : memref<4194304xf32, #tpu.memory_space<hbm>> -> memref<4194304xf32, #tpu.memory_space<hbm>>
    tpu.enqueue_indirect_dma source(%dma_start3A_174 : memref<4194304xf32, #tpu.memory_space<hbm>>) target(%arg21 : memref<1024xf32, #tpu.memory_space<vmem>>) offsets(%arg20 : memref<1024xi32, #tpu.memory_space<vmem>>) semaphore(%arg23 : memref<!tpu.dma_semaphore, #tpu.memory_space<semaphore_mem>>)
    %dma_wait3A_175 = arith.constant 0 : i32
    %dma_wait3A_176 = tpu.memref_slice %arg2[%dma_wait3A_175] : memref<4194304xf32, #tpu.memory_space<hbm>> -> memref<4194304xf32, #tpu.memory_space<hbm>>
    tpu.wait_indirect_dma semaphore(%arg23 : memref<!tpu.dma_semaphore, #tpu.memory_space<semaphore_mem>>) src(%dma_wait3A_176 : memref<4194304xf32, #tpu.memory_space<hbm>>) dst(%arg21 : memref<1024xf32, #tpu.memory_space<vmem>>)
    %mul3A_177 = arith.constant 1024 : i32
    %mul3A_178 = arith.muli %add3A_165, %mul3A_177 : i32
    "tpu.region"() ({
      %run_scoped3A = tpu.sem_alloc : memref<!tpu.dma_semaphore, #tpu.memory_space<semaphore_mem>>
      %dma_start3A_212 = tpu.memref_slice %arg13[%mul3A_178] : memref<262144xf32, #tpu.memory_space<hbm>> -> memref<1024xf32, #tpu.memory_space<hbm>>
      %dma_start3A_213 = tpu.memref_slice %arg13[%mul3A_178] : memref<262144xf32, #tpu.memory_space<hbm>> -> memref<1024xf32, #tpu.memory_space<hbm>>
      tpu.enqueue_dma source(%arg21 : memref<1024xf32, #tpu.memory_space<vmem>>) target(%dma_start3A_213 : memref<1024xf32, #tpu.memory_space<hbm>>) target_semaphore(%run_scoped3A : memref<!tpu.dma_semaphore, #tpu.memory_space<semaphore_mem>>)
      %dma_wait3A_214 = tpu.memref_slice %arg13[%mul3A_178] : memref<262144xf32, #tpu.memory_space<hbm>> -> memref<1024xf32, #tpu.memory_space<hbm>>
      %dma_wait3A_215 = tpu.memref_slice %arg13[%mul3A_178] : memref<262144xf32, #tpu.memory_space<hbm>> -> memref<1024xf32, #tpu.memory_space<hbm>>
      tpu.wait_dma2 semaphore(%run_scoped3A : memref<!tpu.dma_semaphore, #tpu.memory_space<semaphore_mem>>) src(%arg21 : memref<1024xf32, #tpu.memory_space<vmem>>) dst(%dma_wait3A_215 : memref<1024xf32, #tpu.memory_space<hbm>>)
      tpu.yield
    }) : () -> ()
    %mul3A_179 = arith.constant 64 : i32
    %mul3A_180 = arith.muli %select_n3A, %mul3A_179 : i32
    %mul3A_181 = arith.constant 8 : i32
    %mul3A_182 = arith.muli %select_n3A_30, %mul3A_181 : i32
    %add3A_183 = arith.addi %mul3A_180, %mul3A_182 : i32
    %add3A_184 = arith.constant 7 : i32
    %add3A_185 = arith.addi %add3A_183, %add3A_184 : i32
    %mul3A_186 = arith.constant 16384 : i32
    %mul3A_187 = arith.muli %add3A_185, %mul3A_186 : i32
    %scan3A_188 = arith.constant 0 : i32
    %scan3A_189 = arith.constant 64 : i32
    %scan3A_190 = arith.addi %scan3A_188, %scan3A_189 : i32
    %scan3A_191 = arith.constant 1 : i32
    scf.for %scan3A_212 = %scan3A_188 to %scan3A_190 step %scan3A_191  : i32 {
      %mul3A_213 = arith.constant 16 : i32
      %mul3A_214 = arith.muli %scan3A_212, %mul3A_213 : i32
      %multiple_of3A = tpu.assume_multiple %mul3A_214, 16 : i32
      %get3A = arith.index_cast %multiple_of3A : i32 to index
      %get3A_215 = tpu.vector_load %arg19[%get3A] {strides = array<i32>} : memref<1024xi32, #tpu.memory_space<vmem>>, vector<16xi32>,
      %add3A_216 = vector.broadcast %mul3A_187 : i32 to vector<16xi32>
      %add3A_217 = arith.addi %get3A_215, %add3A_216 : vector<16xi32>
      %swap3A = arith.index_cast %multiple_of3A : i32 to index
      %swap3A_218 = tpu.vector_load %arg20[%swap3A] {strides = array<i32>} : memref<1024xi32, #tpu.memory_space<vmem>>, vector<16xi32>,
      tpu.vector_store %arg20[%swap3A], %add3A_217 {strides = array<i32>} : memref<1024xi32, #tpu.memory_space<vmem>>, vector<16xi32>,
    }
    %scan3A_192 = arith.constant 64 : i32
    %dma_start3A_193 = arith.constant 0 : i32
    %dma_start3A_194 = tpu.memref_slice %arg2[%dma_start3A_193] : memref<4194304xf32, #tpu.memory_space<hbm>> -> memref<4194304xf32, #tpu.memory_space<hbm>>
    tpu.enqueue_indirect_dma source(%dma_start3A_194 : memref<4194304xf32, #tpu.memory_space<hbm>>) target(%arg21 : memref<1024xf32, #tpu.memory_space<vmem>>) offsets(%arg20 : memref<1024xi32, #tpu.memory_space<vmem>>) semaphore(%arg23 : memref<!tpu.dma_semaphore, #tpu.memory_space<semaphore_mem>>)
    %dma_wait3A_195 = arith.constant 0 : i32
    %dma_wait3A_196 = tpu.memref_slice %arg2[%dma_wait3A_195] : memref<4194304xf32, #tpu.memory_space<hbm>> -> memref<4194304xf32, #tpu.memory_space<hbm>>
    tpu.wait_indirect_dma semaphore(%arg23 : memref<!tpu.dma_semaphore, #tpu.memory_space<semaphore_mem>>) src(%dma_wait3A_196 : memref<4194304xf32, #tpu.memory_space<hbm>>) dst(%arg21 : memref<1024xf32, #tpu.memory_space<vmem>>)
    %mul3A_197 = arith.constant 1024 : i32
    %mul3A_198 = arith.muli %add3A_185, %mul3A_197 : i32
    "tpu.region"() ({
      %run_scoped3A = tpu.sem_alloc : memref<!tpu.dma_semaphore, #tpu.memory_space<semaphore_mem>>
      %dma_start3A_212 = tpu.memref_slice %arg13[%mul3A_198] : memref<262144xf32, #tpu.memory_space<hbm>> -> memref<1024xf32, #tpu.memory_space<hbm>>
      %dma_start3A_213 = tpu.memref_slice %arg13[%mul3A_198] : memref<262144xf32, #tpu.memory_space<hbm>> -> memref<1024xf32, #tpu.memory_space<hbm>>
      tpu.enqueue_dma source(%arg21 : memref<1024xf32, #tpu.memory_space<vmem>>) target(%dma_start3A_213 : memref<1024xf32, #tpu.memory_space<hbm>>) target_semaphore(%run_scoped3A : memref<!tpu.dma_semaphore, #tpu.memory_space<semaphore_mem>>)
      %dma_wait3A_214 = tpu.memref_slice %arg13[%mul3A_198] : memref<262144xf32, #tpu.memory_space<hbm>> -> memref<1024xf32, #tpu.memory_space<hbm>>
      %dma_wait3A_215 = tpu.memref_slice %arg13[%mul3A_198] : memref<262144xf32, #tpu.memory_space<hbm>> -> memref<1024xf32, #tpu.memory_space<hbm>>
      tpu.wait_dma2 semaphore(%run_scoped3A : memref<!tpu.dma_semaphore, #tpu.memory_space<semaphore_mem>>) src(%arg21 : memref<1024xf32, #tpu.memory_space<vmem>>) dst(%dma_wait3A_215 : memref<1024xf32, #tpu.memory_space<hbm>>)
      tpu.yield
    }) : () -> ()
    %eq3A_199 = arith.constant 0 : i32
    %eq3A_200 = arith.cmpi eq, %select_n3A_30, %eq3A_199 : i32
    %convert_element_type3A = arith.extui %eq3A_200 : i1 to i32
    %cond3A = arith.constant 0 : i32
    %cond3A_201 = arith.cmpi ne, %convert_element_type3A, %cond3A : i32
    scf.if %cond3A_201 {
      %mul3A_212 = arith.constant 1024 : i32
      %mul3A_213 = arith.muli %select_n3A, %mul3A_212 : i32
      "tpu.region"() ({
        %run_scoped3A = tpu.sem_alloc : memref<!tpu.dma_semaphore, #tpu.memory_space<semaphore_mem>>
        %dma_start3A_221 = tpu.memref_slice %arg7[%mul3A_213] : memref<4096xf32, #tpu.memory_space<hbm>> -> memref<1024xf32, #tpu.memory_space<hbm>>
        %dma_start3A_222 = tpu.memref_slice %arg7[%mul3A_213] : memref<4096xf32, #tpu.memory_space<hbm>> -> memref<1024xf32, #tpu.memory_space<hbm>>
        tpu.enqueue_dma source(%dma_start3A_222 : memref<1024xf32, #tpu.memory_space<hbm>>) target(%arg22 : memref<1024xf32, #tpu.memory_space<vmem>>) target_semaphore(%run_scoped3A : memref<!tpu.dma_semaphore, #tpu.memory_space<semaphore_mem>>)
        %dma_wait3A_223 = tpu.memref_slice %arg7[%mul3A_213] : memref<4096xf32, #tpu.memory_space<hbm>> -> memref<1024xf32, #tpu.memory_space<hbm>>
        %dma_wait3A_224 = tpu.memref_slice %arg7[%mul3A_213] : memref<4096xf32, #tpu.memory_space<hbm>> -> memref<1024xf32, #tpu.memory_space<hbm>>
        tpu.wait_dma2 semaphore(%run_scoped3A : memref<!tpu.dma_semaphore, #tpu.memory_space<semaphore_mem>>) src(%dma_wait3A_224 : memref<1024xf32, #tpu.memory_space<hbm>>) dst(%arg22 : memref<1024xf32, #tpu.memory_space<vmem>>)
        tpu.yield
      }) : () -> ()
      %scan3A_214 = arith.constant 0 : i32
      %scan3A_215 = arith.constant 0 : i32
      %scan3A_216 = arith.constant 8 : i32
      %scan3A_217 = arith.addi %scan3A_215, %scan3A_216 : i32
      %scan3A_218 = arith.constant 1 : i32
      %scan3A_219 = scf.for %scan3A_221 = %scan3A_215 to %scan3A_217 step %scan3A_218 iter_args(%scan3A_222 = %scan3A_214) -> (i32)  : i32 {
        %mul3A_223 = arith.constant 4096 : i32
        %mul3A_224 = arith.muli %scan3A_221, %mul3A_223 : i32
        %multiple_of3A = tpu.assume_multiple %mul3A_224, 16 : i32
        %scan3A_225 = arith.constant 0 : i32
        %scan3A_226 = arith.constant 0 : i32
        %scan3A_227 = arith.constant 256 : i32
        %scan3A_228 = arith.addi %scan3A_226, %scan3A_227 : i32
        %scan3A_229 = arith.constant 1 : i32
        %scan3A_230 = scf.for %scan3A_253 = %scan3A_226 to %scan3A_228 step %scan3A_229 iter_args(%scan3A_254 = %scan3A_225) -> (i32)  : i32 {
          %mul3A_255 = arith.constant 16 : i32
          %mul3A_256 = arith.muli %scan3A_253, %mul3A_255 : i32
          %multiple_of3A_257 = tpu.assume_multiple %mul3A_256, 16 : i32
          %add3A_258 = arith.addi %multiple_of3A, %multiple_of3A_257 : i32
          %get3A = arith.index_cast %add3A_258 : i32 to index
          %get3A_259 = tpu.vector_load %arg15[%get3A] {strides = array<i32>} : memref<32768xi32, #tpu.memory_space<vmem>>, vector<16xi32>,
          %mul3A_260 = arith.constant 16384 : i32
          %mul3A_261 = arith.muli %select_n3A, %mul3A_260 : i32
          %add3A_262 = vector.broadcast %mul3A_261 : i32 to vector<16xi32>
          %add3A_263 = arith.addi %get3A_259, %add3A_262 : vector<16xi32>
          %swap3A = arith.index_cast %multiple_of3A_257 : i32 to index
          %swap3A_264 = tpu.vector_load %arg16[%swap3A] {strides = array<i32>} : memref<4096xi32, #tpu.memory_space<vmem>>, vector<16xi32>,
          tpu.vector_store %arg16[%swap3A], %add3A_263 {strides = array<i32>} : memref<4096xi32, #tpu.memory_space<vmem>>, vector<16xi32>,
          %scan3A_265 = arith.constant 0 : i32
          scf.yield %scan3A_265 : i32
        }
        %scan3A_231 = arith.constant 256 : i32
        %dma_start3A_232 = arith.constant 0 : i32
        %dma_start3A_233 = tpu.memref_slice %arg4[%dma_start3A_232] : memref<65536xf32, #tpu.memory_space<hbm>> -> memref<65536xf32, #tpu.memory_space<hbm>>
        tpu.enqueue_indirect_dma source(%dma_start3A_233 : memref<65536xf32, #tpu.memory_space<hbm>>) target(%arg17 : memref<4096xf32, #tpu.memory_space<vmem>>) offsets(%arg16 : memref<4096xi32, #tpu.memory_space<vmem>>) semaphore(%arg23 : memref<!tpu.dma_semaphore, #tpu.memory_space<semaphore_mem>>)
        %dma_wait3A_234 = arith.constant 0 : i32
        %dma_wait3A_235 = tpu.memref_slice %arg4[%dma_wait3A_234] : memref<65536xf32, #tpu.memory_space<hbm>> -> memref<65536xf32, #tpu.memory_space<hbm>>
        tpu.wait_indirect_dma semaphore(%arg23 : memref<!tpu.dma_semaphore, #tpu.memory_space<semaphore_mem>>) src(%dma_wait3A_235 : memref<65536xf32, #tpu.memory_space<hbm>>) dst(%arg17 : memref<4096xf32, #tpu.memory_space<vmem>>)
        %scan3A_236 = arith.constant 0 : i32
        %scan3A_237 = arith.constant 0 : i32
        %scan3A_238 = arith.constant 256 : i32
        %scan3A_239 = arith.addi %scan3A_237, %scan3A_238 : i32
        %scan3A_240 = arith.constant 1 : i32
        %scan3A_241 = scf.for %scan3A_253 = %scan3A_237 to %scan3A_239 step %scan3A_240 iter_args(%scan3A_254 = %scan3A_236) -> (i32)  : i32 {
          %mul3A_255 = arith.constant 16 : i32
          %mul3A_256 = arith.muli %scan3A_253, %mul3A_255 : i32
          %multiple_of3A_257 = tpu.assume_multiple %mul3A_256, 16 : i32
          %broadcast_in_dim3A = arith.constant 0 : i32
          %broadcast_in_dim3A_258 = vector.broadcast %broadcast_in_dim3A : i32 to vector<16xi32>
          %jit3A_259 = arith.constant 32 : i32
          %div3A_260 = arith.divsi %multiple_of3A, %jit3A_259 : i32
          %sign3A_261 = arith.constant 0 : i32
          %sign3A_262 = arith.cmpi sgt, %multiple_of3A, %sign3A_261 : i32
          %sign3A_263 = arith.extui %sign3A_262 : i1 to i32
          %sign3A_264 = arith.constant 0 : i32
          %sign3A_265 = arith.cmpi slt, %multiple_of3A, %sign3A_264 : i32
          %sign3A_266 = arith.extui %sign3A_265 : i1 to i32
          %sign3A_267 = arith.subi %sign3A_263, %sign3A_266 : i32
          %sign3A_268 = arith.constant 0 : i32
          %sign3A_269 = arith.cmpi sgt, %jit3A_259, %sign3A_268 : i32
          %sign3A_270 = arith.extui %sign3A_269 : i1 to i32
          %sign3A_271 = arith.constant 0 : i32
          %sign3A_272 = arith.cmpi slt, %jit3A_259, %sign3A_271 : i32
          %sign3A_273 = arith.extui %sign3A_272 : i1 to i32
          %sign3A_274 = arith.subi %sign3A_270, %sign3A_273 : i32
          %ne3A_275 = arith.cmpi ne, %sign3A_267, %sign3A_274 : i32
          %rem3A_276 = arith.remsi %multiple_of3A, %jit3A_259 : i32
          %ne3A_277 = arith.constant 0 : i32
          %ne3A_278 = arith.cmpi ne, %rem3A_276, %ne3A_277 : i32
          %and3A_279 = arith.andi %ne3A_275, %ne3A_278 : i1
          %sub3A_280 = arith.constant 1 : i32
          %sub3A_281 = arith.subi %div3A_260, %sub3A_280 : i32
          %select_n3A_282 = arith.select %and3A_279, %sub3A_281, %div3A_260 : i32
          %jit3A_283 = arith.constant 2 : i32
          %div3A_284 = arith.divsi %scan3A_253, %jit3A_283 : i32
          %sign3A_285 = arith.constant 0 : i32
          %sign3A_286 = arith.cmpi sgt, %scan3A_253, %sign3A_285 : i32
          %sign3A_287 = arith.extui %sign3A_286 : i1 to i32
          %sign3A_288 = arith.constant 0 : i32
          %sign3A_289 = arith.cmpi slt, %scan3A_253, %sign3A_288 : i32
          %sign3A_290 = arith.extui %sign3A_289 : i1 to i32
          %sign3A_291 = arith.subi %sign3A_287, %sign3A_290 : i32
          %sign3A_292 = arith.constant 0 : i32
          %sign3A_293 = arith.cmpi sgt, %jit3A_283, %sign3A_292 : i32
          %sign3A_294 = arith.extui %sign3A_293 : i1 to i32
          %sign3A_295 = arith.constant 0 : i32
          %sign3A_296 = arith.cmpi slt, %jit3A_283, %sign3A_295 : i32
          %sign3A_297 = arith.extui %sign3A_296 : i1 to i32
          %sign3A_298 = arith.subi %sign3A_294, %sign3A_297 : i32
          %ne3A_299 = arith.cmpi ne, %sign3A_291, %sign3A_298 : i32
          %rem3A_300 = arith.remsi %scan3A_253, %jit3A_283 : i32
          %ne3A_301 = arith.constant 0 : i32
          %ne3A_302 = arith.cmpi ne, %rem3A_300, %ne3A_301 : i32
          %and3A_303 = arith.andi %ne3A_299, %ne3A_302 : i1
          %sub3A_304 = arith.constant 1 : i32
          %sub3A_305 = arith.subi %div3A_284, %sub3A_304 : i32
          %select_n3A_306 = arith.select %and3A_303, %sub3A_305, %div3A_284 : i32
          %add3A_307 = arith.addi %select_n3A_282, %select_n3A_306 : i32
          %add3A_308 = vector.broadcast %add3A_307 : i32 to vector<16xi32>
          %add3A_309 = arith.addi %broadcast_in_dim3A_258, %add3A_308 : vector<16xi32>
          %gather3A = tpu.vector_load_idx %arg22[%add3A_309] : memref<1024xf32, #tpu.memory_space<vmem>>[vector<16xi32>], vector<16xf32>,
          %get3A = arith.index_cast %multiple_of3A_257 : i32 to index
          %get3A_310 = tpu.vector_load %arg17[%get3A] {strides = array<i32>} : memref<4096xf32, #tpu.memory_space<vmem>>, vector<16xf32>,
          %sub3A_311 = arith.subf %get3A_310, %gather3A : vector<16xf32>
          %swap3A = arith.index_cast %multiple_of3A_257 : i32 to index
          %swap3A_312 = tpu.vector_load %arg17[%swap3A] {strides = array<i32>} : memref<4096xf32, #tpu.memory_space<vmem>>, vector<16xf32>,
          tpu.vector_store %arg17[%swap3A], %sub3A_311 {strides = array<i32>} : memref<4096xf32, #tpu.memory_space<vmem>>, vector<16xf32>,
          %scan3A_313 = arith.constant 0 : i32
          scf.yield %scan3A_313 : i32
        }
        %scan3A_242 = arith.constant 256 : i32
        %mul3A_243 = arith.constant 3 : i32
        %mul3A_244 = arith.muli %select_n3A, %mul3A_243 : i32
        %add3A_245 = arith.constant 0 : i32
        %add3A_246 = arith.addi %mul3A_244, %add3A_245 : i32
        %mul3A_247 = arith.constant 32768 : i32
        %mul3A_248 = arith.muli %add3A_246, %mul3A_247 : i32
        %mul3A_249 = arith.constant 4096 : i32
        %mul3A_250 = arith.muli %scan3A_221, %mul3A_249 : i32
        %add3A_251 = arith.addi %mul3A_248, %mul3A_250 : i32
        "tpu.region"() ({
          %run_scoped3A = tpu.sem_alloc : memref<!tpu.dma_semaphore, #tpu.memory_space<semaphore_mem>>
          %dma_start3A_253 = tpu.memref_slice %arg14[%add3A_251] : memref<393216xf32, #tpu.memory_space<hbm>> -> memref<4096xf32, #tpu.memory_space<hbm>>
          %dma_start3A_254 = tpu.memref_slice %arg14[%add3A_251] : memref<393216xf32, #tpu.memory_space<hbm>> -> memref<4096xf32, #tpu.memory_space<hbm>>
          tpu.enqueue_dma source(%arg17 : memref<4096xf32, #tpu.memory_space<vmem>>) target(%dma_start3A_254 : memref<4096xf32, #tpu.memory_space<hbm>>) target_semaphore(%run_scoped3A : memref<!tpu.dma_semaphore, #tpu.memory_space<semaphore_mem>>)
          %dma_wait3A_255 = tpu.memref_slice %arg14[%add3A_251] : memref<393216xf32, #tpu.memory_space<hbm>> -> memref<4096xf32, #tpu.memory_space<hbm>>
          %dma_wait3A_256 = tpu.memref_slice %arg14[%add3A_251] : memref<393216xf32, #tpu.memory_space<hbm>> -> memref<4096xf32, #tpu.memory_space<hbm>>
          tpu.wait_dma2 semaphore(%run_scoped3A : memref<!tpu.dma_semaphore, #tpu.memory_space<semaphore_mem>>) src(%arg17 : memref<4096xf32, #tpu.memory_space<vmem>>) dst(%dma_wait3A_256 : memref<4096xf32, #tpu.memory_space<hbm>>)
          tpu.yield
        }) : () -> ()
        %scan3A_252 = arith.constant 0 : i32
        scf.yield %scan3A_252 : i32
      }
      %scan3A_220 = arith.constant 8 : i32
    } else {
    }
    %eq3A_202 = arith.constant 1 : i32
    %eq3A_203 = arith.cmpi eq, %select_n3A_30, %eq3A_202 : i32
    %convert_element_type3A_204 = arith.extui %eq3A_203 : i1 to i32
    %cond3A_205 = arith.constant 0 : i32
    %cond3A_206 = arith.cmpi ne, %convert_element_type3A_204, %cond3A_205 : i32
    scf.if %cond3A_206 {
      %mul3A_212 = arith.constant 1024 : i32
      %mul3A_213 = arith.muli %select_n3A, %mul3A_212 : i32
      "tpu.region"() ({
        %run_scoped3A = tpu.sem_alloc : memref<!tpu.dma_semaphore, #tpu.memory_space<semaphore_mem>>
        %dma_start3A_221 = tpu.memref_slice %arg8[%mul3A_213] : memref<4096xf32, #tpu.memory_space<hbm>> -> memref<1024xf32, #tpu.memory_space<hbm>>
        %dma_start3A_222 = tpu.memref_slice %arg8[%mul3A_213] : memref<4096xf32, #tpu.memory_space<hbm>> -> memref<1024xf32, #tpu.memory_space<hbm>>
        tpu.enqueue_dma source(%dma_start3A_222 : memref<1024xf32, #tpu.memory_space<hbm>>) target(%arg22 : memref<1024xf32, #tpu.memory_space<vmem>>) target_semaphore(%run_scoped3A : memref<!tpu.dma_semaphore, #tpu.memory_space<semaphore_mem>>)
        %dma_wait3A_223 = tpu.memref_slice %arg8[%mul3A_213] : memref<4096xf32, #tpu.memory_space<hbm>> -> memref<1024xf32, #tpu.memory_space<hbm>>
        %dma_wait3A_224 = tpu.memref_slice %arg8[%mul3A_213] : memref<4096xf32, #tpu.memory_space<hbm>> -> memref<1024xf32, #tpu.memory_space<hbm>>
        tpu.wait_dma2 semaphore(%run_scoped3A : memref<!tpu.dma_semaphore, #tpu.memory_space<semaphore_mem>>) src(%dma_wait3A_224 : memref<1024xf32, #tpu.memory_space<hbm>>) dst(%arg22 : memref<1024xf32, #tpu.memory_space<vmem>>)
        tpu.yield
      }) : () -> ()
      %scan3A_214 = arith.constant 0 : i32
      %scan3A_215 = arith.constant 0 : i32
      %scan3A_216 = arith.constant 8 : i32
      %scan3A_217 = arith.addi %scan3A_215, %scan3A_216 : i32
      %scan3A_218 = arith.constant 1 : i32
      %scan3A_219 = scf.for %scan3A_221 = %scan3A_215 to %scan3A_217 step %scan3A_218 iter_args(%scan3A_222 = %scan3A_214) -> (i32)  : i32 {
        %mul3A_223 = arith.constant 4096 : i32
        %mul3A_224 = arith.muli %scan3A_221, %mul3A_223 : i32
        %multiple_of3A = tpu.assume_multiple %mul3A_224, 16 : i32
        %scan3A_225 = arith.constant 0 : i32
        %scan3A_226 = arith.constant 0 : i32
        %scan3A_227 = arith.constant 256 : i32
        %scan3A_228 = arith.addi %scan3A_226, %scan3A_227 : i32
        %scan3A_229 = arith.constant 1 : i32
        %scan3A_230 = scf.for %scan3A_253 = %scan3A_226 to %scan3A_228 step %scan3A_229 iter_args(%scan3A_254 = %scan3A_225) -> (i32)  : i32 {
          %mul3A_255 = arith.constant 16 : i32
          %mul3A_256 = arith.muli %scan3A_253, %mul3A_255 : i32
          %multiple_of3A_257 = tpu.assume_multiple %mul3A_256, 16 : i32
          %add3A_258 = arith.addi %multiple_of3A, %multiple_of3A_257 : i32
          %get3A = arith.index_cast %add3A_258 : i32 to index
          %get3A_259 = tpu.vector_load %arg15[%get3A] {strides = array<i32>} : memref<32768xi32, #tpu.memory_space<vmem>>, vector<16xi32>,
          %mul3A_260 = arith.constant 16384 : i32
          %mul3A_261 = arith.muli %select_n3A, %mul3A_260 : i32
          %add3A_262 = vector.broadcast %mul3A_261 : i32 to vector<16xi32>
          %add3A_263 = arith.addi %get3A_259, %add3A_262 : vector<16xi32>
          %swap3A = arith.index_cast %multiple_of3A_257 : i32 to index
          %swap3A_264 = tpu.vector_load %arg16[%swap3A] {strides = array<i32>} : memref<4096xi32, #tpu.memory_space<vmem>>, vector<16xi32>,
          tpu.vector_store %arg16[%swap3A], %add3A_263 {strides = array<i32>} : memref<4096xi32, #tpu.memory_space<vmem>>, vector<16xi32>,
          %scan3A_265 = arith.constant 0 : i32
          scf.yield %scan3A_265 : i32
        }
        %scan3A_231 = arith.constant 256 : i32
        %dma_start3A_232 = arith.constant 0 : i32
        %dma_start3A_233 = tpu.memref_slice %arg5[%dma_start3A_232] : memref<65536xf32, #tpu.memory_space<hbm>> -> memref<65536xf32, #tpu.memory_space<hbm>>
        tpu.enqueue_indirect_dma source(%dma_start3A_233 : memref<65536xf32, #tpu.memory_space<hbm>>) target(%arg17 : memref<4096xf32, #tpu.memory_space<vmem>>) offsets(%arg16 : memref<4096xi32, #tpu.memory_space<vmem>>) semaphore(%arg23 : memref<!tpu.dma_semaphore, #tpu.memory_space<semaphore_mem>>)
        %dma_wait3A_234 = arith.constant 0 : i32
        %dma_wait3A_235 = tpu.memref_slice %arg5[%dma_wait3A_234] : memref<65536xf32, #tpu.memory_space<hbm>> -> memref<65536xf32, #tpu.memory_space<hbm>>
        tpu.wait_indirect_dma semaphore(%arg23 : memref<!tpu.dma_semaphore, #tpu.memory_space<semaphore_mem>>) src(%dma_wait3A_235 : memref<65536xf32, #tpu.memory_space<hbm>>) dst(%arg17 : memref<4096xf32, #tpu.memory_space<vmem>>)
        %scan3A_236 = arith.constant 0 : i32
        %scan3A_237 = arith.constant 0 : i32
        %scan3A_238 = arith.constant 256 : i32
        %scan3A_239 = arith.addi %scan3A_237, %scan3A_238 : i32
        %scan3A_240 = arith.constant 1 : i32
        %scan3A_241 = scf.for %scan3A_253 = %scan3A_237 to %scan3A_239 step %scan3A_240 iter_args(%scan3A_254 = %scan3A_236) -> (i32)  : i32 {
          %mul3A_255 = arith.constant 16 : i32
          %mul3A_256 = arith.muli %scan3A_253, %mul3A_255 : i32
          %multiple_of3A_257 = tpu.assume_multiple %mul3A_256, 16 : i32
          %broadcast_in_dim3A = arith.constant 0 : i32
          %broadcast_in_dim3A_258 = vector.broadcast %broadcast_in_dim3A : i32 to vector<16xi32>
          %jit3A_259 = arith.constant 32 : i32
          %div3A_260 = arith.divsi %multiple_of3A, %jit3A_259 : i32
          %sign3A_261 = arith.constant 0 : i32
          %sign3A_262 = arith.cmpi sgt, %multiple_of3A, %sign3A_261 : i32
          %sign3A_263 = arith.extui %sign3A_262 : i1 to i32
          %sign3A_264 = arith.constant 0 : i32
          %sign3A_265 = arith.cmpi slt, %multiple_of3A, %sign3A_264 : i32
          %sign3A_266 = arith.extui %sign3A_265 : i1 to i32
          %sign3A_267 = arith.subi %sign3A_263, %sign3A_266 : i32
          %sign3A_268 = arith.constant 0 : i32
          %sign3A_269 = arith.cmpi sgt, %jit3A_259, %sign3A_268 : i32
          %sign3A_270 = arith.extui %sign3A_269 : i1 to i32
          %sign3A_271 = arith.constant 0 : i32
          %sign3A_272 = arith.cmpi slt, %jit3A_259, %sign3A_271 : i32
          %sign3A_273 = arith.extui %sign3A_272 : i1 to i32
          %sign3A_274 = arith.subi %sign3A_270, %sign3A_273 : i32
          %ne3A_275 = arith.cmpi ne, %sign3A_267, %sign3A_274 : i32
          %rem3A_276 = arith.remsi %multiple_of3A, %jit3A_259 : i32
          %ne3A_277 = arith.constant 0 : i32
          %ne3A_278 = arith.cmpi ne, %rem3A_276, %ne3A_277 : i32
          %and3A_279 = arith.andi %ne3A_275, %ne3A_278 : i1
          %sub3A_280 = arith.constant 1 : i32
          %sub3A_281 = arith.subi %div3A_260, %sub3A_280 : i32
          %select_n3A_282 = arith.select %and3A_279, %sub3A_281, %div3A_260 : i32
          %jit3A_283 = arith.constant 2 : i32
          %div3A_284 = arith.divsi %scan3A_253, %jit3A_283 : i32
          %sign3A_285 = arith.constant 0 : i32
          %sign3A_286 = arith.cmpi sgt, %scan3A_253, %sign3A_285 : i32
          %sign3A_287 = arith.extui %sign3A_286 : i1 to i32
          %sign3A_288 = arith.constant 0 : i32
          %sign3A_289 = arith.cmpi slt, %scan3A_253, %sign3A_288 : i32
          %sign3A_290 = arith.extui %sign3A_289 : i1 to i32
          %sign3A_291 = arith.subi %sign3A_287, %sign3A_290 : i32
          %sign3A_292 = arith.constant 0 : i32
          %sign3A_293 = arith.cmpi sgt, %jit3A_283, %sign3A_292 : i32
          %sign3A_294 = arith.extui %sign3A_293 : i1 to i32
          %sign3A_295 = arith.constant 0 : i32
          %sign3A_296 = arith.cmpi slt, %jit3A_283, %sign3A_295 : i32
          %sign3A_297 = arith.extui %sign3A_296 : i1 to i32
          %sign3A_298 = arith.subi %sign3A_294, %sign3A_297 : i32
          %ne3A_299 = arith.cmpi ne, %sign3A_291, %sign3A_298 : i32
          %rem3A_300 = arith.remsi %scan3A_253, %jit3A_283 : i32
          %ne3A_301 = arith.constant 0 : i32
          %ne3A_302 = arith.cmpi ne, %rem3A_300, %ne3A_301 : i32
          %and3A_303 = arith.andi %ne3A_299, %ne3A_302 : i1
          %sub3A_304 = arith.constant 1 : i32
          %sub3A_305 = arith.subi %div3A_284, %sub3A_304 : i32
          %select_n3A_306 = arith.select %and3A_303, %sub3A_305, %div3A_284 : i32
          %add3A_307 = arith.addi %select_n3A_282, %select_n3A_306 : i32
          %add3A_308 = vector.broadcast %add3A_307 : i32 to vector<16xi32>
          %add3A_309 = arith.addi %broadcast_in_dim3A_258, %add3A_308 : vector<16xi32>
          %gather3A = tpu.vector_load_idx %arg22[%add3A_309] : memref<1024xf32, #tpu.memory_space<vmem>>[vector<16xi32>], vector<16xf32>,
          %get3A = arith.index_cast %multiple_of3A_257 : i32 to index
          %get3A_310 = tpu.vector_load %arg17[%get3A] {strides = array<i32>} : memref<4096xf32, #tpu.memory_space<vmem>>, vector<16xf32>,
          %sub3A_311 = arith.subf %get3A_310, %gather3A : vector<16xf32>
          %swap3A = arith.index_cast %multiple_of3A_257 : i32 to index
          %swap3A_312 = tpu.vector_load %arg17[%swap3A] {strides = array<i32>} : memref<4096xf32, #tpu.memory_space<vmem>>, vector<16xf32>,
          tpu.vector_store %arg17[%swap3A], %sub3A_311 {strides = array<i32>} : memref<4096xf32, #tpu.memory_space<vmem>>, vector<16xf32>,
          %scan3A_313 = arith.constant 0 : i32
          scf.yield %scan3A_313 : i32
        }
        %scan3A_242 = arith.constant 256 : i32
        %mul3A_243 = arith.constant 3 : i32
        %mul3A_244 = arith.muli %select_n3A, %mul3A_243 : i32
        %add3A_245 = arith.constant 1 : i32
        %add3A_246 = arith.addi %mul3A_244, %add3A_245 : i32
        %mul3A_247 = arith.constant 32768 : i32
        %mul3A_248 = arith.muli %add3A_246, %mul3A_247 : i32
        %mul3A_249 = arith.constant 4096 : i32
        %mul3A_250 = arith.muli %scan3A_221, %mul3A_249 : i32
        %add3A_251 = arith.addi %mul3A_248, %mul3A_250 : i32
        "tpu.region"() ({
          %run_scoped3A = tpu.sem_alloc : memref<!tpu.dma_semaphore, #tpu.memory_space<semaphore_mem>>
          %dma_start3A_253 = tpu.memref_slice %arg14[%add3A_251] : memref<393216xf32, #tpu.memory_space<hbm>> -> memref<4096xf32, #tpu.memory_space<hbm>>
          %dma_start3A_254 = tpu.memref_slice %arg14[%add3A_251] : memref<393216xf32, #tpu.memory_space<hbm>> -> memref<4096xf32, #tpu.memory_space<hbm>>
          tpu.enqueue_dma source(%arg17 : memref<4096xf32, #tpu.memory_space<vmem>>) target(%dma_start3A_254 : memref<4096xf32, #tpu.memory_space<hbm>>) target_semaphore(%run_scoped3A : memref<!tpu.dma_semaphore, #tpu.memory_space<semaphore_mem>>)
          %dma_wait3A_255 = tpu.memref_slice %arg14[%add3A_251] : memref<393216xf32, #tpu.memory_space<hbm>> -> memref<4096xf32, #tpu.memory_space<hbm>>
          %dma_wait3A_256 = tpu.memref_slice %arg14[%add3A_251] : memref<393216xf32, #tpu.memory_space<hbm>> -> memref<4096xf32, #tpu.memory_space<hbm>>
          tpu.wait_dma2 semaphore(%run_scoped3A : memref<!tpu.dma_semaphore, #tpu.memory_space<semaphore_mem>>) src(%arg17 : memref<4096xf32, #tpu.memory_space<vmem>>) dst(%dma_wait3A_256 : memref<4096xf32, #tpu.memory_space<hbm>>)
          tpu.yield
        }) : () -> ()
        %scan3A_252 = arith.constant 0 : i32
        scf.yield %scan3A_252 : i32
      }
      %scan3A_220 = arith.constant 8 : i32
    } else {
    }
    %eq3A_207 = arith.constant 2 : i32
    %eq3A_208 = arith.cmpi eq, %select_n3A_30, %eq3A_207 : i32
    %convert_element_type3A_209 = arith.extui %eq3A_208 : i1 to i32
    %cond3A_210 = arith.constant 0 : i32
    %cond3A_211 = arith.cmpi ne, %convert_element_type3A_209, %cond3A_210 : i32
    scf.if %cond3A_211 {
      %mul3A_212 = arith.constant 1024 : i32
      %mul3A_213 = arith.muli %select_n3A, %mul3A_212 : i32
      "tpu.region"() ({
        %run_scoped3A = tpu.sem_alloc : memref<!tpu.dma_semaphore, #tpu.memory_space<semaphore_mem>>
        %dma_start3A_221 = tpu.memref_slice %arg9[%mul3A_213] : memref<4096xf32, #tpu.memory_space<hbm>> -> memref<1024xf32, #tpu.memory_space<hbm>>
        %dma_start3A_222 = tpu.memref_slice %arg9[%mul3A_213] : memref<4096xf32, #tpu.memory_space<hbm>> -> memref<1024xf32, #tpu.memory_space<hbm>>
        tpu.enqueue_dma source(%dma_start3A_222 : memref<1024xf32, #tpu.memory_space<hbm>>) target(%arg22 : memref<1024xf32, #tpu.memory_space<vmem>>) target_semaphore(%run_scoped3A : memref<!tpu.dma_semaphore, #tpu.memory_space<semaphore_mem>>)
        %dma_wait3A_223 = tpu.memref_slice %arg9[%mul3A_213] : memref<4096xf32, #tpu.memory_space<hbm>> -> memref<1024xf32, #tpu.memory_space<hbm>>
        %dma_wait3A_224 = tpu.memref_slice %arg9[%mul3A_213] : memref<4096xf32, #tpu.memory_space<hbm>> -> memref<1024xf32, #tpu.memory_space<hbm>>
        tpu.wait_dma2 semaphore(%run_scoped3A : memref<!tpu.dma_semaphore, #tpu.memory_space<semaphore_mem>>) src(%dma_wait3A_224 : memref<1024xf32, #tpu.memory_space<hbm>>) dst(%arg22 : memref<1024xf32, #tpu.memory_space<vmem>>)
        tpu.yield
      }) : () -> ()
      %scan3A_214 = arith.constant 0 : i32
      %scan3A_215 = arith.constant 0 : i32
      %scan3A_216 = arith.constant 8 : i32
      %scan3A_217 = arith.addi %scan3A_215, %scan3A_216 : i32
      %scan3A_218 = arith.constant 1 : i32
      %scan3A_219 = scf.for %scan3A_221 = %scan3A_215 to %scan3A_217 step %scan3A_218 iter_args(%scan3A_222 = %scan3A_214) -> (i32)  : i32 {
        %mul3A_223 = arith.constant 4096 : i32
        %mul3A_224 = arith.muli %scan3A_221, %mul3A_223 : i32
        %multiple_of3A = tpu.assume_multiple %mul3A_224, 16 : i32
        %scan3A_225 = arith.constant 0 : i32
        %scan3A_226 = arith.constant 0 : i32
        %scan3A_227 = arith.constant 256 : i32
        %scan3A_228 = arith.addi %scan3A_226, %scan3A_227 : i32
        %scan3A_229 = arith.constant 1 : i32
        %scan3A_230 = scf.for %scan3A_253 = %scan3A_226 to %scan3A_228 step %scan3A_229 iter_args(%scan3A_254 = %scan3A_225) -> (i32)  : i32 {
          %mul3A_255 = arith.constant 16 : i32
          %mul3A_256 = arith.muli %scan3A_253, %mul3A_255 : i32
          %multiple_of3A_257 = tpu.assume_multiple %mul3A_256, 16 : i32
          %add3A_258 = arith.addi %multiple_of3A, %multiple_of3A_257 : i32
          %get3A = arith.index_cast %add3A_258 : i32 to index
          %get3A_259 = tpu.vector_load %arg15[%get3A] {strides = array<i32>} : memref<32768xi32, #tpu.memory_space<vmem>>, vector<16xi32>,
          %mul3A_260 = arith.constant 16384 : i32
          %mul3A_261 = arith.muli %select_n3A, %mul3A_260 : i32
          %add3A_262 = vector.broadcast %mul3A_261 : i32 to vector<16xi32>
          %add3A_263 = arith.addi %get3A_259, %add3A_262 : vector<16xi32>
          %swap3A = arith.index_cast %multiple_of3A_257 : i32 to index
          %swap3A_264 = tpu.vector_load %arg16[%swap3A] {strides = array<i32>} : memref<4096xi32, #tpu.memory_space<vmem>>, vector<16xi32>,
          tpu.vector_store %arg16[%swap3A], %add3A_263 {strides = array<i32>} : memref<4096xi32, #tpu.memory_space<vmem>>, vector<16xi32>,
          %scan3A_265 = arith.constant 0 : i32
          scf.yield %scan3A_265 : i32
        }
        %scan3A_231 = arith.constant 256 : i32
        %dma_start3A_232 = arith.constant 0 : i32
        %dma_start3A_233 = tpu.memref_slice %arg6[%dma_start3A_232] : memref<65536xf32, #tpu.memory_space<hbm>> -> memref<65536xf32, #tpu.memory_space<hbm>>
        tpu.enqueue_indirect_dma source(%dma_start3A_233 : memref<65536xf32, #tpu.memory_space<hbm>>) target(%arg17 : memref<4096xf32, #tpu.memory_space<vmem>>) offsets(%arg16 : memref<4096xi32, #tpu.memory_space<vmem>>) semaphore(%arg23 : memref<!tpu.dma_semaphore, #tpu.memory_space<semaphore_mem>>)
        %dma_wait3A_234 = arith.constant 0 : i32
        %dma_wait3A_235 = tpu.memref_slice %arg6[%dma_wait3A_234] : memref<65536xf32, #tpu.memory_space<hbm>> -> memref<65536xf32, #tpu.memory_space<hbm>>
        tpu.wait_indirect_dma semaphore(%arg23 : memref<!tpu.dma_semaphore, #tpu.memory_space<semaphore_mem>>) src(%dma_wait3A_235 : memref<65536xf32, #tpu.memory_space<hbm>>) dst(%arg17 : memref<4096xf32, #tpu.memory_space<vmem>>)
        %scan3A_236 = arith.constant 0 : i32
        %scan3A_237 = arith.constant 0 : i32
        %scan3A_238 = arith.constant 256 : i32
        %scan3A_239 = arith.addi %scan3A_237, %scan3A_238 : i32
        %scan3A_240 = arith.constant 1 : i32
        %scan3A_241 = scf.for %scan3A_253 = %scan3A_237 to %scan3A_239 step %scan3A_240 iter_args(%scan3A_254 = %scan3A_236) -> (i32)  : i32 {
          %mul3A_255 = arith.constant 16 : i32
          %mul3A_256 = arith.muli %scan3A_253, %mul3A_255 : i32
          %multiple_of3A_257 = tpu.assume_multiple %mul3A_256, 16 : i32
          %broadcast_in_dim3A = arith.constant 0 : i32
          %broadcast_in_dim3A_258 = vector.broadcast %broadcast_in_dim3A : i32 to vector<16xi32>
          %jit3A_259 = arith.constant 32 : i32
          %div3A_260 = arith.divsi %multiple_of3A, %jit3A_259 : i32
          %sign3A_261 = arith.constant 0 : i32
          %sign3A_262 = arith.cmpi sgt, %multiple_of3A, %sign3A_261 : i32
          %sign3A_263 = arith.extui %sign3A_262 : i1 to i32
          %sign3A_264 = arith.constant 0 : i32
          %sign3A_265 = arith.cmpi slt, %multiple_of3A, %sign3A_264 : i32
          %sign3A_266 = arith.extui %sign3A_265 : i1 to i32
          %sign3A_267 = arith.subi %sign3A_263, %sign3A_266 : i32
          %sign3A_268 = arith.constant 0 : i32
          %sign3A_269 = arith.cmpi sgt, %jit3A_259, %sign3A_268 : i32
          %sign3A_270 = arith.extui %sign3A_269 : i1 to i32
          %sign3A_271 = arith.constant 0 : i32
          %sign3A_272 = arith.cmpi slt, %jit3A_259, %sign3A_271 : i32
          %sign3A_273 = arith.extui %sign3A_272 : i1 to i32
          %sign3A_274 = arith.subi %sign3A_270, %sign3A_273 : i32
          %ne3A_275 = arith.cmpi ne, %sign3A_267, %sign3A_274 : i32
          %rem3A_276 = arith.remsi %multiple_of3A, %jit3A_259 : i32
          %ne3A_277 = arith.constant 0 : i32
          %ne3A_278 = arith.cmpi ne, %rem3A_276, %ne3A_277 : i32
          %and3A_279 = arith.andi %ne3A_275, %ne3A_278 : i1
          %sub3A_280 = arith.constant 1 : i32
          %sub3A_281 = arith.subi %div3A_260, %sub3A_280 : i32
          %select_n3A_282 = arith.select %and3A_279, %sub3A_281, %div3A_260 : i32
          %jit3A_283 = arith.constant 2 : i32
          %div3A_284 = arith.divsi %scan3A_253, %jit3A_283 : i32
          %sign3A_285 = arith.constant 0 : i32
          %sign3A_286 = arith.cmpi sgt, %scan3A_253, %sign3A_285 : i32
          %sign3A_287 = arith.extui %sign3A_286 : i1 to i32
          %sign3A_288 = arith.constant 0 : i32
          %sign3A_289 = arith.cmpi slt, %scan3A_253, %sign3A_288 : i32
          %sign3A_290 = arith.extui %sign3A_289 : i1 to i32
          %sign3A_291 = arith.subi %sign3A_287, %sign3A_290 : i32
          %sign3A_292 = arith.constant 0 : i32
          %sign3A_293 = arith.cmpi sgt, %jit3A_283, %sign3A_292 : i32
          %sign3A_294 = arith.extui %sign3A_293 : i1 to i32
          %sign3A_295 = arith.constant 0 : i32
          %sign3A_296 = arith.cmpi slt, %jit3A_283, %sign3A_295 : i32
          %sign3A_297 = arith.extui %sign3A_296 : i1 to i32
          %sign3A_298 = arith.subi %sign3A_294, %sign3A_297 : i32
          %ne3A_299 = arith.cmpi ne, %sign3A_291, %sign3A_298 : i32
          %rem3A_300 = arith.remsi %scan3A_253, %jit3A_283 : i32
          %ne3A_301 = arith.constant 0 : i32
          %ne3A_302 = arith.cmpi ne, %rem3A_300, %ne3A_301 : i32
          %and3A_303 = arith.andi %ne3A_299, %ne3A_302 : i1
          %sub3A_304 = arith.constant 1 : i32
          %sub3A_305 = arith.subi %div3A_284, %sub3A_304 : i32
          %select_n3A_306 = arith.select %and3A_303, %sub3A_305, %div3A_284 : i32
          %add3A_307 = arith.addi %select_n3A_282, %select_n3A_306 : i32
          %add3A_308 = vector.broadcast %add3A_307 : i32 to vector<16xi32>
          %add3A_309 = arith.addi %broadcast_in_dim3A_258, %add3A_308 : vector<16xi32>
          %gather3A = tpu.vector_load_idx %arg22[%add3A_309] : memref<1024xf32, #tpu.memory_space<vmem>>[vector<16xi32>], vector<16xf32>,
          %get3A = arith.index_cast %multiple_of3A_257 : i32 to index
          %get3A_310 = tpu.vector_load %arg17[%get3A] {strides = array<i32>} : memref<4096xf32, #tpu.memory_space<vmem>>, vector<16xf32>,
          %sub3A_311 = arith.subf %get3A_310, %gather3A : vector<16xf32>
          %swap3A = arith.index_cast %multiple_of3A_257 : i32 to index
          %swap3A_312 = tpu.vector_load %arg17[%swap3A] {strides = array<i32>} : memref<4096xf32, #tpu.memory_space<vmem>>, vector<16xf32>,
          tpu.vector_store %arg17[%swap3A], %sub3A_311 {strides = array<i32>} : memref<4096xf32, #tpu.memory_space<vmem>>, vector<16xf32>,
          %scan3A_313 = arith.constant 0 : i32
          scf.yield %scan3A_313 : i32
        }
        %scan3A_242 = arith.constant 256 : i32
        %mul3A_243 = arith.constant 3 : i32
        %mul3A_244 = arith.muli %select_n3A, %mul3A_243 : i32
        %add3A_245 = arith.constant 2 : i32
        %add3A_246 = arith.addi %mul3A_244, %add3A_245 : i32
        %mul3A_247 = arith.constant 32768 : i32
        %mul3A_248 = arith.muli %add3A_246, %mul3A_247 : i32
        %mul3A_249 = arith.constant 4096 : i32
        %mul3A_250 = arith.muli %scan3A_221, %mul3A_249 : i32
        %add3A_251 = arith.addi %mul3A_248, %mul3A_250 : i32
        "tpu.region"() ({
          %run_scoped3A = tpu.sem_alloc : memref<!tpu.dma_semaphore, #tpu.memory_space<semaphore_mem>>
          %dma_start3A_253 = tpu.memref_slice %arg14[%add3A_251] : memref<393216xf32, #tpu.memory_space<hbm>> -> memref<4096xf32, #tpu.memory_space<hbm>>
          %dma_start3A_254 = tpu.memref_slice %arg14[%add3A_251] : memref<393216xf32, #tpu.memory_space<hbm>> -> memref<4096xf32, #tpu.memory_space<hbm>>
          tpu.enqueue_dma source(%arg17 : memref<4096xf32, #tpu.memory_space<vmem>>) target(%dma_start3A_254 : memref<4096xf32, #tpu.memory_space<hbm>>) target_semaphore(%run_scoped3A : memref<!tpu.dma_semaphore, #tpu.memory_space<semaphore_mem>>)
          %dma_wait3A_255 = tpu.memref_slice %arg14[%add3A_251] : memref<393216xf32, #tpu.memory_space<hbm>> -> memref<4096xf32, #tpu.memory_space<hbm>>
          %dma_wait3A_256 = tpu.memref_slice %arg14[%add3A_251] : memref<393216xf32, #tpu.memory_space<hbm>> -> memref<4096xf32, #tpu.memory_space<hbm>>
          tpu.wait_dma2 semaphore(%run_scoped3A : memref<!tpu.dma_semaphore, #tpu.memory_space<semaphore_mem>>) src(%arg17 : memref<4096xf32, #tpu.memory_space<vmem>>) dst(%dma_wait3A_256 : memref<4096xf32, #tpu.memory_space<hbm>>)
          tpu.yield
        }) : () -> ()
        %scan3A_252 = arith.constant 0 : i32
        scf.yield %scan3A_252 : i32
      }
      %scan3A_220 = arith.constant 8 : i32
    } else {
    }
    return
  }
}

module attributes {stable_mosaic.version = 14 : i64} {
  func.func @_fps_body(%arg0: memref<32x2048xf32, #tpu.memory_space<vmem>>, %arg1: memref<32x2048xf32, #tpu.memory_space<vmem>>, %arg2: memref<32x2048xf32, #tpu.memory_space<vmem>>, %arg3: memref<4x1024xi32, #tpu.memory_space<vmem>>, %arg4: memref<4x1024xf32, #tpu.memory_space<vmem>>, %arg5: memref<4x1024xf32, #tpu.memory_space<vmem>>, %arg6: memref<4x1024xf32, #tpu.memory_space<vmem>>, %arg7: memref<4x1024xf32, #tpu.memory_space<vmem>>, %arg8: memref<32x2048xf32, #tpu.memory_space<vmem>>, %arg9: memref<32x2048xf32, #tpu.memory_space<vmem>>) attributes {dimension_semantics = [], scalar_prefetch = 0 : i64, scratch_operands = 1 : i64, tpu.core_type = #tpu.core_type<tc>} {
    %get3A = arith.constant 0 : index
    %get3A_0 = arith.constant 0 : index
    %get3A_1 = vector.load %arg0[%get3A, %get3A_0] : memref<32x2048xf32, #tpu.memory_space<vmem>>, vector<32x2048xf32>
    %get3A_2 = arith.constant 0 : index
    %get3A_3 = arith.constant 0 : index
    %get3A_4 = vector.load %arg1[%get3A_2, %get3A_3] : memref<32x2048xf32, #tpu.memory_space<vmem>>, vector<32x2048xf32>
    %get3A_5 = arith.constant 0 : index
    %get3A_6 = arith.constant 0 : index
    %get3A_7 = vector.load %arg2[%get3A_5, %get3A_6] : memref<32x2048xf32, #tpu.memory_space<vmem>>, vector<32x2048xf32>
    %mul3A = arith.mulf %get3A_1, %get3A_1 : vector<32x2048xf32>
    %mul3A_8 = arith.mulf %get3A_4, %get3A_4 : vector<32x2048xf32>
    %add3A = arith.addf %mul3A, %mul3A_8 : vector<32x2048xf32>
    %mul3A_9 = arith.mulf %get3A_7, %get3A_7 : vector<32x2048xf32>
    %add3A_10 = arith.addf %add3A, %mul3A_9 : vector<32x2048xf32>
    %swap3A = arith.constant 0 : index
    %swap3A_11 = arith.constant 0 : index
    %swap3A_12 = vector.load %arg8[%swap3A, %swap3A_11] : memref<32x2048xf32, #tpu.memory_space<vmem>>, vector<32x2048xf32>
    tpu.vector_store %arg8[%swap3A, %swap3A_11], %add3A_10 {strides = array<i32>} : memref<32x2048xf32, #tpu.memory_space<vmem>>, vector<32x2048xf32>,
    %iota3A = tpu.iota {dimensions = array<i32: 0>} : vector<32x2048xi32>
    %jit3A = arith.constant 8 : i32
    %eq3A = arith.constant 0 : i32
    %eq3A_13 = arith.cmpi eq, %jit3A, %eq3A : i32
    %jit3A_14 = arith.constant 1 : i32
    %select_n3A = arith.select %eq3A_13, %jit3A_14, %jit3A : i32
    %rem3A = vector.broadcast %select_n3A : i32 to vector<32x2048xi32>
    %rem3A_15 = arith.remsi %iota3A, %rem3A : vector<32x2048xi32>
    %ne3A = arith.constant 0 : i32
    %ne3A_16 = vector.broadcast %ne3A : i32 to vector<32x2048xi32>
    %ne3A_17 = arith.cmpi ne, %rem3A_15, %ne3A_16 : vector<32x2048xi32>
    %lt3A = arith.constant 0 : i32
    %lt3A_18 = vector.broadcast %lt3A : i32 to vector<32x2048xi32>
    %lt3A_19 = arith.cmpi slt, %rem3A_15, %lt3A_18 : vector<32x2048xi32>
    %lt3A_20 = arith.constant 0 : i32
    %lt3A_21 = arith.cmpi slt, %select_n3A, %lt3A_20 : i32
    %ne3A_22 = vector.broadcast %lt3A_21 : i1 to vector<32x2048xi1>
    %ne3A_23 = vector.broadcast %ne3A_22 : vector<32x2048xi1> to vector<32x2048xi1>
    %ne3A_24 = arith.xori %lt3A_19, %ne3A_23 : vector<32x2048xi1>
    %and3A = arith.andi %ne3A_24, %ne3A_17 : vector<32x2048xi1>
    %add3A_25 = vector.broadcast %select_n3A : i32 to vector<32x2048xi32>
    %add3A_26 = arith.addi %rem3A_15, %add3A_25 : vector<32x2048xi32>
    %select_n3A_27 = arith.select %and3A, %add3A_26, %rem3A_15 : vector<32x2048xi1>, vector<32x2048xi32>
    %mul3A_28 = arith.constant 2048 : i32
    %mul3A_29 = vector.broadcast %mul3A_28 : i32 to vector<32x2048xi32>
    %mul3A_30 = arith.muli %select_n3A_27, %mul3A_29 : vector<32x2048xi32>
    %iota3A_31 = tpu.iota {dimensions = array<i32: 1>} : vector<32x2048xi32>
    %add3A_32 = arith.addi %mul3A_30, %iota3A_31 : vector<32x2048xi32>
    %iota3A_33 = tpu.iota {dimensions = array<i32: 1>} : vector<4x128xi32>
    %broadcast_in_dim3A = arith.constant 1.000000e+10 : f32
    %broadcast_in_dim3A_34 = vector.broadcast %broadcast_in_dim3A : f32 to vector<32x2048xf32>
    %swap3A_35 = arith.constant 0 : index
    %swap3A_36 = arith.constant 0 : index
    %swap3A_37 = vector.load %arg9[%swap3A_35, %swap3A_36] : memref<32x2048xf32, #tpu.memory_space<vmem>>, vector<32x2048xf32>
    tpu.vector_store %arg9[%swap3A_35, %swap3A_36], %broadcast_in_dim3A_34 {strides = array<i32>} : memref<32x2048xf32, #tpu.memory_space<vmem>>, vector<32x2048xf32>,
    %slice3A = vector.extract_strided_slice %get3A_1 {offsets = [0, 0], sizes = [1, 1], strides = [1, 1]} : vector<32x2048xf32> to vector<1x1xf32>
    %squeeze3A = vector.extract %slice3A[0, 0] : f32 from vector<1x1xf32>
    %slice3A_38 = vector.extract_strided_slice %get3A_1 {offsets = [8, 0], sizes = [1, 1], strides = [1, 1]} : vector<32x2048xf32> to vector<1x1xf32>
    %squeeze3A_39 = vector.extract %slice3A_38[0, 0] : f32 from vector<1x1xf32>
    %slice3A_40 = vector.extract_strided_slice %get3A_1 {offsets = [16, 0], sizes = [1, 1], strides = [1, 1]} : vector<32x2048xf32> to vector<1x1xf32>
    %squeeze3A_41 = vector.extract %slice3A_40[0, 0] : f32 from vector<1x1xf32>
    %slice3A_42 = vector.extract_strided_slice %get3A_1 {offsets = [24, 0], sizes = [1, 1], strides = [1, 1]} : vector<32x2048xf32> to vector<1x1xf32>
    %squeeze3A_43 = vector.extract %slice3A_42[0, 0] : f32 from vector<1x1xf32>
    %slice3A_44 = vector.extract_strided_slice %get3A_4 {offsets = [0, 0], sizes = [1, 1], strides = [1, 1]} : vector<32x2048xf32> to vector<1x1xf32>
    %squeeze3A_45 = vector.extract %slice3A_44[0, 0] : f32 from vector<1x1xf32>
    %slice3A_46 = vector.extract_strided_slice %get3A_4 {offsets = [8, 0], sizes = [1, 1], strides = [1, 1]} : vector<32x2048xf32> to vector<1x1xf32>
    %squeeze3A_47 = vector.extract %slice3A_46[0, 0] : f32 from vector<1x1xf32>
    %slice3A_48 = vector.extract_strided_slice %get3A_4 {offsets = [16, 0], sizes = [1, 1], strides = [1, 1]} : vector<32x2048xf32> to vector<1x1xf32>
    %squeeze3A_49 = vector.extract %slice3A_48[0, 0] : f32 from vector<1x1xf32>
    %slice3A_50 = vector.extract_strided_slice %get3A_4 {offsets = [24, 0], sizes = [1, 1], strides = [1, 1]} : vector<32x2048xf32> to vector<1x1xf32>
    %squeeze3A_51 = vector.extract %slice3A_50[0, 0] : f32 from vector<1x1xf32>
    %slice3A_52 = vector.extract_strided_slice %get3A_7 {offsets = [0, 0], sizes = [1, 1], strides = [1, 1]} : vector<32x2048xf32> to vector<1x1xf32>
    %squeeze3A_53 = vector.extract %slice3A_52[0, 0] : f32 from vector<1x1xf32>
    %slice3A_54 = vector.extract_strided_slice %get3A_7 {offsets = [8, 0], sizes = [1, 1], strides = [1, 1]} : vector<32x2048xf32> to vector<1x1xf32>
    %squeeze3A_55 = vector.extract %slice3A_54[0, 0] : f32 from vector<1x1xf32>
    %slice3A_56 = vector.extract_strided_slice %get3A_7 {offsets = [16, 0], sizes = [1, 1], strides = [1, 1]} : vector<32x2048xf32> to vector<1x1xf32>
    %squeeze3A_57 = vector.extract %slice3A_56[0, 0] : f32 from vector<1x1xf32>
    %slice3A_58 = vector.extract_strided_slice %get3A_7 {offsets = [24, 0], sizes = [1, 1], strides = [1, 1]} : vector<32x2048xf32> to vector<1x1xf32>
    %squeeze3A_59 = vector.extract %slice3A_58[0, 0] : f32 from vector<1x1xf32>
    %eq3A_60 = arith.constant 0 : i32
    %eq3A_61 = vector.broadcast %eq3A_60 : i32 to vector<4x128xi32>
    %eq3A_62 = arith.cmpi eq, %iota3A_33, %eq3A_61 : vector<4x128xi32>
    %broadcast_in_dim3A_63 = arith.constant 0.000000e+00 : f32
    %broadcast_in_dim3A_64 = vector.broadcast %broadcast_in_dim3A_63 : f32 to vector<4x128xf32>
    %broadcast_in_dim3A_65 = arith.constant 0 : i32
    %broadcast_in_dim3A_66 = vector.broadcast %broadcast_in_dim3A_65 : i32 to vector<4x128xi32>
    %broadcast_in_dim3A_67 = vector.broadcast %squeeze3A : f32 to vector<1x1xf32>
    %broadcast_in_dim3A_68 = vector.broadcast %squeeze3A_39 : f32 to vector<1x1xf32>
    %broadcast_in_dim3A_69 = vector.broadcast %squeeze3A_41 : f32 to vector<1x1xf32>
    %broadcast_in_dim3A_70 = vector.broadcast %squeeze3A_43 : f32 to vector<1x1xf32>
    %concatenate3A = tpu.concatenate %broadcast_in_dim3A_67, %broadcast_in_dim3A_68, %broadcast_in_dim3A_69, %broadcast_in_dim3A_70 in 0 : vector<1x1xf32>, vector<1x1xf32>, vector<1x1xf32>, vector<1x1xf32> -> vector<4x1xf32>
    %broadcast_in_dim3A_71 = vector.broadcast %squeeze3A_45 : f32 to vector<1x1xf32>
    %broadcast_in_dim3A_72 = vector.broadcast %squeeze3A_47 : f32 to vector<1x1xf32>
    %broadcast_in_dim3A_73 = vector.broadcast %squeeze3A_49 : f32 to vector<1x1xf32>
    %broadcast_in_dim3A_74 = vector.broadcast %squeeze3A_51 : f32 to vector<1x1xf32>
    %concatenate3A_75 = tpu.concatenate %broadcast_in_dim3A_71, %broadcast_in_dim3A_72, %broadcast_in_dim3A_73, %broadcast_in_dim3A_74 in 0 : vector<1x1xf32>, vector<1x1xf32>, vector<1x1xf32>, vector<1x1xf32> -> vector<4x1xf32>
    %broadcast_in_dim3A_76 = vector.broadcast %squeeze3A_53 : f32 to vector<1x1xf32>
    %broadcast_in_dim3A_77 = vector.broadcast %squeeze3A_55 : f32 to vector<1x1xf32>
    %broadcast_in_dim3A_78 = vector.broadcast %squeeze3A_57 : f32 to vector<1x1xf32>
    %broadcast_in_dim3A_79 = vector.broadcast %squeeze3A_59 : f32 to vector<1x1xf32>
    %concatenate3A_80 = tpu.concatenate %broadcast_in_dim3A_76, %broadcast_in_dim3A_77, %broadcast_in_dim3A_78, %broadcast_in_dim3A_79 in 0 : vector<1x1xf32>, vector<1x1xf32>, vector<1x1xf32>, vector<1x1xf32> -> vector<4x1xf32>
    %broadcast_in_dim3A_81 = vector.shape_cast %concatenate3A : vector<4x1xf32> to vector<4x1xf32>
    %broadcast_in_dim3A_82 = vector.broadcast %broadcast_in_dim3A_81 : vector<4x1xf32> to vector<4x128xf32>
    %select_n3A_83 = arith.select %eq3A_62, %broadcast_in_dim3A_82, %broadcast_in_dim3A_64 : vector<4x128xi1>, vector<4x128xf32>
    %broadcast_in_dim3A_84 = vector.shape_cast %concatenate3A_75 : vector<4x1xf32> to vector<4x1xf32>
    %broadcast_in_dim3A_85 = vector.broadcast %broadcast_in_dim3A_84 : vector<4x1xf32> to vector<4x128xf32>
    %select_n3A_86 = arith.select %eq3A_62, %broadcast_in_dim3A_85, %broadcast_in_dim3A_64 : vector<4x128xi1>, vector<4x128xf32>
    %broadcast_in_dim3A_87 = vector.shape_cast %concatenate3A_80 : vector<4x1xf32> to vector<4x1xf32>
    %broadcast_in_dim3A_88 = vector.broadcast %broadcast_in_dim3A_87 : vector<4x1xf32> to vector<4x128xf32>
    %select_n3A_89 = arith.select %eq3A_62, %broadcast_in_dim3A_88, %broadcast_in_dim3A_64 : vector<4x128xi1>, vector<4x128xf32>
    %mul3A_90 = arith.mulf %concatenate3A, %concatenate3A : vector<4x1xf32>
    %mul3A_91 = arith.mulf %concatenate3A_75, %concatenate3A_75 : vector<4x1xf32>
    %add3A_92 = arith.addf %mul3A_90, %mul3A_91 : vector<4x1xf32>
    %mul3A_93 = arith.mulf %concatenate3A_80, %concatenate3A_80 : vector<4x1xf32>
    %add3A_94 = arith.addf %add3A_92, %mul3A_93 : vector<4x1xf32>
    %broadcast_in_dim3A_95 = vector.shape_cast %add3A_94 : vector<4x1xf32> to vector<4x1xf32>
    %broadcast_in_dim3A_96 = vector.broadcast %broadcast_in_dim3A_95 : vector<4x1xf32> to vector<4x128xf32>
    %select_n3A_97 = arith.select %eq3A_62, %broadcast_in_dim3A_96, %broadcast_in_dim3A_64 : vector<4x128xi1>, vector<4x128xf32>
    %broadcast_in_dim3A_98 = vector.broadcast %squeeze3A : f32 to vector<8x1xf32>
    %broadcast_in_dim3A_99 = vector.broadcast %squeeze3A_39 : f32 to vector<8x1xf32>
    %broadcast_in_dim3A_100 = vector.broadcast %squeeze3A_41 : f32 to vector<8x1xf32>
    %broadcast_in_dim3A_101 = vector.broadcast %squeeze3A_43 : f32 to vector<8x1xf32>
    %concatenate3A_102 = tpu.concatenate %broadcast_in_dim3A_98, %broadcast_in_dim3A_99, %broadcast_in_dim3A_100, %broadcast_in_dim3A_101 in 0 : vector<8x1xf32>, vector<8x1xf32>, vector<8x1xf32>, vector<8x1xf32> -> vector<32x1xf32>
    %broadcast_in_dim3A_103 = vector.broadcast %squeeze3A_45 : f32 to vector<8x1xf32>
    %broadcast_in_dim3A_104 = vector.broadcast %squeeze3A_47 : f32 to vector<8x1xf32>
    %broadcast_in_dim3A_105 = vector.broadcast %squeeze3A_49 : f32 to vector<8x1xf32>
    %broadcast_in_dim3A_106 = vector.broadcast %squeeze3A_51 : f32 to vector<8x1xf32>
    %concatenate3A_107 = tpu.concatenate %broadcast_in_dim3A_103, %broadcast_in_dim3A_104, %broadcast_in_dim3A_105, %broadcast_in_dim3A_106 in 0 : vector<8x1xf32>, vector<8x1xf32>, vector<8x1xf32>, vector<8x1xf32> -> vector<32x1xf32>
    %broadcast_in_dim3A_108 = vector.broadcast %squeeze3A_53 : f32 to vector<8x1xf32>
    %broadcast_in_dim3A_109 = vector.broadcast %squeeze3A_55 : f32 to vector<8x1xf32>
    %broadcast_in_dim3A_110 = vector.broadcast %squeeze3A_57 : f32 to vector<8x1xf32>
    %broadcast_in_dim3A_111 = vector.broadcast %squeeze3A_59 : f32 to vector<8x1xf32>
    %concatenate3A_112 = tpu.concatenate %broadcast_in_dim3A_108, %broadcast_in_dim3A_109, %broadcast_in_dim3A_110, %broadcast_in_dim3A_111 in 0 : vector<8x1xf32>, vector<8x1xf32>, vector<8x1xf32>, vector<8x1xf32> -> vector<32x1xf32>
    %scan3A = arith.constant 1 : i32
    %scan3A_113 = arith.constant 1023 : i32
    %scan3A_114 = arith.addi %scan3A, %scan3A_113 : i32
    %scan3A_115 = arith.constant 1 : i32
    %scan3A_116:8 = scf.for %scan3A_118 = %scan3A to %scan3A_114 step %scan3A_115 iter_args(%scan3A_119 = %concatenate3A_102, %scan3A_120 = %concatenate3A_107, %scan3A_121 = %concatenate3A_112, %scan3A_122 = %broadcast_in_dim3A_66, %scan3A_123 = %select_n3A_83, %scan3A_124 = %select_n3A_86, %scan3A_125 = %select_n3A_89, %scan3A_126 = %select_n3A_97) -> (vector<32x1xf32>, vector<32x1xf32>, vector<32x1xf32>, vector<4x128xi32>, vector<4x128xf32>, vector<4x128xf32>, vector<4x128xf32>, vector<4x128xf32>)  : i32 {
      %sub3A = vector.broadcast %scan3A_119 : vector<32x1xf32> to vector<32x2048xf32>
      %sub3A_127 = arith.subf %get3A_1, %sub3A : vector<32x2048xf32>
      %integer_pow3A = arith.mulf %sub3A_127, %sub3A_127 : vector<32x2048xf32>
      %sub3A_128 = vector.broadcast %scan3A_120 : vector<32x1xf32> to vector<32x2048xf32>
      %sub3A_129 = arith.subf %get3A_4, %sub3A_128 : vector<32x2048xf32>
      %integer_pow3A_130 = arith.mulf %sub3A_129, %sub3A_129 : vector<32x2048xf32>
      %add3A_131 = arith.addf %integer_pow3A, %integer_pow3A_130 : vector<32x2048xf32>
      %sub3A_132 = vector.broadcast %scan3A_121 : vector<32x1xf32> to vector<32x2048xf32>
      %sub3A_133 = arith.subf %get3A_7, %sub3A_132 : vector<32x2048xf32>
      %integer_pow3A_134 = arith.mulf %sub3A_133, %sub3A_133 : vector<32x2048xf32>
      %add3A_135 = arith.addf %add3A_131, %integer_pow3A_134 : vector<32x2048xf32>
      %get3A_136 = arith.constant 0 : index
      %get3A_137 = arith.constant 0 : index
      %get3A_138 = vector.load %arg9[%get3A_136, %get3A_137] : memref<32x2048xf32, #tpu.memory_space<vmem>>, vector<32x2048xf32>
      %min3A = arith.minimumf %get3A_138, %add3A_135 : vector<32x2048xf32>
      %swap3A_139 = arith.constant 0 : index
      %swap3A_140 = arith.constant 0 : index
      %swap3A_141 = vector.load %arg9[%swap3A_139, %swap3A_140] : memref<32x2048xf32, #tpu.memory_space<vmem>>, vector<32x2048xf32>
      tpu.vector_store %arg9[%swap3A_139, %swap3A_140], %min3A {strides = array<i32>} : memref<32x2048xf32, #tpu.memory_space<vmem>>, vector<32x2048xf32>,
      %reduce_max3A = arith.constant dense<0xFF800000> : vector<32xf32>
      %reduce_max3A_142 = vector.multi_reduction <maximumf>, %min3A, %reduce_max3A [1] : vector<32x2048xf32> to vector<32xf32>
      %broadcast_in_dim3A_143 = vector.shape_cast %reduce_max3A_142 : vector<32xf32> to vector<32x1xf32>
      %slice3A_144 = vector.extract_strided_slice %broadcast_in_dim3A_143 {offsets = [0, 0], sizes = [8, 1], strides = [1, 1]} : vector<32x1xf32> to vector<8x1xf32>
      %reduce_max3A_145 = vector.shape_cast %slice3A_144 : vector<8x1xf32> to vector<1x8x1xf32>
      %reduce_max3A_146 = arith.constant dense<0xFF800000> : vector<1xf32>
      %reduce_max3A_147 = vector.multi_reduction <maximumf>, %reduce_max3A_145, %reduce_max3A_146 [1, 2] : vector<1x8x1xf32> to vector<1xf32>
      %reduce_max3A_148 = vector.shape_cast %reduce_max3A_147 : vector<1xf32> to vector<1x1x1xf32>
      %reduce_max3A_149 = vector.extract %reduce_max3A_148[0, 0, 0] : f32 from vector<1x1x1xf32>
      %slice3A_150 = vector.extract_strided_slice %broadcast_in_dim3A_143 {offsets = [8, 0], sizes = [8, 1], strides = [1, 1]} : vector<32x1xf32> to vector<8x1xf32>
      %reduce_max3A_151 = vector.shape_cast %slice3A_150 : vector<8x1xf32> to vector<1x8x1xf32>
      %reduce_max3A_152 = arith.constant dense<0xFF800000> : vector<1xf32>
      %reduce_max3A_153 = vector.multi_reduction <maximumf>, %reduce_max3A_151, %reduce_max3A_152 [1, 2] : vector<1x8x1xf32> to vector<1xf32>
      %reduce_max3A_154 = vector.shape_cast %reduce_max3A_153 : vector<1xf32> to vector<1x1x1xf32>
      %reduce_max3A_155 = vector.extract %reduce_max3A_154[0, 0, 0] : f32 from vector<1x1x1xf32>
      %slice3A_156 = vector.extract_strided_slice %broadcast_in_dim3A_143 {offsets = [16, 0], sizes = [8, 1], strides = [1, 1]} : vector<32x1xf32> to vector<8x1xf32>
      %reduce_max3A_157 = vector.shape_cast %slice3A_156 : vector<8x1xf32> to vector<1x8x1xf32>
      %reduce_max3A_158 = arith.constant dense<0xFF800000> : vector<1xf32>
      %reduce_max3A_159 = vector.multi_reduction <maximumf>, %reduce_max3A_157, %reduce_max3A_158 [1, 2] : vector<1x8x1xf32> to vector<1xf32>
      %reduce_max3A_160 = vector.shape_cast %reduce_max3A_159 : vector<1xf32> to vector<1x1x1xf32>
      %reduce_max3A_161 = vector.extract %reduce_max3A_160[0, 0, 0] : f32 from vector<1x1x1xf32>
      %slice3A_162 = vector.extract_strided_slice %broadcast_in_dim3A_143 {offsets = [24, 0], sizes = [8, 1], strides = [1, 1]} : vector<32x1xf32> to vector<8x1xf32>
      %reduce_max3A_163 = vector.shape_cast %slice3A_162 : vector<8x1xf32> to vector<1x8x1xf32>
      %reduce_max3A_164 = arith.constant dense<0xFF800000> : vector<1xf32>
      %reduce_max3A_165 = vector.multi_reduction <maximumf>, %reduce_max3A_163, %reduce_max3A_164 [1, 2] : vector<1x8x1xf32> to vector<1xf32>
      %reduce_max3A_166 = vector.shape_cast %reduce_max3A_165 : vector<1xf32> to vector<1x1x1xf32>
      %reduce_max3A_167 = vector.extract %reduce_max3A_166[0, 0, 0] : f32 from vector<1x1x1xf32>
      %broadcast_in_dim3A_168 = vector.broadcast %reduce_max3A_149 : f32 to vector<8x1xf32>
      %broadcast_in_dim3A_169 = vector.broadcast %reduce_max3A_155 : f32 to vector<8x1xf32>
      %broadcast_in_dim3A_170 = vector.broadcast %reduce_max3A_161 : f32 to vector<8x1xf32>
      %broadcast_in_dim3A_171 = vector.broadcast %reduce_max3A_167 : f32 to vector<8x1xf32>
      %concatenate3A_172 = tpu.concatenate %broadcast_in_dim3A_168, %broadcast_in_dim3A_169, %broadcast_in_dim3A_170, %broadcast_in_dim3A_171 in 0 : vector<8x1xf32>, vector<8x1xf32>, vector<8x1xf32>, vector<8x1xf32> -> vector<32x1xf32>
      %eq3A_173 = vector.broadcast %concatenate3A_172 : vector<32x1xf32> to vector<32x2048xf32>
      %eq3A_174 = arith.cmpf oeq, %min3A, %eq3A_173 : vector<32x2048xf32>
      %jit3A_175 = arith.constant 16384 : i32
      %broadcast_in_dim3A_176 = vector.broadcast %jit3A_175 : i32 to vector<32x2048xi32>
      %select_n3A_177 = arith.select %eq3A_174, %add3A_32, %broadcast_in_dim3A_176 : vector<32x2048xi1>, vector<32x2048xi32>
      %reduce_min3A = arith.constant dense<2147483647> : vector<32xi32>
      %reduce_min3A_178 = vector.multi_reduction <minsi>, %select_n3A_177, %reduce_min3A [1] : vector<32x2048xi32> to vector<32xi32>
      %broadcast_in_dim3A_179 = vector.shape_cast %reduce_min3A_178 : vector<32xi32> to vector<32x1xi32>
      %slice3A_180 = vector.extract_strided_slice %broadcast_in_dim3A_179 {offsets = [0, 0], sizes = [8, 1], strides = [1, 1]} : vector<32x1xi32> to vector<8x1xi32>
      %reduce_min3A_181 = vector.shape_cast %slice3A_180 : vector<8x1xi32> to vector<1x8x1xi32>
      %reduce_min3A_182 = arith.constant dense<2147483647> : vector<1xi32>
      %reduce_min3A_183 = vector.multi_reduction <minsi>, %reduce_min3A_181, %reduce_min3A_182 [1, 2] : vector<1x8x1xi32> to vector<1xi32>
      %reduce_min3A_184 = vector.shape_cast %reduce_min3A_183 : vector<1xi32> to vector<1x1x1xi32>
      %reduce_min3A_185 = vector.extract %reduce_min3A_184[0, 0, 0] : i32 from vector<1x1x1xi32>
      %slice3A_186 = vector.extract_strided_slice %broadcast_in_dim3A_179 {offsets = [8, 0], sizes = [8, 1], strides = [1, 1]} : vector<32x1xi32> to vector<8x1xi32>
      %reduce_min3A_187 = vector.shape_cast %slice3A_186 : vector<8x1xi32> to vector<1x8x1xi32>
      %reduce_min3A_188 = arith.constant dense<2147483647> : vector<1xi32>
      %reduce_min3A_189 = vector.multi_reduction <minsi>, %reduce_min3A_187, %reduce_min3A_188 [1, 2] : vector<1x8x1xi32> to vector<1xi32>
      %reduce_min3A_190 = vector.shape_cast %reduce_min3A_189 : vector<1xi32> to vector<1x1x1xi32>
      %reduce_min3A_191 = vector.extract %reduce_min3A_190[0, 0, 0] : i32 from vector<1x1x1xi32>
      %slice3A_192 = vector.extract_strided_slice %broadcast_in_dim3A_179 {offsets = [16, 0], sizes = [8, 1], strides = [1, 1]} : vector<32x1xi32> to vector<8x1xi32>
      %reduce_min3A_193 = vector.shape_cast %slice3A_192 : vector<8x1xi32> to vector<1x8x1xi32>
      %reduce_min3A_194 = arith.constant dense<2147483647> : vector<1xi32>
      %reduce_min3A_195 = vector.multi_reduction <minsi>, %reduce_min3A_193, %reduce_min3A_194 [1, 2] : vector<1x8x1xi32> to vector<1xi32>
      %reduce_min3A_196 = vector.shape_cast %reduce_min3A_195 : vector<1xi32> to vector<1x1x1xi32>
      %reduce_min3A_197 = vector.extract %reduce_min3A_196[0, 0, 0] : i32 from vector<1x1x1xi32>
      %slice3A_198 = vector.extract_strided_slice %broadcast_in_dim3A_179 {offsets = [24, 0], sizes = [8, 1], strides = [1, 1]} : vector<32x1xi32> to vector<8x1xi32>
      %reduce_min3A_199 = vector.shape_cast %slice3A_198 : vector<8x1xi32> to vector<1x8x1xi32>
      %reduce_min3A_200 = arith.constant dense<2147483647> : vector<1xi32>
      %reduce_min3A_201 = vector.multi_reduction <minsi>, %reduce_min3A_199, %reduce_min3A_200 [1, 2] : vector<1x8x1xi32> to vector<1xi32>
      %reduce_min3A_202 = vector.shape_cast %reduce_min3A_201 : vector<1xi32> to vector<1x1x1xi32>
      %reduce_min3A_203 = vector.extract %reduce_min3A_202[0, 0, 0] : i32 from vector<1x1x1xi32>
      %broadcast_in_dim3A_204 = vector.broadcast %reduce_min3A_185 : i32 to vector<8x1xi32>
      %broadcast_in_dim3A_205 = vector.broadcast %reduce_min3A_191 : i32 to vector<8x1xi32>
      %broadcast_in_dim3A_206 = vector.broadcast %reduce_min3A_197 : i32 to vector<8x1xi32>
      %broadcast_in_dim3A_207 = vector.broadcast %reduce_min3A_203 : i32 to vector<8x1xi32>
      %concatenate3A_208 = tpu.concatenate %broadcast_in_dim3A_204, %broadcast_in_dim3A_205, %broadcast_in_dim3A_206, %broadcast_in_dim3A_207 in 0 : vector<8x1xi32>, vector<8x1xi32>, vector<8x1xi32>, vector<8x1xi32> -> vector<32x1xi32>
      %eq3A_209 = vector.broadcast %concatenate3A_208 : vector<32x1xi32> to vector<32x2048xi32>
      %eq3A_210 = arith.cmpi eq, %add3A_32, %eq3A_209 : vector<32x2048xi32>
      %jit3A_211 = arith.constant -1.000000e+00 : f32
      %broadcast_in_dim3A_212 = vector.broadcast %jit3A_211 : f32 to vector<32x2048xf32>
      %select_n3A_213 = arith.select %eq3A_210, %get3A_1, %broadcast_in_dim3A_212 : vector<32x2048xi1>, vector<32x2048xf32>
      %reduce_max3A_214 = arith.constant dense<0xFF800000> : vector<32xf32>
      %reduce_max3A_215 = vector.multi_reduction <maximumf>, %select_n3A_213, %reduce_max3A_214 [1] : vector<32x2048xf32> to vector<32xf32>
      %broadcast_in_dim3A_216 = vector.shape_cast %reduce_max3A_215 : vector<32xf32> to vector<32x1xf32>
      %jit3A_217 = arith.constant -1.000000e+00 : f32
      %broadcast_in_dim3A_218 = vector.broadcast %jit3A_217 : f32 to vector<32x2048xf32>
      %select_n3A_219 = arith.select %eq3A_210, %get3A_4, %broadcast_in_dim3A_218 : vector<32x2048xi1>, vector<32x2048xf32>
      %reduce_max3A_220 = arith.constant dense<0xFF800000> : vector<32xf32>
      %reduce_max3A_221 = vector.multi_reduction <maximumf>, %select_n3A_219, %reduce_max3A_220 [1] : vector<32x2048xf32> to vector<32xf32>
      %broadcast_in_dim3A_222 = vector.shape_cast %reduce_max3A_221 : vector<32xf32> to vector<32x1xf32>
      %jit3A_223 = arith.constant -1.000000e+00 : f32
      %broadcast_in_dim3A_224 = vector.broadcast %jit3A_223 : f32 to vector<32x2048xf32>
      %select_n3A_225 = arith.select %eq3A_210, %get3A_7, %broadcast_in_dim3A_224 : vector<32x2048xi1>, vector<32x2048xf32>
      %reduce_max3A_226 = arith.constant dense<0xFF800000> : vector<32xf32>
      %reduce_max3A_227 = vector.multi_reduction <maximumf>, %select_n3A_225, %reduce_max3A_226 [1] : vector<32x2048xf32> to vector<32xf32>
      %broadcast_in_dim3A_228 = vector.shape_cast %reduce_max3A_227 : vector<32xf32> to vector<32x1xf32>
      %slice3A_229 = vector.extract_strided_slice %broadcast_in_dim3A_216 {offsets = [0, 0], sizes = [8, 1], strides = [1, 1]} : vector<32x1xf32> to vector<8x1xf32>
      %reduce_max3A_230 = vector.shape_cast %slice3A_229 : vector<8x1xf32> to vector<1x8x1xf32>
      %reduce_max3A_231 = arith.constant dense<0xFF800000> : vector<1xf32>
      %reduce_max3A_232 = vector.multi_reduction <maximumf>, %reduce_max3A_230, %reduce_max3A_231 [1, 2] : vector<1x8x1xf32> to vector<1xf32>
      %reduce_max3A_233 = vector.shape_cast %reduce_max3A_232 : vector<1xf32> to vector<1x1x1xf32>
      %reduce_max3A_234 = vector.extract %reduce_max3A_233[0, 0, 0] : f32 from vector<1x1x1xf32>
      %slice3A_235 = vector.extract_strided_slice %broadcast_in_dim3A_216 {offsets = [8, 0], sizes = [8, 1], strides = [1, 1]} : vector<32x1xf32> to vector<8x1xf32>
      %reduce_max3A_236 = vector.shape_cast %slice3A_235 : vector<8x1xf32> to vector<1x8x1xf32>
      %reduce_max3A_237 = arith.constant dense<0xFF800000> : vector<1xf32>
      %reduce_max3A_238 = vector.multi_reduction <maximumf>, %reduce_max3A_236, %reduce_max3A_237 [1, 2] : vector<1x8x1xf32> to vector<1xf32>
      %reduce_max3A_239 = vector.shape_cast %reduce_max3A_238 : vector<1xf32> to vector<1x1x1xf32>
      %reduce_max3A_240 = vector.extract %reduce_max3A_239[0, 0, 0] : f32 from vector<1x1x1xf32>
      %slice3A_241 = vector.extract_strided_slice %broadcast_in_dim3A_216 {offsets = [16, 0], sizes = [8, 1], strides = [1, 1]} : vector<32x1xf32> to vector<8x1xf32>
      %reduce_max3A_242 = vector.shape_cast %slice3A_241 : vector<8x1xf32> to vector<1x8x1xf32>
      %reduce_max3A_243 = arith.constant dense<0xFF800000> : vector<1xf32>
      %reduce_max3A_244 = vector.multi_reduction <maximumf>, %reduce_max3A_242, %reduce_max3A_243 [1, 2] : vector<1x8x1xf32> to vector<1xf32>
      %reduce_max3A_245 = vector.shape_cast %reduce_max3A_244 : vector<1xf32> to vector<1x1x1xf32>
      %reduce_max3A_246 = vector.extract %reduce_max3A_245[0, 0, 0] : f32 from vector<1x1x1xf32>
      %slice3A_247 = vector.extract_strided_slice %broadcast_in_dim3A_216 {offsets = [24, 0], sizes = [8, 1], strides = [1, 1]} : vector<32x1xf32> to vector<8x1xf32>
      %reduce_max3A_248 = vector.shape_cast %slice3A_247 : vector<8x1xf32> to vector<1x8x1xf32>
      %reduce_max3A_249 = arith.constant dense<0xFF800000> : vector<1xf32>
      %reduce_max3A_250 = vector.multi_reduction <maximumf>, %reduce_max3A_248, %reduce_max3A_249 [1, 2] : vector<1x8x1xf32> to vector<1xf32>
      %reduce_max3A_251 = vector.shape_cast %reduce_max3A_250 : vector<1xf32> to vector<1x1x1xf32>
      %reduce_max3A_252 = vector.extract %reduce_max3A_251[0, 0, 0] : f32 from vector<1x1x1xf32>
      %slice3A_253 = vector.extract_strided_slice %broadcast_in_dim3A_222 {offsets = [0, 0], sizes = [8, 1], strides = [1, 1]} : vector<32x1xf32> to vector<8x1xf32>
      %reduce_max3A_254 = vector.shape_cast %slice3A_253 : vector<8x1xf32> to vector<1x8x1xf32>
      %reduce_max3A_255 = arith.constant dense<0xFF800000> : vector<1xf32>
      %reduce_max3A_256 = vector.multi_reduction <maximumf>, %reduce_max3A_254, %reduce_max3A_255 [1, 2] : vector<1x8x1xf32> to vector<1xf32>
      %reduce_max3A_257 = vector.shape_cast %reduce_max3A_256 : vector<1xf32> to vector<1x1x1xf32>
      %reduce_max3A_258 = vector.extract %reduce_max3A_257[0, 0, 0] : f32 from vector<1x1x1xf32>
      %slice3A_259 = vector.extract_strided_slice %broadcast_in_dim3A_222 {offsets = [8, 0], sizes = [8, 1], strides = [1, 1]} : vector<32x1xf32> to vector<8x1xf32>
      %reduce_max3A_260 = vector.shape_cast %slice3A_259 : vector<8x1xf32> to vector<1x8x1xf32>
      %reduce_max3A_261 = arith.constant dense<0xFF800000> : vector<1xf32>
      %reduce_max3A_262 = vector.multi_reduction <maximumf>, %reduce_max3A_260, %reduce_max3A_261 [1, 2] : vector<1x8x1xf32> to vector<1xf32>
      %reduce_max3A_263 = vector.shape_cast %reduce_max3A_262 : vector<1xf32> to vector<1x1x1xf32>
      %reduce_max3A_264 = vector.extract %reduce_max3A_263[0, 0, 0] : f32 from vector<1x1x1xf32>
      %slice3A_265 = vector.extract_strided_slice %broadcast_in_dim3A_222 {offsets = [16, 0], sizes = [8, 1], strides = [1, 1]} : vector<32x1xf32> to vector<8x1xf32>
      %reduce_max3A_266 = vector.shape_cast %slice3A_265 : vector<8x1xf32> to vector<1x8x1xf32>
      %reduce_max3A_267 = arith.constant dense<0xFF800000> : vector<1xf32>
      %reduce_max3A_268 = vector.multi_reduction <maximumf>, %reduce_max3A_266, %reduce_max3A_267 [1, 2] : vector<1x8x1xf32> to vector<1xf32>
      %reduce_max3A_269 = vector.shape_cast %reduce_max3A_268 : vector<1xf32> to vector<1x1x1xf32>
      %reduce_max3A_270 = vector.extract %reduce_max3A_269[0, 0, 0] : f32 from vector<1x1x1xf32>
      %slice3A_271 = vector.extract_strided_slice %broadcast_in_dim3A_222 {offsets = [24, 0], sizes = [8, 1], strides = [1, 1]} : vector<32x1xf32> to vector<8x1xf32>
      %reduce_max3A_272 = vector.shape_cast %slice3A_271 : vector<8x1xf32> to vector<1x8x1xf32>
      %reduce_max3A_273 = arith.constant dense<0xFF800000> : vector<1xf32>
      %reduce_max3A_274 = vector.multi_reduction <maximumf>, %reduce_max3A_272, %reduce_max3A_273 [1, 2] : vector<1x8x1xf32> to vector<1xf32>
      %reduce_max3A_275 = vector.shape_cast %reduce_max3A_274 : vector<1xf32> to vector<1x1x1xf32>
      %reduce_max3A_276 = vector.extract %reduce_max3A_275[0, 0, 0] : f32 from vector<1x1x1xf32>
      %slice3A_277 = vector.extract_strided_slice %broadcast_in_dim3A_228 {offsets = [0, 0], sizes = [8, 1], strides = [1, 1]} : vector<32x1xf32> to vector<8x1xf32>
      %reduce_max3A_278 = vector.shape_cast %slice3A_277 : vector<8x1xf32> to vector<1x8x1xf32>
      %reduce_max3A_279 = arith.constant dense<0xFF800000> : vector<1xf32>
      %reduce_max3A_280 = vector.multi_reduction <maximumf>, %reduce_max3A_278, %reduce_max3A_279 [1, 2] : vector<1x8x1xf32> to vector<1xf32>
      %reduce_max3A_281 = vector.shape_cast %reduce_max3A_280 : vector<1xf32> to vector<1x1x1xf32>
      %reduce_max3A_282 = vector.extract %reduce_max3A_281[0, 0, 0] : f32 from vector<1x1x1xf32>
      %slice3A_283 = vector.extract_strided_slice %broadcast_in_dim3A_228 {offsets = [8, 0], sizes = [8, 1], strides = [1, 1]} : vector<32x1xf32> to vector<8x1xf32>
      %reduce_max3A_284 = vector.shape_cast %slice3A_283 : vector<8x1xf32> to vector<1x8x1xf32>
      %reduce_max3A_285 = arith.constant dense<0xFF800000> : vector<1xf32>
      %reduce_max3A_286 = vector.multi_reduction <maximumf>, %reduce_max3A_284, %reduce_max3A_285 [1, 2] : vector<1x8x1xf32> to vector<1xf32>
      %reduce_max3A_287 = vector.shape_cast %reduce_max3A_286 : vector<1xf32> to vector<1x1x1xf32>
      %reduce_max3A_288 = vector.extract %reduce_max3A_287[0, 0, 0] : f32 from vector<1x1x1xf32>
      %slice3A_289 = vector.extract_strided_slice %broadcast_in_dim3A_228 {offsets = [16, 0], sizes = [8, 1], strides = [1, 1]} : vector<32x1xf32> to vector<8x1xf32>
      %reduce_max3A_290 = vector.shape_cast %slice3A_289 : vector<8x1xf32> to vector<1x8x1xf32>
      %reduce_max3A_291 = arith.constant dense<0xFF800000> : vector<1xf32>
      %reduce_max3A_292 = vector.multi_reduction <maximumf>, %reduce_max3A_290, %reduce_max3A_291 [1, 2] : vector<1x8x1xf32> to vector<1xf32>
      %reduce_max3A_293 = vector.shape_cast %reduce_max3A_292 : vector<1xf32> to vector<1x1x1xf32>
      %reduce_max3A_294 = vector.extract %reduce_max3A_293[0, 0, 0] : f32 from vector<1x1x1xf32>
      %slice3A_295 = vector.extract_strided_slice %broadcast_in_dim3A_228 {offsets = [24, 0], sizes = [8, 1], strides = [1, 1]} : vector<32x1xf32> to vector<8x1xf32>
      %reduce_max3A_296 = vector.shape_cast %slice3A_295 : vector<8x1xf32> to vector<1x8x1xf32>
      %reduce_max3A_297 = arith.constant dense<0xFF800000> : vector<1xf32>
      %reduce_max3A_298 = vector.multi_reduction <maximumf>, %reduce_max3A_296, %reduce_max3A_297 [1, 2] : vector<1x8x1xf32> to vector<1xf32>
      %reduce_max3A_299 = vector.shape_cast %reduce_max3A_298 : vector<1xf32> to vector<1x1x1xf32>
      %reduce_max3A_300 = vector.extract %reduce_max3A_299[0, 0, 0] : f32 from vector<1x1x1xf32>
      %broadcast_in_dim3A_301 = vector.broadcast %reduce_max3A_234 : f32 to vector<1x1xf32>
      %broadcast_in_dim3A_302 = vector.broadcast %reduce_max3A_240 : f32 to vector<1x1xf32>
      %broadcast_in_dim3A_303 = vector.broadcast %reduce_max3A_246 : f32 to vector<1x1xf32>
      %broadcast_in_dim3A_304 = vector.broadcast %reduce_max3A_252 : f32 to vector<1x1xf32>
      %concatenate3A_305 = tpu.concatenate %broadcast_in_dim3A_301, %broadcast_in_dim3A_302, %broadcast_in_dim3A_303, %broadcast_in_dim3A_304 in 0 : vector<1x1xf32>, vector<1x1xf32>, vector<1x1xf32>, vector<1x1xf32> -> vector<4x1xf32>
      %broadcast_in_dim3A_306 = vector.broadcast %reduce_max3A_258 : f32 to vector<1x1xf32>
      %broadcast_in_dim3A_307 = vector.broadcast %reduce_max3A_264 : f32 to vector<1x1xf32>
      %broadcast_in_dim3A_308 = vector.broadcast %reduce_max3A_270 : f32 to vector<1x1xf32>
      %broadcast_in_dim3A_309 = vector.broadcast %reduce_max3A_276 : f32 to vector<1x1xf32>
      %concatenate3A_310 = tpu.concatenate %broadcast_in_dim3A_306, %broadcast_in_dim3A_307, %broadcast_in_dim3A_308, %broadcast_in_dim3A_309 in 0 : vector<1x1xf32>, vector<1x1xf32>, vector<1x1xf32>, vector<1x1xf32> -> vector<4x1xf32>
      %broadcast_in_dim3A_311 = vector.broadcast %reduce_max3A_282 : f32 to vector<1x1xf32>
      %broadcast_in_dim3A_312 = vector.broadcast %reduce_max3A_288 : f32 to vector<1x1xf32>
      %broadcast_in_dim3A_313 = vector.broadcast %reduce_max3A_294 : f32 to vector<1x1xf32>
      %broadcast_in_dim3A_314 = vector.broadcast %reduce_max3A_300 : f32 to vector<1x1xf32>
      %concatenate3A_315 = tpu.concatenate %broadcast_in_dim3A_311, %broadcast_in_dim3A_312, %broadcast_in_dim3A_313, %broadcast_in_dim3A_314 in 0 : vector<1x1xf32>, vector<1x1xf32>, vector<1x1xf32>, vector<1x1xf32> -> vector<4x1xf32>
      %broadcast_in_dim3A_316 = vector.broadcast %reduce_min3A_185 : i32 to vector<1x1xi32>
      %broadcast_in_dim3A_317 = vector.broadcast %reduce_min3A_191 : i32 to vector<1x1xi32>
      %broadcast_in_dim3A_318 = vector.broadcast %reduce_min3A_197 : i32 to vector<1x1xi32>
      %broadcast_in_dim3A_319 = vector.broadcast %reduce_min3A_203 : i32 to vector<1x1xi32>
      %concatenate3A_320 = tpu.concatenate %broadcast_in_dim3A_316, %broadcast_in_dim3A_317, %broadcast_in_dim3A_318, %broadcast_in_dim3A_319 in 0 : vector<1x1xi32>, vector<1x1xi32>, vector<1x1xi32>, vector<1x1xi32> -> vector<4x1xi32>
      %jit3A_321 = arith.constant 128 : i32
      %eq3A_322 = arith.constant 0 : i32
      %eq3A_323 = arith.cmpi eq, %jit3A_321, %eq3A_322 : i32
      %jit3A_324 = arith.constant 1 : i32
      %select_n3A_325 = arith.select %eq3A_323, %jit3A_324, %jit3A_321 : i32
      %rem3A_326 = arith.remsi %scan3A_118, %select_n3A_325 : i32
      %ne3A_327 = arith.constant 0 : i32
      %ne3A_328 = arith.cmpi ne, %rem3A_326, %ne3A_327 : i32
      %lt3A_329 = arith.constant 0 : i32
      %lt3A_330 = arith.cmpi slt, %rem3A_326, %lt3A_329 : i32
      %lt3A_331 = arith.constant 0 : i32
      %lt3A_332 = arith.cmpi slt, %select_n3A_325, %lt3A_331 : i32
      %ne3A_333 = arith.xori %lt3A_330, %lt3A_332 : i1
      %and3A_334 = arith.andi %ne3A_333, %ne3A_328 : i1
      %add3A_335 = arith.addi %rem3A_326, %select_n3A_325 : i32
      %select_n3A_336 = arith.select %and3A_334, %add3A_335, %rem3A_326 : i32
      %eq3A_337 = vector.broadcast %select_n3A_336 : i32 to vector<4x128xi32>
      %eq3A_338 = arith.cmpi eq, %iota3A_33, %eq3A_337 : vector<4x128xi32>
      %broadcast_in_dim3A_339 = vector.shape_cast %concatenate3A_320 : vector<4x1xi32> to vector<4x1xi32>
      %broadcast_in_dim3A_340 = vector.broadcast %broadcast_in_dim3A_339 : vector<4x1xi32> to vector<4x128xi32>
      %select_n3A_341 = arith.select %eq3A_338, %broadcast_in_dim3A_340, %scan3A_122 : vector<4x128xi1>, vector<4x128xi32>
      %broadcast_in_dim3A_342 = vector.shape_cast %concatenate3A_305 : vector<4x1xf32> to vector<4x1xf32>
      %broadcast_in_dim3A_343 = vector.broadcast %broadcast_in_dim3A_342 : vector<4x1xf32> to vector<4x128xf32>
      %select_n3A_344 = arith.select %eq3A_338, %broadcast_in_dim3A_343, %scan3A_123 : vector<4x128xi1>, vector<4x128xf32>
      %broadcast_in_dim3A_345 = vector.shape_cast %concatenate3A_310 : vector<4x1xf32> to vector<4x1xf32>
      %broadcast_in_dim3A_346 = vector.broadcast %broadcast_in_dim3A_345 : vector<4x1xf32> to vector<4x128xf32>
      %select_n3A_347 = arith.select %eq3A_338, %broadcast_in_dim3A_346, %scan3A_124 : vector<4x128xi1>, vector<4x128xf32>
      %broadcast_in_dim3A_348 = vector.shape_cast %concatenate3A_315 : vector<4x1xf32> to vector<4x1xf32>
      %broadcast_in_dim3A_349 = vector.broadcast %broadcast_in_dim3A_348 : vector<4x1xf32> to vector<4x128xf32>
      %select_n3A_350 = arith.select %eq3A_338, %broadcast_in_dim3A_349, %scan3A_125 : vector<4x128xi1>, vector<4x128xf32>
      %mul3A_351 = arith.mulf %concatenate3A_305, %concatenate3A_305 : vector<4x1xf32>
      %mul3A_352 = arith.mulf %concatenate3A_310, %concatenate3A_310 : vector<4x1xf32>
      %add3A_353 = arith.addf %mul3A_351, %mul3A_352 : vector<4x1xf32>
      %mul3A_354 = arith.mulf %concatenate3A_315, %concatenate3A_315 : vector<4x1xf32>
      %add3A_355 = arith.addf %add3A_353, %mul3A_354 : vector<4x1xf32>
      %broadcast_in_dim3A_356 = vector.shape_cast %add3A_355 : vector<4x1xf32> to vector<4x1xf32>
      %broadcast_in_dim3A_357 = vector.broadcast %broadcast_in_dim3A_356 : vector<4x1xf32> to vector<4x128xf32>
      %select_n3A_358 = arith.select %eq3A_338, %broadcast_in_dim3A_357, %scan3A_126 : vector<4x128xi1>, vector<4x128xf32>
      %jit3A_359 = arith.constant 128 : i32
      %eq3A_360 = arith.constant 0 : i32
      %eq3A_361 = arith.cmpi eq, %jit3A_359, %eq3A_360 : i32
      %jit3A_362 = arith.constant 1 : i32
      %select_n3A_363 = arith.select %eq3A_361, %jit3A_362, %jit3A_359 : i32
      %rem3A_364 = arith.remsi %scan3A_118, %select_n3A_363 : i32
      %ne3A_365 = arith.constant 0 : i32
      %ne3A_366 = arith.cmpi ne, %rem3A_364, %ne3A_365 : i32
      %lt3A_367 = arith.constant 0 : i32
      %lt3A_368 = arith.cmpi slt, %rem3A_364, %lt3A_367 : i32
      %lt3A_369 = arith.constant 0 : i32
      %lt3A_370 = arith.cmpi slt, %select_n3A_363, %lt3A_369 : i32
      %ne3A_371 = arith.xori %lt3A_368, %lt3A_370 : i1
      %and3A_372 = arith.andi %ne3A_371, %ne3A_366 : i1
      %add3A_373 = arith.addi %rem3A_364, %select_n3A_363 : i32
      %select_n3A_374 = arith.select %and3A_372, %add3A_373, %rem3A_364 : i32
      %eq3A_375 = arith.constant 127 : i32
      %eq3A_376 = arith.cmpi eq, %select_n3A_374, %eq3A_375 : i32
      %convert_element_type3A = arith.extui %eq3A_376 : i1 to i32
      %cond3A = arith.constant 0 : i32
      %cond3A_377 = arith.cmpi ne, %convert_element_type3A, %cond3A : i32
      scf.if %cond3A_377 {
        %jit3A_393 = arith.constant 128 : i32
        %div3A = arith.divsi %scan3A_118, %jit3A_393 : i32
        %sign3A = arith.constant 0 : i32
        %sign3A_394 = arith.cmpi sgt, %scan3A_118, %sign3A : i32
        %sign3A_395 = arith.extui %sign3A_394 : i1 to i32
        %sign3A_396 = arith.constant 0 : i32
        %sign3A_397 = arith.cmpi slt, %scan3A_118, %sign3A_396 : i32
        %sign3A_398 = arith.extui %sign3A_397 : i1 to i32
        %sign3A_399 = arith.subi %sign3A_395, %sign3A_398 : i32
        %sign3A_400 = arith.constant 0 : i32
        %sign3A_401 = arith.cmpi sgt, %jit3A_393, %sign3A_400 : i32
        %sign3A_402 = arith.extui %sign3A_401 : i1 to i32
        %sign3A_403 = arith.constant 0 : i32
        %sign3A_404 = arith.cmpi slt, %jit3A_393, %sign3A_403 : i32
        %sign3A_405 = arith.extui %sign3A_404 : i1 to i32
        %sign3A_406 = arith.subi %sign3A_402, %sign3A_405 : i32
        %ne3A_407 = arith.cmpi ne, %sign3A_399, %sign3A_406 : i32
        %rem3A_408 = arith.remsi %scan3A_118, %jit3A_393 : i32
        %ne3A_409 = arith.constant 0 : i32
        %ne3A_410 = arith.cmpi ne, %rem3A_408, %ne3A_409 : i32
        %and3A_411 = arith.andi %ne3A_407, %ne3A_410 : i1
        %sub3A_412 = arith.constant 1 : i32
        %sub3A_413 = arith.subi %div3A, %sub3A_412 : i32
        %select_n3A_414 = arith.select %and3A_411, %sub3A_413, %div3A : i32
        %mul3A_415 = arith.constant 128 : i32
        %mul3A_416 = arith.muli %select_n3A_414, %mul3A_415 : i32
        %multiple_of3A = tpu.assume_multiple %mul3A_416, 128 : i32
        %swap3A_417 = arith.constant 0 : index
        %swap3A_418 = arith.index_cast %multiple_of3A : i32 to index
        %swap3A_419 = vector.load %arg3[%swap3A_417, %swap3A_418] : memref<4x1024xi32, #tpu.memory_space<vmem>>, vector<4x128xi32>
        tpu.vector_store %arg3[%swap3A_417, %swap3A_418], %select_n3A_341 {strides = array<i32>} : memref<4x1024xi32, #tpu.memory_space<vmem>>, vector<4x128xi32>,
        %swap3A_420 = arith.constant 0 : index
        %swap3A_421 = arith.index_cast %multiple_of3A : i32 to index
        %swap3A_422 = vector.load %arg4[%swap3A_420, %swap3A_421] : memref<4x1024xf32, #tpu.memory_space<vmem>>, vector<4x128xf32>
        tpu.vector_store %arg4[%swap3A_420, %swap3A_421], %select_n3A_344 {strides = array<i32>} : memref<4x1024xf32, #tpu.memory_space<vmem>>, vector<4x128xf32>,
        %swap3A_423 = arith.constant 0 : index
        %swap3A_424 = arith.index_cast %multiple_of3A : i32 to index
        %swap3A_425 = vector.load %arg5[%swap3A_423, %swap3A_424] : memref<4x1024xf32, #tpu.memory_space<vmem>>, vector<4x128xf32>
        tpu.vector_store %arg5[%swap3A_423, %swap3A_424], %select_n3A_347 {strides = array<i32>} : memref<4x1024xf32, #tpu.memory_space<vmem>>, vector<4x128xf32>,
        %swap3A_426 = arith.constant 0 : index
        %swap3A_427 = arith.index_cast %multiple_of3A : i32 to index
        %swap3A_428 = vector.load %arg6[%swap3A_426, %swap3A_427] : memref<4x1024xf32, #tpu.memory_space<vmem>>, vector<4x128xf32>
        tpu.vector_store %arg6[%swap3A_426, %swap3A_427], %select_n3A_350 {strides = array<i32>} : memref<4x1024xf32, #tpu.memory_space<vmem>>, vector<4x128xf32>,
        %swap3A_429 = arith.constant 0 : index
        %swap3A_430 = arith.index_cast %multiple_of3A : i32 to index
        %swap3A_431 = vector.load %arg7[%swap3A_429, %swap3A_430] : memref<4x1024xf32, #tpu.memory_space<vmem>>, vector<4x128xf32>
        tpu.vector_store %arg7[%swap3A_429, %swap3A_430], %select_n3A_358 {strides = array<i32>} : memref<4x1024xf32, #tpu.memory_space<vmem>>, vector<4x128xf32>,
      } else {
      }
      %broadcast_in_dim3A_378 = vector.broadcast %reduce_max3A_234 : f32 to vector<8x1xf32>
      %broadcast_in_dim3A_379 = vector.broadcast %reduce_max3A_240 : f32 to vector<8x1xf32>
      %broadcast_in_dim3A_380 = vector.broadcast %reduce_max3A_246 : f32 to vector<8x1xf32>
      %broadcast_in_dim3A_381 = vector.broadcast %reduce_max3A_252 : f32 to vector<8x1xf32>
      %concatenate3A_382 = tpu.concatenate %broadcast_in_dim3A_378, %broadcast_in_dim3A_379, %broadcast_in_dim3A_380, %broadcast_in_dim3A_381 in 0 : vector<8x1xf32>, vector<8x1xf32>, vector<8x1xf32>, vector<8x1xf32> -> vector<32x1xf32>
      %broadcast_in_dim3A_383 = vector.broadcast %reduce_max3A_258 : f32 to vector<8x1xf32>
      %broadcast_in_dim3A_384 = vector.broadcast %reduce_max3A_264 : f32 to vector<8x1xf32>
      %broadcast_in_dim3A_385 = vector.broadcast %reduce_max3A_270 : f32 to vector<8x1xf32>
      %broadcast_in_dim3A_386 = vector.broadcast %reduce_max3A_276 : f32 to vector<8x1xf32>
      %concatenate3A_387 = tpu.concatenate %broadcast_in_dim3A_383, %broadcast_in_dim3A_384, %broadcast_in_dim3A_385, %broadcast_in_dim3A_386 in 0 : vector<8x1xf32>, vector<8x1xf32>, vector<8x1xf32>, vector<8x1xf32> -> vector<32x1xf32>
      %broadcast_in_dim3A_388 = vector.broadcast %reduce_max3A_282 : f32 to vector<8x1xf32>
      %broadcast_in_dim3A_389 = vector.broadcast %reduce_max3A_288 : f32 to vector<8x1xf32>
      %broadcast_in_dim3A_390 = vector.broadcast %reduce_max3A_294 : f32 to vector<8x1xf32>
      %broadcast_in_dim3A_391 = vector.broadcast %reduce_max3A_300 : f32 to vector<8x1xf32>
      %concatenate3A_392 = tpu.concatenate %broadcast_in_dim3A_388, %broadcast_in_dim3A_389, %broadcast_in_dim3A_390, %broadcast_in_dim3A_391 in 0 : vector<8x1xf32>, vector<8x1xf32>, vector<8x1xf32>, vector<8x1xf32> -> vector<32x1xf32>
      scf.yield %concatenate3A_382, %concatenate3A_387, %concatenate3A_392, %select_n3A_341, %select_n3A_344, %select_n3A_347, %select_n3A_350, %select_n3A_358 : vector<32x1xf32>, vector<32x1xf32>, vector<32x1xf32>, vector<4x128xi32>, vector<4x128xf32>, vector<4x128xf32>, vector<4x128xf32>, vector<4x128xf32>
    }
    %scan3A_117 = arith.constant 1023 : i32
    return
  }
}

module attributes {stable_mosaic.version = 14 : i64} {
  func.func @_d2_body(%arg0: i32, %arg1: i32, %arg2: memref<1x128x3xf32, #tpu.memory_space<vmem>>, %arg3: memref<1x3x16384xf32, #tpu.memory_space<vmem>>, %arg4: memref<1x128x1xf32, #tpu.memory_space<vmem>>, %arg5: memref<1x1x16384xf32, #tpu.memory_space<vmem>>, %arg6: memref<1x128x16384xf32, #tpu.memory_space<vmem>>) attributes {dimension_semantics = [#tpu.dimension_semantics<arbitrary>, #tpu.dimension_semantics<arbitrary>], iteration_bounds = array<i64: 4, 8>, scalar_prefetch = 0 : i64, scratch_operands = 0 : i64, tpu.core_type = #tpu.core_type<tc>, window_params = [{transform_indices = @transform_0, window_bounds = array<i64: 1, 128, 3>}, {transform_indices = @transform_1, window_bounds = array<i64: 1, 3, 16384>}, {transform_indices = @transform_2, window_bounds = array<i64: 1, 128, 1>}, {transform_indices = @transform_3, window_bounds = array<i64: 1, 1, 16384>}, {transform_indices = @transform_4, window_bounds = array<i64: 1, 128, 16384>}]} {
    %get3A = arith.constant 0 : index
    %get3A_0 = arith.constant 0 : index
    %get3A_1 = arith.constant 0 : index
    %get3A_2 = vector.load %arg2[%get3A, %get3A_0, %get3A_1] : memref<1x128x3xf32, #tpu.memory_space<vmem>>, vector<1x128x3xf32>
    %get3A_3 = vector.shape_cast %get3A_2 : vector<1x128x3xf32> to vector<128x3xf32>
    %get3A_4 = arith.constant 0 : index
    %get3A_5 = arith.constant 0 : index
    %get3A_6 = arith.constant 0 : index
    %get3A_7 = vector.load %arg3[%get3A_4, %get3A_5, %get3A_6] : memref<1x3x16384xf32, #tpu.memory_space<vmem>>, vector<1x3x16384xf32>
    %get3A_8 = vector.shape_cast %get3A_7 : vector<1x3x16384xf32> to vector<3x16384xf32>
    %dot_general3A = arith.constant dense<0.000000e+00> : vector<128x16384xf32>
    %dot_general3A_9 = tpu.matmul %get3A_3, %get3A_8, %dot_general3A {dimension_numbers = #tpu.dot_dimension_numbers<[1], [0], [0], [1], [0, 0, 1, 1], [], []>, transpose_lhs_hint = false} : vector<128x3xf32>, vector<3x16384xf32>, vector<128x16384xf32> -> vector<128x16384xf32>
    %get3A_10 = arith.constant 0 : index
    %get3A_11 = arith.constant 0 : index
    %get3A_12 = arith.constant 0 : index
    %get3A_13 = vector.load %arg4[%get3A_10, %get3A_11, %get3A_12] : memref<1x128x1xf32, #tpu.memory_space<vmem>>, vector<1x128x1xf32>
    %get3A_14 = vector.shape_cast %get3A_13 : vector<1x128x1xf32> to vector<128x1xf32>
    %mul3A = arith.constant 2.000000e+00 : f32
    %mul3A_15 = vector.broadcast %mul3A : f32 to vector<128x16384xf32>
    %mul3A_16 = arith.mulf %mul3A_15, %dot_general3A_9 : vector<128x16384xf32>
    %sub3A = vector.broadcast %get3A_14 : vector<128x1xf32> to vector<128x16384xf32>
    %sub3A_17 = arith.subf %sub3A, %mul3A_16 : vector<128x16384xf32>
    %get3A_18 = arith.constant 0 : index
    %get3A_19 = arith.constant 0 : index
    %get3A_20 = arith.constant 0 : index
    %get3A_21 = vector.load %arg5[%get3A_18, %get3A_19, %get3A_20] : memref<1x1x16384xf32, #tpu.memory_space<vmem>>, vector<1x1x16384xf32>
    %get3A_22 = vector.shape_cast %get3A_21 : vector<1x1x16384xf32> to vector<1x16384xf32>
    %add3A = vector.broadcast %get3A_22 : vector<1x16384xf32> to vector<128x16384xf32>
    %add3A_23 = arith.addf %sub3A_17, %add3A : vector<128x16384xf32>
    %swap3A = arith.constant 0 : index
    %swap3A_24 = arith.constant 0 : index
    %swap3A_25 = arith.constant 0 : index
    %swap3A_26 = vector.load %arg6[%swap3A, %swap3A_24, %swap3A_25] : memref<1x128x16384xf32, #tpu.memory_space<vmem>>, vector<1x128x16384xf32>
    %swap3A_27 = vector.shape_cast %swap3A_26 : vector<1x128x16384xf32> to vector<128x16384xf32>
    %swap3A_28 = vector.shape_cast %add3A_23 : vector<128x16384xf32> to vector<1x128x16384xf32>
    tpu.vector_store %arg6[%swap3A, %swap3A_24, %swap3A_25], %swap3A_28 {strides = array<i32>} : memref<1x128x16384xf32, #tpu.memory_space<vmem>>, vector<1x128x16384xf32>,
    return
  }
  func.func @transform_0(%arg0: i32, %arg1: i32) -> (i32, i32, i32) {
    %c0_i32 = arith.constant 0 : i32
    %c0_i32_0 = arith.constant 0 : i32
    return %arg0, %arg1, %c0_i32 : i32, i32, i32
  }
  func.func @transform_1(%arg0: i32, %arg1: i32) -> (i32, i32, i32) {
    %c0_i32 = arith.constant 0 : i32
    %c0_i32_0 = arith.constant 0 : i32
    %c0_i32_1 = arith.constant 0 : i32
    return %arg0, %c0_i32, %c0_i32_0 : i32, i32, i32
  }
  func.func @transform_2(%arg0: i32, %arg1: i32) -> (i32, i32, i32) {
    %c0_i32 = arith.constant 0 : i32
    %c0_i32_0 = arith.constant 0 : i32
    return %arg0, %arg1, %c0_i32 : i32, i32, i32
  }
  func.func @transform_3(%arg0: i32, %arg1: i32) -> (i32, i32, i32) {
    %c0_i32 = arith.constant 0 : i32
    %c0_i32_0 = arith.constant 0 : i32
    %c0_i32_1 = arith.constant 0 : i32
    return %arg0, %c0_i32, %c0_i32_0 : i32, i32, i32
  }
  func.func @transform_4(%arg0: i32, %arg1: i32) -> (i32, i32, i32) {
    %c0_i32 = arith.constant 0 : i32
    %c0_i32_0 = arith.constant 0 : i32
    return %arg0, %arg1, %c0_i32 : i32, i32, i32
  }
}

module attributes {stable_mosaic.version = 14 : i64} {
  func.func @_xt_body(%arg0: i32, %arg1: i32, %arg2: memref<1x64x1024xf32, #tpu.memory_space<vmem>>, %arg3: memref<1x1024x128xf32, #tpu.memory_space<vmem>>) attributes {dimension_semantics = [#tpu.dimension_semantics<arbitrary>, #tpu.dimension_semantics<arbitrary>], iteration_bounds = array<i64: 4, 16>, scalar_prefetch = 0 : i64, scratch_operands = 0 : i64, tpu.core_type = #tpu.core_type<tc>, window_params = [{transform_indices = @transform_0, window_bounds = array<i64: 1, 64, 1024>}, {transform_indices = @transform_1, window_bounds = array<i64: 1, 1024, 128>}]} {
    %get3A = arith.constant 0 : index
    %get3A_0 = arith.constant 0 : index
    %get3A_1 = arith.constant 0 : index
    %get3A_2 = vector.load %arg2[%get3A, %get3A_0, %get3A_1] : memref<1x64x1024xf32, #tpu.memory_space<vmem>>, vector<1x64x1024xf32>
    %get3A_3 = vector.shape_cast %get3A_2 : vector<1x64x1024xf32> to vector<64x1024xf32>
    %transpose3A = tpu.transpose %get3A_3, [1, 0] : vector<64x1024xf32> -> vector<1024x64xf32>
    %broadcast_in_dim3A = arith.constant 0.000000e+00 : f32
    %broadcast_in_dim3A_4 = vector.broadcast %broadcast_in_dim3A : f32 to vector<1024x64xf32>
    %concatenate3A = tpu.concatenate %transpose3A, %broadcast_in_dim3A_4 in 1 : vector<1024x64xf32>, vector<1024x64xf32> -> vector<1024x128xf32>
    %swap3A = arith.constant 0 : index
    %swap3A_5 = arith.constant 0 : index
    %swap3A_6 = arith.constant 0 : index
    %swap3A_7 = vector.load %arg3[%swap3A, %swap3A_5, %swap3A_6] : memref<1x1024x128xf32, #tpu.memory_space<vmem>>, vector<1x1024x128xf32>
    %swap3A_8 = vector.shape_cast %swap3A_7 : vector<1x1024x128xf32> to vector<1024x128xf32>
    %swap3A_9 = vector.shape_cast %concatenate3A : vector<1024x128xf32> to vector<1x1024x128xf32>
    tpu.vector_store %arg3[%swap3A, %swap3A_5, %swap3A_6], %swap3A_9 {strides = array<i32>} : memref<1x1024x128xf32, #tpu.memory_space<vmem>>, vector<1x1024x128xf32>,
    return
  }
  func.func @transform_0(%arg0: i32, %arg1: i32) -> (i32, i32, i32) {
    %c0_i32 = arith.constant 0 : i32
    %c0_i32_0 = arith.constant 0 : i32
    return %arg0, %c0_i32, %arg1 : i32, i32, i32
  }
  func.func @transform_1(%arg0: i32, %arg1: i32) -> (i32, i32, i32) {
    %c0_i32 = arith.constant 0 : i32
    %c0_i32_0 = arith.constant 0 : i32
    return %arg0, %arg1, %c0_i32 : i32, i32, i32
  }
}

module attributes {stable_mosaic.version = 14 : i64} {
  func.func @_fjt_body(%arg0: i32, %arg1: i32, %arg2: memref<1x1024x128xf32, #tpu.memory_space<vmem>>, %arg3: memref<1x64x1024xf32, #tpu.memory_space<vmem>>) attributes {dimension_semantics = [#tpu.dimension_semantics<arbitrary>, #tpu.dimension_semantics<arbitrary>], iteration_bounds = array<i64: 4, 32>, scalar_prefetch = 0 : i64, scratch_operands = 0 : i64, tpu.core_type = #tpu.core_type<tc>, window_params = [{transform_indices = @transform_0, window_bounds = array<i64: 1, 1024, 128>}, {transform_indices = @transform_1, window_bounds = array<i64: 1, 64, 1024>}]} {
    %get3A = arith.constant 0 : index
    %get3A_0 = arith.constant 0 : index
    %get3A_1 = arith.constant 0 : index
    %get3A_2 = vector.load %arg2[%get3A, %get3A_0, %get3A_1] : memref<1x1024x128xf32, #tpu.memory_space<vmem>>, vector<1x1024x128xf32>
    %get3A_3 = vector.shape_cast %get3A_2 : vector<1x1024x128xf32> to vector<1024x128xf32>
    %transpose3A = tpu.transpose %get3A_3, [1, 0] : vector<1024x128xf32> -> vector<128x1024xf32>
    %slice3A = vector.extract_strided_slice %transpose3A {offsets = [0, 0], sizes = [64, 1024], strides = [1, 1]} : vector<128x1024xf32> to vector<64x1024xf32>
    %swap3A = arith.constant 0 : index
    %swap3A_4 = arith.constant 0 : index
    %swap3A_5 = arith.constant 0 : index
    %swap3A_6 = vector.load %arg3[%swap3A, %swap3A_4, %swap3A_5] : memref<1x64x1024xf32, #tpu.memory_space<vmem>>, vector<1x64x1024xf32>
    %swap3A_7 = vector.shape_cast %swap3A_6 : vector<1x64x1024xf32> to vector<64x1024xf32>
    %swap3A_8 = vector.shape_cast %slice3A : vector<64x1024xf32> to vector<1x64x1024xf32>
    tpu.vector_store %arg3[%swap3A, %swap3A_4, %swap3A_5], %swap3A_8 {strides = array<i32>} : memref<1x64x1024xf32, #tpu.memory_space<vmem>>, vector<1x64x1024xf32>,
    return
  }
  func.func @transform_0(%arg0: i32, %arg1: i32) -> (i32, i32, i32) {
    %c0_i32 = arith.constant 0 : i32
    %c0_i32_0 = arith.constant 0 : i32
    return %arg0, %arg1, %c0_i32 : i32, i32, i32
  }
  func.func @transform_1(%arg0: i32, %arg1: i32) -> (i32, i32, i32) {
    %c0_i32 = arith.constant 0 : i32
    %c0_i32_0 = arith.constant 0 : i32
    return %arg0, %c0_i32, %arg1 : i32, i32, i32
  }
}

</mosaic_0001>

<sc_bundles>
// kernel: kernel.11.cloned.1.call-start
scs
__scs_entry_jumppad:
0x0: {  	(pc) =	sbr.rel $0x88, $3  }
0x1: {  	(tag) =	ssettag $0x0;
	lr =	simm.s32 $0x1  }
0x2: {  	[smem:$0x3F9F] =	sst lr;
	_ =	strace $0xD0000000  }
0x3: {  	_ = 	snop  }
0x4: {  	_ = 	snop  }
0x5: {  	_ = 	snop  }
0x6: {  	_ = 	snop  }
0x7: {  	_ = 	snop  }
__scs_overlays_trampoline_lowered:
0x8: {  	[smem:$0x3FAE] =	sst s0  }
0x9: {  	[smem:$0x3FAF] =	sst s1  }
0xa: {  	[smem:$0x3FB0] =	sst s2  }
0xb: {  	[smem:$0x3FB1] =	sst s3  }
0xc: {  	[smem:$0x3FB2] =	sst s4  }
0xd: {  	[smem:$0x3FB3] =	sst s5  }
0xe: {  	[smem:$0x3FB4] =	sst s6  }
0xf: {  	[smem:$0x3FB5] =	sst s7  }
0x10: {  	[smem:$0x3FB6] =	sst s8  }
0x11: {  	[smem:$0x3FB7] =	sst s9;
	s0 =	simm.s32 @!p0 $0x0  }
0x12: {  	s1 =	sld [smem:$0x3F9D];
	s0 =	simm.s32 @p0 $0x1  }
0x13: {  	[smem:$0x3FB8] =	sst s0;
	s0 =	simm.s32 @!p1 $0x0  }
0x14: {  	s2 =	sld [smem:$0x3F9C];
	s0 =	simm.s32 @p1 $0x1  }
0x15: {  	[smem:$0x3FB9] =	sst s0;
	s0 =	simm.s32 @!p2 $0x0  }
0x16: {  	s3 =	sld [smem:$0x3FDB];
	s0 =	simm.s32 @p2 $0x1  }
0x17: {  	s4 =	simm.s32 $0x1BF5;
	[smem:$0x3FBB] =	sst s0  }
0x18: {  	s0 =	sld [smem:$0x3F9E];
	_ =	swait.ge [sflag:s4], $0x0  }
0x19: {  	s7 =	sld [smem:$0x3F9F]  }
0x1a: {  	s8 =	sadd.s32 $0xFFFFE003, lr  }
0x1b: {  	s9 =	sadd.s32 $0xFFFFFEF7, lr;
	s5 =	simm.s32 $0xFFFFFFFF;
	p2 =	slt.u32 s8, $0xFFFFF086  }
0x1c: {  	p1 =	slt.u32 s9, $0xF7A;
	s5 =	simm.s32 @!p2 $0x0  }
0x1d: {  	s5 =	simm.s32 @p1 $0x1;
	p0 =	seq.s32 s7, s2  }
0x1e: {  	s7 =	smul.u32 @!p0 $0xF7A, s2;
	p2 =	seq.s32 @!p0 s5, $0x0  }
0x1f: {  	s9 =	smul.u32 $0xF7A, s1;
	s8 =	simm.s32 @!p0 $0x1BF5;
	p2 =	por !p2, p0  }
0x20: {  	[sflag:s8] =	ssyncset.s32 @!p0 $0xFFFFF086;
	s6 =	sadd.s32 @!p0 s3, s7;
	s7 =	simm.s32 @!p0 $0x108  }
0x21: {  	s3 =	sadd.s32 s3, s9;
	s6 =	sadd.s32 @!p0 $0x88, s6;
	s7 =	simm.s32 @p2 $0x1082  }
0x22: {  	[simem:s7], [sflag:s8] =	dma.local @!p0 [hbm:s6], $0xF7A  }
0x23: {  	s9 =	sor.u32 $0xD0000000, s2;
	s6 =	simm.s32 $0x108;
	_ =	swait.ge @!p0 [sflag:s8], $0x0  }
0x24: {  	s3 =	sadd.s32 $0x88, s3;
	s6 =	simm.s32 @!p1 $0x1082;
	[sflag:s4] =	ssyncset.s32 $0xFFFFF086  }
0x25: {  	[simem:s6], [sflag:s4] =	dma.local [hbm:s3], $0xF7A  }
0x26: {  	[smem:$0x3F9F] =	sst s1;
	(tag) =	ssettag s2;
	_ =	strace s9  }
0x27: {  	s1 =	sld [smem:$0x3FAF]  }
0x28: {  	s2 =	sld [smem:$0x3FB0]  }
0x29: {  	s4 =	sld [smem:$0x3FB2]  }
0x2a: {  	p0 =	seq.s32 s5, $0x0;
	s5 =	sld [smem:$0x3FB3]  }
0x2b: {  	s6 =	sld [smem:$0x3FB4]  }
0x2c: {  	s7 =	sld [smem:$0x3FB5]  }
0x2d: {  	s3 =	simm.s32 $0x108;
	s8 =	sld [smem:$0x3FB6]  }
0x2e: {  	s3 =	simm.s32 @!p0 $0x1082;
	s9 =	sld [smem:$0x3FB7]  }
0x2f: {  	lr =	sadd.s32 s0, s3;
	s0 =	sld [smem:$0x3FAE]  }
0x30: {  	s3 =	sld [smem:$0x3FB1]  }
0x31: {  	[smem:$0x3FBA] =	sst s10  }
0x32: {  	s10 =	sld [smem:$0x3FB8];
	_ =	sdelay $0x3  }
0x33: {  	p0 =	seq.s32 s10, $0x1;
	s10 =	sld [smem:$0x3FBA];
	_ =	sdelay $0x3  }
0x34: {  	[smem:$0x3FBA] =	sst s10  }
0x35: {  	s10 =	sld [smem:$0x3FB9];
	_ =	sdelay $0x3  }
0x36: {  	p1 =	seq.s32 s10, $0x1;
	s10 =	sld [smem:$0x3FBA];
	_ =	sdelay $0x3  }
0x37: {  	[smem:$0x3FBA] =	sst s10  }
0x38: {  	s10 =	sld [smem:$0x3FBB]  }
0x39: {  	_ = 	snop;
	(pc) =	sbr.ind lr, $3  }
0x3a: {  	_ = 	snop  }
0x3b: {  	_ = 	snop  }
0x3c: {  	p2 =	seq.s32 s10, $0x1;
	s10 =	sld [smem:$0x3FBA]  }
0x3d: {  	_ =	shalt  }
0x3e: {  	_ =	shalt  }
0x3f: {  	_ =	shalt  }
0x40: {  	_ =	shalt  }
0x41: {  	_ =	shalt  }
0x42: {  	_ =	shalt  }
0x43: {  	_ =	shalt  }
0x44: {  	_ =	shalt  }
0x45: {  	_ =	shalt  }
0x46: {  	_ =	shalt  }
0x47: {  	_ =	shalt  }
0x48: {  	_ =	shalt  }
0x49: {  	_ =	shalt  }
0x4a: {  	_ =	shalt  }
0x4b: {  	_ =	shalt  }
0x4c: {  	_ =	shalt  }
0x4d: {  	_ =	shalt  }
0x4e: {  	_ =	shalt  }
0x4f: {  	_ =	shalt  }
0x50: {  	_ =	shalt  }
0x51: {  	_ =	shalt  }
0x52: {  	_ =	shalt  }
0x53: {  	_ =	shalt  }
0x54: {  	_ =	shalt  }
0x55: {  	_ =	shalt  }
0x56: {  	_ =	shalt  }
0x57: {  	_ =	shalt  }
0x58: {  	_ =	shalt  }
0x59: {  	_ =	shalt  }
0x5a: {  	_ =	shalt  }
0x5b: {  	_ =	shalt  }
0x5c: {  	_ =	shalt  }
0x5d: {  	_ =	shalt  }
0x5e: {  	_ =	shalt  }
0x5f: {  	_ =	shalt  }
0x60: {  	_ =	shalt  }
0x61: {  	_ =	shalt  }
0x62: {  	_ =	shalt  }
0x63: {  	_ =	shalt  }
0x64: {  	_ =	shalt  }
0x65: {  	_ =	shalt  }
0x66: {  	_ =	shalt  }
0x67: {  	_ =	shalt  }
0x68: {  	_ =	shalt  }
0x69: {  	_ =	shalt  }
0x6a: {  	_ =	shalt  }
0x6b: {  	_ =	shalt  }
0x6c: {  	_ =	shalt  }
0x6d: {  	_ =	shalt  }
0x6e: {  	_ =	shalt  }
0x6f: {  	_ =	shalt  }
0x70: {  	_ =	shalt  }
0x71: {  	_ =	shalt  }
0x72: {  	_ =	shalt  }
0x73: {  	_ =	shalt  }
0x74: {  	_ =	shalt  }
0x75: {  	_ =	shalt  }
0x76: {  	_ =	shalt  }
0x77: {  	_ =	shalt  }
0x78: {  	_ =	shalt  }
0x79: {  	_ =	shalt  }
0x7a: {  	_ =	shalt  }
0x7b: {  	_ =	shalt  }
0x7c: {  	_ =	shalt  }
0x7d: {  	_ =	shalt  }
0x7e: {  	_ =	shalt  }
0x7f: {  	_ =	shalt  }
0x80: {  	_ =	shalt  }
0x81: {  	_ =	shalt  }
0x82: {  	_ =	shalt  }
0x83: {  	_ =	shalt  }
0x84: {  	_ =	shalt  }
0x85: {  	_ =	shalt  }
0x86: {  	_ =	shalt  }
0x87: {  	_ =	shalt  }
.Lfunc_end0:
.L_simem_size_0:
called_computation.2_lowered:
.L_overlay_start_0:
0x88: {  	s2 =	sld [smem:$0x3FD9]  }
0x89: {  	s3 =	sld [smem:$0x3FFE];
	_ =	sdelay $0x1  }
0x8a: {  	s1 =	srdreg.scid  }
0x8b: {  	s0 =	sand.u32 $0x1, s1  }
0x8c: {  	s14 =	sshll.u32 s0, $0xA;
	s2 =	sadd.s32 s3, s2  }
0x8d: {  	s2 =	sadd.s32 s2, s14  }
0x8e: {  	[smem:$0x3FC6] =	sst s2  }
0x8f: {  	_ = 	snop  }
0x90: {  	s2 =	sld [smem:$0x3FD0];
	_ =	sdelay $0x2  }
0x91: {  	s15 =	simm.s32 $0xA;
	s4 =	simm.s32 $0x10  }
0x92: {  	[smem:s4], [sflag:s15] =	dma.local [hbm:s2], $0x1  }
0x93: {  	_ =	swait.eq [sflag:s15], $0x1  }
0x94: {  	s16 =	sld [smem:$0x10];
	[sflag:s15] =	ssyncset.done $0x0  }
0x95: {  	s17 =	sld [smem:$0x12];
	[sflag:s15] =	ssyncadd.s32 $0xFFFFFFFF  }
0x96: {  	s18 =	sld [smem:$0x13];
	(tm) =	ssettm $0x1  }
0x97: {  	s5 =	sld [smem:$0x3FFB];
	_ =	sdelay $0x3  }
0x98: {  	_ =	strace s5  }
0x99: {  	s5 =	sld [smem:$0x3FFC];
	_ =	sdelay $0x3  }
0x9a: {  	_ =	strace s5  }
0x9b: {  	s5 =	sld [smem:$0x3FFD];
	_ =	sdelay $0x3  }
0x9c: {  	_ =	strace s5  }
0x9d: {  	_ =	strace $0x8FFFFFFF  }
0x9e: {  	s19 =	sld [smem:$0x3FDB];
	_ =	sdelay $0x1  }
0x9f: {  	s6 =	simm.s32 $_scs_section_size  }
0xa0: {  	s7 =	simm.s32 $_size__tile_overlayer_lowered;
	s8 =	simm.s32 $_tile_overlayer_lowered  }
0xa1: {  	s22 =	simm.s32 $0x1BFF;
	s21 =	sshll.u32 s8, $0x1;
	s5 =	sadd.s32 s6, s19  }
0xa2: {  	s9 =	simm.s32 $0x0;
	s20 =	sshll.u32 s7, $0x1;
	s7 =	sadd.s32 s21, s5  }
0xa3: {  	[timem:s9], [sflag:s22] =	dma.local [hbm:s7], s20  }
0xa4: {  	_ =	swait.ge [sflag:s22], s20  }
0xa5: {  	s6 =	ssub.s32 $0x0, s20;
	[sflag:s22] =	ssyncset.done $0x0  }
0xa6: {  	[sflag:s22] =	ssyncadd.s32 s6;
	_ =	sdelay $0x1  }
0xa7: {  	s23 =	simm.s32 $0x1B8B  }
0xa8: {  	_ =	swait.ge [sflag:s23], $0x1  }
0xa9: {  	[sflag:s23] =	ssyncset.done $0x0  }
0xaa: {  	s25 =	simm.s32 $0x1B8E;
	s24 =	sld [smem:$0x3FFE];
	[sflag:s23] =	ssyncadd.s32 $0xFFFFFFFF  }
0xab: {  	s26 =	simm.s32 $execute0_lowered;
	[smem:$0x3FD2] =	sst s25  }
0xac: {  	s7 =	sshll.u32 s26, $0x1;
	_ =	strace $0x80000049;
	[dreg:$0x1] =	wrdreg $0xFFFFFFFF  }
0xad: {  	s28 =	simm.s32 $_size_execute0_lowered;
	s5 =	sadd.s32 s5, s7;
	[dreg:$0x0] =	wrdreg $0x0  }
0xae: {  	s7 =	sshll.u32 s28, $0x1;
	[dreg:$0x2] =	wrdreg s5  }
0xaf: {  	[dreg:$0x3] =	wrdreg s7  }
0xb0: {  	[dreg:$0x4] =	wrdreg $0xC0  }
0xb1: {  	_ =	task [dreg:s9], $0x5FFFF  }
0xb2: {  	[dreg:$0x1] =	wrdreg $0xFFFFFFFF  }
0xb3: {  	[dreg:$0x0] =	wrdreg $0x60  }
0xb4: {  	[dreg:$0x2] =	wrdreg s24  }
0xb5: {  	[dreg:$0x3] =	wrdreg s17  }
0xb6: {  	[dreg:$0x4] =	wrdreg s18  }
0xb7: {  	[dreg:$0x5] =	wrdreg s16  }
0xb8: {  	[dreg:$0x6] =	wrdreg $0x9  }
0xb9: {  	_ =	task.clear_ibuf [dreg:s9], $0x7FFFF;
	_ =	strace $0x90000049  }
0xba: {  	s29 =	simm.s32 $0x9;
	_ =	strace $0x8000004B  }
0xbb: {  	_ =	swait.ge [sflag:s29], $0x1  }
0xbc: {  	[sflag:s29] =	ssyncadd.s32 $0xFFFFFFFF  }
0xbd: {  	_ =	strace $0x9000004B  }
0xbe: {  	_ =	sfence  }
0xbf: {  	s30 =	sld [smem:$0x0];
	_ =	sdelay $0x2  }
0xc0: {  	s31 =	sshll.u32 s1, $0xD;
	s1 =	sshrl.u32 s1, $0x2  }
0xc1: {  	s3 =	sand.u32 $0x4000, s31;
	s1 =	sadd.s32 s1, s30  }
0xc2: {  	s0 =	sor.u32 s3, s0;
	s1 =	sshll.u32 s1, $0x11  }
0xc3: {  	s0 =	sor.u32 s1, s0  }
0xc4: {  	s0 =	sadd.s32 $0x8F2B, s0  }
0xc5: {  	[sflag:s0] =	ssyncadd.remote.s32 $0x1  }
0xc6: {  	_ =	sfence.sel $0xFFFF  }
0xc7: {  	[dreg:$0x0] =	wrdreg $0xFFFFFFFF;
	(pc) =	sbr.abs _section_cstart, $3  }
0xc8: {  	[dreg:$0x1] =	wrdreg $0xFFFFFFFF  }
0xc9: {  	_ =	task.clear_ibuf [dreg:s9], $0x2FFFF;
	_ =	strace $0x9FFFFFFF  }
0xca: {  	(tm) =	ssettm $0x7FFFFFFF  }
0xcb: {  	_ =	shalt  }
tec
execute0_lowered:
.L_overlay_start_1:
0x0: {  	(tag) =	ssettag $0x1  }
0x1: {  	s0 =	rddreg [dreg:$0x0]  }
0x2: {  	s1 =	rddreg [dreg:$0x1]  }
0x3: {  	s7 =	stileid.u32;
	s5 =	rddreg [dreg:$0x2]  }
0x4: {  	s2 =	srdreg.scid;
	s3 =	rddreg [dreg:$0x3];
	s29 =	simm.s32 $0x2  }
0x5: {  	s31 =	simm.s32 $0x200;
	s2 =	sand.u32 $0x1, s2;
	s4 =	sshll.u32 s7, $0x1  }
0x6: {  	s30 =	simm.s32 $0x1A800;
	s7 =	sshrl.u32 s7, $0x2;
	s6 =	sor.u32 s2, s4  }
0x7: {  	s4 =	simm.s32 $0x0;
	s9 =	sshll.u32 s7, $0x6;
	s2 =	ssub.s32 $0x2, s2  }
0x8: {  	s16 =	sshll.u32 s7, $0x7;
	s18 =	sshll.u32 s7, $0xC;
	s8 =	sand.u32 $0x7, s6  }
0x9: {  	[smem:$0x7FF] =	sst s4;
	s20 =	sshrl.u32 s2, $0x1;
	s6 =	sshll.u32 s6, $0x10  }
0xa: {  	s18 =	sadd.s32 s18, s0;
	s10 =	sshll.u32 s8, $0x3;
	s2 =	ssub.s32 s2, s20  }
0xb: {  	s6 =	sadd.s32 s6, s0;
	s19 =	sadd.s32 $0x809200, s18;
	p0 =	seq.s32 s8, $0x2  }
0xc: {  	p1 =	seq.s32 s8, $0x1;
	p2 =	sne.s32 s8, $0x0;
	s9 =	sor.u32 s9, s10  }
0xd: {  	s18 =	sshll.u32 s8, $0xC;
	s2 =	smax.u32 s2, $0x1;
	s11 =	sshll.u32 s9, $0x7  }
0xe: {  	s12 =	sor.u32 $0x1, s9;
	s17 =	sor.u32 $0x4, s9;
	s20 =	sor.u32 $0x5, s9  }
0xf: {  	s21 =	sadd.s32 s5, s11;
	s22 =	sshll.u32 s12, $0x7;
	s11 =	sor.u32 $0x3, s9  }
0x10: {  	s24 =	sshll.u32 s17, $0x7;
	s25 =	sshll.u32 s20, $0x7;
	[dreg:$0x5] =	wrdreg s21  }
0x11: {  	s10 =	sadd.s32 s5, s22;
	s14 =	sshll.u32 s11, $0x7;
	s21 =	sor.u32 $0x6, s9  }
0x12: {  	s22 =	sor.u32 $0x7, s9;
	[dreg:$0x6] =	wrdreg s10;
	s10 =	sor.u32 $0x2, s9  }
0x13: {  	s23 =	sadd.s32 s5, s14;
	s26 =	sshll.u32 s21, $0x7;
	s15 =	sshll.u32 s22, $0x7  }
0x14: {  	s13 =	sshll.u32 s10, $0x7;
	[dreg:$0x8] =	wrdreg s23;
	s14 =	sadd.s32 s5, s26  }
0x15: {  	s8 =	sshll.u32 s10, $0xE;
	s10 =	sshll.u32 s17, $0xE;
	s17 =	sshll.u32 s22, $0xE  }
0x16: {  	s23 =	sshll.u32 s7, $0xE;
	s13 =	sadd.s32 s5, s13;
	[dreg:$0xb] =	wrdreg s14  }
0x17: {  	s22 =	simm.s32 $0x1;
	[dreg:$0x7] =	wrdreg s13;
	s13 =	sadd.s32 s5, s24  }
0x18: {  	s14 =	sadd.s32 $0x7000, s0;
	[dreg:$0x9] =	wrdreg s13;
	s13 =	sadd.s32 s5, s25  }
0x19: {  	v0 =	vmov s23;
	s23 =	simm.s32 $0x400;
	s5 =	sadd.s32 s5, s15;
	[dreg:$0xa] =	wrdreg s13  }
0x1a: {  	v3 =	vmov s8;
	s8 =	simm.s32 $0x0;
	s15 =	sadd.s32 $0x5000, s0;
	[dreg:$0xc] =	wrdreg s5  }
0x1b: {  	s5 =	sadd.s32 s16, s0;
	s13 =	sadd.s32 $0x80D600, s0;
	s16 =	sadd.s32 $0x3000, s0  }
0x1c: {  	s0 =	sshll.u32 s9, $0xE;
	s9 =	sshll.u32 s11, $0xE;
	s11 =	sshll.u32 s20, $0xE  }
0x1d: {  	s20 =	smul.u32 $0x18000, s7;
	s7 =	simm.s32 $0x9000;
	_ =	strace $0x8000004A  }
0x1e: {  	[dreg:$0xd] =	wrdreg s19;
	s19 =	sadd.s32 $0x9200, s6;
	s6 =	sshll.u32 s12, $0xE  }
0x1f: {  	s12 =	sshll.u32 s21, $0xE;
	s24 =	sadd.s32 $0x80D400, s5;
	[dreg:$0x12] =	wrdreg s2  }
.Ltmp0:
0x20: {  	s25 =	sadd.s32 $0x9000, s5;
	[dreg:$0xe] =	wrdreg s24;
	(pc) =	sbr.rel .LBB2_1-.Ltmp0, $4  }
0x21: {  	s26 =	sadd.s32 $0x88D600, s5;
	s5 =	sadd.s32 $0x80D200, s5;
	[dreg:$0xf] =	wrdreg s25  }
0x22: {  	s2 =	simm.s32 $0x8000;
	v1 =	vmov s0;
	s0 =	simm.s32 $0xA000;
	[dreg:$0x10] =	wrdreg s26  }
0x23: {  	v5 =	vmov s10;
	v8 =	vmov s17;
	v4 =	vmov s9;
	[dreg:$0x11] =	wrdreg s5;
	s26 =	sadd.s32 $0x10000, s20;
	s28 =	sadd.s32 $0x8000, s20  }
0x24: {  	v6 =	vmov s11;
	v2 =	vmov s6;
	s24 =	simm.s32 $0x1A400;
	s5 =	simm.s32 $0x1AC00;
	v7 =	vmov s12;
	s6 =	simm.s32 $0x1000  }
.LBB2_42:
0x25: {  	s8 =	sadd.s32 $0x1, s8;
	s9 =	rddreg [dreg:$0x12]  }
0x26: {  	p3 =	sne.s32 s8, s9  }
.Ltmp1:
0x27: {  	_ = 	snop;
	(pc) =	sbr.rel @!p3 .LBB2_43-.Ltmp1, $1  }
0x28: {  	_ =	sdelay $0x3  }
.LBB2_1:
0x29: {  	s9 =	rddreg [dreg:$0xd]  }
0x2a: {  	[tilespmem:s4], [sflag:$0x2] =	stream.linear.gather [hbm4b:s9+s4], $0x8000, $0x38;
	[tilespmem:$0x1B000] =	vst v63  }
0x2b: {  	_ =	swait.ge [sflag:s29], $0x8000  }
0x2c: {  	[sflag:s29] =	ssyncset.done $0x0  }
0x2d: {  	s10 =	simm.s32 $0x1A000;
	s25 =	rddreg [dreg:$0xe];
	[sflag:s29] =	ssyncadd.s32 $0xFFFF8000  }
0x2e: {  	[tilespmem:s10], [sflag:$0x2] =	stream.linear.gather [hbm4b:s25+s4], $0x400, $0x38;
	[tilespmem:$0x1B000] =	vst v63  }
0x2f: {  	_ =	swait.ge [sflag:s29], $0x400  }
0x30: {  	[sflag:s29] =	ssyncset.done $0x0  }
0x31: {  	s9 =	simm.s32 $0x0;
	[sflag:s29] =	ssyncadd.s32 $0xFFFFFC00  }
.LBB2_2:
0x32: {  	s10 =	sshll.u32 s9, $0x9  }
0x33: {  	s11 =	simm.s32 $0x0;
	s10 =	sand.u32 $0x3FFFFE00, s10  }
0x34: {  	s12 =	sand.u32 $0x180, s11;
	s10 =	sadd.s32 s10, s18  }
0x35: {  	s11 =	sand.u32 $0x70, s11;
	s17 =	sadd.s32 s12, s10  }
0x36: {  	s17 =	sadd.s32 s11, s17  }
0x37: {  	v9 =	vld [tilespmem:s17+$0x0];
	_ =	sdelay $0x2  }
0x38: {  	s12 =	simm.s32 $0x10  }
0x39: {  	s11 =	simm.s32 $0x8000;
	s21 =	sand.u32 $0x180, s12;
	s17 =	simm.s32 $0x20  }
.LBB2_3:
0x3a: {  	p3 =	sne.s32 s17, $0x1F0;
	s12 =	sand.u32 $0x70, s12;
	s21 =	sadd.s32 s21, s10;
	v9 =	vadd.s32 v0, v9  }
0x3b: {  	s21 =	sadd.s32 s12, s21;
	[tilespmem:s11+$0x0] =	vst v9;
	s12 =	smov.u32 s17  }
.Ltmp2:
0x3c: {  	v9 =	vld [tilespmem:s21+$0x0];
	(pc) =	sbr.rel @p3 .LBB2_3-.Ltmp2, $2  }
0x3d: {  	_ =	sdelay $0x2  }
0x3e: {  	s17 =	sadd.s32 $0x10, s17;
	s11 =	sadd.s32 $0x10, s11;
	s21 =	sand.u32 $0x180, s12  }
0x3f: {  	s12 =	sand.u32 $0x70, s12;
	s10 =	sadd.s32 s21, s10;
	v9 =	vadd.s32 v0, v9  }
0x40: {  	s10 =	sadd.s32 s12, s10;
	[tilespmem:s11+$0x0] =	vst v9  }
0x41: {  	v9 =	vld [tilespmem:s10+$0x0];
	_ =	sdelay $0x4  }
0x42: {  	s17 =	sadd.s32 $0x10, s11;
	v9 =	vadd.s32 v0, v9  }
0x43: {  	[tilespmem:s17+$0x0] =	vst v9  }
0x44: {  	[tilespmem:s0], [sflag:$0x1] =	stream.indirect.gather [hbm4b:s1+s31], $0x80, s2, s31, $0xb8;
	[tilespmem:$0x1B000] =	vst v63  }
0x45: {  	s21 =	sshll.u32 s9, $0xD;
	s9 =	sadd.s32 $0x1, s9;
	_ =	swait.ge [sflag:s22], $0x10000  }
0x46: {  	s25 =	simm.s32 $0x0;
	p3 =	sne.s32 s9, $0x8;
	[sflag:s22] =	ssyncset.done $0x0  }
.Ltmp3:
0x47: {  	s10 =	sadd.s32 s21, s19;
	[sflag:s22] =	ssyncadd.s32 $0xFFFF0000;
	(pc) =	sbr.rel @p3 .LBB2_2-.Ltmp3, $4  }
0x48: {  	[hbm4b:s10+s25] =	stream.linear.scatter [tilespmem:s0], [sflag:$0x2], $0x10000, $0x38;
	[tilespmem:$0x1B000] =	vst v63  }
0x49: {  	_ =	swait.ge [sflag:s29], $0x10000  }
0x4a: {  	[sflag:s29] =	ssyncset.done $0x0  }
0x4b: {  	[sflag:s29] =	ssyncadd.s32 $0xFFFF0000  }
0x4c: {  	s9 =	simm.s32 $0x0  }
0x4d: {  	s10 =	simm.s32 $0x40;
	v9 =	vld [tilespmem:s9+$0x1A000]  }
.LBB2_6:
0x4e: {  	p3 =	sne.s32 s10, $0xFC0  }
.Ltmp4:
0x4f: {  	_ = 	snop;
	(pc) =	sbr.rel @p3 .LBB2_6-.Ltmp4, $3  }
0x50: {  	_ =	sdelay $0x1  }
0x51: {  	s11 =	sshra.s32 s10, $0x2;
	s10 =	sadd.s32 $0x40, s10;
	v10 =	vadd.s32 v1, v9  }
0x52: {  	v9 =	vld [tilespmem:s11+$0x1A000];
	[tilespmem:s9+$0x1A400] =	vst v10;
	s9 =	smov.u32 s11  }
0x53: {  	_ =	sdelay $0x3  }
0x54: {  	v9 =	vadd.s32 v1, v9  }
0x55: {  	[tilespmem:s9+$0x1A400] =	vst v9  }
0x56: {  	[tilespmem:s30], [sflag:$0x1] =	stream.indirect.gather [hbm4b:s13+s23], $0x1, s24, s23, $0xb8;
	[tilespmem:$0x1B000] =	vst v63  }
0x57: {  	_ =	swait.ge [sflag:s22], $0x400  }
0x58: {  	[sflag:s22] =	ssyncset.done $0x0  }
0x59: {  	s25 =	simm.s32 $0x0;
	s10 =	rddreg [dreg:$0x5];
	[sflag:s22] =	ssyncadd.s32 $0xFFFFFC00  }
0x5a: {  	[hbm4b:s10+s25] =	stream.linear.scatter [tilespmem:s30], [sflag:$0x2], $0x400, $0x38;
	[tilespmem:$0x1B000] =	vst v63  }
0x5b: {  	_ =	swait.ge [sflag:s29], $0x400  }
0x5c: {  	[sflag:s29] =	ssyncset.done $0x0  }
0x5d: {  	s9 =	simm.s32 $0x0;
	[sflag:s29] =	ssyncadd.s32 $0xFFFFFC00  }
0x5e: {  	s10 =	simm.s32 $0x40;
	v9 =	vld [tilespmem:s9+$0x1A000]  }
.LBB2_8:
0x5f: {  	p3 =	sne.s32 s10, $0xFC0  }
.Ltmp5:
0x60: {  	_ = 	snop;
	(pc) =	sbr.rel @p3 .LBB2_8-.Ltmp5, $3  }
0x61: {  	_ =	sdelay $0x1  }
0x62: {  	s11 =	sshra.s32 s10, $0x2;
	s10 =	sadd.s32 $0x40, s10;
	v10 =	vadd.s32 v2, v9  }
0x63: {  	v9 =	vld [tilespmem:s11+$0x1A000];
	[tilespmem:s9+$0x1A400] =	vst v10;
	s9 =	smov.u32 s11  }
0x64: {  	_ =	sdelay $0x3  }
0x65: {  	v9 =	vadd.s32 v2, v9  }
0x66: {  	[tilespmem:s9+$0x1A400] =	vst v9  }
0x67: {  	[tilespmem:s30], [sflag:$0x1] =	stream.indirect.gather [hbm4b:s13+s23], $0x1, s24, s23, $0xb8;
	[tilespmem:$0x1B000] =	vst v63  }
0x68: {  	_ =	swait.ge [sflag:s22], $0x400  }
0x69: {  	[sflag:s22] =	ssyncset.done $0x0  }
0x6a: {  	s25 =	simm.s32 $0x0;
	s10 =	rddreg [dreg:$0x6];
	[sflag:s22] =	ssyncadd.s32 $0xFFFFFC00  }
0x6b: {  	[hbm4b:s10+s25] =	stream.linear.scatter [tilespmem:s30], [sflag:$0x2], $0x400, $0x38;
	[tilespmem:$0x1B000] =	vst v63  }
0x6c: {  	_ =	swait.ge [sflag:s29], $0x400  }
0x6d: {  	[sflag:s29] =	ssyncset.done $0x0  }
0x6e: {  	s9 =	simm.s32 $0x0;
	[sflag:s29] =	ssyncadd.s32 $0xFFFFFC00  }
0x6f: {  	s10 =	simm.s32 $0x40;
	v9 =	vld [tilespmem:s9+$0x1A000]  }
.LBB2_10:
0x70: {  	p3 =	sne.s32 s10, $0xFC0  }
.Ltmp6:
0x71: {  	_ = 	snop;
	(pc) =	sbr.rel @p3 .LBB2_10-.Ltmp6, $3  }
0x72: {  	_ =	sdelay $0x1  }
0x73: {  	s11 =	sshra.s32 s10, $0x2;
	s10 =	sadd.s32 $0x40, s10;
	v10 =	vadd.s32 v3, v9  }
0x74: {  	v9 =	vld [tilespmem:s11+$0x1A000];
	[tilespmem:s9+$0x1A400] =	vst v10;
	s9 =	smov.u32 s11  }
0x75: {  	_ =	sdelay $0x3  }
0x76: {  	v9 =	vadd.s32 v3, v9  }
0x77: {  	[tilespmem:s9+$0x1A400] =	vst v9  }
0x78: {  	[tilespmem:s30], [sflag:$0x1] =	stream.indirect.gather [hbm4b:s13+s23], $0x1, s24, s23, $0xb8;
	[tilespmem:$0x1B000] =	vst v63  }
0x79: {  	_ =	swait.ge [sflag:s22], $0x400  }
0x7a: {  	[sflag:s22] =	ssyncset.done $0x0  }
0x7b: {  	s25 =	simm.s32 $0x0;
	s10 =	rddreg [dreg:$0x7];
	[sflag:s22] =	ssyncadd.s32 $0xFFFFFC00  }
0x7c: {  	[hbm4b:s10+s25] =	stream.linear.scatter [tilespmem:s30], [sflag:$0x2], $0x400, $0x38;
	[tilespmem:$0x1B000] =	vst v63  }
0x7d: {  	_ =	swait.ge [sflag:s29], $0x400  }
0x7e: {  	[sflag:s29] =	ssyncset.done $0x0  }
0x7f: {  	s9 =	simm.s32 $0x0;
	[sflag:s29] =	ssyncadd.s32 $0xFFFFFC00  }
0x80: {  	s10 =	simm.s32 $0x40;
	v9 =	vld [tilespmem:s9+$0x1A000]  }
.LBB2_12:
0x81: {  	p3 =	sne.s32 s10, $0xFC0  }
.Ltmp7:
0x82: {  	_ = 	snop;
	(pc) =	sbr.rel @p3 .LBB2_12-.Ltmp7, $3  }
0x83: {  	_ =	sdelay $0x1  }
0x84: {  	s11 =	sshra.s32 s10, $0x2;
	s10 =	sadd.s32 $0x40, s10;
	v10 =	vadd.s32 v4, v9  }
0x85: {  	v9 =	vld [tilespmem:s11+$0x1A000];
	[tilespmem:s9+$0x1A400] =	vst v10;
	s9 =	smov.u32 s11  }
0x86: {  	_ =	sdelay $0x3  }
0x87: {  	v9 =	vadd.s32 v4, v9  }
0x88: {  	[tilespmem:s9+$0x1A400] =	vst v9  }
0x89: {  	[tilespmem:s30], [sflag:$0x1] =	stream.indirect.gather [hbm4b:s13+s23], $0x1, s24, s23, $0xb8;
	[tilespmem:$0x1B000] =	vst v63  }
0x8a: {  	_ =	swait.ge [sflag:s22], $0x400  }
0x8b: {  	[sflag:s22] =	ssyncset.done $0x0  }
0x8c: {  	s25 =	simm.s32 $0x0;
	s10 =	rddreg [dreg:$0x8];
	[sflag:s22] =	ssyncadd.s32 $0xFFFFFC00  }
0x8d: {  	[hbm4b:s10+s25] =	stream.linear.scatter [tilespmem:s30], [sflag:$0x2], $0x400, $0x38;
	[tilespmem:$0x1B000] =	vst v63  }
0x8e: {  	_ =	swait.ge [sflag:s29], $0x400  }
0x8f: {  	[sflag:s29] =	ssyncset.done $0x0  }
0x90: {  	s9 =	simm.s32 $0x0;
	[sflag:s29] =	ssyncadd.s32 $0xFFFFFC00  }
0x91: {  	s10 =	simm.s32 $0x40;
	v9 =	vld [tilespmem:s9+$0x1A000]  }
.LBB2_14:
0x92: {  	p3 =	sne.s32 s10, $0xFC0  }
.Ltmp8:
0x93: {  	_ = 	snop;
	(pc) =	sbr.rel @p3 .LBB2_14-.Ltmp8, $3  }
0x94: {  	_ =	sdelay $0x1  }
0x95: {  	s11 =	sshra.s32 s10, $0x2;
	s10 =	sadd.s32 $0x40, s10;
	v10 =	vadd.s32 v5, v9  }
0x96: {  	v9 =	vld [tilespmem:s11+$0x1A000];
	[tilespmem:s9+$0x1A400] =	vst v10;
	s9 =	smov.u32 s11  }
0x97: {  	_ =	sdelay $0x3  }
0x98: {  	v9 =	vadd.s32 v5, v9  }
0x99: {  	[tilespmem:s9+$0x1A400] =	vst v9  }
0x9a: {  	[tilespmem:s30], [sflag:$0x1] =	stream.indirect.gather [hbm4b:s13+s23], $0x1, s24, s23, $0xb8;
	[tilespmem:$0x1B000] =	vst v63  }
0x9b: {  	_ =	swait.ge [sflag:s22], $0x400  }
0x9c: {  	[sflag:s22] =	ssyncset.done $0x0  }
0x9d: {  	s25 =	simm.s32 $0x0;
	s10 =	rddreg [dreg:$0x9];
	[sflag:s22] =	ssyncadd.s32 $0xFFFFFC00  }
0x9e: {  	[hbm4b:s10+s25] =	stream.linear.scatter [tilespmem:s30], [sflag:$0x2], $0x400, $0x38;
	[tilespmem:$0x1B000] =	vst v63  }
0x9f: {  	_ =	swait.ge [sflag:s29], $0x400  }
0xa0: {  	[sflag:s29] =	ssyncset.done $0x0  }
0xa1: {  	s9 =	simm.s32 $0x0;
	[sflag:s29] =	ssyncadd.s32 $0xFFFFFC00  }
0xa2: {  	s10 =	simm.s32 $0x40;
	v9 =	vld [tilespmem:s9+$0x1A000]  }
.LBB2_16:
0xa3: {  	p3 =	sne.s32 s10, $0xFC0  }
.Ltmp9:
0xa4: {  	_ = 	snop;
	(pc) =	sbr.rel @p3 .LBB2_16-.Ltmp9, $3  }
0xa5: {  	_ =	sdelay $0x1  }
0xa6: {  	s11 =	sshra.s32 s10, $0x2;
	s10 =	sadd.s32 $0x40, s10;
	v10 =	vadd.s32 v6, v9  }
0xa7: {  	v9 =	vld [tilespmem:s11+$0x1A000];
	[tilespmem:s9+$0x1A400] =	vst v10;
	s9 =	smov.u32 s11  }
0xa8: {  	_ =	sdelay $0x3  }
0xa9: {  	v9 =	vadd.s32 v6, v9  }
0xaa: {  	[tilespmem:s9+$0x1A400] =	vst v9  }
0xab: {  	[tilespmem:s30], [sflag:$0x1] =	stream.indirect.gather [hbm4b:s13+s23], $0x1, s24, s23, $0xb8;
	[tilespmem:$0x1B000] =	vst v63  }
0xac: {  	_ =	swait.ge [sflag:s22], $0x400  }
0xad: {  	[sflag:s22] =	ssyncset.done $0x0  }
0xae: {  	s25 =	simm.s32 $0x0;
	s10 =	rddreg [dreg:$0xa];
	[sflag:s22] =	ssyncadd.s32 $0xFFFFFC00  }
0xaf: {  	[hbm4b:s10+s25] =	stream.linear.scatter [tilespmem:s30], [sflag:$0x2], $0x400, $0x38;
	[tilespmem:$0x1B000] =	vst v63  }
0xb0: {  	_ =	swait.ge [sflag:s29], $0x400  }
0xb1: {  	[sflag:s29] =	ssyncset.done $0x0  }
0xb2: {  	s9 =	simm.s32 $0x0;
	[sflag:s29] =	ssyncadd.s32 $0xFFFFFC00  }
0xb3: {  	s10 =	simm.s32 $0x40;
	v9 =	vld [tilespmem:s9+$0x1A000]  }
.LBB2_18:
0xb4: {  	p3 =	sne.s32 s10, $0xFC0  }
.Ltmp10:
0xb5: {  	_ = 	snop;
	(pc) =	sbr.rel @p3 .LBB2_18-.Ltmp10, $3  }
0xb6: {  	_ =	sdelay $0x1  }
0xb7: {  	s11 =	sshra.s32 s10, $0x2;
	s10 =	sadd.s32 $0x40, s10;
	v10 =	vadd.s32 v7, v9  }
0xb8: {  	v9 =	vld [tilespmem:s11+$0x1A000];
	[tilespmem:s9+$0x1A400] =	vst v10;
	s9 =	smov.u32 s11  }
0xb9: {  	_ =	sdelay $0x3  }
0xba: {  	v9 =	vadd.s32 v7, v9  }
0xbb: {  	[tilespmem:s9+$0x1A400] =	vst v9  }
0xbc: {  	[tilespmem:s30], [sflag:$0x1] =	stream.indirect.gather [hbm4b:s13+s23], $0x1, s24, s23, $0xb8;
	[tilespmem:$0x1B000] =	vst v63  }
0xbd: {  	_ =	swait.ge [sflag:s22], $0x400  }
0xbe: {  	[sflag:s22] =	ssyncset.done $0x0  }
0xbf: {  	s25 =	simm.s32 $0x0;
	s10 =	rddreg [dreg:$0xb];
	[sflag:s22] =	ssyncadd.s32 $0xFFFFFC00  }
0xc0: {  	[hbm4b:s10+s25] =	stream.linear.scatter [tilespmem:s30], [sflag:$0x2], $0x400, $0x38;
	[tilespmem:$0x1B000] =	vst v63  }
0xc1: {  	_ =	swait.ge [sflag:s29], $0x400  }
0xc2: {  	[sflag:s29] =	ssyncset.done $0x0  }
0xc3: {  	s9 =	simm.s32 $0x0;
	[sflag:s29] =	ssyncadd.s32 $0xFFFFFC00  }
0xc4: {  	s10 =	simm.s32 $0x40;
	v9 =	vld [tilespmem:s9+$0x1A000]  }
.LBB2_20:
0xc5: {  	p3 =	sne.s32 s10, $0xFC0  }
.Ltmp11:
0xc6: {  	_ = 	snop;
	(pc) =	sbr.rel @p3 .LBB2_20-.Ltmp11, $3  }
0xc7: {  	_ =	sdelay $0x1  }
0xc8: {  	s11 =	sshra.s32 s10, $0x2;
	s10 =	sadd.s32 $0x40, s10;
	v10 =	vadd.s32 v8, v9  }
0xc9: {  	v9 =	vld [tilespmem:s11+$0x1A000];
	[tilespmem:s9+$0x1A400] =	vst v10;
	s9 =	smov.u32 s11  }
0xca: {  	_ =	sdelay $0x3  }
0xcb: {  	v9 =	vadd.s32 v8, v9  }
0xcc: {  	[tilespmem:s9+$0x1A400] =	vst v9  }
0xcd: {  	[tilespmem:s30], [sflag:$0x1] =	stream.indirect.gather [hbm4b:s13+s23], $0x1, s24, s23, $0xb8;
	[tilespmem:$0x1B000] =	vst v63  }
0xce: {  	_ =	swait.ge [sflag:s22], $0x400  }
0xcf: {  	[sflag:s22] =	ssyncset.done $0x0  }
.Ltmp12:
0xd0: {  	s25 =	rddreg [dreg:$0xc];
	[sflag:s22] =	ssyncadd.s32 $0xFFFFFC00;
	(pc) =	sbr.rel @p0 .LBB2_36-.Ltmp12, $4  }
0xd1: {  	[hbm4b:s25+s4] =	stream.linear.scatter [tilespmem:s30], [sflag:$0x2], $0x400, $0x38;
	[tilespmem:$0x1B000] =	vst v63  }
0xd2: {  	_ =	swait.ge [sflag:s29], $0x400  }
0xd3: {  	[sflag:s29] =	ssyncset.done $0x0  }
0xd4: {  	[sflag:s29] =	ssyncadd.s32 $0xFFFFFC00  }
.Ltmp13:
0xd5: {  	(pc) =	sbr.rel @p1 .LBB2_30-.Ltmp13, $1  }
0xd6: {  	_ =	sdelay $0x3  }
.Ltmp14:
0xd7: {  	(pc) =	sbr.rel @p2 .LBB2_42-.Ltmp14, $1  }
0xd8: {  	_ =	sdelay $0x3  }
0xd9: {  	s9 =	simm.s32 $0x0;
	s10 =	rddreg [dreg:$0x11]  }
0xda: {  	[tilespmem:s5], [sflag:$0x2] =	stream.linear.gather [hbm4b:s10+s9], $0x400, $0x38;
	[tilespmem:$0x1B000] =	vst v63  }
0xdb: {  	_ =	swait.ge [sflag:s29], $0x400  }
0xdc: {  	[sflag:s29] =	ssyncset.done $0x0  }
0xdd: {  	s10 =	simm.s32 $0x0;
	[sflag:s29] =	ssyncadd.s32 $0xFFFFFC00  }
.LBB2_25:
0xde: {  	s11 =	sshll.u32 s10, $0xC;
	s12 =	sand.u32 $0xF80, s9  }
0xdf: {  	s17 =	sand.u32 $0x70, s9;
	s21 =	sadd.s32 s12, s11  }
0xe0: {  	s21 =	sadd.s32 s17, s21  }
0xe1: {  	v9 =	vld [tilespmem:s21+$0x0];
	_ =	sdelay $0x2  }
0xe2: {  	s12 =	simm.s32 $0x10  }
0xe3: {  	s17 =	simm.s32 $0x8000;
	s25 =	sand.u32 $0xF80, s12;
	s21 =	simm.s32 $0x20  }
.LBB2_26:
0xe4: {  	p3 =	sne.s32 s21, $0xFF0;
	s12 =	sand.u32 $0x70, s12;
	s25 =	sadd.s32 s25, s11;
	v9 =	vadd.s32 v0, v9  }
0xe5: {  	s25 =	sadd.s32 s12, s25;
	[tilespmem:s17+$0x0] =	vst v9;
	s12 =	smov.u32 s21  }
.Ltmp15:
0xe6: {  	v9 =	vld [tilespmem:s25+$0x0];
	(pc) =	sbr.rel @p3 .LBB2_26-.Ltmp15, $2  }
0xe7: {  	_ =	sdelay $0x2  }
0xe8: {  	s21 =	sadd.s32 $0x10, s21;
	s17 =	sadd.s32 $0x10, s17;
	s25 =	sand.u32 $0xF80, s12  }
0xe9: {  	s12 =	sand.u32 $0x70, s12;
	s21 =	sadd.s32 s25, s11;
	v9 =	vadd.s32 v0, v9  }
0xea: {  	s12 =	sadd.s32 s12, s21;
	[tilespmem:s17+$0x0] =	vst v9  }
0xeb: {  	v9 =	vld [tilespmem:s12+$0x0];
	_ =	sdelay $0x3  }
0xec: {  	s12 =	sshll.u32 s10, $0x7  }
0xed: {  	s21 =	sadd.s32 $0x10, s17;
	s25 =	sadd.s32 $0x0, s12;
	v9 =	vadd.s32 v0, v9  }
0xee: {  	s17 =	simm.s32 $0x9000;
	[tilespmem:s21+$0x0] =	vst v9;
	v9 =	vmov s25  }
0xef: {  	[tilespmem:s17], [sflag:$0x1] =	stream.indirect.gather [hbm4b:s14+s6], $0x1, s2, s6, $0xb8;
	[tilespmem:$0x1B000] =	vst v63  }
0xf0: {  	_ =	swait.ge [sflag:s22], $0x1000  }
0xf1: {  	[sflag:s22] =	ssyncset.done $0x0  }
0xf2: {  	[sflag:s22] =	ssyncadd.s32 $0xFFFFF000  }
0xf3: {  	v9 =	vld.idx.msk [tilespmem:v9+s5+$0x0], $0xffff  }
0xf4: {  	v10 =	vld [tilespmem:s17+$0x0]  }
0xf5: {  	s25 =	simm.s32 $0x0;
	s21 =	simm.s32 $0x2  }
.LBB2_28:
0xf6: {  	p3 =	sne.s32 s21, $0xFF;
	s25 =	sadd.s32 s12, s25  }
0xf7: {  	v11 =	vmov s25;
	_ =	sdelay $0x1  }
0xf8: {  	v9 =	vsub.f32 v10, v9  }
.Ltmp16:
0xf9: {  	(pc) =	sbr.rel @p3 .LBB2_28-.Ltmp16, $4  }
0xfa: {  	[tilespmem:s17+$0x0] =	vst v9  }
0xfb: {  	s17 =	sadd.s32 $0x10, s17;
	v9 =	vld.idx.msk [tilespmem:v11+s5+$0x0], $0xffff  }
0xfc: {  	v10 =	vld [tilespmem:s17+$0x0]  }
0xfd: {  	s25 =	sshrl.u32 s21, $0x1;
	s21 =	sadd.s32 $0x1, s21  }
0xfe: {  	s12 =	sadd.s32 s12, s25  }
0xff: {  	v11 =	vmov s12;
	_ =	sdelay $0x1  }
0x100: {  	v9 =	vsub.f32 v10, v9;
	_ =	sdelay $0x1  }
0x101: {  	[tilespmem:s17+$0x0] =	vst v9  }
0x102: {  	s25 =	sadd.s32 $0x10, s17;
	v9 =	vld.idx.msk [tilespmem:v11+s5+$0x0], $0xffff  }
0x103: {  	v10 =	vld [tilespmem:s25+$0x0];
	_ =	sdelay $0x4  }
0x104: {  	s11 =	sadd.s32 s20, s11;
	v9 =	vsub.f32 v10, v9  }
0x105: {  	s10 =	sadd.s32 $0x1, s10;
	s11 =	sshrl.u32 s11, $0x3  }
0x106: {  	p3 =	seq.s32 s10, $0x8;
	s11 =	sadd.s32 s3, s11;
	[tilespmem:s25+$0x0] =	vst v9  }
0x107: {  	[hbm4b:s11+s4] =	stream.linear.scatter [tilespmem:s7], [sflag:$0x2], $0x1000, $0x38;
	[tilespmem:$0x1B000] =	vst v63  }
.Ltmp17:
0x108: {  	_ = 	snop;
	(pc) =	sbr.rel @!p3 .LBB2_25-.Ltmp17, $4  }
.Ltmp18:
0x109: {  	_ = 	snop;
	(pc) =	sbr.rel @p3 .LBB2_42-.Ltmp18, $4  }
0x10a: {  	_ =	swait.ge [sflag:s29], $0x1000  }
0x10b: {  	[sflag:s29] =	ssyncset.done $0x0  }
0x10c: {  	[sflag:s29] =	ssyncadd.s32 $0xFFFFF000  }
0x10d: {  	_ = 	snop  }
.LBB2_30:
0x10e: {  	s9 =	simm.s32 $0x0;
	s10 =	rddreg [dreg:$0x10]  }
0x10f: {  	[tilespmem:s5], [sflag:$0x2] =	stream.linear.gather [hbm4b:s10+s9], $0x400, $0x38;
	[tilespmem:$0x1B000] =	vst v63  }
0x110: {  	_ =	swait.ge [sflag:s29], $0x400  }
0x111: {  	[sflag:s29] =	ssyncset.done $0x0  }
0x112: {  	s10 =	simm.s32 $0x0;
	[sflag:s29] =	ssyncadd.s32 $0xFFFFFC00  }
.LBB2_31:
0x113: {  	s11 =	sshll.u32 s10, $0xC;
	s12 =	sand.u32 $0xF80, s9  }
0x114: {  	s17 =	sand.u32 $0x70, s9;
	s21 =	sadd.s32 s12, s11  }
0x115: {  	s21 =	sadd.s32 s17, s21  }
0x116: {  	v9 =	vld [tilespmem:s21+$0x0];
	_ =	sdelay $0x2  }
0x117: {  	s12 =	simm.s32 $0x10  }
0x118: {  	s17 =	simm.s32 $0x8000;
	s25 =	sand.u32 $0xF80, s12;
	s21 =	simm.s32 $0x20  }
.LBB2_32:
0x119: {  	p3 =	sne.s32 s21, $0xFF0;
	s12 =	sand.u32 $0x70, s12;
	s25 =	sadd.s32 s25, s11;
	v9 =	vadd.s32 v0, v9  }
0x11a: {  	s25 =	sadd.s32 s12, s25;
	[tilespmem:s17+$0x0] =	vst v9;
	s12 =	smov.u32 s21  }
.Ltmp19:
0x11b: {  	v9 =	vld [tilespmem:s25+$0x0];
	(pc) =	sbr.rel @p3 .LBB2_32-.Ltmp19, $2  }
0x11c: {  	_ =	sdelay $0x2  }
0x11d: {  	s21 =	sadd.s32 $0x10, s21;
	s17 =	sadd.s32 $0x10, s17;
	s25 =	sand.u32 $0xF80, s12  }
0x11e: {  	s12 =	sand.u32 $0x70, s12;
	s21 =	sadd.s32 s25, s11;
	v9 =	vadd.s32 v0, v9  }
0x11f: {  	s12 =	sadd.s32 s12, s21;
	[tilespmem:s17+$0x0] =	vst v9  }
0x120: {  	v9 =	vld [tilespmem:s12+$0x0];
	_ =	sdelay $0x3  }
0x121: {  	s12 =	sshll.u32 s10, $0x7  }
0x122: {  	s21 =	sadd.s32 $0x10, s17;
	s25 =	sadd.s32 $0x0, s12;
	v9 =	vadd.s32 v0, v9  }
0x123: {  	s17 =	simm.s32 $0x9000;
	[tilespmem:s21+$0x0] =	vst v9;
	v9 =	vmov s25  }
0x124: {  	[tilespmem:s17], [sflag:$0x1] =	stream.indirect.gather [hbm4b:s15+s6], $0x1, s2, s6, $0xb8;
	[tilespmem:$0x1B000] =	vst v63  }
0x125: {  	_ =	swait.ge [sflag:s22], $0x1000  }
0x126: {  	[sflag:s22] =	ssyncset.done $0x0  }
0x127: {  	[sflag:s22] =	ssyncadd.s32 $0xFFFFF000  }
0x128: {  	v9 =	vld.idx.msk [tilespmem:v9+s5+$0x0], $0xffff  }
0x129: {  	v10 =	vld [tilespmem:s17+$0x0]  }
0x12a: {  	s25 =	simm.s32 $0x0;
	s21 =	simm.s32 $0x2  }
.LBB2_34:
0x12b: {  	p3 =	sne.s32 s21, $0xFF;
	s25 =	sadd.s32 s12, s25  }
0x12c: {  	v11 =	vmov s25;
	_ =	sdelay $0x1  }
0x12d: {  	v9 =	vsub.f32 v10, v9  }
.Ltmp20:
0x12e: {  	(pc) =	sbr.rel @p3 .LBB2_34-.Ltmp20, $4  }
0x12f: {  	[tilespmem:s17+$0x0] =	vst v9  }
0x130: {  	s17 =	sadd.s32 $0x10, s17;
	v9 =	vld.idx.msk [tilespmem:v11+s5+$0x0], $0xffff  }
0x131: {  	v10 =	vld [tilespmem:s17+$0x0]  }
0x132: {  	s25 =	sshrl.u32 s21, $0x1;
	s21 =	sadd.s32 $0x1, s21  }
0x133: {  	s12 =	sadd.s32 s12, s25  }
0x134: {  	v11 =	vmov s12;
	_ =	sdelay $0x1  }
0x135: {  	v9 =	vsub.f32 v10, v9;
	_ =	sdelay $0x1  }
0x136: {  	[tilespmem:s17+$0x0] =	vst v9  }
0x137: {  	s25 =	sadd.s32 $0x10, s17;
	v9 =	vld.idx.msk [tilespmem:v11+s5+$0x0], $0xffff  }
0x138: {  	v10 =	vld [tilespmem:s25+$0x0];
	_ =	sdelay $0x4  }
0x139: {  	s11 =	sadd.s32 s28, s11;
	v9 =	vsub.f32 v10, v9  }
0x13a: {  	s10 =	sadd.s32 $0x1, s10;
	s11 =	sshrl.u32 s11, $0x3  }
0x13b: {  	p3 =	seq.s32 s10, $0x8;
	s11 =	sadd.s32 s3, s11;
	[tilespmem:s25+$0x0] =	vst v9  }
0x13c: {  	[hbm4b:s11+s4] =	stream.linear.scatter [tilespmem:s7], [sflag:$0x2], $0x1000, $0x38;
	[tilespmem:$0x1B000] =	vst v63  }
.Ltmp21:
0x13d: {  	_ = 	snop;
	(pc) =	sbr.rel @!p3 .LBB2_31-.Ltmp21, $4  }
.Ltmp22:
0x13e: {  	_ = 	snop;
	(pc) =	sbr.rel @p3 .LBB2_42-.Ltmp22, $4  }
0x13f: {  	_ =	swait.ge [sflag:s29], $0x1000  }
0x140: {  	[sflag:s29] =	ssyncset.done $0x0  }
0x141: {  	[sflag:s29] =	ssyncadd.s32 $0xFFFFF000  }
0x142: {  	_ = 	snop  }
.LBB2_36:
0x143: {  	s9 =	simm.s32 $0x0;
	s10 =	rddreg [dreg:$0xf]  }
0x144: {  	[tilespmem:s5], [sflag:$0x2] =	stream.linear.gather [hbm4b:s10+s9], $0x400, $0x38;
	[tilespmem:$0x1B000] =	vst v63  }
0x145: {  	_ =	swait.ge [sflag:s29], $0x400  }
0x146: {  	[sflag:s29] =	ssyncset.done $0x0  }
0x147: {  	s10 =	simm.s32 $0x0;
	[sflag:s29] =	ssyncadd.s32 $0xFFFFFC00  }
.LBB2_37:
0x148: {  	s11 =	sshll.u32 s10, $0xC;
	s12 =	sand.u32 $0xF80, s9  }
0x149: {  	s17 =	sand.u32 $0x70, s9;
	s21 =	sadd.s32 s12, s11  }
0x14a: {  	s21 =	sadd.s32 s17, s21  }
0x14b: {  	v9 =	vld [tilespmem:s21+$0x0];
	_ =	sdelay $0x2  }
0x14c: {  	s12 =	simm.s32 $0x10  }
0x14d: {  	s17 =	simm.s32 $0x8000;
	s25 =	sand.u32 $0xF80, s12;
	s21 =	simm.s32 $0x20  }
.LBB2_38:
0x14e: {  	p3 =	sne.s32 s21, $0xFF0;
	s12 =	sand.u32 $0x70, s12;
	s25 =	sadd.s32 s25, s11;
	v9 =	vadd.s32 v0, v9  }
0x14f: {  	s25 =	sadd.s32 s12, s25;
	[tilespmem:s17+$0x0] =	vst v9;
	s12 =	smov.u32 s21  }
.Ltmp23:
0x150: {  	v9 =	vld [tilespmem:s25+$0x0];
	(pc) =	sbr.rel @p3 .LBB2_38-.Ltmp23, $2  }
0x151: {  	_ =	sdelay $0x2  }
0x152: {  	s21 =	sadd.s32 $0x10, s21;
	s17 =	sadd.s32 $0x10, s17;
	s25 =	sand.u32 $0xF80, s12  }
0x153: {  	s12 =	sand.u32 $0x70, s12;
	s21 =	sadd.s32 s25, s11;
	v9 =	vadd.s32 v0, v9  }
0x154: {  	s12 =	sadd.s32 s12, s21;
	[tilespmem:s17+$0x0] =	vst v9  }
0x155: {  	v9 =	vld [tilespmem:s12+$0x0];
	_ =	sdelay $0x3  }
0x156: {  	s12 =	sshll.u32 s10, $0x7  }
0x157: {  	s21 =	sadd.s32 $0x10, s17;
	s25 =	sadd.s32 $0x0, s12;
	v9 =	vadd.s32 v0, v9  }
0x158: {  	s17 =	simm.s32 $0x9000;
	[tilespmem:s21+$0x0] =	vst v9;
	v9 =	vmov s25  }
0x159: {  	[tilespmem:s17], [sflag:$0x1] =	stream.indirect.gather [hbm4b:s16+s6], $0x1, s2, s6, $0xb8;
	[tilespmem:$0x1B000] =	vst v63  }
0x15a: {  	_ =	swait.ge [sflag:s22], $0x1000  }
0x15b: {  	[sflag:s22] =	ssyncset.done $0x0  }
0x15c: {  	[sflag:s22] =	ssyncadd.s32 $0xFFFFF000  }
0x15d: {  	v9 =	vld.idx.msk [tilespmem:v9+s5+$0x0], $0xffff  }
0x15e: {  	v10 =	vld [tilespmem:s17+$0x0]  }
0x15f: {  	s25 =	simm.s32 $0x0;
	s21 =	simm.s32 $0x2  }
.LBB2_40:
0x160: {  	p3 =	sne.s32 s21, $0xFF;
	s25 =	sadd.s32 s12, s25  }
0x161: {  	v11 =	vmov s25;
	_ =	sdelay $0x1  }
0x162: {  	v9 =	vsub.f32 v10, v9  }
.Ltmp24:
0x163: {  	(pc) =	sbr.rel @p3 .LBB2_40-.Ltmp24, $4  }
0x164: {  	[tilespmem:s17+$0x0] =	vst v9  }
0x165: {  	s17 =	sadd.s32 $0x10, s17;
	v9 =	vld.idx.msk [tilespmem:v11+s5+$0x0], $0xffff  }
0x166: {  	v10 =	vld [tilespmem:s17+$0x0]  }
0x167: {  	s25 =	sshrl.u32 s21, $0x1;
	s21 =	sadd.s32 $0x1, s21  }
0x168: {  	s12 =	sadd.s32 s12, s25  }
0x169: {  	v11 =	vmov s12;
	_ =	sdelay $0x1  }
0x16a: {  	v9 =	vsub.f32 v10, v9;
	_ =	sdelay $0x1  }
0x16b: {  	[tilespmem:s17+$0x0] =	vst v9  }
0x16c: {  	s25 =	sadd.s32 $0x10, s17;
	v9 =	vld.idx.msk [tilespmem:v11+s5+$0x0], $0xffff  }
0x16d: {  	v10 =	vld [tilespmem:s25+$0x0];
	_ =	sdelay $0x4  }
0x16e: {  	s11 =	sadd.s32 s26, s11;
	v9 =	vsub.f32 v10, v9  }
0x16f: {  	s10 =	sadd.s32 $0x1, s10;
	s11 =	sshrl.u32 s11, $0x3  }
0x170: {  	p3 =	sne.s32 s10, $0x8;
	s11 =	sadd.s32 s3, s11;
	[tilespmem:s25+$0x0] =	vst v9  }
0x171: {  	[hbm4b:s11+s4] =	stream.linear.scatter [tilespmem:s7], [sflag:$0x2], $0x1000, $0x38;
	[tilespmem:$0x1B000] =	vst v63  }
.Ltmp25:
0x172: {  	_ = 	snop;
	(pc) =	sbr.rel @p3 .LBB2_37-.Ltmp25, $4  }
.Ltmp26:
0x173: {  	_ = 	snop;
	(pc) =	sbr.rel @!p3 .LBB2_42-.Ltmp26, $4  }
0x174: {  	_ =	swait.ge [sflag:s29], $0x1000  }
0x175: {  	[sflag:s29] =	ssyncset.done $0x0  }
0x176: {  	[sflag:s29] =	ssyncadd.s32 $0xFFFFF000  }
0x177: {  	_ = 	snop  }
.LBB2_43:
0x178: {  	_ =	sfence.sel $0x180000  }
0x179: {  	[bflag:$0x0] =	sbarrier.arrive $0xFFFF  }
0x17a: {  	_ =	strace $0x9000004A  }
0x17b: {  	s0 =	stileid.u32;
	[bflag:$0x2] =	sbarrier.arrive $0xFFFF  }
0x17c: {  	p0 =	sne.s32 s0, $0x0;
	s0 =	rddreg [dreg:$0x4]  }
0x17d: {  	s0 =	sadd.s32 @!p0 $0x100000, s0  }
0x17e: {  	[sflag:s0] =	ssyncadd.tile.s32 @!p0 $0x1;
	_ =	shalt  }
.Lfunc_end2:
_tile_overlayer_lowered:
.L_overlay_start_2:
0x17f: {  	(tag) =	ssettag $0x2  }
0x180: {  	s0 =	rddreg [dreg:$0x0];
	s2 =	stileid.u32  }
0x181: {  	s1 =	rddreg [dreg:$0x1];
	p0 =	sne.s32 s2, $0x0  }
0x182: {  	s3 =	rddreg [dreg:$0x2];
	[bflag:$0x3] =	sbarrier.arrive $0xFFFF;
	s2 =	simm.s32 @!p0 $0x1C02  }
0x183: {  	[timem:s3], [sflag:s2] =	dma.local @!p0 [hbm:s0], s1  }
0x184: {  	s0 =	simm.s32 @!p0 $0x2  }
0x185: {  	_ =	swait.ge @!p0 [sflag:s0], s1  }
0x186: {  	s1 =	ssub.s32 @!p0 $0x0, s1;
	[sflag:s0] =	ssyncset.done @!p0 $0x0  }
0x187: {  	[sflag:s0] =	ssyncadd.s32 @!p0 s1  }
0x188: {  	[bflag:$0x3] =	sbarrier.arrive $0xFFFF  }
0x189: {  	_ =	shalt  }

// kernel: kernel.8.cloned.1.call-start
scs
__scs_entry_jumppad:
0x0: {  	(pc) =	sbr.rel $0x88, $3  }
0x1: {  	(tag) =	ssettag $0x0;
	lr =	simm.s32 $0x1  }
0x2: {  	[smem:$0x3F9F] =	sst lr;
	_ =	strace $0xD0000000  }
0x3: {  	_ = 	snop  }
0x4: {  	_ = 	snop  }
0x5: {  	_ = 	snop  }
0x6: {  	_ = 	snop  }
0x7: {  	_ = 	snop  }
__scs_overlays_trampoline_lowered:
0x8: {  	[smem:$0x3FAE] =	sst s0  }
0x9: {  	[smem:$0x3FAF] =	sst s1  }
0xa: {  	[smem:$0x3FB0] =	sst s2  }
0xb: {  	[smem:$0x3FB1] =	sst s3  }
0xc: {  	[smem:$0x3FB2] =	sst s4  }
0xd: {  	[smem:$0x3FB3] =	sst s5  }
0xe: {  	[smem:$0x3FB4] =	sst s6  }
0xf: {  	[smem:$0x3FB5] =	sst s7  }
0x10: {  	[smem:$0x3FB6] =	sst s8  }
0x11: {  	[smem:$0x3FB7] =	sst s9;
	s0 =	simm.s32 @!p0 $0x0  }
0x12: {  	s1 =	sld [smem:$0x3F9D];
	s0 =	simm.s32 @p0 $0x1  }
0x13: {  	[smem:$0x3FB8] =	sst s0;
	s0 =	simm.s32 @!p1 $0x0  }
0x14: {  	s2 =	sld [smem:$0x3F9C];
	s0 =	simm.s32 @p1 $0x1  }
0x15: {  	[smem:$0x3FB9] =	sst s0;
	s0 =	simm.s32 @!p2 $0x0  }
0x16: {  	s3 =	sld [smem:$0x3FDB];
	s0 =	simm.s32 @p2 $0x1  }
0x17: {  	s4 =	simm.s32 $0x1BF5;
	[smem:$0x3FBB] =	sst s0  }
0x18: {  	s0 =	sld [smem:$0x3F9E];
	_ =	swait.ge [sflag:s4], $0x0  }
0x19: {  	s7 =	sld [smem:$0x3F9F]  }
0x1a: {  	s8 =	sadd.s32 $0xFFFFE003, lr  }
0x1b: {  	s9 =	sadd.s32 $0xFFFFFEF7, lr;
	s5 =	simm.s32 $0xFFFFFFFF;
	p2 =	slt.u32 s8, $0xFFFFF086  }
0x1c: {  	p1 =	slt.u32 s9, $0xF7A;
	s5 =	simm.s32 @!p2 $0x0  }
0x1d: {  	s5 =	simm.s32 @p1 $0x1;
	p0 =	seq.s32 s7, s2  }
0x1e: {  	s7 =	smul.u32 @!p0 $0xF7A, s2;
	p2 =	seq.s32 @!p0 s5, $0x0  }
0x1f: {  	s9 =	smul.u32 $0xF7A, s1;
	s8 =	simm.s32 @!p0 $0x1BF5;
	p2 =	por !p2, p0  }
0x20: {  	[sflag:s8] =	ssyncset.s32 @!p0 $0xFFFFF086;
	s6 =	sadd.s32 @!p0 s3, s7;
	s7 =	simm.s32 @!p0 $0x108  }
0x21: {  	s3 =	sadd.s32 s3, s9;
	s6 =	sadd.s32 @!p0 $0x88, s6;
	s7 =	simm.s32 @p2 $0x1082  }
0x22: {  	[simem:s7], [sflag:s8] =	dma.local @!p0 [hbm:s6], $0xF7A  }
0x23: {  	s9 =	sor.u32 $0xD0000000, s2;
	s6 =	simm.s32 $0x108;
	_ =	swait.ge @!p0 [sflag:s8], $0x0  }
0x24: {  	s3 =	sadd.s32 $0x88, s3;
	s6 =	simm.s32 @!p1 $0x1082;
	[sflag:s4] =	ssyncset.s32 $0xFFFFF086  }
0x25: {  	[simem:s6], [sflag:s4] =	dma.local [hbm:s3], $0xF7A  }
0x26: {  	[smem:$0x3F9F] =	sst s1;
	(tag) =	ssettag s2;
	_ =	strace s9  }
0x27: {  	s1 =	sld [smem:$0x3FAF]  }
0x28: {  	s2 =	sld [smem:$0x3FB0]  }
0x29: {  	s4 =	sld [smem:$0x3FB2]  }
0x2a: {  	p0 =	seq.s32 s5, $0x0;
	s5 =	sld [smem:$0x3FB3]  }
0x2b: {  	s6 =	sld [smem:$0x3FB4]  }
0x2c: {  	s7 =	sld [smem:$0x3FB5]  }
0x2d: {  	s3 =	simm.s32 $0x108;
	s8 =	sld [smem:$0x3FB6]  }
0x2e: {  	s3 =	simm.s32 @!p0 $0x1082;
	s9 =	sld [smem:$0x3FB7]  }
0x2f: {  	lr =	sadd.s32 s0, s3;
	s0 =	sld [smem:$0x3FAE]  }
0x30: {  	s3 =	sld [smem:$0x3FB1]  }
0x31: {  	[smem:$0x3FBA] =	sst s10  }
0x32: {  	s10 =	sld [smem:$0x3FB8];
	_ =	sdelay $0x3  }
0x33: {  	p0 =	seq.s32 s10, $0x1;
	s10 =	sld [smem:$0x3FBA];
	_ =	sdelay $0x3  }
0x34: {  	[smem:$0x3FBA] =	sst s10  }
0x35: {  	s10 =	sld [smem:$0x3FB9];
	_ =	sdelay $0x3  }
0x36: {  	p1 =	seq.s32 s10, $0x1;
	s10 =	sld [smem:$0x3FBA];
	_ =	sdelay $0x3  }
0x37: {  	[smem:$0x3FBA] =	sst s10  }
0x38: {  	s10 =	sld [smem:$0x3FBB]  }
0x39: {  	_ = 	snop;
	(pc) =	sbr.ind lr, $3  }
0x3a: {  	_ = 	snop  }
0x3b: {  	_ = 	snop  }
0x3c: {  	p2 =	seq.s32 s10, $0x1;
	s10 =	sld [smem:$0x3FBA]  }
0x3d: {  	_ =	shalt  }
0x3e: {  	_ =	shalt  }
0x3f: {  	_ =	shalt  }
0x40: {  	_ =	shalt  }
0x41: {  	_ =	shalt  }
0x42: {  	_ =	shalt  }
0x43: {  	_ =	shalt  }
0x44: {  	_ =	shalt  }
0x45: {  	_ =	shalt  }
0x46: {  	_ =	shalt  }
0x47: {  	_ =	shalt  }
0x48: {  	_ =	shalt  }
0x49: {  	_ =	shalt  }
0x4a: {  	_ =	shalt  }
0x4b: {  	_ =	shalt  }
0x4c: {  	_ =	shalt  }
0x4d: {  	_ =	shalt  }
0x4e: {  	_ =	shalt  }
0x4f: {  	_ =	shalt  }
0x50: {  	_ =	shalt  }
0x51: {  	_ =	shalt  }
0x52: {  	_ =	shalt  }
0x53: {  	_ =	shalt  }
0x54: {  	_ =	shalt  }
0x55: {  	_ =	shalt  }
0x56: {  	_ =	shalt  }
0x57: {  	_ =	shalt  }
0x58: {  	_ =	shalt  }
0x59: {  	_ =	shalt  }
0x5a: {  	_ =	shalt  }
0x5b: {  	_ =	shalt  }
0x5c: {  	_ =	shalt  }
0x5d: {  	_ =	shalt  }
0x5e: {  	_ =	shalt  }
0x5f: {  	_ =	shalt  }
0x60: {  	_ =	shalt  }
0x61: {  	_ =	shalt  }
0x62: {  	_ =	shalt  }
0x63: {  	_ =	shalt  }
0x64: {  	_ =	shalt  }
0x65: {  	_ =	shalt  }
0x66: {  	_ =	shalt  }
0x67: {  	_ =	shalt  }
0x68: {  	_ =	shalt  }
0x69: {  	_ =	shalt  }
0x6a: {  	_ =	shalt  }
0x6b: {  	_ =	shalt  }
0x6c: {  	_ =	shalt  }
0x6d: {  	_ =	shalt  }
0x6e: {  	_ =	shalt  }
0x6f: {  	_ =	shalt  }
0x70: {  	_ =	shalt  }
0x71: {  	_ =	shalt  }
0x72: {  	_ =	shalt  }
0x73: {  	_ =	shalt  }
0x74: {  	_ =	shalt  }
0x75: {  	_ =	shalt  }
0x76: {  	_ =	shalt  }
0x77: {  	_ =	shalt  }
0x78: {  	_ =	shalt  }
0x79: {  	_ =	shalt  }
0x7a: {  	_ =	shalt  }
0x7b: {  	_ =	shalt  }
0x7c: {  	_ =	shalt  }
0x7d: {  	_ =	shalt  }
0x7e: {  	_ =	shalt  }
0x7f: {  	_ =	shalt  }
0x80: {  	_ =	shalt  }
0x81: {  	_ =	shalt  }
0x82: {  	_ =	shalt  }
0x83: {  	_ =	shalt  }
0x84: {  	_ =	shalt  }
0x85: {  	_ =	shalt  }
0x86: {  	_ =	shalt  }
0x87: {  	_ =	shalt  }
.Lfunc_end0:
.L_simem_size_0:
called_computation.1_lowered:
.L_overlay_start_0:
0x88: {  	s2 =	sld [smem:$0x3FD9]  }
0x89: {  	s3 =	sld [smem:$0x3FFE];
	_ =	sdelay $0x1  }
0x8a: {  	s1 =	srdreg.scid  }
0x8b: {  	s0 =	sand.u32 $0x1, s1  }
0x8c: {  	s16 =	sshll.u32 s0, $0xA;
	s2 =	sadd.s32 s3, s2  }
0x8d: {  	s2 =	sadd.s32 s2, s16  }
0x8e: {  	[smem:$0x3FC6] =	sst s2  }
0x8f: {  	_ = 	snop  }
0x90: {  	(tm) =	ssettm $0x1  }
0x91: {  	s17 =	sld [smem:$0x3FFB];
	_ =	sdelay $0x3  }
0x92: {  	_ =	strace s17  }
0x93: {  	s2 =	sld [smem:$0x3FFC];
	_ =	sdelay $0x3  }
0x94: {  	_ =	strace s2  }
0x95: {  	s2 =	sld [smem:$0x3FFD];
	_ =	sdelay $0x3  }
0x96: {  	_ =	strace s2  }
0x97: {  	_ =	strace $0x8FFFFFFF  }
0x98: {  	s18 =	sld [smem:$0x3FDB];
	_ =	sdelay $0x1  }
0x99: {  	s19 =	simm.s32 $_scs_section_size  }
0x9a: {  	s4 =	simm.s32 $_size__tile_overlayer_lowered;
	s5 =	simm.s32 $_tile_overlayer_lowered  }
0x9b: {  	s22 =	simm.s32 $0x1BFF;
	s21 =	sshll.u32 s5, $0x1;
	s2 =	sadd.s32 s19, s18  }
0x9c: {  	s6 =	simm.s32 $0x0;
	s20 =	sshll.u32 s4, $0x1;
	s4 =	sadd.s32 s21, s2  }
0x9d: {  	[timem:s6], [sflag:s22] =	dma.local [hbm:s4], s20  }
0x9e: {  	_ =	swait.ge [sflag:s22], s20  }
0x9f: {  	s3 =	ssub.s32 $0x0, s20;
	[sflag:s22] =	ssyncset.done $0x0  }
0xa0: {  	[sflag:s22] =	ssyncadd.s32 s3;
	_ =	sdelay $0x1  }
0xa1: {  	s23 =	simm.s32 $0x1B8B  }
0xa2: {  	_ =	swait.ge [sflag:s23], $0x1  }
0xa3: {  	[sflag:s23] =	ssyncset.done $0x0  }
0xa4: {  	s25 =	simm.s32 $0x1B8E;
	s24 =	sld [smem:$0x3FFE];
	[sflag:s23] =	ssyncadd.s32 $0xFFFFFFFF  }
0xa5: {  	s26 =	simm.s32 $execute0_lowered;
	[smem:$0x3FD2] =	sst s25  }
0xa6: {  	s4 =	sshll.u32 s26, $0x1;
	_ =	strace $0x80000046;
	[dreg:$0x1] =	wrdreg $0xFFFFFFFF  }
0xa7: {  	s28 =	simm.s32 $_size_execute0_lowered;
	s2 =	sadd.s32 s2, s4;
	[dreg:$0x0] =	wrdreg $0x0  }
0xa8: {  	s4 =	sshll.u32 s28, $0x1;
	[dreg:$0x2] =	wrdreg s2  }
0xa9: {  	[dreg:$0x3] =	wrdreg s4  }
0xaa: {  	[dreg:$0x4] =	wrdreg $0xC0  }
0xab: {  	_ =	task [dreg:s6], $0x5FFFF  }
0xac: {  	[dreg:$0x1] =	wrdreg $0xFFFFFFFF  }
0xad: {  	[dreg:$0x0] =	wrdreg $0x60  }
0xae: {  	[dreg:$0x2] =	wrdreg s24  }
0xaf: {  	[dreg:$0x3] =	wrdreg $0x9  }
0xb0: {  	_ =	task.clear_ibuf [dreg:s6], $0x4FFFF;
	_ =	strace $0x90000046  }
0xb1: {  	s29 =	simm.s32 $0x9;
	_ =	strace $0x80000048  }
0xb2: {  	_ =	swait.ge [sflag:s29], $0x1  }
0xb3: {  	[sflag:s29] =	ssyncadd.s32 $0xFFFFFFFF  }
0xb4: {  	_ =	strace $0x90000048  }
0xb5: {  	_ =	sfence  }
0xb6: {  	s30 =	sld [smem:$0x0];
	_ =	sdelay $0x2  }
0xb7: {  	s31 =	sshll.u32 s1, $0xD;
	s1 =	sshrl.u32 s1, $0x2  }
0xb8: {  	s3 =	sand.u32 $0x4000, s31;
	s1 =	sadd.s32 s1, s30  }
0xb9: {  	s0 =	sor.u32 s3, s0;
	s1 =	sshll.u32 s1, $0x11  }
0xba: {  	s0 =	sor.u32 s1, s0  }
0xbb: {  	s0 =	sadd.s32 $0x8F2B, s0  }
0xbc: {  	[sflag:s0] =	ssyncadd.remote.s32 $0x1  }
0xbd: {  	_ =	sfence.sel $0xFFFF  }
0xbe: {  	[dreg:$0x0] =	wrdreg $0xFFFFFFFF;
	(pc) =	sbr.abs _section_cstart, $3  }
0xbf: {  	[dreg:$0x1] =	wrdreg $0xFFFFFFFF  }
0xc0: {  	_ =	task.clear_ibuf [dreg:s6], $0x2FFFF;
	_ =	strace $0x9FFFFFFF  }
0xc1: {  	(tm) =	ssettm $0x7FFFFFFF  }
tec
execute0_lowered:
.L_overlay_start_1:
0x0: {  	(tag) =	ssettag $0x1  }
0x1: {  	s1 =	srdreg.scid;
	s0 =	stileid.u32  }
0x2: {  	s3 =	rddreg [dreg:$0x0];
	s2 =	simm.s32 $0x0;
	s6 =	simm.s32 $0x4000  }
0x3: {  	v0 =	vlaneseq.u32;
	s11 =	simm.s32 $0x1;
	s12 =	simm.s32 $0x2;
	s13 =	simm.s32 $0x8000  }
0x4: {  	s14 =	simm.s32 $0x3;
	s15 =	simm.s32 $0x0;
	[smem:$0x7FF] =	sst s2;
	v1 =	vor.u32 $0x80000030, v0  }
0x5: {  	s5 =	sand.u32 $0x1, s1;
	s31 =	sshll.u32 s0, $0x1;
	s1 =	rddreg [dreg:$0x1];
	v2 =	vor.u32 $0x80000020, v0;
	v3 =	vor.u32 $0x80000010, v0;
	v5 =	vor.u32 $0x800000F0, v0  }
0x6: {  	v6 =	vor.u32 $0x800000E0, v0;
	v7 =	vor.u32 $0x800000D0, v0;
	s7 =	sor.u32 s5, s31;
	_ =	strace $0x80000047;
	s8 =	ssub.s32 $0x2, s5  }
0x7: {  	v4 =	vor.u32 $0x80000000, v0;
	v8 =	vor.u32 $0x800000C0, v0;
	s5 =	simm.s32 $0x400;
	s4 =	sshll.u32 s7, $0x9;
	s9 =	sshll.u32 s7, $0x12  }
0x8: {  	v9 =	vor.u32 $0x800000B0, v0;
	v10 =	vor.u32 $0x800000A0, v0;
	v11 =	vor.u32 $0x80000090, v0;
	s10 =	sshrl.u32 s8, $0x1;
	s7 =	sshll.u32 s7, $0x7;
	s4 =	sadd.s32 s4, s3  }
0x9: {  	vm0 =	vmxor vm0, vm0;
	v12 =	vor.u32 $0x80000080, v0;
	v13 =	vor.u32 $0x80000070, v0;
	s3 =	sadd.s32 $0x9200, s3;
	s10 =	ssub.s32 s8, s10;
	s4 =	sadd.s32 $0x809200, s4  }
0xa: {  	v14 =	vor.u32 $0x80000060, v0;
	v15 =	vor.u32 $0x80000050, v0;
	v16 =	vor.u32 $0x80000040, v0;
	s8 =	sadd.s32 s3, s9;
	s9 =	smax.u32 s10, $0x1;
	s10 =	simm.s32 $0x80  }
.LBB2_1:
0xb: {  	[tilespmem:s2], [sflag:$0x1] =	stream.strided.gather [hbm4b:s8+s10], $0x4000, s5, s10, $0x38;
	[tilespmem:$0x9000] =	vst v63  }
0xc: {  	s16 =	simm.s32 $0x0  }
.LBB2_2:
0xd: {  	s18 =	sshll.u32 s16, $0x1;
	s17 =	sshllo.u32 s16, $0x1  }
0xe: {  	s19 =	sadd.s32 s7, s18;
	s20 =	sshll.u32 s17, $0x4  }
0xf: {  	s19 =	sshll.u32 s19, $0xB;
	s20 =	sand.u32 $0x70, s20  }
0x10: {  	s19 =	sand.u32 $0xFFFC000, s19;
	s20 =	sadd.s32 s3, s20  }
0x11: {  	s21 =	simm.s32 $0x80;
	s19 =	sadd.s32 s19, s20  }
0x12: {  	[tilespmem:s6], [sflag:$0x2] =	stream.strided.gather [hbm4b:s19+s21], $0x4000, s5, s21, $0x38;
	[tilespmem:$0x9000] =	vst v63  }
0x13: {  	_ =	swait.ge [sflag:s11], $0x4000  }
0x14: {  	[sflag:s11] =	ssyncset.done $0x0  }
0x15: {  	[sflag:s11] =	ssyncadd.s32 $0xFFFFC000  }
0x16: {  	v17 =	vld [tilespmem:s21+$0xFFFFFF80]  }
0x17: {  	v18 =	vld [tilespmem:s21+$0xFFFFFF90]  }
0x18: {  	v19 =	vld [tilespmem:s21+$0xFFFFFFA0]  }
0x19: {  	v20 =	vld [tilespmem:s21+$0xFFFFFFB0]  }
0x1a: {  	v21 =	vld [tilespmem:s21+$0xFFFFFFC0]  }
0x1b: {  	v22 =	vld [tilespmem:s21+$0xFFFFFFD0];
	v17 =	vmin.f32 v17, $1.000000020e+30  }
0x1c: {  	v17 =	vmin.f32 v17, v18;
	v18 =	vld [tilespmem:s21+$0xFFFFFFE0]  }
0x1d: {  	v17 =	vmin.f32 v17, v19;
	v19 =	vld [tilespmem:s21+$0xFFFFFFF0]  }
0x1e: {  	v17 =	vmin.f32 v17, v20;
	v20 =	vld [tilespmem:s21+$0x0]  }
0x1f: {  	v17 =	vmin.f32 v17, v21;
	v21 =	vld [tilespmem:s21+$0x10]  }
0x20: {  	v17 =	vmin.f32 v17, v22;
	v22 =	vld [tilespmem:s21+$0x20]  }
0x21: {  	v23 =	vld [tilespmem:s21+$0x30];
	v17 =	vmin.f32 v17, v18  }
0x22: {  	v17 =	vmin.f32 v17, v19;
	v19 =	vld [tilespmem:s21+$0x40]  }
0x23: {  	v17 =	vmin.f32 v17, v20;
	v20 =	vld [tilespmem:s21+$0x50]  }
0x24: {  	v17 =	vmin.f32 v17, v21;
	v21 =	vld [tilespmem:s21+$0x60]  }
0x25: {  	s23 =	simm.s32 $0x180;
	s24 =	simm.s32 $0x2;
	s22 =	simm.s32 $0x0;
	v17 =	vmin.f32 v17, v22;
	v22 =	vld [tilespmem:s21+$0x70]  }
0x26: {  	s20 =	simm.s32 $0x0;
	s19 =	simm.s32 $0x1;
	v24 =	vld [tilespmem:s23+$0xFFFFFF80];
	v18 =	vimm.f32 $1.000000020e+30;
	s21 =	simm.s32 $0x1;
	v23 =	vmin.f32 v17, v23;
	v17 =	vimm.f32 $1.000000020e+30  }
.LBB2_3:
0x27: {  	p0 =	sne.s32 s24, $0xF;
	v25 =	vld [tilespmem:s23+$0xFFFFFF90];
	v19 =	vmin.f32 v23, v19  }
0x28: {  	v23 =	vld [tilespmem:s23+$0xFFFFFFA0];
	v19 =	vmin.f32 v19, v20  }
0x29: {  	v20 =	vld [tilespmem:s23+$0xFFFFFFB0];
	v19 =	vmin.f32 v19, v21  }
0x2a: {  	v21 =	vld [tilespmem:s23+$0xFFFFFFC0];
	v19 =	vmin.f32 v19, v22  }
0x2b: {  	v22 =	vmin.f32 v24, $1.000000020e+30;
	v24 =	vld [tilespmem:s23+$0xFFFFFFD0];
	(xrf0) =	vmin.scan.msk.f32 $0xffff, v19  }
0x2c: {  	v19 =	vmin.f32 v22, v25;
	v22 =	vld [tilespmem:s23+$0xFFFFFFE0]  }
0x2d: {  	v19 =	vmin.f32 v19, v23;
	v23 =	vld [tilespmem:s23+$0xFFFFFFF0]  }
0x2e: {  	v19 =	vmin.f32 v19, v20;
	v20 =	vld [tilespmem:s23+$0x0]  }
0x2f: {  	v19 =	vmin.f32 v19, v21;
	v21 =	vld [tilespmem:s23+$0x10]  }
0x30: {  	v19 =	vmin.f32 v19, v24;
	v24 =	vld [tilespmem:s23+$0x20]  }
0x31: {  	v19 =	vmin.f32 v19, v22;
	v25 =	vld [tilespmem:s23+$0x30];
	v22, _, _ =	vpop (xrf0)  }
.Ltmp0:
0x32: {  	v26 =	vmov s22;
	s22 =	smov.u32 s21;
	s21 =	smov.u32 s24;
	v23 =	vmin.f32 v19, v23;
	v19 =	vld [tilespmem:s23+$0x40];
	v22 =	vbroadcast v22, $0xF;
	(pc) =	sbr.rel @p0 .LBB2_3-.Ltmp0, $4  }
0x33: {  	vm1 =	veq.s32 v26, v0;
	v23 =	vmin.f32 v23, v20;
	v20 =	vld [tilespmem:s23+$0x50]  }
0x34: {  	v23 =	vmin.f32 v23, v21;
	v21 =	vld [tilespmem:s23+$0x60];
	v17 =	vsel vm1, v22, v17  }
0x35: {  	v23 =	vmin.f32 v23, v24;
	v22 =	vld [tilespmem:s23+$0x70];
	s23 =	sadd.s32 $0x100, s23  }
0x36: {  	s24 =	sadd.s32 $0x1, s24;
	v24 =	vld [tilespmem:s23+$0xFFFFFF80];
	v23 =	vmin.f32 v23, v25  }
0x37: {  	v25 =	vld [tilespmem:s23+$0xFFFFFF90]  }
0x38: {  	v26 =	vld [tilespmem:s23+$0xFFFFFFA0]  }
0x39: {  	v27 =	vld [tilespmem:s23+$0xFFFFFFB0]  }
0x3a: {  	v28 =	vld [tilespmem:s23+$0xFFFFFFC0]  }
0x3b: {  	v29 =	vld [tilespmem:s23+$0xFFFFFFD0]  }
0x3c: {  	v30 =	vld [tilespmem:s23+$0xFFFFFFE0]  }
0x3d: {  	v31 =	vld [tilespmem:s23+$0xFFFFFFF0];
	v24 =	vmin.f32 v24, $1.000000020e+30  }
0x3e: {  	v60 =	vld [tilespmem:s23+$0x30];
	v24 =	vmin.f32 v24, v25  }
0x3f: {  	v61 =	vld [tilespmem:s23+$0x40];
	v24 =	vmin.f32 v24, v26  }
0x40: {  	v25 =	vld [tilespmem:s23+$0x0];
	v24 =	vmin.f32 v24, v27  }
0x41: {  	v26 =	vld [tilespmem:s23+$0x10];
	v24 =	vmin.f32 v24, v28  }
0x42: {  	v27 =	vld [tilespmem:s23+$0x20];
	v24 =	vmin.f32 v24, v29  }
0x43: {  	v62 =	vld [tilespmem:s23+$0x50];
	v24 =	vmin.f32 v24, v30  }
0x44: {  	v63 =	vld [tilespmem:s23+$0x60];
	v24 =	vmin.f32 v24, v31  }
0x45: {  	s31 =	simm.s32 $0x10F0;
	v24 =	vmin.f32 v24, v25;
	v25 =	vld [tilespmem:s23+$0x70]  }
0x46: {  	v24 =	vmin.f32 v24, v26;
	v26 =	vld [tilespmem:s31+$0xFFFFFF10]  }
0x47: {  	v24 =	vmin.f32 v24, v27;
	v27 =	vld [tilespmem:s31+$0xFFFFFF20]  }
0x48: {  	v19 =	vmin.f32 v23, v19;
	v23 =	vmin.f32 v24, v60;
	v24 =	vld [tilespmem:s31+$0xFFFFFF30]  }
0x49: {  	v19 =	vmin.f32 v19, v20;
	v20 =	vmin.f32 v23, v61;
	v23 =	vld [tilespmem:s31+$0xFFFFFF40]  }
0x4a: {  	v19 =	vmin.f32 v19, v21;
	v21 =	vld [tilespmem:s31+$0xFFFFFF50];
	v20 =	vmin.f32 v20, v62  }
0x4b: {  	v19 =	vmin.f32 v19, v22;
	v20 =	vmin.f32 v20, v63;
	v22 =	vmin.f32 v26, $1.000000020e+30;
	v26 =	vld [tilespmem:s31+$0xFFFFFF60]  }
0x4c: {  	(xrf0) =	vmin.scan.msk.f32 $0xffff, v19;
	v19 =	vmin.f32 v20, v25;
	v20 =	vmin.f32 v22, v27;
	v22 =	vld [tilespmem:s31+$0xFFFFFF70]  }
0x4d: {  	(xrf0) =	vmin.scan.msk.f32 $0xffff, v19;
	v19 =	vmin.f32 v20, v24;
	v20 =	vld [tilespmem:s31+$0xFFFFFF80]  }
0x4e: {  	v19 =	vmin.f32 v19, v23;
	v23 =	vld [tilespmem:s31+$0xFFFFFF90]  }
0x4f: {  	v19 =	vmin.f32 v19, v21;
	v21 =	vld [tilespmem:s31+$0xFFFFFFA0]  }
0x50: {  	v24 =	vld [tilespmem:s31+$0xFFFFFFB0];
	v19 =	vmin.f32 v19, v26;
	v26 =	vmov s22  }
0x51: {  	v25 =	vld [tilespmem:s31+$0xFFFFFFC0];
	v19 =	vmin.f32 v19, v22  }
0x52: {  	v22, _, _ =	vpop (xrf0);
	v20 =	vmin.f32 v19, v20;
	v19 =	vld [tilespmem:s31+$0xFFFFFFD0]  }
0x53: {  	vm1 =	veq.s32 v26, v0;
	v22 =	vbroadcast v22, $0xF;
	v26, _, _ =	vpop (xrf0);
	v23 =	vmin.f32 v20, v23;
	v20 =	vld [tilespmem:s31+$0xFFFFFFE0]  }
0x54: {  	v27 =	vmov s21;
	v26 =	vbroadcast v26, $0xF;
	v23 =	vmin.f32 v23, v21;
	v21 =	vld [tilespmem:s31+$0xFFFFFFF0]  }
0x55: {  	s21 =	simm.s32 $0x11F0;
	v17 =	vsel vm1, v22, v17;
	vm1 =	veq.s32 v27, v0;
	v22 =	vld [tilespmem:s31+$0x0];
	v23 =	vmin.f32 v23, v24  }
0x56: {  	s22 =	simm.s32 $0x2;
	v24 =	vld [tilespmem:s21+$0xFFFFFF10];
	v17 =	vsel vm1, v26, v17;
	v23 =	vmin.f32 v23, v25  }
.LBB2_5:
0x57: {  	p0 =	sne.s32 s22, $0xF;
	v25 =	vld [tilespmem:s21+$0xFFFFFF20];
	v19 =	vmin.f32 v23, v19  }
0x58: {  	v23 =	vld [tilespmem:s21+$0xFFFFFF30];
	v19 =	vmin.f32 v19, v20  }
0x59: {  	v20 =	vld [tilespmem:s21+$0xFFFFFF40];
	v19 =	vmin.f32 v19, v21  }
0x5a: {  	v21 =	vld [tilespmem:s21+$0xFFFFFF50];
	v19 =	vmin.f32 v19, v22  }
0x5b: {  	v22 =	vmin.f32 v24, $1.000000020e+30;
	v24 =	vld [tilespmem:s21+$0xFFFFFF60];
	(xrf0) =	vmin.scan.msk.f32 $0xffff, v19  }
0x5c: {  	v19 =	vmin.f32 v22, v25;
	v22 =	vld [tilespmem:s21+$0xFFFFFF70]  }
0x5d: {  	v19 =	vmin.f32 v19, v23;
	v23 =	vld [tilespmem:s21+$0xFFFFFF80]  }
0x5e: {  	v19 =	vmin.f32 v19, v20;
	v20 =	vld [tilespmem:s21+$0xFFFFFF90]  }
0x5f: {  	v19 =	vmin.f32 v19, v21;
	v21 =	vld [tilespmem:s21+$0xFFFFFFA0]  }
0x60: {  	v19 =	vmin.f32 v19, v24;
	v24 =	vld [tilespmem:s21+$0xFFFFFFB0]  }
0x61: {  	v19 =	vmin.f32 v19, v22;
	v25 =	vld [tilespmem:s21+$0xFFFFFFC0];
	v22, _, _ =	vpop (xrf0)  }
.Ltmp1:
0x62: {  	v26 =	vmov s20;
	s20 =	smov.u32 s19;
	s19 =	smov.u32 s22;
	v23 =	vmin.f32 v19, v23;
	v19 =	vld [tilespmem:s21+$0xFFFFFFD0];
	v22 =	vbroadcast v22, $0xF;
	(pc) =	sbr.rel @p0 .LBB2_5-.Ltmp1, $4  }
0x63: {  	vm1 =	veq.s32 v26, v0;
	v23 =	vmin.f32 v23, v20;
	v20 =	vld [tilespmem:s21+$0xFFFFFFE0]  }
0x64: {  	v23 =	vmin.f32 v23, v21;
	v21 =	vld [tilespmem:s21+$0xFFFFFFF0];
	v18 =	vsel vm1, v22, v18  }
0x65: {  	v23 =	vmin.f32 v23, v24;
	v22 =	vld [tilespmem:s21+$0x0];
	s21 =	sadd.s32 $0x100, s21  }
0x66: {  	s22 =	sadd.s32 $0x1, s22;
	v24 =	vld [tilespmem:s21+$0xFFFFFF10];
	v23 =	vmin.f32 v23, v25  }
0x67: {  	v25 =	vld [tilespmem:s21+$0xFFFFFF20]  }
0x68: {  	v26 =	vld [tilespmem:s21+$0xFFFFFF30]  }
0x69: {  	v27 =	vld [tilespmem:s21+$0xFFFFFF40]  }
0x6a: {  	v28 =	vld [tilespmem:s21+$0xFFFFFF50]  }
0x6b: {  	v29 =	vld [tilespmem:s21+$0xFFFFFF60]  }
0x6c: {  	v30 =	vld [tilespmem:s21+$0xFFFFFF70];
	v24 =	vmin.f32 v24, $1.000000020e+30  }
0x6d: {  	v59 =	vld [tilespmem:s21+$0xFFFFFFB0];
	v24 =	vmin.f32 v24, v25  }
0x6e: {  	v25 =	vld [tilespmem:s21+$0xFFFFFF80];
	v24 =	vmin.f32 v24, v26  }
0x6f: {  	v26 =	vld [tilespmem:s21+$0xFFFFFF90];
	v24 =	vmin.f32 v24, v27  }
0x70: {  	v27 =	vld [tilespmem:s21+$0xFFFFFFA0];
	v24 =	vmin.f32 v24, v28  }
0x71: {  	v60 =	vld [tilespmem:s21+$0xFFFFFFC0];
	v24 =	vmin.f32 v24, v29  }
0x72: {  	v61 =	vld [tilespmem:s21+$0xFFFFFFD0];
	s31 =	simm.s32 $0x20F0;
	v24 =	vmin.f32 v24, v30  }
0x73: {  	v62 =	vld [tilespmem:s31+$0xFFFFFF10];
	v24 =	vmin.f32 v24, v25  }
0x74: {  	v25 =	vld [tilespmem:s21+$0xFFFFFFE0];
	v24 =	vmin.f32 v24, v26  }
0x75: {  	v26 =	vld [tilespmem:s21+$0xFFFFFFF0];
	v24 =	vmin.f32 v24, v27  }
0x76: {  	v27 =	vld [tilespmem:s21+$0x0];
	v24 =	vmin.f32 v24, v59  }
0x77: {  	v19 =	vmin.f32 v23, v19;
	v23 =	vmin.f32 v24, v60;
	v24 =	vld [tilespmem:s31+$0xFFFFFF20]  }
0x78: {  	v19 =	vmin.f32 v19, v20;
	v20 =	vmin.f32 v23, v61;
	v23 =	vld [tilespmem:s31+$0xFFFFFF30]  }
0x79: {  	v19 =	vmin.f32 v19, v21;
	v21 =	vld [tilespmem:s31+$0xFFFFFF40];
	v20 =	vmin.f32 v20, v25  }
0x7a: {  	v19 =	vmin.f32 v19, v22;
	v22 =	vld [tilespmem:s31+$0xFFFFFF50];
	v20 =	vmin.f32 v20, v26  }
0x7b: {  	(xrf0) =	vmin.scan.msk.f32 $0xffff, v19;
	v25 =	vld [tilespmem:s31+$0xFFFFFF60];
	v19 =	vmin.f32 v20, v27;
	v20 =	vmin.f32 v62, $1.000000020e+30  }
0x7c: {  	(xrf0) =	vmin.scan.msk.f32 $0xffff, v19;
	v19 =	vmin.f32 v20, v24;
	v20 =	vld [tilespmem:s31+$0xFFFFFF70]  }
0x7d: {  	v19 =	vmin.f32 v19, v23;
	v23 =	vld [tilespmem:s31+$0xFFFFFF80]  }
0x7e: {  	v24 =	vld [tilespmem:s31+$0xFFFFFF90];
	v19 =	vmin.f32 v19, v21  }
0x7f: {  	v26 =	vld [tilespmem:s31+$0xFFFFFFA0];
	v19 =	vmin.f32 v19, v22;
	v22 =	vmov s20  }
0x80: {  	v19 =	vmin.f32 v19, v25;
	v25 =	vld [tilespmem:s31+$0xFFFFFFB0]  }
0x81: {  	v27 =	vld [tilespmem:s31+$0xFFFFFFC0];
	v21, _, _ =	vpop (xrf0);
	v19 =	vmin.f32 v19, v20  }
0x82: {  	vm1 =	veq.s32 v22, v0;
	v20 =	vbroadcast v21, $0xF;
	v21 =	vld [tilespmem:s31+$0xFFFFFFD0];
	v22, _, _ =	vpop (xrf0);
	v19 =	vmin.f32 v19, v23  }
0x83: {  	v23 =	vmov s19;
	v63 =	vbroadcast v22, $0xF;
	v19 =	vmin.f32 v19, v24;
	v22 =	vld [tilespmem:s31+$0xFFFFFFE0]  }
0x84: {  	v18 =	vsel vm1, v20, v18;
	vm1 =	veq.s32 v23, v0;
	v23 =	vld [tilespmem:s31+$0xFFFFFFF0];
	v19 =	vmin.f32 v19, v26  }
0x85: {  	s23 =	simm.s32 $0x21F0;
	s24 =	simm.s32 $0x2;
	s22 =	simm.s32 $0x0;
	v24 =	vld [tilespmem:s31+$0x0];
	v20 =	vimm.f32 $1.000000020e+30;
	v19 =	vmin.f32 v19, v25  }
0x86: {  	s21 =	simm.s32 $0x1;
	s20 =	simm.s32 $0x0;
	s19 =	simm.s32 $0x1;
	v26 =	vld [tilespmem:s23+$0xFFFFFF10];
	v18 =	vsel vm1, v63, v18;
	v25 =	vmin.f32 v19, v27;
	v19 =	vimm.f32 $1.000000020e+30  }
.LBB2_7:
0x87: {  	p0 =	sne.s32 s24, $0xF;
	v27 =	vld [tilespmem:s23+$0xFFFFFF20];
	v21 =	vmin.f32 v25, v21  }
0x88: {  	v25 =	vld [tilespmem:s23+$0xFFFFFF30];
	v21 =	vmin.f32 v21, v22  }
0x89: {  	v22 =	vld [tilespmem:s23+$0xFFFFFF40];
	v21 =	vmin.f32 v21, v23  }
0x8a: {  	v23 =	vld [tilespmem:s23+$0xFFFFFF50];
	v21 =	vmin.f32 v21, v24  }
0x8b: {  	v24 =	vmin.f32 v26, $1.000000020e+30;
	v26 =	vld [tilespmem:s23+$0xFFFFFF60];
	(xrf0) =	vmin.scan.msk.f32 $0xffff, v21  }
0x8c: {  	v21 =	vmin.f32 v24, v27;
	v24 =	vld [tilespmem:s23+$0xFFFFFF70]  }
0x8d: {  	v21 =	vmin.f32 v21, v25;
	v25 =	vld [tilespmem:s23+$0xFFFFFF80]  }
0x8e: {  	v21 =	vmin.f32 v21, v22;
	v22 =	vld [tilespmem:s23+$0xFFFFFF90]  }
0x8f: {  	v21 =	vmin.f32 v21, v23;
	v23 =	vld [tilespmem:s23+$0xFFFFFFA0]  }
0x90: {  	v21 =	vmin.f32 v21, v26;
	v26 =	vld [tilespmem:s23+$0xFFFFFFB0]  }
0x91: {  	v21 =	vmin.f32 v21, v24;
	v27 =	vld [tilespmem:s23+$0xFFFFFFC0];
	v24, _, _ =	vpop (xrf0)  }
.Ltmp2:
0x92: {  	v28 =	vmov s22;
	s22 =	smov.u32 s21;
	s21 =	smov.u32 s24;
	v25 =	vmin.f32 v21, v25;
	v21 =	vld [tilespmem:s23+$0xFFFFFFD0];
	v24 =	vbroadcast v24, $0xF;
	(pc) =	sbr.rel @p0 .LBB2_7-.Ltmp2, $4  }
0x93: {  	vm1 =	veq.s32 v28, v0;
	v25 =	vmin.f32 v25, v22;
	v22 =	vld [tilespmem:s23+$0xFFFFFFE0]  }
0x94: {  	v25 =	vmin.f32 v25, v23;
	v23 =	vld [tilespmem:s23+$0xFFFFFFF0];
	v19 =	vsel vm1, v24, v19  }
0x95: {  	v25 =	vmin.f32 v25, v26;
	v24 =	vld [tilespmem:s23+$0x0];
	s23 =	sadd.s32 $0x100, s23  }
0x96: {  	s24 =	sadd.s32 $0x1, s24;
	v26 =	vld [tilespmem:s23+$0xFFFFFF10];
	v25 =	vmin.f32 v25, v27  }
0x97: {  	v27 =	vld [tilespmem:s23+$0xFFFFFF20]  }
0x98: {  	v28 =	vld [tilespmem:s23+$0xFFFFFF30]  }
0x99: {  	v29 =	vld [tilespmem:s23+$0xFFFFFF40]  }
0x9a: {  	v30 =	vld [tilespmem:s23+$0xFFFFFF50]  }
0x9b: {  	v31 =	vld [tilespmem:s23+$0xFFFFFF60]  }
0x9c: {  	v32 =	vld [tilespmem:s23+$0xFFFFFF70]  }
0x9d: {  	v33 =	vld [tilespmem:s23+$0xFFFFFF80];
	v26 =	vmin.f32 v26, $1.000000020e+30  }
0x9e: {  	v52 =	vld [tilespmem:s23+$0xFFFFFFA0];
	v26 =	vmin.f32 v26, v27  }
0x9f: {  	v53 =	vld [tilespmem:s23+$0xFFFFFFB0];
	v26 =	vmin.f32 v26, v28  }
0xa0: {  	v27 =	vld [tilespmem:s23+$0xFFFFFF90];
	v26 =	vmin.f32 v26, v29  }
0xa1: {  	v54 =	vld [tilespmem:s23+$0xFFFFFFC0];
	v26 =	vmin.f32 v26, v30  }
0xa2: {  	v55 =	vld [tilespmem:s23+$0xFFFFFFD0];
	v26 =	vmin.f32 v26, v31  }
0xa3: {  	v56 =	vld [tilespmem:s23+$0xFFFFFFE0];
	v26 =	vmin.f32 v26, v32  }
0xa4: {  	v57 =	vld [tilespmem:s23+$0xFFFFFFF0];
	s31 =	simm.s32 $0x30F0;
	v26 =	vmin.f32 v26, v33  }
0xa5: {  	v58 =	vld [tilespmem:s31+$0xFFFFFF10];
	v26 =	vmin.f32 v26, v27  }
0xa6: {  	v59 =	vld [tilespmem:s31+$0xFFFFFF20];
	v26 =	vmin.f32 v26, v52  }
0xa7: {  	v27 =	vld [tilespmem:s23+$0x0];
	v26 =	vmin.f32 v26, v53  }
0xa8: {  	v21 =	vmin.f32 v25, v21;
	v25 =	vmin.f32 v26, v54;
	v26 =	vld [tilespmem:s31+$0xFFFFFF30]  }
0xa9: {  	v21 =	vmin.f32 v21, v22;
	v22 =	vmin.f32 v25, v55;
	v25 =	vld [tilespmem:s31+$0xFFFFFF40]  }
0xaa: {  	v21 =	vmin.f32 v21, v23;
	v23 =	vld [tilespmem:s31+$0xFFFFFF50];
	v22 =	vmin.f32 v22, v56  }
0xab: {  	v60 =	vld [tilespmem:s31+$0xFFFFFF60];
	v21 =	vmin.f32 v21, v24;
	v24 =	vmin.f32 v58, $1.000000020e+30;
	v22 =	vmin.f32 v22, v57  }
0xac: {  	(xrf0) =	vmin.scan.msk.f32 $0xffff, v21;
	v21 =	vmin.f32 v22, v27;
	v22 =	vmin.f32 v24, v59;
	v24 =	vld [tilespmem:s31+$0xFFFFFF70]  }
0xad: {  	(xrf0) =	vmin.scan.msk.f32 $0xffff, v21;
	v21 =	vmin.f32 v22, v26;
	v22 =	vld [tilespmem:s31+$0xFFFFFF80]  }
0xae: {  	v21 =	vmin.f32 v21, v25;
	v25 =	vld [tilespmem:s31+$0xFFFFFF90]  }
0xaf: {  	v21 =	vmin.f32 v21, v23;
	v23 =	vld [tilespmem:s31+$0xFFFFFFA0]  }
0xb0: {  	v26 =	vld [tilespmem:s31+$0xFFFFFFB0];
	v21 =	vmin.f32 v21, v60  }
0xb1: {  	v27 =	vld [tilespmem:s31+$0xFFFFFFC0];
	v21 =	vmin.f32 v21, v24  }
0xb2: {  	v61 =	vmov s22;
	v24, _, _ =	vpop (xrf0);
	v22 =	vmin.f32 v21, v22;
	v21 =	vld [tilespmem:s31+$0xFFFFFFD0]  }
0xb3: {  	v63 =	vmov s21;
	v24 =	vbroadcast v24, $0xF;
	v62, _, _ =	vpop (xrf0);
	v25 =	vmin.f32 v22, v25;
	v22 =	vld [tilespmem:s31+$0xFFFFFFE0]  }
0xb4: {  	vm1 =	veq.s32 v61, v0;
	v28 =	vbroadcast v62, $0xF;
	v25 =	vmin.f32 v25, v23;
	v23 =	vld [tilespmem:s31+$0xFFFFFFF0]  }
0xb5: {  	s21 =	simm.s32 $0x31F0;
	v19 =	vsel vm1, v24, v19;
	vm1 =	veq.s32 v63, v0;
	v24 =	vld [tilespmem:s31+$0x0];
	v25 =	vmin.f32 v25, v26  }
0xb6: {  	s22 =	simm.s32 $0x2;
	v26 =	vld [tilespmem:s21+$0xFFFFFF10];
	v19 =	vsel vm1, v28, v19;
	v25 =	vmin.f32 v25, v27  }
.LBB2_9:
0xb7: {  	p0 =	sne.s32 s22, $0xF;
	v27 =	vld [tilespmem:s21+$0xFFFFFF20];
	v21 =	vmin.f32 v25, v21  }
0xb8: {  	v25 =	vld [tilespmem:s21+$0xFFFFFF30];
	v21 =	vmin.f32 v21, v22  }
0xb9: {  	v22 =	vld [tilespmem:s21+$0xFFFFFF40];
	v21 =	vmin.f32 v21, v23  }
0xba: {  	v23 =	vld [tilespmem:s21+$0xFFFFFF50];
	v21 =	vmin.f32 v21, v24  }
0xbb: {  	v24 =	vmin.f32 v26, $1.000000020e+30;
	v26 =	vld [tilespmem:s21+$0xFFFFFF60];
	(xrf0) =	vmin.scan.msk.f32 $0xffff, v21  }
0xbc: {  	v21 =	vmin.f32 v24, v27;
	v24 =	vld [tilespmem:s21+$0xFFFFFF70]  }
0xbd: {  	v21 =	vmin.f32 v21, v25;
	v25 =	vld [tilespmem:s21+$0xFFFFFF80]  }
0xbe: {  	v21 =	vmin.f32 v21, v22;
	v22 =	vld [tilespmem:s21+$0xFFFFFF90]  }
0xbf: {  	v21 =	vmin.f32 v21, v23;
	v23 =	vld [tilespmem:s21+$0xFFFFFFA0]  }
0xc0: {  	v21 =	vmin.f32 v21, v26;
	v26 =	vld [tilespmem:s21+$0xFFFFFFB0]  }
0xc1: {  	v21 =	vmin.f32 v21, v24;
	v27 =	vld [tilespmem:s21+$0xFFFFFFC0];
	v24, _, _ =	vpop (xrf0)  }
.Ltmp3:
0xc2: {  	v28 =	vmov s20;
	s20 =	smov.u32 s19;
	s19 =	smov.u32 s22;
	v25 =	vmin.f32 v21, v25;
	v21 =	vld [tilespmem:s21+$0xFFFFFFD0];
	v24 =	vbroadcast v24, $0xF;
	(pc) =	sbr.rel @p0 .LBB2_9-.Ltmp3, $4  }
0xc3: {  	vm1 =	veq.s32 v28, v0;
	v25 =	vmin.f32 v25, v22;
	v22 =	vld [tilespmem:s21+$0xFFFFFFE0]  }
0xc4: {  	v25 =	vmin.f32 v25, v23;
	v23 =	vld [tilespmem:s21+$0xFFFFFFF0];
	v20 =	vsel vm1, v24, v20  }
0xc5: {  	v25 =	vmin.f32 v25, v26;
	v24 =	vld [tilespmem:s21+$0x0];
	s21 =	sadd.s32 $0x100, s21  }
0xc6: {  	s22 =	sadd.s32 $0x1, s22;
	v26 =	vld [tilespmem:s21+$0xFFFFFF10];
	v25 =	vmin.f32 v25, v27  }
0xc7: {  	v27 =	vld [tilespmem:s21+$0xFFFFFF20]  }
0xc8: {  	v28 =	vld [tilespmem:s21+$0xFFFFFF30]  }
0xc9: {  	v29 =	vld [tilespmem:s21+$0xFFFFFF40]  }
0xca: {  	v30 =	vld [tilespmem:s21+$0xFFFFFF50]  }
0xcb: {  	v31 =	vld [tilespmem:s21+$0xFFFFFF60];
	v26 =	vmin.f32 v26, $1.000000020e+30  }
0xcc: {  	v62 =	vld [tilespmem:s21+$0xFFFFFF70];
	v26 =	vmin.f32 v26, v27  }
0xcd: {  	v63 =	vld [tilespmem:s21+$0xFFFFFF80];
	v26 =	vmin.f32 v26, v28  }
0xce: {  	v33 =	vld [tilespmem:s21+$0xFFFFFF90];
	v26 =	vmin.f32 v26, v29  }
0xcf: {  	v34 =	vld [tilespmem:s21+$0xFFFFFFA0];
	v26 =	vmin.f32 v26, v30  }
0xd0: {  	v35 =	vld [tilespmem:s21+$0xFFFFFFB0];
	v26 =	vmin.f32 v26, v31  }
0xd1: {  	v36 =	vld [tilespmem:s21+$0xFFFFFFC0];
	v26 =	vmin.f32 v26, v62  }
0xd2: {  	v37 =	vld [tilespmem:s21+$0xFFFFFFD0];
	v26 =	vmin.f32 v26, v63  }
0xd3: {  	v38 =	vld [tilespmem:s21+$0xFFFFFFE0];
	v26 =	vmin.f32 v26, v33  }
0xd4: {  	v39 =	vld [tilespmem:s21+$0xFFFFFFF0];
	v26 =	vmin.f32 v26, v34  }
0xd5: {  	v40 =	vld [tilespmem:s21+$0x0];
	v26 =	vmin.f32 v26, v35  }
0xd6: {  	v21 =	vmin.f32 v25, v21;
	v41 =	vmin.f32 v26, v36  }
0xd7: {  	v21 =	vmin.f32 v21, v22;
	v22 =	vmin.f32 v41, v37  }
0xd8: {  	v21 =	vmin.f32 v21, v23;
	v22 =	vmin.f32 v22, v38  }
0xd9: {  	v21 =	vmin.f32 v21, v24;
	v22 =	vmin.f32 v22, v39  }
0xda: {  	(xrf0) =	vmin.scan.msk.f32 $0xffff, v21;
	v21 =	vmin.f32 v22, v40  }
0xdb: {  	(xrf0) =	vmin.scan.msk.f32 $0xffff, v21;
	_ =	sdelay $0x4  }
0xdc: {  	v21, _, _ =	vpop (xrf0)  }
0xdd: {  	v22 =	vmov s20;
	v21 =	vbroadcast v21, $0xF;
	v23, _, _ =	vpop (xrf0)  }
0xde: {  	vm1 =	veq.s32 v22, v0;
	v22 =	vmov s19;
	v23 =	vbroadcast v23, $0xF  }
0xdf: {  	v20 =	vsel vm1, v21, v20;
	vm1 =	veq.s32 v22, v0  }
0xe0: {  	v20 =	vsel vm1, v23, v20  }
0xe1: {  	v21 =	vmin.f32 v17, v18;
	v22 =	vmin.f32 v19, v20  }
0xe2: {  	v21 =	vmin.f32 v21, v22  }
0xe3: {  	(xrf0) =	vmin.scan.msk.f32 $0xffff, v21;
	_ =	sdelay $0x5  }
0xe4: {  	v21, _, _ =	vpop (xrf0)  }
0xe5: {  	v21 =	vbroadcast v21, $0xF;
	_ =	sdelay $0x1  }
0xe6: {  	vm1 =	veq.f32 v20, v21  }
0xe7: {  	vm2 =	veq.f32 v19, v21;
	v22 =	vnsel vm1, $0x80100000, v1  }
0xe8: {  	vm1 =	veq.f32 v18, v21;
	v22 =	vsel vm2, v2, v22  }
0xe9: {  	vm2 =	veq.f32 v17, v21;
	v22 =	vsel vm1, v3, v22  }
0xea: {  	v22 =	vsel vm2, v4, v22  }
0xeb: {  	(xrf0) =	vmin.scan.msk.u32 $0xffff, v22;
	_ =	sdelay $0x5  }
0xec: {  	v22, _, _ =	vpop (xrf0)  }
0xed: {  	(v2sf) =	vpush v22, $0xF;
	_ =	sdelay $0xe  }
0xee: {  	s31 =	spop (v2sf)  }
0xef: {  	s19 =	sshll.u32 s31, $0x8  }
0xf0: {  	v22 =	vld [tilespmem:s19+$0xF0]  }
0xf1: {  	v23 =	vld [tilespmem:s19+$0xE0]  }
0xf2: {  	v42 =	vld [tilespmem:s19+$0xD0]  }
0xf3: {  	v43 =	vld [tilespmem:s19+$0xC0]  }
0xf4: {  	v44 =	vld [tilespmem:s19+$0xB0]  }
0xf5: {  	v45 =	vld [tilespmem:s19+$0xA0];
	vm1 =	veq.f32 v22, v21  }
0xf6: {  	v22 =	vld [tilespmem:s19+$0x90];
	vm2 =	veq.f32 v23, v21;
	v23 =	vnsel vm1, $0x80100000, v5  }
0xf7: {  	v46 =	vld [tilespmem:s19+$0x80];
	vm1 =	veq.f32 v42, v21;
	v23 =	vsel vm2, v6, v23  }
0xf8: {  	v47 =	vld [tilespmem:s19+$0x70];
	vm2 =	veq.f32 v43, v21;
	v23 =	vsel vm1, v7, v23  }
0xf9: {  	v48 =	vld [tilespmem:s19+$0x60];
	vm1 =	veq.f32 v44, v21;
	v23 =	vsel vm2, v8, v23  }
0xfa: {  	v49 =	vld [tilespmem:s19+$0x50];
	vm2 =	veq.f32 v45, v21;
	v23 =	vsel vm1, v9, v23  }
0xfb: {  	v50 =	vld [tilespmem:s19+$0x40];
	vm1 =	veq.f32 v22, v21;
	v22 =	vsel vm2, v10, v23  }
0xfc: {  	v23 =	vld [tilespmem:s19+$0x30];
	vm2 =	veq.f32 v46, v21;
	v22 =	vsel vm1, v11, v22  }
0xfd: {  	v51 =	vld [tilespmem:s19+$0x20];
	vm1 =	veq.f32 v47, v21;
	v22 =	vsel vm2, v12, v22  }
0xfe: {  	v52 =	vld [tilespmem:s19+$0x10];
	vm2 =	veq.f32 v48, v21;
	v22 =	vsel vm1, v13, v22  }
0xff: {  	v53 =	vld [tilespmem:s19+$0x0];
	vm1 =	veq.f32 v49, v21;
	v22 =	vsel vm2, v14, v22  }
0x100: {  	vm2 =	veq.f32 v50, v21;
	v22 =	vsel vm1, v15, v22  }
0x101: {  	vm1 =	veq.f32 v23, v21;
	v22 =	vsel vm2, v16, v22  }
0x102: {  	vm2 =	veq.f32 v51, v21;
	v22 =	vsel vm1, v1, v22  }
0x103: {  	vm1 =	veq.f32 v52, v21;
	v22 =	vsel vm2, v2, v22  }
0x104: {  	vm2 =	veq.f32 v53, v21;
	v21 =	vsel vm1, v3, v22  }
0x105: {  	v21 =	vsel vm2, v4, v21  }
0x106: {  	(xrf0) =	vmin.scan.msk.u32 $0xffff, v21;
	_ =	sdelay $0x5  }
0x107: {  	v21, _, _ =	vpop (xrf0)  }
0x108: {  	(v2sf) =	vpush v21, $0xF;
	_ =	sdelay $0xe  }
0x109: {  	s22 =	spop (v2sf)  }
0x10a: {  	s21 =	sxor.u32 $0x80000000, s22  }
0x10b: {  	s23 =	sshra.s32 s21, $0x1F  }
0x10c: {  	s23 =	sshrl.u32 s23, $0x1C  }
0x10d: {  	s23 =	sadd.s32 s23, s21  }
0x10e: {  	p1 =	sgt.s32 s22, $0xFFFFFFFF;
	p0 =	slt.s32 s21, $0x1;
	s24 =	sand.u32 $0xFFFFFFF0, s23  }
0x10f: {  	p0 =	por p1, p0;
	p3 =	sne.s32 s21, s24  }
0x110: {  	p0 =	por !p0, !p3  }
0x111: {  	s24 =	simm.s32 $0x1;
	p0 =	por !p0, !p0  }
0x112: {  	s23 =	sshrl.u32 s23, $0x4;
	s24 =	simm.s32 @!p0 $0x0  }
0x113: {  	s23 =	ssub.s32 s23, s24  }
0x114: {  	s23 =	sshll.u32 s23, $0x4  }
0x115: {  	s25 =	sadd.s32 s19, s23  }
0x116: {  	s23 =	sand.u32 $0x70, s23;
	s24 =	sand.u32 $0xFFFFFF80, s25  }
0x117: {  	s23 =	sor.u32 s23, s24  }
0x118: {  	v21 =	vld [tilespmem:s23+$0x0];
	_ =	sdelay $0x1  }
0x119: {  	s22 =	sand.u32 $0xF, s22  }
0x11a: {  	v22 =	vmov s22  }
0x11b: {  	vm1 =	veq.s32 v22, v0  }
0x11c: {  	v21 =	vsel vm1, $0x7149F2CA, v21  }
0x11d: {  	[tilespmem:s23+$0x0] =	vst v21  }
0x11e: {  	v21 =	vld [tilespmem:s19+$0x0]  }
0x11f: {  	v22 =	vld [tilespmem:s19+$0x10]  }
0x120: {  	v23 =	vld [tilespmem:s19+$0x20]  }
0x121: {  	v54 =	vld [tilespmem:s19+$0x30]  }
0x122: {  	v55 =	vld [tilespmem:s19+$0x40]  }
0x123: {  	v56 =	vld [tilespmem:s19+$0x50];
	v21 =	vmin.f32 v21, $1.000000020e+30  }
0x124: {  	v21 =	vmin.f32 v21, v22;
	v22 =	vld [tilespmem:s19+$0x60]  }
0x125: {  	v21 =	vmin.f32 v21, v23;
	v23 =	vld [tilespmem:s19+$0x70]  }
0x126: {  	v57 =	vld [tilespmem:s19+$0x80];
	v21 =	vmin.f32 v21, v54  }
0x127: {  	v58 =	vld [tilespmem:s19+$0x90];
	v21 =	vmin.f32 v21, v55  }
0x128: {  	v59 =	vld [tilespmem:s19+$0xA0];
	v21 =	vmin.f32 v21, v56  }
0x129: {  	v21 =	vmin.f32 v21, v22;
	v22 =	vld [tilespmem:s19+$0xB0]  }
0x12a: {  	v21 =	vmin.f32 v21, v23;
	v23 =	vld [tilespmem:s19+$0xC0]  }
0x12b: {  	v60 =	vld [tilespmem:s19+$0xD0];
	v21 =	vmin.f32 v21, v57  }
0x12c: {  	s26 =	sxor.u32 $0x80000000, s31;
	v61 =	vld [tilespmem:s19+$0xE0];
	v21 =	vmin.f32 v21, v58  }
0x12d: {  	s28 =	sshra.s32 s26, $0x1F;
	v62 =	vld [tilespmem:s19+$0xF0];
	v21 =	vmin.f32 v21, v59  }
0x12e: {  	s23 =	sshrl.u32 s28, $0x1C;
	v21 =	vmin.f32 v21, v22  }
0x12f: {  	s23 =	sadd.s32 s23, s26;
	v21 =	vmin.f32 v21, v23  }
0x130: {  	p5 =	sgt.s32 s31, $0xFFFFFFFF;
	p4 =	slt.s32 s26, $0x1;
	s29 =	sand.u32 $0xFFFFFFF0, s23;
	v21 =	vmin.f32 v21, v60  }
0x131: {  	p0 =	por p5, p4;
	p6 =	sne.s32 s26, s29;
	v21 =	vmin.f32 v21, v61  }
0x132: {  	s20 =	sand.u32 $0xF, s31;
	p0 =	por !p0, !p6;
	v21 =	vmin.f32 v21, v62  }
0x133: {  	s31 =	simm.s32 $0xFFFFFFF0;
	s22 =	simm.s32 $0x1;
	p0 =	por !p0, !p0;
	(xrf0) =	vmin.scan.msk.f32 $0xffff, v21  }
0x134: {  	v63 =	vmov s31;
	s23 =	sshra.s32 s23, $0x4;
	s22 =	simm.s32 @!p0 $0x0  }
0x135: {  	vm3 =	vmmov vm0;
	vm4 =	vmmov vm0;
	vm6 =	veq.s32 v63, v0;
	s22 =	ssub.s32 s23, s22  }
0x136: {  	s30 =	simm.s32 $0x0;
	vm2 =	vmmov vm0;
	vm1 =	vmmov vm0;
	p0 =	seq.s32 s22, $0x0;
	p1 =	seq.s32 s22, $0x1;
	v23 =	vmov s20  }
0x137: {  	p2 =	seq.s32 s22, $0x2;
	vm1 =	vmneg @p0 vm1;
	vm2 =	vmneg @p1 vm2;
	v21 =	vmov s30  }
0x138: {  	p0 =	seq.s32 s22, $0x3;
	vm3 =	vmneg @p2 vm3;
	s19 =	sadd.s32 s19, s21;
	v22 =	vimm.s32 $0x0;
	vm5 =	veq.s32 v21, v0  }
0x139: {  	vm4 =	vmneg @p0 vm4;
	v21 =	vsel vm5, s19, v22;
	vm5 =	veq.s32 v23, v0;
	v23, _, _ =	vpop (xrf0)  }
0x13a: {  	v22 =	vsel vm6, s19, v22;
	vm3 =	vmand vm5, vm3;
	v23 =	vbroadcast v23, $0xF  }
0x13b: {  	s19 =	simm.s32 $0x1;
	vm1 =	vmand vm5, vm1;
	vm2 =	vmand vm5, vm2;
	vm4 =	vmand vm5, vm4  }
.LBB2_11:
0x13c: {  	p0 =	sne.s32 s19, $0x1F;
	v17 =	vsel vm1, v23, v17;
	v18 =	vsel vm2, v23, v18;
	v20 =	vsel vm4, v23, v20;
	s21 =	smov.u32 s19;
	s19 =	sadd.s32 $0x1, s19  }
0x13d: {  	v19 =	vsel vm3, v23, v19  }
0x13e: {  	v23 =	vmin.f32 v17, v18;
	v24 =	vmin.f32 v19, v20  }
0x13f: {  	v23 =	vmin.f32 v23, v24  }
0x140: {  	(xrf0) =	vmin.scan.msk.f32 $0xffff, v23;
	_ =	sdelay $0x5  }
0x141: {  	v23, _, _ =	vpop (xrf0)  }
0x142: {  	v24 =	vbroadcast v23, $0xF;
	_ =	sdelay $0x1  }
0x143: {  	vm1 =	veq.f32 v20, v24  }
0x144: {  	vm2 =	veq.f32 v19, v24;
	v23 =	vnsel vm1, $0x80100000, v1  }
0x145: {  	vm1 =	veq.f32 v18, v24;
	v23 =	vsel vm2, v2, v23  }
0x146: {  	vm2 =	veq.f32 v17, v24;
	v23 =	vsel vm1, v3, v23  }
0x147: {  	v23 =	vsel vm2, v4, v23  }
0x148: {  	(xrf0) =	vmin.scan.msk.u32 $0xffff, v23;
	_ =	sdelay $0x5  }
0x149: {  	v23, _, _ =	vpop (xrf0)  }
0x14a: {  	(v2sf) =	vpush v23, $0xF;
	_ =	sdelay $0xe  }
0x14b: {  	s22 =	spop (v2sf)  }
0x14c: {  	s23 =	sxor.u32 $0x80000000, s22;
	s20 =	sshll.u32 s22, $0x8;
	s24 =	sand.u32 $0xF, s22  }
0x14d: {  	v25 =	vld [tilespmem:s20+$0xF0];
	s25 =	sshra.s32 s23, $0x1F;
	v23 =	vmov s24  }
0x14e: {  	v26 =	vld [tilespmem:s20+$0xE0];
	s24 =	sshrl.u32 s25, $0x1C  }
0x14f: {  	v27 =	vld [tilespmem:s20+$0xD0];
	s24 =	sadd.s32 s24, s23  }
0x150: {  	p2 =	sgt.s32 s22, $0xFFFFFFFF;
	p1 =	slt.s32 s23, $0x1;
	v28 =	vld [tilespmem:s20+$0xC0];
	s22 =	sand.u32 $0xFFFFFFF0, s24  }
0x151: {  	p1 =	por p2, p1;
	v29 =	vld [tilespmem:s20+$0xB0];
	p2 =	sne.s32 s23, s22  }
0x152: {  	v30 =	vld [tilespmem:s20+$0xA0];
	vm1 =	veq.f32 v25, v24;
	p1 =	por !p1, !p2  }
0x153: {  	v25 =	vld [tilespmem:s20+$0x90];
	vm2 =	veq.f32 v26, v24;
	v26 =	vnsel vm1, $0x80100000, v5  }
0x154: {  	p1 =	por !p1, !p1;
	vm1 =	veq.f32 v27, v24;
	v26 =	vsel vm2, v6, v26  }
0x155: {  	s23 =	simm.s32 $0x1;
	v31 =	vld [tilespmem:s20+$0x80];
	vm2 =	veq.f32 v28, v24;
	v26 =	vsel vm1, v7, v26  }
0x156: {  	s22 =	sshra.s32 s24, $0x4;
	s23 =	simm.s32 @!p1 $0x0;
	vm1 =	veq.f32 v29, v24;
	v26 =	vsel vm2, v8, v26  }
0x157: {  	v27 =	vld [tilespmem:s20+$0x70];
	s22 =	ssub.s32 s22, s23;
	vm2 =	veq.f32 v30, v24;
	v26 =	vsel vm1, v9, v26;
	vm1 =	vmmov vm0  }
0x158: {  	v28 =	vld [tilespmem:s20+$0x60];
	p2 =	seq.s32 s22, $0x0;
	p3 =	seq.s32 s22, $0x1;
	p1 =	seq.s32 s22, $0x2;
	vm3 =	veq.f32 v25, v24;
	v25 =	vsel vm2, v10, v26;
	vm2 =	vmmov vm0  }
0x159: {  	v29 =	vld [tilespmem:s20+$0x50];
	vm1 =	vmneg @p2 vm1;
	p2 =	seq.s32 s22, $0x3;
	vm2 =	vmneg @p3 vm2  }
0x15a: {  	v30 =	vld [tilespmem:s20+$0x40];
	vm4 =	veq.f32 v31, v24;
	v25 =	vsel vm3, v11, v25;
	vm3 =	vmmov vm0  }
0x15b: {  	v26 =	vld [tilespmem:s20+$0x30];
	vm3 =	vmneg @p1 vm3;
	v25 =	vsel vm4, v12, v25;
	vm4 =	vmmov vm0  }
0x15c: {  	vm5 =	veq.f32 v27, v24;
	v31 =	vld [tilespmem:s20+$0x20];
	vm4 =	vmneg @p2 vm4  }
0x15d: {  	vm6 =	veq.f32 v28, v24;
	v25 =	vsel vm5, v13, v25;
	v27 =	vld [tilespmem:s20+$0x10]  }
0x15e: {  	vm5 =	veq.f32 v29, v24;
	v25 =	vsel vm6, v14, v25;
	v28 =	vld [tilespmem:s20+$0x0]  }
0x15f: {  	v25 =	vsel vm5, v15, v25;
	vm6 =	veq.f32 v30, v24  }
0x160: {  	vm5 =	veq.f32 v26, v24;
	v25 =	vsel vm6, v16, v25  }
0x161: {  	vm6 =	veq.f32 v31, v24;
	v25 =	vsel vm5, v1, v25  }
0x162: {  	vm5 =	veq.f32 v27, v24;
	v25 =	vsel vm6, v2, v25  }
0x163: {  	vm6 =	veq.f32 v28, v24;
	v24 =	vsel vm5, v3, v25  }
0x164: {  	v24 =	vsel vm6, v4, v24  }
0x165: {  	(xrf0) =	vmin.scan.msk.u32 $0xffff, v24;
	_ =	sdelay $0x5  }
0x166: {  	v24, _, _ =	vpop (xrf0)  }
0x167: {  	(v2sf) =	vpush v24, $0xF;
	_ =	sdelay $0xe  }
0x168: {  	s22 =	sadd.s32 $0xFFFFFFF0, s21;
	s23 =	spop (v2sf)  }
0x169: {  	v25 =	vmov s22;
	v24 =	vmov s21;
	s24 =	sxor.u32 $0x80000000, s23;
	s25 =	sand.u32 $0xF, s23  }
0x16a: {  	vm6 =	veq.s32 v25, v0;
	vm5 =	veq.s32 v24, v0;
	s21 =	sadd.s32 s20, s24;
	s22 =	sshra.s32 s24, $0x1F;
	p1 =	slt.s32 s24, $0x1;
	v26 =	vmov s25  }
0x16b: {  	s22 =	sshrl.u32 s22, $0x1C;
	v21 =	vsel vm5, s21, v21;
	v22 =	vsel vm6, s21, v22  }
0x16c: {  	s21 =	sadd.s32 s22, s24  }
0x16d: {  	p2 =	sgt.s32 s23, $0xFFFFFFFF;
	s22 =	sand.u32 $0xFFFFFFF0, s21  }
0x16e: {  	p1 =	por p2, p1;
	p2 =	sne.s32 s24, s22  }
0x16f: {  	p1 =	por !p1, !p2  }
0x170: {  	s22 =	simm.s32 $0x1;
	p1 =	por !p1, !p1  }
0x171: {  	s21 =	sshrl.u32 s21, $0x4;
	s22 =	simm.s32 @!p1 $0x0  }
0x172: {  	s21 =	ssub.s32 s21, s22  }
0x173: {  	s21 =	sshll.u32 s21, $0x4  }
0x174: {  	s22 =	sadd.s32 s20, s21  }
0x175: {  	s21 =	sand.u32 $0x70, s21;
	s22 =	sand.u32 $0xFFFFFF80, s22  }
0x176: {  	s21 =	sor.u32 s21, s22  }
0x177: {  	v24 =	vld [tilespmem:s21+$0x0];
	_ =	sdelay $0x3  }
0x178: {  	vm5 =	veq.s32 v26, v0  }
0x179: {  	v24 =	vsel vm5, $0x7149F2CA, v24  }
0x17a: {  	[tilespmem:s21+$0x0] =	vst v24  }
0x17b: {  	v24 =	vld [tilespmem:s20+$0x0]  }
0x17c: {  	v25 =	vld [tilespmem:s20+$0x10]  }
0x17d: {  	v26 =	vld [tilespmem:s20+$0x20]  }
0x17e: {  	v27 =	vld [tilespmem:s20+$0x30]  }
0x17f: {  	v28 =	vld [tilespmem:s20+$0x40]  }
0x180: {  	v24 =	vmin.f32 v24, $1.000000020e+30;
	v29 =	vld [tilespmem:s20+$0x50]  }
0x181: {  	v24 =	vmin.f32 v24, v25;
	v25 =	vld [tilespmem:s20+$0x60]  }
0x182: {  	v24 =	vmin.f32 v24, v26;
	v26 =	vld [tilespmem:s20+$0x70]  }
0x183: {  	v24 =	vmin.f32 v24, v27;
	v27 =	vld [tilespmem:s20+$0x80]  }
0x184: {  	v24 =	vmin.f32 v24, v28;
	v28 =	vld [tilespmem:s20+$0x90]  }
0x185: {  	v24 =	vmin.f32 v24, v29;
	v29 =	vld [tilespmem:s20+$0xA0]  }
0x186: {  	v24 =	vmin.f32 v24, v25;
	v25 =	vld [tilespmem:s20+$0xB0]  }
0x187: {  	v24 =	vmin.f32 v24, v26;
	v26 =	vld [tilespmem:s20+$0xC0]  }
0x188: {  	v24 =	vmin.f32 v24, v27;
	v27 =	vld [tilespmem:s20+$0xD0]  }
0x189: {  	v24 =	vmin.f32 v24, v28;
	v28 =	vld [tilespmem:s20+$0xE0]  }
0x18a: {  	v24 =	vmin.f32 v24, v29;
	v29 =	vld [tilespmem:s20+$0xF0]  }
0x18b: {  	v24 =	vmin.f32 v24, v25  }
0x18c: {  	v24 =	vmin.f32 v24, v26  }
0x18d: {  	v24 =	vmin.f32 v24, v27  }
0x18e: {  	v24 =	vmin.f32 v24, v28  }
0x18f: {  	v24 =	vmin.f32 v24, v29  }
0x190: {  	(xrf0) =	vmin.scan.msk.f32 $0xffff, v24;
	_ =	sdelay $0x3  }
.Ltmp4:
0x191: {  	(pc) =	sbr.rel @p0 .LBB2_11-.Ltmp4, $4  }
0x192: {  	_ = 	snop  }
0x193: {  	vm5 =	veq.s32 v23, v0;
	v23, _, _ =	vpop (xrf0)  }
0x194: {  	vm3 =	vmand vm5, vm3;
	v23 =	vbroadcast v23, $0xF  }
0x195: {  	vm1 =	vmand vm5, vm1;
	vm2 =	vmand vm5, vm2;
	vm4 =	vmand vm5, vm4  }
0x196: {  	p0 =	seq.s32 s16, $0x3F;
	s18 =	sadd.s32 $0x2, s18  }
0x197: {  	s18 =	simm.s32 @p0 $0x0  }
0x198: {  	s19 =	sshll.u32 s16, $0x6;
	s20 =	sadd.s32 s7, s18;
	s18 =	sshll.u32 s18, $0x4  }
0x199: {  	s19 =	sand.u32 $0x3FFFFFC0, s19;
	s20 =	sshll.u32 s20, $0xB;
	s18 =	sand.u32 $0x60, s18  }
0x19a: {  	[tilespmem:s19+$0x8000] =	vst v21;
	s20 =	sand.u32 $0xFFFC000, s20;
	s18 =	sadd.s32 s3, s18  }
0x19b: {  	[tilespmem:s19+$0x8010] =	vst v22;
	s30 =	sadd.s32 s20, s18;
	s18 =	simm.s32 $0x0  }
0x19c: {  	[tilespmem:s18], [sflag:$0x1] =	stream.strided.gather [hbm4b:s30+s10], $0x4000, s5, s10, $0x38;
	[tilespmem:$0x9000] =	vst v63  }
0x19d: {  	_ =	swait.ge [sflag:s12], $0x4000  }
0x19e: {  	[sflag:s12] =	ssyncset.done $0x0  }
0x19f: {  	s31 =	simm.s32 $0x4080;
	[sflag:s12] =	ssyncadd.s32 $0xFFFFC000  }
0x1a0: {  	v17 =	vld [tilespmem:s31+$0xFFFFFF80]  }
0x1a1: {  	v18 =	vld [tilespmem:s31+$0xFFFFFF90]  }
0x1a2: {  	v19 =	vld [tilespmem:s31+$0xFFFFFFA0]  }
0x1a3: {  	v20 =	vld [tilespmem:s31+$0xFFFFFFB0]  }
0x1a4: {  	v21 =	vld [tilespmem:s31+$0xFFFFFFC0]  }
0x1a5: {  	v22 =	vld [tilespmem:s31+$0xFFFFFFD0];
	v17 =	vmin.f32 v17, $1.000000020e+30  }
0x1a6: {  	v17 =	vmin.f32 v17, v18;
	v18 =	vld [tilespmem:s31+$0xFFFFFFE0]  }
0x1a7: {  	v17 =	vmin.f32 v17, v19;
	v19 =	vld [tilespmem:s31+$0xFFFFFFF0]  }
0x1a8: {  	v17 =	vmin.f32 v17, v20;
	v20 =	vld [tilespmem:s31+$0x0]  }
0x1a9: {  	v17 =	vmin.f32 v17, v21;
	v21 =	vld [tilespmem:s31+$0x10]  }
0x1aa: {  	v17 =	vmin.f32 v17, v22;
	v22 =	vld [tilespmem:s31+$0x20]  }
0x1ab: {  	v23 =	vld [tilespmem:s31+$0x30];
	v17 =	vmin.f32 v17, v18  }
0x1ac: {  	v17 =	vmin.f32 v17, v19;
	v19 =	vld [tilespmem:s31+$0x40]  }
0x1ad: {  	v17 =	vmin.f32 v17, v20;
	v20 =	vld [tilespmem:s31+$0x50]  }
0x1ae: {  	v17 =	vmin.f32 v17, v21;
	v21 =	vld [tilespmem:s31+$0x60]  }
0x1af: {  	s22 =	simm.s32 $0x4180;
	s23 =	simm.s32 $0x2;
	v17 =	vmin.f32 v17, v22;
	v22 =	vld [tilespmem:s31+$0x70]  }
0x1b0: {  	s21 =	simm.s32 $0x0;
	s19 =	simm.s32 $0x1;
	s20 =	simm.s32 $0x1;
	v24 =	vld [tilespmem:s22+$0xFFFFFF80];
	v18 =	vimm.f32 $1.000000020e+30;
	v23 =	vmin.f32 v17, v23;
	v17 =	vimm.f32 $1.000000020e+30  }
.LBB2_13:
0x1b1: {  	p0 =	sne.s32 s23, $0xF;
	v25 =	vld [tilespmem:s22+$0xFFFFFF90];
	v19 =	vmin.f32 v23, v19  }
0x1b2: {  	v23 =	vld [tilespmem:s22+$0xFFFFFFA0];
	v19 =	vmin.f32 v19, v20  }
0x1b3: {  	v20 =	vld [tilespmem:s22+$0xFFFFFFB0];
	v19 =	vmin.f32 v19, v21  }
0x1b4: {  	v21 =	vld [tilespmem:s22+$0xFFFFFFC0];
	v19 =	vmin.f32 v19, v22  }
0x1b5: {  	v22 =	vmin.f32 v24, $1.000000020e+30;
	v24 =	vld [tilespmem:s22+$0xFFFFFFD0];
	(xrf0) =	vmin.scan.msk.f32 $0xffff, v19  }
0x1b6: {  	v19 =	vmin.f32 v22, v25;
	v22 =	vld [tilespmem:s22+$0xFFFFFFE0]  }
0x1b7: {  	v19 =	vmin.f32 v19, v23;
	v23 =	vld [tilespmem:s22+$0xFFFFFFF0]  }
0x1b8: {  	v19 =	vmin.f32 v19, v20;
	v20 =	vld [tilespmem:s22+$0x0]  }
0x1b9: {  	v19 =	vmin.f32 v19, v21;
	v21 =	vld [tilespmem:s22+$0x10]  }
0x1ba: {  	v19 =	vmin.f32 v19, v24;
	v24 =	vld [tilespmem:s22+$0x20]  }
0x1bb: {  	v19 =	vmin.f32 v19, v22;
	v25 =	vld [tilespmem:s22+$0x30];
	v22, _, _ =	vpop (xrf0)  }
.Ltmp5:
0x1bc: {  	v26 =	vmov s21;
	s21 =	smov.u32 s20;
	s20 =	smov.u32 s23;
	v23 =	vmin.f32 v19, v23;
	v19 =	vld [tilespmem:s22+$0x40];
	v22 =	vbroadcast v22, $0xF;
	(pc) =	sbr.rel @p0 .LBB2_13-.Ltmp5, $4  }
0x1bd: {  	vm1 =	veq.s32 v26, v0;
	v23 =	vmin.f32 v23, v20;
	v20 =	vld [tilespmem:s22+$0x50]  }
0x1be: {  	v23 =	vmin.f32 v23, v21;
	v21 =	vld [tilespmem:s22+$0x60];
	v17 =	vsel vm1, v22, v17  }
0x1bf: {  	v23 =	vmin.f32 v23, v24;
	v22 =	vld [tilespmem:s22+$0x70];
	s22 =	sadd.s32 $0x100, s22  }
0x1c0: {  	s23 =	sadd.s32 $0x1, s23;
	v24 =	vld [tilespmem:s22+$0xFFFFFF80];
	v23 =	vmin.f32 v23, v25  }
0x1c1: {  	v25 =	vld [tilespmem:s22+$0xFFFFFF90]  }
0x1c2: {  	v26 =	vld [tilespmem:s22+$0xFFFFFFA0]  }
0x1c3: {  	v27 =	vld [tilespmem:s22+$0xFFFFFFB0]  }
0x1c4: {  	v28 =	vld [tilespmem:s22+$0xFFFFFFC0]  }
0x1c5: {  	v29 =	vld [tilespmem:s22+$0xFFFFFFD0]  }
0x1c6: {  	v30 =	vld [tilespmem:s22+$0xFFFFFFE0]  }
0x1c7: {  	v31 =	vld [tilespmem:s22+$0xFFFFFFF0];
	v24 =	vmin.f32 v24, $1.000000020e+30  }
0x1c8: {  	v60 =	vld [tilespmem:s22+$0x30];
	v24 =	vmin.f32 v24, v25  }
0x1c9: {  	v61 =	vld [tilespmem:s22+$0x40];
	v24 =	vmin.f32 v24, v26  }
0x1ca: {  	v25 =	vld [tilespmem:s22+$0x0];
	v24 =	vmin.f32 v24, v27  }
0x1cb: {  	v26 =	vld [tilespmem:s22+$0x10];
	v24 =	vmin.f32 v24, v28  }
0x1cc: {  	v27 =	vld [tilespmem:s22+$0x20];
	v24 =	vmin.f32 v24, v29  }
0x1cd: {  	v62 =	vld [tilespmem:s22+$0x50];
	v24 =	vmin.f32 v24, v30  }
0x1ce: {  	v63 =	vld [tilespmem:s22+$0x60];
	v24 =	vmin.f32 v24, v31  }
0x1cf: {  	s31 =	simm.s32 $0x50F0;
	v24 =	vmin.f32 v24, v25;
	v25 =	vld [tilespmem:s22+$0x70]  }
0x1d0: {  	v24 =	vmin.f32 v24, v26;
	v26 =	vld [tilespmem:s31+$0xFFFFFF10]  }
0x1d1: {  	v24 =	vmin.f32 v24, v27;
	v27 =	vld [tilespmem:s31+$0xFFFFFF20]  }
0x1d2: {  	v19 =	vmin.f32 v23, v19;
	v23 =	vmin.f32 v24, v60;
	v24 =	vld [tilespmem:s31+$0xFFFFFF30]  }
0x1d3: {  	v19 =	vmin.f32 v19, v20;
	v20 =	vmin.f32 v23, v61;
	v23 =	vld [tilespmem:s31+$0xFFFFFF40]  }
0x1d4: {  	v19 =	vmin.f32 v19, v21;
	v21 =	vld [tilespmem:s31+$0xFFFFFF50];
	v20 =	vmin.f32 v20, v62  }
0x1d5: {  	v19 =	vmin.f32 v19, v22;
	v20 =	vmin.f32 v20, v63;
	v22 =	vmin.f32 v26, $1.000000020e+30;
	v26 =	vld [tilespmem:s31+$0xFFFFFF60]  }
0x1d6: {  	(xrf0) =	vmin.scan.msk.f32 $0xffff, v19;
	v19 =	vmin.f32 v20, v25;
	v20 =	vmin.f32 v22, v27;
	v22 =	vld [tilespmem:s31+$0xFFFFFF70]  }
0x1d7: {  	(xrf0) =	vmin.scan.msk.f32 $0xffff, v19;
	v19 =	vmin.f32 v20, v24;
	v20 =	vld [tilespmem:s31+$0xFFFFFF80]  }
0x1d8: {  	v19 =	vmin.f32 v19, v23;
	v23 =	vld [tilespmem:s31+$0xFFFFFF90]  }
0x1d9: {  	v19 =	vmin.f32 v19, v21;
	v21 =	vld [tilespmem:s31+$0xFFFFFFA0]  }
0x1da: {  	v24 =	vld [tilespmem:s31+$0xFFFFFFB0];
	v19 =	vmin.f32 v19, v26;
	v26 =	vmov s21  }
0x1db: {  	v25 =	vld [tilespmem:s31+$0xFFFFFFC0];
	v19 =	vmin.f32 v19, v22  }
0x1dc: {  	v22, _, _ =	vpop (xrf0);
	v20 =	vmin.f32 v19, v20;
	v19 =	vld [tilespmem:s31+$0xFFFFFFD0]  }
0x1dd: {  	vm1 =	veq.s32 v26, v0;
	v22 =	vbroadcast v22, $0xF;
	v26, _, _ =	vpop (xrf0);
	v23 =	vmin.f32 v20, v23;
	v20 =	vld [tilespmem:s31+$0xFFFFFFE0]  }
0x1de: {  	v27 =	vmov s20;
	v26 =	vbroadcast v26, $0xF;
	v23 =	vmin.f32 v23, v21;
	v21 =	vld [tilespmem:s31+$0xFFFFFFF0]  }
0x1df: {  	s20 =	simm.s32 $0x51F0;
	v17 =	vsel vm1, v22, v17;
	vm1 =	veq.s32 v27, v0;
	v22 =	vld [tilespmem:s31+$0x0];
	v23 =	vmin.f32 v23, v24  }
0x1e0: {  	s21 =	simm.s32 $0x2;
	v24 =	vld [tilespmem:s20+$0xFFFFFF10];
	v17 =	vsel vm1, v26, v17;
	v23 =	vmin.f32 v23, v25  }
.LBB2_15:
0x1e1: {  	p0 =	sne.s32 s21, $0xF;
	v25 =	vld [tilespmem:s20+$0xFFFFFF20];
	v19 =	vmin.f32 v23, v19  }
0x1e2: {  	v23 =	vld [tilespmem:s20+$0xFFFFFF30];
	v19 =	vmin.f32 v19, v20  }
0x1e3: {  	v20 =	vld [tilespmem:s20+$0xFFFFFF40];
	v19 =	vmin.f32 v19, v21  }
0x1e4: {  	v21 =	vld [tilespmem:s20+$0xFFFFFF50];
	v19 =	vmin.f32 v19, v22  }
0x1e5: {  	v22 =	vmin.f32 v24, $1.000000020e+30;
	v24 =	vld [tilespmem:s20+$0xFFFFFF60];
	(xrf0) =	vmin.scan.msk.f32 $0xffff, v19  }
0x1e6: {  	v19 =	vmin.f32 v22, v25;
	v22 =	vld [tilespmem:s20+$0xFFFFFF70]  }
0x1e7: {  	v19 =	vmin.f32 v19, v23;
	v23 =	vld [tilespmem:s20+$0xFFFFFF80]  }
0x1e8: {  	v19 =	vmin.f32 v19, v20;
	v20 =	vld [tilespmem:s20+$0xFFFFFF90]  }
0x1e9: {  	v19 =	vmin.f32 v19, v21;
	v21 =	vld [tilespmem:s20+$0xFFFFFFA0]  }
0x1ea: {  	v19 =	vmin.f32 v19, v24;
	v24 =	vld [tilespmem:s20+$0xFFFFFFB0]  }
0x1eb: {  	v19 =	vmin.f32 v19, v22;
	v25 =	vld [tilespmem:s20+$0xFFFFFFC0];
	v22, _, _ =	vpop (xrf0)  }
.Ltmp6:
0x1ec: {  	v26 =	vmov s18;
	s18 =	smov.u32 s19;
	s19 =	smov.u32 s21;
	v23 =	vmin.f32 v19, v23;
	v19 =	vld [tilespmem:s20+$0xFFFFFFD0];
	v22 =	vbroadcast v22, $0xF;
	(pc) =	sbr.rel @p0 .LBB2_15-.Ltmp6, $4  }
0x1ed: {  	vm1 =	veq.s32 v26, v0;
	v23 =	vmin.f32 v23, v20;
	v20 =	vld [tilespmem:s20+$0xFFFFFFE0]  }
0x1ee: {  	v23 =	vmin.f32 v23, v21;
	v21 =	vld [tilespmem:s20+$0xFFFFFFF0];
	v18 =	vsel vm1, v22, v18  }
0x1ef: {  	v23 =	vmin.f32 v23, v24;
	v22 =	vld [tilespmem:s20+$0x0];
	s20 =	sadd.s32 $0x100, s20  }
0x1f0: {  	s21 =	sadd.s32 $0x1, s21;
	v24 =	vld [tilespmem:s20+$0xFFFFFF10];
	v23 =	vmin.f32 v23, v25  }
0x1f1: {  	v25 =	vld [tilespmem:s20+$0xFFFFFF20]  }
0x1f2: {  	v26 =	vld [tilespmem:s20+$0xFFFFFF30]  }
0x1f3: {  	v27 =	vld [tilespmem:s20+$0xFFFFFF40]  }
0x1f4: {  	v28 =	vld [tilespmem:s20+$0xFFFFFF50]  }
0x1f5: {  	v29 =	vld [tilespmem:s20+$0xFFFFFF60]  }
0x1f6: {  	v30 =	vld [tilespmem:s20+$0xFFFFFF70];
	v24 =	vmin.f32 v24, $1.000000020e+30  }
0x1f7: {  	v59 =	vld [tilespmem:s20+$0xFFFFFFB0];
	v24 =	vmin.f32 v24, v25  }
0x1f8: {  	v25 =	vld [tilespmem:s20+$0xFFFFFF80];
	v24 =	vmin.f32 v24, v26  }
0x1f9: {  	v26 =	vld [tilespmem:s20+$0xFFFFFF90];
	v24 =	vmin.f32 v24, v27  }
0x1fa: {  	v27 =	vld [tilespmem:s20+$0xFFFFFFA0];
	v24 =	vmin.f32 v24, v28  }
0x1fb: {  	v60 =	vld [tilespmem:s20+$0xFFFFFFC0];
	v24 =	vmin.f32 v24, v29  }
0x1fc: {  	v61 =	vld [tilespmem:s20+$0xFFFFFFD0];
	s31 =	simm.s32 $0x60F0;
	v24 =	vmin.f32 v24, v30  }
0x1fd: {  	v62 =	vld [tilespmem:s31+$0xFFFFFF10];
	v24 =	vmin.f32 v24, v25  }
0x1fe: {  	v25 =	vld [tilespmem:s20+$0xFFFFFFE0];
	v24 =	vmin.f32 v24, v26  }
0x1ff: {  	v26 =	vld [tilespmem:s20+$0xFFFFFFF0];
	v24 =	vmin.f32 v24, v27  }
0x200: {  	v27 =	vld [tilespmem:s20+$0x0];
	v24 =	vmin.f32 v24, v59  }
0x201: {  	v19 =	vmin.f32 v23, v19;
	v23 =	vmin.f32 v24, v60;
	v24 =	vld [tilespmem:s31+$0xFFFFFF20]  }
0x202: {  	v19 =	vmin.f32 v19, v20;
	v20 =	vmin.f32 v23, v61;
	v23 =	vld [tilespmem:s31+$0xFFFFFF30]  }
0x203: {  	v19 =	vmin.f32 v19, v21;
	v21 =	vld [tilespmem:s31+$0xFFFFFF40];
	v20 =	vmin.f32 v20, v25  }
0x204: {  	v19 =	vmin.f32 v19, v22;
	v22 =	vld [tilespmem:s31+$0xFFFFFF50];
	v20 =	vmin.f32 v20, v26  }
0x205: {  	(xrf0) =	vmin.scan.msk.f32 $0xffff, v19;
	v25 =	vld [tilespmem:s31+$0xFFFFFF60];
	v19 =	vmin.f32 v20, v27;
	v20 =	vmin.f32 v62, $1.000000020e+30  }
0x206: {  	(xrf0) =	vmin.scan.msk.f32 $0xffff, v19;
	v19 =	vmin.f32 v20, v24;
	v20 =	vld [tilespmem:s31+$0xFFFFFF70]  }
0x207: {  	v19 =	vmin.f32 v19, v23;
	v23 =	vld [tilespmem:s31+$0xFFFFFF80]  }
0x208: {  	v24 =	vld [tilespmem:s31+$0xFFFFFF90];
	v19 =	vmin.f32 v19, v21  }
0x209: {  	v26 =	vld [tilespmem:s31+$0xFFFFFFA0];
	v19 =	vmin.f32 v19, v22;
	v22 =	vmov s18  }
0x20a: {  	v19 =	vmin.f32 v19, v25;
	v25 =	vld [tilespmem:s31+$0xFFFFFFB0]  }
0x20b: {  	v27 =	vld [tilespmem:s31+$0xFFFFFFC0];
	v21, _, _ =	vpop (xrf0);
	v19 =	vmin.f32 v19, v20  }
0x20c: {  	vm1 =	veq.s32 v22, v0;
	v20 =	vbroadcast v21, $0xF;
	v21 =	vld [tilespmem:s31+$0xFFFFFFD0];
	v22, _, _ =	vpop (xrf0);
	v19 =	vmin.f32 v19, v23  }
0x20d: {  	v23 =	vmov s19;
	v63 =	vbroadcast v22, $0xF;
	v19 =	vmin.f32 v19, v24;
	v22 =	vld [tilespmem:s31+$0xFFFFFFE0]  }
0x20e: {  	v18 =	vsel vm1, v20, v18;
	vm1 =	veq.s32 v23, v0;
	v23 =	vld [tilespmem:s31+$0xFFFFFFF0];
	v19 =	vmin.f32 v19, v26  }
0x20f: {  	s22 =	simm.s32 $0x61F0;
	s23 =	simm.s32 $0x2;
	s21 =	simm.s32 $0x0;
	v24 =	vld [tilespmem:s31+$0x0];
	v20 =	vimm.f32 $1.000000020e+30;
	v19 =	vmin.f32 v19, v25  }
0x210: {  	s20 =	simm.s32 $0x1;
	s18 =	simm.s32 $0x1;
	s19 =	simm.s32 $0x0;
	v26 =	vld [tilespmem:s22+$0xFFFFFF10];
	v18 =	vsel vm1, v63, v18;
	v25 =	vmin.f32 v19, v27;
	v19 =	vimm.f32 $1.000000020e+30  }
.LBB2_17:
0x211: {  	p0 =	sne.s32 s23, $0xF;
	v27 =	vld [tilespmem:s22+$0xFFFFFF20];
	v21 =	vmin.f32 v25, v21  }
0x212: {  	v25 =	vld [tilespmem:s22+$0xFFFFFF30];
	v21 =	vmin.f32 v21, v22  }
0x213: {  	v22 =	vld [tilespmem:s22+$0xFFFFFF40];
	v21 =	vmin.f32 v21, v23  }
0x214: {  	v23 =	vld [tilespmem:s22+$0xFFFFFF50];
	v21 =	vmin.f32 v21, v24  }
0x215: {  	v24 =	vmin.f32 v26, $1.000000020e+30;
	v26 =	vld [tilespmem:s22+$0xFFFFFF60];
	(xrf0) =	vmin.scan.msk.f32 $0xffff, v21  }
0x216: {  	v21 =	vmin.f32 v24, v27;
	v24 =	vld [tilespmem:s22+$0xFFFFFF70]  }
0x217: {  	v21 =	vmin.f32 v21, v25;
	v25 =	vld [tilespmem:s22+$0xFFFFFF80]  }
0x218: {  	v21 =	vmin.f32 v21, v22;
	v22 =	vld [tilespmem:s22+$0xFFFFFF90]  }
0x219: {  	v21 =	vmin.f32 v21, v23;
	v23 =	vld [tilespmem:s22+$0xFFFFFFA0]  }
0x21a: {  	v21 =	vmin.f32 v21, v26;
	v26 =	vld [tilespmem:s22+$0xFFFFFFB0]  }
0x21b: {  	v21 =	vmin.f32 v21, v24;
	v27 =	vld [tilespmem:s22+$0xFFFFFFC0];
	v24, _, _ =	vpop (xrf0)  }
.Ltmp7:
0x21c: {  	v28 =	vmov s21;
	s21 =	smov.u32 s20;
	s20 =	smov.u32 s23;
	v25 =	vmin.f32 v21, v25;
	v21 =	vld [tilespmem:s22+$0xFFFFFFD0];
	v24 =	vbroadcast v24, $0xF;
	(pc) =	sbr.rel @p0 .LBB2_17-.Ltmp7, $4  }
0x21d: {  	vm1 =	veq.s32 v28, v0;
	v25 =	vmin.f32 v25, v22;
	v22 =	vld [tilespmem:s22+$0xFFFFFFE0]  }
0x21e: {  	v25 =	vmin.f32 v25, v23;
	v23 =	vld [tilespmem:s22+$0xFFFFFFF0];
	v19 =	vsel vm1, v24, v19  }
0x21f: {  	v25 =	vmin.f32 v25, v26;
	v24 =	vld [tilespmem:s22+$0x0];
	s22 =	sadd.s32 $0x100, s22  }
0x220: {  	s23 =	sadd.s32 $0x1, s23;
	v26 =	vld [tilespmem:s22+$0xFFFFFF10];
	v25 =	vmin.f32 v25, v27  }
0x221: {  	v27 =	vld [tilespmem:s22+$0xFFFFFF20]  }
0x222: {  	v28 =	vld [tilespmem:s22+$0xFFFFFF30]  }
0x223: {  	v29 =	vld [tilespmem:s22+$0xFFFFFF40]  }
0x224: {  	v30 =	vld [tilespmem:s22+$0xFFFFFF50]  }
0x225: {  	v31 =	vld [tilespmem:s22+$0xFFFFFF60]  }
0x226: {  	v32 =	vld [tilespmem:s22+$0xFFFFFF70]  }
0x227: {  	v33 =	vld [tilespmem:s22+$0xFFFFFF80];
	v26 =	vmin.f32 v26, $1.000000020e+30  }
0x228: {  	v52 =	vld [tilespmem:s22+$0xFFFFFFA0];
	v26 =	vmin.f32 v26, v27  }
0x229: {  	v53 =	vld [tilespmem:s22+$0xFFFFFFB0];
	v26 =	vmin.f32 v26, v28  }
0x22a: {  	v27 =	vld [tilespmem:s22+$0xFFFFFF90];
	v26 =	vmin.f32 v26, v29  }
0x22b: {  	v54 =	vld [tilespmem:s22+$0xFFFFFFC0];
	v26 =	vmin.f32 v26, v30  }
0x22c: {  	v55 =	vld [tilespmem:s22+$0xFFFFFFD0];
	v26 =	vmin.f32 v26, v31  }
0x22d: {  	v56 =	vld [tilespmem:s22+$0xFFFFFFE0];
	v26 =	vmin.f32 v26, v32  }
0x22e: {  	v57 =	vld [tilespmem:s22+$0xFFFFFFF0];
	s31 =	simm.s32 $0x70F0;
	v26 =	vmin.f32 v26, v33  }
0x22f: {  	v58 =	vld [tilespmem:s31+$0xFFFFFF10];
	v26 =	vmin.f32 v26, v27  }
0x230: {  	v59 =	vld [tilespmem:s31+$0xFFFFFF20];
	v26 =	vmin.f32 v26, v52  }
0x231: {  	v27 =	vld [tilespmem:s22+$0x0];
	v26 =	vmin.f32 v26, v53  }
0x232: {  	v21 =	vmin.f32 v25, v21;
	v25 =	vmin.f32 v26, v54;
	v26 =	vld [tilespmem:s31+$0xFFFFFF30]  }
0x233: {  	v21 =	vmin.f32 v21, v22;
	v22 =	vmin.f32 v25, v55;
	v25 =	vld [tilespmem:s31+$0xFFFFFF40]  }
0x234: {  	v21 =	vmin.f32 v21, v23;
	v23 =	vld [tilespmem:s31+$0xFFFFFF50];
	v22 =	vmin.f32 v22, v56  }
0x235: {  	v60 =	vld [tilespmem:s31+$0xFFFFFF60];
	v21 =	vmin.f32 v21, v24;
	v24 =	vmin.f32 v58, $1.000000020e+30;
	v22 =	vmin.f32 v22, v57  }
0x236: {  	(xrf0) =	vmin.scan.msk.f32 $0xffff, v21;
	v21 =	vmin.f32 v22, v27;
	v22 =	vmin.f32 v24, v59;
	v24 =	vld [tilespmem:s31+$0xFFFFFF70]  }
0x237: {  	(xrf0) =	vmin.scan.msk.f32 $0xffff, v21;
	v21 =	vmin.f32 v22, v26;
	v22 =	vld [tilespmem:s31+$0xFFFFFF80]  }
0x238: {  	v21 =	vmin.f32 v21, v25;
	v25 =	vld [tilespmem:s31+$0xFFFFFF90]  }
0x239: {  	v21 =	vmin.f32 v21, v23;
	v23 =	vld [tilespmem:s31+$0xFFFFFFA0]  }
0x23a: {  	v26 =	vld [tilespmem:s31+$0xFFFFFFB0];
	v21 =	vmin.f32 v21, v60  }
0x23b: {  	v27 =	vld [tilespmem:s31+$0xFFFFFFC0];
	v21 =	vmin.f32 v21, v24  }
0x23c: {  	v61 =	vmov s21;
	v24, _, _ =	vpop (xrf0);
	v22 =	vmin.f32 v21, v22;
	v21 =	vld [tilespmem:s31+$0xFFFFFFD0]  }
0x23d: {  	v63 =	vmov s20;
	v24 =	vbroadcast v24, $0xF;
	v62, _, _ =	vpop (xrf0);
	v25 =	vmin.f32 v22, v25;
	v22 =	vld [tilespmem:s31+$0xFFFFFFE0]  }
0x23e: {  	vm1 =	veq.s32 v61, v0;
	v28 =	vbroadcast v62, $0xF;
	v25 =	vmin.f32 v25, v23;
	v23 =	vld [tilespmem:s31+$0xFFFFFFF0]  }
0x23f: {  	s20 =	simm.s32 $0x71F0;
	v19 =	vsel vm1, v24, v19;
	vm1 =	veq.s32 v63, v0;
	v24 =	vld [tilespmem:s31+$0x0];
	v25 =	vmin.f32 v25, v26  }
0x240: {  	s21 =	simm.s32 $0x2;
	v26 =	vld [tilespmem:s20+$0xFFFFFF10];
	v19 =	vsel vm1, v28, v19;
	v25 =	vmin.f32 v25, v27  }
.LBB2_19:
0x241: {  	p0 =	sne.s32 s21, $0xF;
	v27 =	vld [tilespmem:s20+$0xFFFFFF20];
	v21 =	vmin.f32 v25, v21  }
0x242: {  	v25 =	vld [tilespmem:s20+$0xFFFFFF30];
	v21 =	vmin.f32 v21, v22  }
0x243: {  	v22 =	vld [tilespmem:s20+$0xFFFFFF40];
	v21 =	vmin.f32 v21, v23  }
0x244: {  	v23 =	vld [tilespmem:s20+$0xFFFFFF50];
	v21 =	vmin.f32 v21, v24  }
0x245: {  	v24 =	vmin.f32 v26, $1.000000020e+30;
	v26 =	vld [tilespmem:s20+$0xFFFFFF60];
	(xrf0) =	vmin.scan.msk.f32 $0xffff, v21  }
0x246: {  	v21 =	vmin.f32 v24, v27;
	v24 =	vld [tilespmem:s20+$0xFFFFFF70]  }
0x247: {  	v21 =	vmin.f32 v21, v25;
	v25 =	vld [tilespmem:s20+$0xFFFFFF80]  }
0x248: {  	v21 =	vmin.f32 v21, v22;
	v22 =	vld [tilespmem:s20+$0xFFFFFF90]  }
0x249: {  	v21 =	vmin.f32 v21, v23;
	v23 =	vld [tilespmem:s20+$0xFFFFFFA0]  }
0x24a: {  	v21 =	vmin.f32 v21, v26;
	v26 =	vld [tilespmem:s20+$0xFFFFFFB0]  }
0x24b: {  	v21 =	vmin.f32 v21, v24;
	v27 =	vld [tilespmem:s20+$0xFFFFFFC0];
	v24, _, _ =	vpop (xrf0)  }
.Ltmp8:
0x24c: {  	v28 =	vmov s19;
	s19 =	smov.u32 s18;
	s18 =	smov.u32 s21;
	v25 =	vmin.f32 v21, v25;
	v21 =	vld [tilespmem:s20+$0xFFFFFFD0];
	v24 =	vbroadcast v24, $0xF;
	(pc) =	sbr.rel @p0 .LBB2_19-.Ltmp8, $4  }
0x24d: {  	vm1 =	veq.s32 v28, v0;
	v25 =	vmin.f32 v25, v22;
	v22 =	vld [tilespmem:s20+$0xFFFFFFE0]  }
0x24e: {  	v25 =	vmin.f32 v25, v23;
	v23 =	vld [tilespmem:s20+$0xFFFFFFF0];
	v20 =	vsel vm1, v24, v20  }
0x24f: {  	v25 =	vmin.f32 v25, v26;
	v24 =	vld [tilespmem:s20+$0x0];
	s20 =	sadd.s32 $0x100, s20  }
0x250: {  	s21 =	sadd.s32 $0x1, s21;
	v26 =	vld [tilespmem:s20+$0xFFFFFF10];
	v25 =	vmin.f32 v25, v27  }
0x251: {  	v27 =	vld [tilespmem:s20+$0xFFFFFF20]  }
0x252: {  	v28 =	vld [tilespmem:s20+$0xFFFFFF30]  }
0x253: {  	v29 =	vld [tilespmem:s20+$0xFFFFFF40]  }
0x254: {  	v30 =	vld [tilespmem:s20+$0xFFFFFF50]  }
0x255: {  	v31 =	vld [tilespmem:s20+$0xFFFFFF60];
	v26 =	vmin.f32 v26, $1.000000020e+30  }
0x256: {  	v62 =	vld [tilespmem:s20+$0xFFFFFF70];
	v26 =	vmin.f32 v26, v27  }
0x257: {  	v63 =	vld [tilespmem:s20+$0xFFFFFF80];
	v26 =	vmin.f32 v26, v28  }
0x258: {  	v33 =	vld [tilespmem:s20+$0xFFFFFF90];
	v26 =	vmin.f32 v26, v29  }
0x259: {  	v34 =	vld [tilespmem:s20+$0xFFFFFFA0];
	v26 =	vmin.f32 v26, v30  }
0x25a: {  	v35 =	vld [tilespmem:s20+$0xFFFFFFB0];
	v26 =	vmin.f32 v26, v31  }
0x25b: {  	v36 =	vld [tilespmem:s20+$0xFFFFFFC0];
	v26 =	vmin.f32 v26, v62  }
0x25c: {  	v37 =	vld [tilespmem:s20+$0xFFFFFFD0];
	v26 =	vmin.f32 v26, v63  }
0x25d: {  	v38 =	vld [tilespmem:s20+$0xFFFFFFE0];
	v26 =	vmin.f32 v26, v33  }
0x25e: {  	v39 =	vld [tilespmem:s20+$0xFFFFFFF0];
	v26 =	vmin.f32 v26, v34  }
0x25f: {  	v40 =	vld [tilespmem:s20+$0x0];
	v26 =	vmin.f32 v26, v35  }
0x260: {  	v21 =	vmin.f32 v25, v21;
	v41 =	vmin.f32 v26, v36  }
0x261: {  	v21 =	vmin.f32 v21, v22;
	v22 =	vmin.f32 v41, v37  }
0x262: {  	v21 =	vmin.f32 v21, v23;
	v22 =	vmin.f32 v22, v38  }
0x263: {  	v21 =	vmin.f32 v21, v24;
	v22 =	vmin.f32 v22, v39  }
0x264: {  	(xrf0) =	vmin.scan.msk.f32 $0xffff, v21;
	v21 =	vmin.f32 v22, v40  }
0x265: {  	(xrf0) =	vmin.scan.msk.f32 $0xffff, v21;
	_ =	sdelay $0x4  }
0x266: {  	v21, _, _ =	vpop (xrf0)  }
0x267: {  	v22 =	vmov s19;
	v21 =	vbroadcast v21, $0xF;
	v23, _, _ =	vpop (xrf0)  }
0x268: {  	vm1 =	veq.s32 v22, v0;
	v22 =	vmov s18;
	v23 =	vbroadcast v23, $0xF  }
0x269: {  	v20 =	vsel vm1, v21, v20;
	vm1 =	veq.s32 v22, v0  }
0x26a: {  	v20 =	vsel vm1, v23, v20  }
0x26b: {  	v21 =	vmin.f32 v17, v18;
	v22 =	vmin.f32 v19, v20  }
0x26c: {  	v21 =	vmin.f32 v21, v22  }
0x26d: {  	(xrf0) =	vmin.scan.msk.f32 $0xffff, v21;
	_ =	sdelay $0x5  }
0x26e: {  	v21, _, _ =	vpop (xrf0)  }
0x26f: {  	v21 =	vbroadcast v21, $0xF;
	_ =	sdelay $0x1  }
0x270: {  	vm1 =	veq.f32 v20, v21  }
0x271: {  	vm2 =	veq.f32 v19, v21;
	v22 =	vnsel vm1, $0x80100000, v1  }
0x272: {  	vm1 =	veq.f32 v18, v21;
	v22 =	vsel vm2, v2, v22  }
0x273: {  	vm2 =	veq.f32 v17, v21;
	v22 =	vsel vm1, v3, v22  }
0x274: {  	v22 =	vsel vm2, v4, v22  }
0x275: {  	(xrf0) =	vmin.scan.msk.u32 $0xffff, v22;
	_ =	sdelay $0x5  }
0x276: {  	v22, _, _ =	vpop (xrf0)  }
0x277: {  	(v2sf) =	vpush v22, $0xF;
	_ =	sdelay $0xe  }
0x278: {  	s18 =	spop (v2sf)  }
0x279: {  	s20 =	sshll.u32 s18, $0x8  }
0x27a: {  	v22 =	vld [tilespmem:s20+$0x40F0]  }
0x27b: {  	v23 =	vld [tilespmem:s20+$0x40E0]  }
0x27c: {  	v42 =	vld [tilespmem:s20+$0x40D0]  }
0x27d: {  	v43 =	vld [tilespmem:s20+$0x40C0]  }
0x27e: {  	v44 =	vld [tilespmem:s20+$0x40B0]  }
0x27f: {  	v45 =	vld [tilespmem:s20+$0x40A0];
	vm1 =	veq.f32 v22, v21  }
0x280: {  	v22 =	vld [tilespmem:s20+$0x4090];
	vm2 =	veq.f32 v23, v21;
	v23 =	vnsel vm1, $0x80100000, v5  }
0x281: {  	v46 =	vld [tilespmem:s20+$0x4080];
	vm1 =	veq.f32 v42, v21;
	v23 =	vsel vm2, v6, v23  }
0x282: {  	v47 =	vld [tilespmem:s20+$0x4070];
	vm2 =	veq.f32 v43, v21;
	v23 =	vsel vm1, v7, v23  }
0x283: {  	v48 =	vld [tilespmem:s20+$0x4060];
	vm1 =	veq.f32 v44, v21;
	v23 =	vsel vm2, v8, v23  }
0x284: {  	v49 =	vld [tilespmem:s20+$0x4050];
	vm2 =	veq.f32 v45, v21;
	v23 =	vsel vm1, v9, v23  }
0x285: {  	v50 =	vld [tilespmem:s20+$0x4040];
	vm1 =	veq.f32 v22, v21;
	v22 =	vsel vm2, v10, v23  }
0x286: {  	v23 =	vld [tilespmem:s20+$0x4030];
	vm2 =	veq.f32 v46, v21;
	v22 =	vsel vm1, v11, v22  }
0x287: {  	v51 =	vld [tilespmem:s20+$0x4020];
	vm1 =	veq.f32 v47, v21;
	v22 =	vsel vm2, v12, v22  }
0x288: {  	v52 =	vld [tilespmem:s20+$0x4010];
	vm2 =	veq.f32 v48, v21;
	v22 =	vsel vm1, v13, v22  }
0x289: {  	v53 =	vld [tilespmem:s20+$0x4000];
	vm1 =	veq.f32 v49, v21;
	v22 =	vsel vm2, v14, v22  }
0x28a: {  	vm2 =	veq.f32 v50, v21;
	v22 =	vsel vm1, v15, v22  }
0x28b: {  	vm1 =	veq.f32 v23, v21;
	v22 =	vsel vm2, v16, v22  }
0x28c: {  	vm2 =	veq.f32 v51, v21;
	v22 =	vsel vm1, v1, v22  }
0x28d: {  	vm1 =	veq.f32 v52, v21;
	v22 =	vsel vm2, v2, v22  }
0x28e: {  	vm2 =	veq.f32 v53, v21;
	v21 =	vsel vm1, v3, v22  }
0x28f: {  	v21 =	vsel vm2, v4, v21  }
0x290: {  	(xrf0) =	vmin.scan.msk.u32 $0xffff, v21;
	_ =	sdelay $0x5  }
0x291: {  	v21, _, _ =	vpop (xrf0)  }
0x292: {  	(v2sf) =	vpush v21, $0xF;
	_ =	sdelay $0xe  }
0x293: {  	s21 =	spop (v2sf)  }
0x294: {  	s24 =	sxor.u32 $0x80000000, s21  }
0x295: {  	s22 =	sshra.s32 s24, $0x1F  }
0x296: {  	s22 =	sshrl.u32 s22, $0x1C  }
0x297: {  	s22 =	sadd.s32 s22, s24  }
0x298: {  	p1 =	sgt.s32 s21, $0xFFFFFFFF;
	p0 =	slt.s32 s24, $0x1;
	s23 =	sand.u32 $0xFFFFFFF0, s22  }
0x299: {  	p0 =	por p1, p0;
	p3 =	sne.s32 s24, s23  }
0x29a: {  	p0 =	por !p0, !p3  }
0x29b: {  	s23 =	simm.s32 $0x1;
	p0 =	por !p0, !p0  }
0x29c: {  	s22 =	sshrl.u32 s22, $0x4;
	s23 =	simm.s32 @!p0 $0x0  }
0x29d: {  	s22 =	ssub.s32 s22, s23  }
0x29e: {  	s22 =	sshll.u32 s22, $0x4  }
0x29f: {  	s25 =	sadd.s32 s20, s22  }
0x2a0: {  	s22 =	sand.u32 $0x70, s22;
	s23 =	sand.u32 $0xFFFFFF80, s25  }
0x2a1: {  	s22 =	sor.u32 s22, s23  }
0x2a2: {  	v21 =	vld [tilespmem:s22+$0x4000];
	_ =	sdelay $0x1  }
0x2a3: {  	s21 =	sand.u32 $0xF, s21  }
0x2a4: {  	v22 =	vmov s21  }
0x2a5: {  	vm1 =	veq.s32 v22, v0  }
0x2a6: {  	v21 =	vsel vm1, $0x7149F2CA, v21  }
0x2a7: {  	[tilespmem:s22+$0x4000] =	vst v21  }
0x2a8: {  	v21 =	vld [tilespmem:s20+$0x4000]  }
0x2a9: {  	v22 =	vld [tilespmem:s20+$0x4010]  }
0x2aa: {  	v23 =	vld [tilespmem:s20+$0x4020]  }
0x2ab: {  	v54 =	vld [tilespmem:s20+$0x4030]  }
0x2ac: {  	v55 =	vld [tilespmem:s20+$0x4040]  }
0x2ad: {  	v56 =	vld [tilespmem:s20+$0x4050];
	v21 =	vmin.f32 v21, $1.000000020e+30  }
0x2ae: {  	v21 =	vmin.f32 v21, v22;
	v22 =	vld [tilespmem:s20+$0x4060]  }
0x2af: {  	v21 =	vmin.f32 v21, v23;
	v23 =	vld [tilespmem:s20+$0x4070]  }
0x2b0: {  	v57 =	vld [tilespmem:s20+$0x4080];
	v21 =	vmin.f32 v21, v54  }
0x2b1: {  	v58 =	vld [tilespmem:s20+$0x4090];
	v21 =	vmin.f32 v21, v55  }
0x2b2: {  	v59 =	vld [tilespmem:s20+$0x40A0];
	v21 =	vmin.f32 v21, v56  }
0x2b3: {  	v21 =	vmin.f32 v21, v22;
	v22 =	vld [tilespmem:s20+$0x40B0]  }
0x2b4: {  	v21 =	vmin.f32 v21, v23;
	v23 =	vld [tilespmem:s20+$0x40C0]  }
0x2b5: {  	v60 =	vld [tilespmem:s20+$0x40D0];
	v21 =	vmin.f32 v21, v57  }
0x2b6: {  	s26 =	sxor.u32 $0x80000000, s18;
	v61 =	vld [tilespmem:s20+$0x40E0];
	v21 =	vmin.f32 v21, v58  }
0x2b7: {  	s28 =	sshra.s32 s26, $0x1F;
	v62 =	vld [tilespmem:s20+$0x40F0];
	v21 =	vmin.f32 v21, v59  }
0x2b8: {  	s22 =	sshrl.u32 s28, $0x1C;
	v21 =	vmin.f32 v21, v22  }
0x2b9: {  	s22 =	sadd.s32 s22, s26;
	v21 =	vmin.f32 v21, v23  }
0x2ba: {  	p5 =	sgt.s32 s18, $0xFFFFFFFF;
	p4 =	slt.s32 s26, $0x1;
	s29 =	sand.u32 $0xFFFFFFF0, s22;
	v21 =	vmin.f32 v21, v60  }
0x2bb: {  	p0 =	por p5, p4;
	p6 =	sne.s32 s26, s29;
	v21 =	vmin.f32 v21, v61  }
0x2bc: {  	p0 =	por !p0, !p6;
	v21 =	vmin.f32 v21, v62  }
0x2bd: {  	s31 =	simm.s32 $0xFFFFFFF0;
	s21 =	simm.s32 $0x1;
	p0 =	por !p0, !p0;
	(xrf0) =	vmin.scan.msk.f32 $0xffff, v21  }
0x2be: {  	v63 =	vmov s31;
	s22 =	sshra.s32 s22, $0x4;
	s21 =	simm.s32 @!p0 $0x0  }
0x2bf: {  	vm3 =	vmmov vm0;
	vm4 =	vmmov vm0;
	vm6 =	veq.s32 v63, v0;
	s19 =	sand.u32 $0xF, s18;
	s21 =	ssub.s32 s22, s21  }
0x2c0: {  	s30 =	simm.s32 $0x0;
	vm2 =	vmmov vm0;
	vm1 =	vmmov vm0;
	p0 =	seq.s32 s21, $0x0;
	p1 =	seq.s32 s21, $0x1;
	v23 =	vmov s19  }
0x2c1: {  	p2 =	seq.s32 s21, $0x2;
	vm1 =	vmneg @p0 vm1;
	vm2 =	vmneg @p1 vm2;
	v21 =	vmov s30  }
0x2c2: {  	s18 =	sadd.s32 s20, s24;
	p0 =	seq.s32 s21, $0x3;
	vm3 =	vmneg @p2 vm3;
	v22 =	vimm.s32 $0x0;
	vm5 =	veq.s32 v21, v0  }
0x2c3: {  	vm4 =	vmneg @p0 vm4;
	v21 =	vsel vm5, s18, v22;
	vm5 =	veq.s32 v23, v0;
	v23, _, _ =	vpop (xrf0)  }
0x2c4: {  	v22 =	vsel vm6, s18, v22;
	vm3 =	vmand vm5, vm3;
	v23 =	vbroadcast v23, $0xF  }
0x2c5: {  	s18 =	simm.s32 $0x1;
	vm1 =	vmand vm5, vm1;
	vm2 =	vmand vm5, vm2;
	vm4 =	vmand vm5, vm4  }
.LBB2_21:
0x2c6: {  	p0 =	sne.s32 s18, $0x1F;
	v17 =	vsel vm1, v23, v17;
	v18 =	vsel vm2, v23, v18;
	v20 =	vsel vm4, v23, v20;
	s20 =	smov.u32 s18;
	s18 =	sadd.s32 $0x1, s18  }
0x2c7: {  	v19 =	vsel vm3, v23, v19  }
0x2c8: {  	v23 =	vmin.f32 v17, v18;
	v24 =	vmin.f32 v19, v20  }
0x2c9: {  	v23 =	vmin.f32 v23, v24  }
0x2ca: {  	(xrf0) =	vmin.scan.msk.f32 $0xffff, v23;
	_ =	sdelay $0x5  }
0x2cb: {  	v23, _, _ =	vpop (xrf0)  }
0x2cc: {  	v24 =	vbroadcast v23, $0xF;
	_ =	sdelay $0x1  }
0x2cd: {  	vm1 =	veq.f32 v20, v24  }
0x2ce: {  	vm2 =	veq.f32 v19, v24;
	v23 =	vnsel vm1, $0x80100000, v1  }
0x2cf: {  	vm1 =	veq.f32 v18, v24;
	v23 =	vsel vm2, v2, v23  }
0x2d0: {  	vm2 =	veq.f32 v17, v24;
	v23 =	vsel vm1, v3, v23  }
0x2d1: {  	v23 =	vsel vm2, v4, v23  }
0x2d2: {  	(xrf0) =	vmin.scan.msk.u32 $0xffff, v23;
	_ =	sdelay $0x5  }
0x2d3: {  	v23, _, _ =	vpop (xrf0)  }
0x2d4: {  	(v2sf) =	vpush v23, $0xF;
	_ =	sdelay $0xe  }
0x2d5: {  	s21 =	spop (v2sf)  }
0x2d6: {  	s22 =	sxor.u32 $0x80000000, s21;
	s19 =	sshll.u32 s21, $0x8;
	s23 =	sand.u32 $0xF, s21  }
0x2d7: {  	v25 =	vld [tilespmem:s19+$0x40F0];
	s24 =	sshra.s32 s22, $0x1F;
	v23 =	vmov s23  }
0x2d8: {  	v26 =	vld [tilespmem:s19+$0x40E0];
	s23 =	sshrl.u32 s24, $0x1C  }
0x2d9: {  	v27 =	vld [tilespmem:s19+$0x40D0];
	s23 =	sadd.s32 s23, s22  }
0x2da: {  	p2 =	sgt.s32 s21, $0xFFFFFFFF;
	p1 =	slt.s32 s22, $0x1;
	v28 =	vld [tilespmem:s19+$0x40C0];
	s21 =	sand.u32 $0xFFFFFFF0, s23  }
0x2db: {  	p1 =	por p2, p1;
	v29 =	vld [tilespmem:s19+$0x40B0];
	p2 =	sne.s32 s22, s21  }
0x2dc: {  	v30 =	vld [tilespmem:s19+$0x40A0];
	vm1 =	veq.f32 v25, v24;
	p1 =	por !p1, !p2  }
0x2dd: {  	v25 =	vld [tilespmem:s19+$0x4090];
	vm2 =	veq.f32 v26, v24;
	v26 =	vnsel vm1, $0x80100000, v5  }
0x2de: {  	p1 =	por !p1, !p1;
	vm1 =	veq.f32 v27, v24;
	v26 =	vsel vm2, v6, v26  }
0x2df: {  	s22 =	simm.s32 $0x1;
	v31 =	vld [tilespmem:s19+$0x4080];
	vm2 =	veq.f32 v28, v24;
	v26 =	vsel vm1, v7, v26  }
0x2e0: {  	s21 =	sshra.s32 s23, $0x4;
	s22 =	simm.s32 @!p1 $0x0;
	vm1 =	veq.f32 v29, v24;
	v26 =	vsel vm2, v8, v26  }
0x2e1: {  	v27 =	vld [tilespmem:s19+$0x4070];
	s21 =	ssub.s32 s21, s22;
	vm2 =	veq.f32 v30, v24;
	v26 =	vsel vm1, v9, v26;
	vm1 =	vmmov vm0  }
0x2e2: {  	v28 =	vld [tilespmem:s19+$0x4060];
	p2 =	seq.s32 s21, $0x0;
	p3 =	seq.s32 s21, $0x1;
	p1 =	seq.s32 s21, $0x2;
	vm3 =	veq.f32 v25, v24;
	v25 =	vsel vm2, v10, v26;
	vm2 =	vmmov vm0  }
0x2e3: {  	v29 =	vld [tilespmem:s19+$0x4050];
	vm1 =	vmneg @p2 vm1;
	p2 =	seq.s32 s21, $0x3;
	vm2 =	vmneg @p3 vm2  }
0x2e4: {  	v30 =	vld [tilespmem:s19+$0x4040];
	vm4 =	veq.f32 v31, v24;
	v25 =	vsel vm3, v11, v25;
	vm3 =	vmmov vm0  }
0x2e5: {  	v26 =	vld [tilespmem:s19+$0x4030];
	vm3 =	vmneg @p1 vm3;
	v25 =	vsel vm4, v12, v25;
	vm4 =	vmmov vm0  }
0x2e6: {  	vm5 =	veq.f32 v27, v24;
	v31 =	vld [tilespmem:s19+$0x4020];
	vm4 =	vmneg @p2 vm4  }
0x2e7: {  	vm6 =	veq.f32 v28, v24;
	v25 =	vsel vm5, v13, v25;
	v27 =	vld [tilespmem:s19+$0x4010]  }
0x2e8: {  	vm5 =	veq.f32 v29, v24;
	v25 =	vsel vm6, v14, v25;
	v28 =	vld [tilespmem:s19+$0x4000]  }
0x2e9: {  	v25 =	vsel vm5, v15, v25;
	vm6 =	veq.f32 v30, v24  }
0x2ea: {  	vm5 =	veq.f32 v26, v24;
	v25 =	vsel vm6, v16, v25  }
0x2eb: {  	vm6 =	veq.f32 v31, v24;
	v25 =	vsel vm5, v1, v25  }
0x2ec: {  	vm5 =	veq.f32 v27, v24;
	v25 =	vsel vm6, v2, v25  }
0x2ed: {  	vm6 =	veq.f32 v28, v24;
	v24 =	vsel vm5, v3, v25  }
0x2ee: {  	v24 =	vsel vm6, v4, v24  }
0x2ef: {  	(xrf0) =	vmin.scan.msk.u32 $0xffff, v24;
	_ =	sdelay $0x5  }
0x2f0: {  	v24, _, _ =	vpop (xrf0)  }
0x2f1: {  	(v2sf) =	vpush v24, $0xF;
	_ =	sdelay $0xe  }
0x2f2: {  	s21 =	sadd.s32 $0xFFFFFFF0, s20;
	s22 =	spop (v2sf)  }
0x2f3: {  	v25 =	vmov s21;
	v24 =	vmov s20;
	s23 =	sxor.u32 $0x80000000, s22;
	s24 =	sand.u32 $0xF, s22  }
0x2f4: {  	vm6 =	veq.s32 v25, v0;
	vm5 =	veq.s32 v24, v0;
	s20 =	sadd.s32 s19, s23;
	s21 =	sshra.s32 s23, $0x1F;
	p1 =	slt.s32 s23, $0x1;
	v26 =	vmov s24  }
0x2f5: {  	s21 =	sshrl.u32 s21, $0x1C;
	v21 =	vsel vm5, s20, v21;
	v22 =	vsel vm6, s20, v22  }
0x2f6: {  	s20 =	sadd.s32 s21, s23  }
0x2f7: {  	p2 =	sgt.s32 s22, $0xFFFFFFFF;
	s21 =	sand.u32 $0xFFFFFFF0, s20  }
0x2f8: {  	p1 =	por p2, p1;
	p2 =	sne.s32 s23, s21  }
0x2f9: {  	p1 =	por !p1, !p2  }
0x2fa: {  	s21 =	simm.s32 $0x1;
	p1 =	por !p1, !p1  }
0x2fb: {  	s20 =	sshrl.u32 s20, $0x4;
	s21 =	simm.s32 @!p1 $0x0  }
0x2fc: {  	s20 =	ssub.s32 s20, s21  }
0x2fd: {  	s20 =	sshll.u32 s20, $0x4  }
0x2fe: {  	s21 =	sadd.s32 s19, s20  }
0x2ff: {  	s20 =	sand.u32 $0x70, s20;
	s21 =	sand.u32 $0xFFFFFF80, s21  }
0x300: {  	s20 =	sor.u32 s20, s21  }
0x301: {  	v24 =	vld [tilespmem:s20+$0x4000];
	_ =	sdelay $0x3  }
0x302: {  	vm5 =	veq.s32 v26, v0  }
0x303: {  	v24 =	vsel vm5, $0x7149F2CA, v24  }
0x304: {  	[tilespmem:s20+$0x4000] =	vst v24  }
0x305: {  	v24 =	vld [tilespmem:s19+$0x4000]  }
0x306: {  	v25 =	vld [tilespmem:s19+$0x4010]  }
0x307: {  	v26 =	vld [tilespmem:s19+$0x4020]  }
0x308: {  	v27 =	vld [tilespmem:s19+$0x4030]  }
0x309: {  	v28 =	vld [tilespmem:s19+$0x4040]  }
0x30a: {  	v24 =	vmin.f32 v24, $1.000000020e+30;
	v29 =	vld [tilespmem:s19+$0x4050]  }
0x30b: {  	v24 =	vmin.f32 v24, v25;
	v25 =	vld [tilespmem:s19+$0x4060]  }
0x30c: {  	v24 =	vmin.f32 v24, v26;
	v26 =	vld [tilespmem:s19+$0x4070]  }
0x30d: {  	v24 =	vmin.f32 v24, v27;
	v27 =	vld [tilespmem:s19+$0x4080]  }
0x30e: {  	v24 =	vmin.f32 v24, v28;
	v28 =	vld [tilespmem:s19+$0x4090]  }
0x30f: {  	v24 =	vmin.f32 v24, v29;
	v29 =	vld [tilespmem:s19+$0x40A0]  }
0x310: {  	v24 =	vmin.f32 v24, v25;
	v25 =	vld [tilespmem:s19+$0x40B0]  }
0x311: {  	v24 =	vmin.f32 v24, v26;
	v26 =	vld [tilespmem:s19+$0x40C0]  }
0x312: {  	v24 =	vmin.f32 v24, v27;
	v27 =	vld [tilespmem:s19+$0x40D0]  }
0x313: {  	v24 =	vmin.f32 v24, v28;
	v28 =	vld [tilespmem:s19+$0x40E0]  }
0x314: {  	v24 =	vmin.f32 v24, v29;
	v29 =	vld [tilespmem:s19+$0x40F0]  }
0x315: {  	v24 =	vmin.f32 v24, v25  }
0x316: {  	v24 =	vmin.f32 v24, v26  }
0x317: {  	v24 =	vmin.f32 v24, v27  }
0x318: {  	v24 =	vmin.f32 v24, v28  }
0x319: {  	v24 =	vmin.f32 v24, v29  }
0x31a: {  	(xrf0) =	vmin.scan.msk.f32 $0xffff, v24;
	_ =	sdelay $0x3  }
.Ltmp9:
0x31b: {  	(pc) =	sbr.rel @p0 .LBB2_21-.Ltmp9, $4  }
0x31c: {  	_ = 	snop  }
0x31d: {  	vm5 =	veq.s32 v23, v0;
	v23, _, _ =	vpop (xrf0)  }
0x31e: {  	vm3 =	vmand vm5, vm3;
	v23 =	vbroadcast v23, $0xF  }
0x31f: {  	vm1 =	vmand vm5, vm1;
	vm2 =	vmand vm5, vm2;
	vm4 =	vmand vm5, vm4  }
0x320: {  	s16 =	sadd.s32 $0x1, s16  }
0x321: {  	p0 =	sne.s32 s16, $0x40  }
.Ltmp10:
0x322: {  	_ = 	snop;
	(pc) =	sbr.rel @p0 .LBB2_2-.Ltmp10, $4  }
0x323: {  	s17 =	sshll.u32 s17, $0x5  }
0x324: {  	s17 =	sand.u32 $0x3FFFFFE0, s17  }
0x325: {  	[tilespmem:s17+$0x8000] =	vst v21  }
0x326: {  	[tilespmem:s17+$0x8010] =	vst v22  }
0x327: {  	_ =	swait.ge [sflag:s11], $0x4000;
	s15 =	sadd.s32 $0x1, s15  }
0x328: {  	[sflag:s11] =	ssyncset.done $0x0;
	p0 =	sne.s32 s15, s9  }
.Ltmp11:
0x329: {  	[sflag:s11] =	ssyncadd.s32 $0xFFFFC000;
	(pc) =	sbr.rel @p0 .LBB2_1-.Ltmp11, $4  }
0x32a: {  	[hbm4b:s4+s2] =	stream.linear.scatter [tilespmem:s13], [sflag:$0x3], $0x1000, $0x38;
	[tilespmem:$0x9000] =	vst v63  }
0x32b: {  	_ =	swait.ge [sflag:s14], $0x1000  }
0x32c: {  	[sflag:s14] =	ssyncset.done $0x0  }
0x32d: {  	[sflag:s14] =	ssyncadd.s32 $0xFFFFF000  }
0x32e: {  	_ =	sfence.sel $0x180000  }
0x32f: {  	[bflag:$0x0] =	sbarrier.arrive $0xFFFF  }
0x330: {  	p0 =	sne.s32 s0, $0x0;
	_ =	strace $0x90000047  }
0x331: {  	s0 =	sadd.s32 @!p0 $0x100000, s1;
	[bflag:$0x2] =	sbarrier.arrive $0xFFFF  }
0x332: {  	[sflag:s0] =	ssyncadd.tile.s32 @!p0 $0x1;
	_ =	shalt  }
.Lfunc_end2:
_tile_overlayer_lowered:
.L_overlay_start_2:
0x333: {  	(tag) =	ssettag $0x2  }
0x334: {  	s0 =	rddreg [dreg:$0x0];
	s2 =	stileid.u32  }
0x335: {  	s1 =	rddreg [dreg:$0x1];
	p0 =	sne.s32 s2, $0x0  }
0x336: {  	s3 =	rddreg [dreg:$0x2];
	[bflag:$0x3] =	sbarrier.arrive $0xFFFF;
	s2 =	simm.s32 @!p0 $0x1C03  }
0x337: {  	[timem:s3], [sflag:s2] =	dma.local @!p0 [hbm:s0], s1  }
0x338: {  	s0 =	simm.s32 @!p0 $0x3  }
0x339: {  	_ =	swait.ge @!p0 [sflag:s0], s1  }
0x33a: {  	s1 =	ssub.s32 @!p0 $0x0, s1;
	[sflag:s0] =	ssyncset.done @!p0 $0x0  }
0x33b: {  	[sflag:s0] =	ssyncadd.s32 @!p0 s1  }
0x33c: {  	[bflag:$0x3] =	sbarrier.arrive $0xFFFF  }
0x33d: {  	_ =	shalt  }

// kernel: sparse-core-data-format-call.cloned.1.call-start
scs
called_computation_lowered:
.L_overlay_start_0:
0x0: {  	s2 =	sld [smem:$0x3FD9]  }
0x1: {  	s3 =	sld [smem:$0x3FFE];
	_ =	sdelay $0x1  }
0x2: {  	s1 =	srdreg.scid  }
0x3: {  	s0 =	sand.u32 $0x1, s1  }
0x4: {  	s15 =	sshll.u32 s0, $0xA;
	s2 =	sadd.s32 s3, s2  }
0x5: {  	s2 =	sadd.s32 s2, s15  }
0x6: {  	[smem:$0x3FC6] =	sst s2  }
0x7: {  	_ = 	snop  }
0x8: {  	s2 =	sld [smem:$0x3FD0];
	_ =	sdelay $0x2  }
0x9: {  	s16 =	simm.s32 $0xA;
	s4 =	simm.s32 $0x10  }
0xa: {  	[smem:s4], [sflag:s16] =	dma.local [hbm:s2], $0x1  }
0xb: {  	_ =	swait.eq [sflag:s16], $0x1  }
0xc: {  	[sflag:s16] =	ssyncset.done $0x0  }
0xd: {  	[sflag:s16] =	ssyncadd.s32 $0xFFFFFFFF  }
0xe: {  	s17 =	sld [smem:$0x12];
	(tm) =	ssettm $0x1  }
0xf: {  	s18 =	sld [smem:$0x3FFB];
	_ =	sdelay $0x3  }
0x10: {  	_ =	strace s18  }
0x11: {  	s3 =	sld [smem:$0x3FFC];
	_ =	sdelay $0x3  }
0x12: {  	_ =	strace s3  }
0x13: {  	s3 =	sld [smem:$0x3FFD];
	_ =	sdelay $0x3  }
0x14: {  	_ =	strace s3  }
0x15: {  	_ =	strace $0x8FFFFFFF  }
0x16: {  	s19 =	sld [smem:$0x3FDB];
	_ =	sdelay $0x1  }
0x17: {  	s20 =	simm.s32 $_scs_section_size  }
0x18: {  	s5 =	simm.s32 $_size__tile_overlayer_lowered;
	s6 =	simm.s32 $_tile_overlayer_lowered  }
0x19: {  	s23 =	simm.s32 $0x1BFF;
	s22 =	sshll.u32 s6, $0x1;
	s3 =	sadd.s32 s20, s19  }
0x1a: {  	s7 =	simm.s32 $0x0;
	s21 =	sshll.u32 s5, $0x1;
	s5 =	sadd.s32 s22, s3  }
0x1b: {  	[timem:s7], [sflag:s23] =	dma.local [hbm:s5], s21  }
0x1c: {  	_ =	swait.ge [sflag:s23], s21  }
0x1d: {  	s4 =	ssub.s32 $0x0, s21;
	[sflag:s23] =	ssyncset.done $0x0  }
0x1e: {  	[sflag:s23] =	ssyncadd.s32 s4;
	_ =	sdelay $0x1  }
0x1f: {  	s24 =	simm.s32 $0x1B8B  }
0x20: {  	_ =	swait.ge [sflag:s24], $0x1  }
0x21: {  	[sflag:s24] =	ssyncset.done $0x0  }
0x22: {  	s26 =	simm.s32 $0x1B8E;
	s25 =	sld [smem:$0x3FFE];
	[sflag:s24] =	ssyncadd.s32 $0xFFFFFFFF  }
0x23: {  	s27 =	simm.s32 $execute0_lowered;
	[smem:$0x3FD2] =	sst s26  }
0x24: {  	s5 =	sshll.u32 s27, $0x1;
	_ =	strace $0x8000004C;
	[dreg:$0x1] =	wrdreg $0xFFFFFFFF  }
0x25: {  	s28 =	simm.s32 $_size_execute0_lowered;
	s3 =	sadd.s32 s3, s5;
	[dreg:$0x0] =	wrdreg $0x0  }
0x26: {  	s5 =	sshll.u32 s28, $0x1;
	[dreg:$0x2] =	wrdreg s3  }
0x27: {  	[dreg:$0x3] =	wrdreg s5  }
0x28: {  	[dreg:$0x4] =	wrdreg $0xC0  }
0x29: {  	_ =	task [dreg:s7], $0x5FFFF  }
0x2a: {  	[dreg:$0x1] =	wrdreg $0xFFFFFFFF  }
0x2b: {  	[dreg:$0x0] =	wrdreg $0x60  }
0x2c: {  	[dreg:$0x2] =	wrdreg s25  }
0x2d: {  	[dreg:$0x3] =	wrdreg s17  }
0x2e: {  	[dreg:$0x4] =	wrdreg $0x9  }
0x2f: {  	_ =	task.clear_ibuf [dreg:s7], $0x5FFFF;
	_ =	strace $0x9000004C  }
0x30: {  	s29 =	simm.s32 $0x9;
	_ =	strace $0x8000004E  }
0x31: {  	_ =	swait.ge [sflag:s29], $0x1  }
0x32: {  	[sflag:s29] =	ssyncadd.s32 $0xFFFFFFFF  }
0x33: {  	_ =	strace $0x9000004E  }
0x34: {  	_ =	sfence  }
0x35: {  	s30 =	sld [smem:$0x0];
	_ =	sdelay $0x2  }
0x36: {  	s31 =	sshll.u32 s1, $0xD;
	s1 =	sshrl.u32 s1, $0x2  }
0x37: {  	s3 =	sand.u32 $0x4000, s31;
	s1 =	sadd.s32 s1, s30  }
0x38: {  	s0 =	sor.u32 s3, s0;
	s1 =	sshll.u32 s1, $0x11  }
0x39: {  	s0 =	sor.u32 s1, s0  }
0x3a: {  	s0 =	sadd.s32 $0x8F2B, s0  }
0x3b: {  	[sflag:s0] =	ssyncadd.remote.s32 $0x1  }
0x3c: {  	_ =	sfence.sel $0xFFFF  }
0x3d: {  	[dreg:$0x0] =	wrdreg $0xFFFFFFFF;
	(pc) =	sbr.abs _section_cstart, $3  }
0x3e: {  	[dreg:$0x1] =	wrdreg $0xFFFFFFFF  }
0x3f: {  	_ =	task.clear_ibuf [dreg:s7], $0x2FFFF;
	_ =	strace $0x9FFFFFFF  }
0x40: {  	(tm) =	ssettm $0x7FFFFFFF  }
0x41: {  	_ =	shalt  }
tec
execute0_lowered:
.L_overlay_start_1:
0x0: {  	(tag) =	ssettag $0x1  }
0x1: {  	s9 =	rddreg [dreg:$0x0]  }
0x2: {  	s0 =	stileid.u32;
	s1 =	rddreg [dreg:$0x1]  }
0x3: {  	s3 =	srdreg.scid;
	s31 =	simm.s32 $0x2;
	s17 =	simm.s32 $0x0  }
0x4: {  	s11 =	simm.s32 $0x8000;
	s16 =	simm.s32 $0x0;
	s18 =	simm.s32 $0x0  }
0x5: {  	s15 =	simm.s32 $0x0;
	s2 =	sshll.u32 s0, $0x1;
	s4 =	sshll.u32 s0, $0x6  }
0x6: {  	s3 =	sand.u32 $0x1, s3;
	s2 =	sand.u32 $0x2, s2;
	s4 =	sand.u32 $0x380, s4  }
0x7: {  	s8 =	ssub.s32 $0x20, s3;
	s12 =	smov.u32 s3;
	s5 =	ssub.s32 $0x4, s2  }
0x8: {  	s7 =	ssub.s32 $0x400, s4;
	s6 =	sshrl.u32 s5, $0x2;
	s5 =	sshrl.u32 s5, $0x1  }
0x9: {  	s10 =	sshrl.u32 s8, $0x1;
	s13 =	smov.u32 s4;
	s5 =	sand.u32 $0x1, s5  }
0xa: {  	s30 =	sand.u32 $0x380, s7;
	s8 =	ssub.s32 s8, s10;
	s5 =	sadd.s32 s6, s5  }
0xb: {  	p0 =	sne.s32 s30, $0x0;
	s6 =	simm.s32 $0x1;
	s8 =	smul.u32 s8, s5  }
.Ltmp0:
0xc: {  	s7 =	sshrl.u32 s7, $0xA;
	s6 =	simm.s32 @!p0 $0x0;
	(pc) =	sbr.rel .LBB1_1-.Ltmp0, $4  }
0xd: {  	s14 =	smov.u32 s2;
	s5 =	rddreg [dreg:$0x2];
	s7 =	sadd.s32 s6, s7  }
0xe: {  	_ =	strace $0x8000004D;
	s6 =	simm.s32 $0x1;
	s7 =	smul.u32 s7, s8  }
0xf: {  	p0 =	por $0x0, $0x0;
	s8 =	sadd.s32 $0x3000, s9;
	[sflag:s6] =	ssyncpa.u1 $0x0  }
0x10: {  	s9 =	sadd.s32 $0x83000, s9;
	[sflag:s31] =	ssyncpa.u1 $0x0;
	s10 =	sadd.s32 $0x1, s7  }
.LBB1_7:
0x11: {  	s19 =	sadd.s32 $0x2, s12  }
0x12: {  	s16 =	sadd.s32 $0x400, s13;
	s20 =	smov.u32 s13;
	p2 =	sgt.s32 s19, $0x1F  }
0x13: {  	s20 =	smov.u32 @p2 s16  }
0x14: {  	s22 =	smov.u32 s14;
	s16 =	sadd.s32 $0x4, s14;
	p3 =	sgt.s32 s20, $0x3FF  }
0x15: {  	s22 =	smov.u32 @p3 s16  }
0x16: {  	s19 =	smov.u32 @p2 s3;
	p2 =	sgt.s32 s22, $0x3  }
0x17: {  	p1 =	slt.u32 s15, $0x2;
	s22 =	smov.u32 @p2 s2;
	p2 =	sne.s32 s15, s10  }
.Ltmp1:
0x18: {  	s21 =	simm.s32 @!p1 $0x2;
	(pc) =	sbr.rel @!p2 .LBB1_8-.Ltmp1, $4  }
0x19: {  	s17 =	smov.u32 s12;
	s18 =	smov.u32 s14;
	_ =	swait.ge @!p1 [sflag:s21], $0x4000  }
0x1a: {  	p0 =	por !p0, !p0;
	[sflag:s21] =	ssyncset.done @!p1 $0x0;
	s12 =	smov.u32 s19  }
0x1b: {  	s20 =	smov.u32 @p3 s4;
	s16 =	smov.u32 s13;
	[sflag:s21] =	ssyncadd.s32 @!p1 $0xFFFFC000  }
0x1c: {  	s13 =	smov.u32 s20;
	s15 =	sadd.s32 $0x1, s15;
	s14 =	smov.u32 s22  }
.LBB1_1:
0x1d: {  	p1 =	sge.u32 s15, s7  }
0x1e: {  	s19 =	sxor.u32 @!p1 $0xFFFFFFFF, s15;
	s20 =	sshll.u32 @!p1 s14, $0x13  }
0x1f: {  	s21 =	sshll.u32 @!p1 s13, $0x9;
	s23 =	sshll.u32 @!p1 s12, $0x4;
	s24 =	simm.s32 @!p1 $0x40  }
0x20: {  	s25 =	simm.s32 @!p1 $0x1000;
	s19 =	sshll.u32 @!p1 s19, $0xE;
	s22 =	sadd.s32 @!p1 s20, s21  }
0x21: {  	s23 =	sand.u32 @!p1 $0x1F0, s23;
	s20 =	sadd.s32 @!p1 s20, s9;
	s22 =	sadd.s32 @!p1 s8, s22  }
0x22: {  	s19 =	sand.u32 @!p1 $0x4000, s19;
	s20 =	sadd.s32 @!p1 s21, s20;
	s22 =	sadd.s32 @!p1 s23, s22  }
0x23: {  	[tilespmem:s19], [sflag:$0x1] =	stream.strided.gather @!p1 [hbm4b:s22+s24], $0x2000, s25, s24, $0x38;
	[tilespmem:$0x10100] =	vst v63  }
0x24: {  	s31 =	sadd.s32 $0xFFFFFFFF, s15;
	s20 =	sadd.s32 @!p1 s23, s20;
	s19 =	sor.u32 @!p1 $0x2000, s19  }
0x25: {  	[tilespmem:s19], [sflag:$0x1] =	stream.strided.gather @!p1 [hbm4b:s20+s24], $0x2000, s25, s24, $0x38;
	[tilespmem:$0x10100] =	vst v63  }
0x26: {  	p1 =	sge.u32 s31, s7  }
.Ltmp2:
0x27: {  	_ = 	snop;
	(pc) =	sbr.rel @p1 .LBB1_7-.Ltmp2, $1  }
0x28: {  	_ =	sdelay $0x3  }
0x29: {  	s19 =	simm.s32 $0x1;
	s21 =	sand.u32 $0x1, s15  }
0x2a: {  	_ =	swait.ge [sflag:s6], $0x4000;
	s19 =	simm.s32 @!p0 $0x0;
	s21 =	smul.u32 $0x10200, s21  }
0x2b: {  	p2 =	por $0x1, $0x1;
	[sflag:s6] =	ssyncset.done $0x0;
	s20 =	smul.u32 $0x10200, s19  }
0x2c: {  	s22 =	sshll.u32 s19, $0x10;
	[sflag:s6] =	ssyncadd.s32 $0xFFFFC000;
	s30 =	sshrl.u32 s21, $0x2  }
0x2d: {  	s31 =	sshrl.u32 s22, $0x2;
	s22 =	simm.s32 $0x0;
	s20 =	sshrl.u32 s20, $0x2  }
0x2e: {  	s19 =	sor.u32 $0x8000, s30;
	s21 =	sadd.s32 $0x20, s31;
	s20 =	sor.u32 $0x8000, s20  }
.LBB1_3:
0x2f: {  	s23 =	sshll.u32 s22, $0xD  }
0x30: {  	s23 =	sand.u32 $0x3FFFE000, s23  }
0x31: {  	s25 =	sadd.s32 s23, s21  }
0x32: {  	s31 =	smul.u32 $0x8100, s22;
	v3 =	vld [tilespmem:s25+$0x10]  }
0x33: {  	v1 =	vld [tilespmem:s25+$0xFFFFFFF0]  }
0x34: {  	s22 =	sshra.s32 s31, $0x2;
	v0 =	vld [tilespmem:s25+$0x0]  }
0x35: {  	s22 =	sadd.s32 s22, s20;
	v2 =	vld [tilespmem:s25+$0xFFFFFFE0]  }
0x36: {  	s23 =	sadd.s32 $0x0, s22  }
0x37: {  	p1 =	por p2, p2;
	s24 =	simm.s32 $0x4;
	s25 =	sadd.s32 $0x40, s25;
	[tilespmem:s23+$0x1830 ss:$0x81] =	vst.msk $0xffff, v3  }
.LBB1_4:
0x38: {  	v3 =	vld [tilespmem:s25+$0x10];
	p2 =	sne.s32 s24, $0x1FC;
	[tilespmem:s23+$0x810 ss:$0x81] =	vst.msk $0xffff, v1;
	s26 =	smov.u32 s24;
	s24 =	sadd.s32 $0x4, s24  }
.Ltmp3:
0x39: {  	v1 =	vld [tilespmem:s25+$0xFFFFFFF0];
	[tilespmem:s23+$0x1020 ss:$0x81] =	vst.msk $0xffff, v0;
	(pc) =	sbr.rel @p2 .LBB1_4-.Ltmp3, $4  }
0x3a: {  	v0 =	vld [tilespmem:s25+$0x0];
	[tilespmem:s23+$0x0 ss:$0x81] =	vst.msk $0xffff, v2  }
0x3b: {  	s23 =	sshra.s32 s26, $0x2;
	v2 =	vld [tilespmem:s25+$0xFFFFFFE0]  }
0x3c: {  	s23 =	sadd.s32 s23, s22  }
0x3d: {  	s25 =	sadd.s32 $0x40, s25;
	[tilespmem:s23+$0x1830 ss:$0x81] =	vst.msk $0xffff, v3  }
.Ltmp4:
0x3e: {  	(pc) =	sbr.rel @p1 .LBB1_3-.Ltmp4, $4  }
0x3f: {  	_ = 	snop  }
0x40: {  	[tilespmem:s23+$0x810 ss:$0x81] =	vst.msk $0xffff, v1  }
0x41: {  	[tilespmem:s23+$0x1020 ss:$0x81] =	vst.msk $0xffff, v0  }
0x42: {  	s22 =	simm.s32 $0x1;
	p2 =	por $0x0, $0x0;
	[tilespmem:s23+$0x0 ss:$0x81] =	vst.msk $0xffff, v2  }
0x43: {  	s20 =	sshll.u32 s17, $0xA;
	s21 =	sshll.u32 s16, $0x3;
	s30 =	sshll.u32 s17, $0x7  }
0x44: {  	s22 =	sand.u32 $0x78, s16;
	s18 =	sshll.u32 s18, $0x12;
	s31 =	sand.u32 $0x7, s16  }
0x45: {  	s20 =	sand.u32 $0x6000, s20;
	s21 =	sand.u32 $0x7C00, s21;
	s17 =	sand.u32 $0x380, s30  }
.Ltmp5:
0x46: {  	s20 =	sadd.s32 s21, s20;
	s17 =	sor.u32 s22, s17;
	(pc) =	sbr.rel .LBB1_7-.Ltmp5, $4  }
0x47: {  	s18 =	sadd.s32 s1, s18;
	s20 =	sshrl.u32 s20, $0x3;
	s17 =	sshrl.u32 s17, $0x3  }
0x48: {  	s16 =	sshll.u32 s31, $0x12;
	s20 =	sand.u32 $0xF80, s20;
	s17 =	sadd.s32 s17, s18  }
0x49: {  	s16 =	sor.u32 $0x80, s16;
	s17 =	sadd.s32 s20, s17  }
0x4a: {  	[hbm4b:s17+s16] =	stream.strided.scatter [tilespmem:s19], [sflag:$0x2], $0x4000, s11, s16, $0x20;
	[tilespmem:$0x10100] =	vst v63  }
.LBB1_8:
0x4b: {  	_ =	sfence.sel $0x180000  }
0x4c: {  	s1 =	simm.s32 $0x1;
	[bflag:$0x0] =	sbarrier.arrive $0xFFFF  }
0x4d: {  	s31 =	simm.s32 $0x2;
	[sflag:s1] =	ssyncpa.u1 $0x1  }
0x4e: {  	[sflag:s31] =	ssyncpa.u1 $0x1  }
0x4f: {  	p0 =	sne.s32 s0, $0x0;
	_ =	strace $0x9000004D  }
0x50: {  	s0 =	sadd.s32 @!p0 $0x100000, s5;
	[bflag:$0x2] =	sbarrier.arrive $0xFFFF  }
0x51: {  	[sflag:s0] =	ssyncadd.tile.s32 @!p0 $0x1;
	_ =	shalt  }
.Lfunc_end1:
_tile_overlayer_lowered:
.L_overlay_start_2:
0x52: {  	(tag) =	ssettag $0x2  }
0x53: {  	s0 =	rddreg [dreg:$0x0];
	s2 =	stileid.u32  }
0x54: {  	s1 =	rddreg [dreg:$0x1];
	p0 =	sne.s32 s2, $0x0  }
0x55: {  	s3 =	rddreg [dreg:$0x2];
	[bflag:$0x3] =	sbarrier.arrive $0xFFFF;
	s2 =	simm.s32 @!p0 $0x1C01  }
0x56: {  	[timem:s3], [sflag:s2] =	dma.local @!p0 [hbm:s0], s1  }
0x57: {  	s0 =	simm.s32 @!p0 $0x1  }
0x58: {  	_ =	swait.ge @!p0 [sflag:s0], s1  }
0x59: {  	s1 =	ssub.s32 @!p0 $0x0, s1;
	[sflag:s0] =	ssyncset.done @!p0 $0x0  }
0x5a: {  	[sflag:s0] =	ssyncadd.s32 @!p0 s1  }
0x5b: {  	[bflag:$0x3] =	sbarrier.arrive $0xFFFF  }
0x5c: {  	_ =	shalt  }

</sc_bundles>
